<compile_context>
chip_gen: v7x
topology: tpu7x:2x2x1
jax: 0.10.2.dev20260603
libtpu: 0.0.44.dev20260713+nightly
codegen_flags: <defaults>
</compile_context>

<pallas_src>
import jax
import jax.numpy as jnp
from jax import lax
from jax.experimental import pallas as pl
from jax.experimental.pallas import tpu as pltpu
from jax.experimental.pallas import tpu_sc as plsc

N_SPARSE = 26
VOCAB = 100000
DIM = 32
BATCH = 4096
HIST_LEN = 50

NUM_CORES = 2
NUM_SUBCORES = 16
NUM_WORKERS = NUM_CORES * NUM_SUBCORES
ROWS_PER_WORKER = BATCH // NUM_WORKERS
OUT_COLS = N_SPARSE * DIM + HIST_LEN


VOCAB_PAD = 100096


_RM_BLK = 12800


def _row_mean_body(wt_ref, o_ref):
    o_ref[...] = jnp.sum(wt_ref[...], axis=0, keepdims=True) * (1.0 / DIM)


def _row_mean(w_hist):
    out = pl.pallas_call(
        _row_mean_body,
        grid=(8,),
        in_specs=[pl.BlockSpec((DIM, _RM_BLK), lambda i: (0, i))],
        out_specs=pl.BlockSpec((1, _RM_BLK), lambda i: (0, i)),
        out_shape=jax.ShapeDtypeStruct((1, VOCAB), jnp.float32),
    )(w_hist.T)
    return out.reshape(VOCAB)


_RCHUNK = 8
_VMAIN = VOCAB_PAD - 128
_NSTEP = DIM // _RCHUNK


def _repack_body(wt_ref, o_ref, tails, sem_out):
    g = pl.program_id(0)
    tails[:, pl.ds(0, 32)] = wt_ref[:, pl.ds(_VMAIN, 32)]

    copies = []
    for r in range(_RCHUNK):
        row0 = (g * _RCHUNK + r) * VOCAB_PAD
        copies.append(pltpu.make_async_copy(
            wt_ref.at[r, pl.ds(0, _VMAIN)],
            o_ref.at[pl.ds(row0, _VMAIN)], sem_out))
        copies.append(pltpu.make_async_copy(
            tails.at[r],
            o_ref.at[pl.ds(row0 + _VMAIN, 128)], sem_out))
    for cp in copies:
        cp.start()
    for cp in copies:
        cp.wait()


def _repack(w):
    return pl.pallas_call(
        _repack_body,
        grid=(_NSTEP,),
        in_specs=[pl.BlockSpec((_RCHUNK, VOCAB), lambda i: (i, 0))],
        out_specs=pl.BlockSpec(memory_space=pl.ANY),
        out_shape=jax.ShapeDtypeStruct((DIM * VOCAB_PAD,), jnp.float32),
        scratch_shapes=[
            pltpu.VMEM((_RCHUNK, 128), jnp.float32),
            pltpu.SemaphoreType.DMA,
        ],
    )(w.T).reshape(DIM, VOCAB_PAD)


def _make_sparse_body(n_tables):
    def _body(*refs):
        tables = refs[:n_tables]
        sidx_ref = refs[n_tables]
        out_ref = refs[n_tables + 1]
        idx_v, dvals_v, sem_g0, sem_g1, sem_o = refs[n_tables + 2:]
        gsems = [sem_g0, sem_g1]

        c = lax.axis_index("c")
        s = lax.axis_index("s")
        wid = s * NUM_CORES + c
        base = wid * ROWS_PER_WORKER

        def _fire(i, p):
            tbl = tables[i]
            buf = dvals_v.at[p]

            def _f(d, _):
                pltpu.async_copy(tbl.at[d].at[idx_v.at[p]], buf.at[d],
                                 gsems[p])
                return 0

            lax.fori_loop(0, DIM, _f, 0)

        def _drain(p):
            pltpu.make_async_copy(
                sidx_ref.at[pl.ds(0, ROWS_PER_WORKER * DIM)],
                dvals_v.at[p], gsems[p]).wait()

        def _out(i, p):
            return pltpu.make_async_copy(
                dvals_v.at[p],
                out_ref.at[pl.ds(i * DIM, DIM),
                           pl.ds(base, ROWS_PER_WORKER)],
                sem_o)

        outs = []
        pltpu.sync_copy(sidx_ref.at[pl.ds(base, ROWS_PER_WORKER)],
                        idx_v.at[0])
        _fire(0, 0)
        for i in range(1, n_tables):
            p, q = i % 2, (i - 1) % 2
            pltpu.sync_copy(
                sidx_ref.at[pl.ds(i * BATCH + base, ROWS_PER_WORKER)],
                idx_v.at[p])
            if outs:
                outs[-1].wait()
            _fire(i, p)
            _drain(q)
            cp = _out(i - 1, q)
            cp.start()
            outs.append(cp)
        last = (n_tables - 1) % 2
        _drain(last)
        cp = _out(n_tables - 1, last)
        cp.start()
        outs.append(cp)
        outs[-2].wait()
        outs[-1].wait()

    return _body


def _hist_body(hist_ref, rm_ref, out_ref, hidx_v, hvals_v, sem):
    c = lax.axis_index("c")
    s = lax.axis_index("s")
    wid = s * NUM_CORES + c
    base = wid * ROWS_PER_WORKER

    pltpu.sync_copy(hist_ref.at[:, pl.ds(base, ROWS_PER_WORKER)], hidx_v)

    def _fire_h(l, _):
        pltpu.async_copy(rm_ref.at[hidx_v.at[l]], hvals_v.at[l], sem)
        return 0

    lax.fori_loop(0, HIST_LEN, _fire_h, 0)
    pltpu.make_async_copy(hist_ref.at[:, pl.ds(0, ROWS_PER_WORKER)],
                          hvals_v, sem).wait()
    pltpu.sync_copy(hvals_v, out_ref.at[:, pl.ds(base, ROWS_PER_WORKER)])


def kernel(sparse_0, sparse_1, sparse_2, sparse_3, sparse_4, sparse_5,
           sparse_6, sparse_7, sparse_8, sparse_9, sparse_10, sparse_11,
           sparse_12, sparse_13, sparse_14, sparse_15, sparse_16, sparse_17,
           sparse_18, sparse_19, sparse_20, sparse_21, sparse_22, sparse_23,
           sparse_24, sparse_25, hist,
           W_0, W_1, W_2, W_3, W_4, W_5, W_6, W_7, W_8, W_9, W_10, W_11,
           W_12, W_13, W_14, W_15, W_16, W_17, W_18, W_19, W_20, W_21,
           W_22, W_23, W_24, W_25, W_hist):
    sparse = [sparse_0, sparse_1, sparse_2, sparse_3, sparse_4, sparse_5,
              sparse_6, sparse_7, sparse_8, sparse_9, sparse_10, sparse_11,
              sparse_12, sparse_13, sparse_14, sparse_15, sparse_16,
              sparse_17, sparse_18, sparse_19, sparse_20, sparse_21,
              sparse_22, sparse_23, sparse_24, sparse_25]
    tables = [W_0, W_1, W_2, W_3, W_4, W_5, W_6, W_7, W_8, W_9, W_10, W_11,
              W_12, W_13, W_14, W_15, W_16, W_17, W_18, W_19, W_20, W_21,
              W_22, W_23, W_24, W_25]

    rm = _row_mean(W_hist)

    mesh = plsc.VectorSubcoreMesh(core_axis_name="c", subcore_axis_name="s")

    bounds = [0, 2, 5, 9, 13, 17, 21, 26]
    groups = list(zip(bounds[:-1], bounds[1:]))
    pieces = []
    hist_piece = None
    sc_h = pl.kernel(
        _hist_body,
        out_type=jax.ShapeDtypeStruct((HIST_LEN, BATCH), jnp.float32),
        mesh=mesh,
        compiler_params=pltpu.CompilerParams(use_tc_tiling_on_sc=False),
        scratch_types=[
            pltpu.VMEM((HIST_LEN, ROWS_PER_WORKER), jnp.int32),
            pltpu.VMEM((HIST_LEN, ROWS_PER_WORKER), jnp.float32),
            pltpu.SemaphoreType.DMA,
        ],
    )
    hist_piece = sc_h(hist.T, rm)

    for lo, hi in groups:
        n = hi - lo
        sidx_g = jnp.concatenate(
            [sparse[i].reshape(BATCH) for i in range(lo, hi)])
        sc = pl.kernel(
            _make_sparse_body(n),
            out_type=jax.ShapeDtypeStruct((n * DIM, BATCH), jnp.float32),
            mesh=mesh,
            compiler_params=pltpu.CompilerParams(use_tc_tiling_on_sc=False),
            scratch_types=[
                pltpu.VMEM((2, ROWS_PER_WORKER), jnp.int32),
                pltpu.VMEM((2, DIM, ROWS_PER_WORKER), jnp.float32),
                pltpu.SemaphoreType.DMA,
                pltpu.SemaphoreType.DMA,
                pltpu.SemaphoreType.DMA,
            ],
        )
        pieces.append(sc(*[_repack(tables[i]) for i in range(lo, hi)], sidx_g))

    out_t = jnp.concatenate(pieces + [hist_piece], axis=0)
    return out_t.T

# --- scband reference (transcript-rebuilt; emitter-appended) ---
"""Pipeline reference for scband-base-model-68247030334207 (READ-ONLY COPY).

The authoritative reference and input builder live on the scoring server;
editing this copy changes nothing except your own understanding.
"""

import jax, jax.numpy as jnp
import numpy as np

N_SPARSE = 26
VOCAB = 100000
DIM = 32
BATCH = 4096
HIST_LEN = 50


def setup_inputs(seed: int = 0) -> dict:
    key = jax.random.key(seed)
    inp = {}
    for i in range(N_SPARSE):
        inp["sparse_%d" % i] = jax.random.randint(jax.random.fold_in(key, i), (BATCH, 1), 0, VOCAB, dtype=jnp.int32)
    inp["hist"] = jax.random.randint(jax.random.fold_in(key, 1000), (BATCH, HIST_LEN), 0, VOCAB, dtype=jnp.int32)
    for i in range(N_SPARSE):
        inp["W_%d" % i] = jax.random.normal(jax.random.fold_in(key, 2000 + i), (VOCAB, DIM), dtype=jnp.float32) * 0.01
    inp["W_hist"] = jax.random.normal(jax.random.fold_in(key, 3000), (VOCAB, DIM), dtype=jnp.float32) * 0.01
    return inp


def reference(sparse_0, sparse_1, sparse_2, sparse_3, sparse_4, sparse_5,
              sparse_6, sparse_7, sparse_8, sparse_9, sparse_10, sparse_11,
              sparse_12, sparse_13, sparse_14, sparse_15, sparse_16, sparse_17,
              sparse_18, sparse_19, sparse_20, sparse_21, sparse_22, sparse_23,
              sparse_24, sparse_25, hist,
              W_0, W_1, W_2, W_3, W_4, W_5, W_6, W_7, W_8, W_9, W_10, W_11,
              W_12, W_13, W_14, W_15, W_16, W_17, W_18, W_19, W_20, W_21,
              W_22, W_23, W_24, W_25, W_hist):
    kw = {
        "sparse_0": sparse_0, "sparse_1": sparse_1, "sparse_2": sparse_2,
        "sparse_3": sparse_3, "sparse_4": sparse_4, "sparse_5": sparse_5,
        "sparse_6": sparse_6, "sparse_7": sparse_7, "sparse_8": sparse_8,
        "sparse_9": sparse_9, "sparse_10": sparse_10, "sparse_11": sparse_11,
        "sparse_12": sparse_12, "sparse_13": sparse_13, "sparse_14": sparse_14,
        "sparse_15": sparse_15, "sparse_16": sparse_16, "sparse_17": sparse_17,
        "sparse_18": sparse_18, "sparse_19": sparse_19, "sparse_20": sparse_20,
        "sparse_21": sparse_21, "sparse_22": sparse_22, "sparse_23": sparse_23,
        "sparse_24": sparse_24, "sparse_25": sparse_25, "hist": hist,
        "W_0": W_0, "W_1": W_1, "W_2": W_2, "W_3": W_3, "W_4": W_4,
        "W_5": W_5, "W_6": W_6, "W_7": W_7, "W_8": W_8, "W_9": W_9,
        "W_10": W_10, "W_11": W_11, "W_12": W_12, "W_13": W_13, "W_14": W_14,
        "W_15": W_15, "W_16": W_16, "W_17": W_17, "W_18": W_18, "W_19": W_19,
        "W_20": W_20, "W_21": W_21, "W_22": W_22, "W_23": W_23, "W_24": W_24,
        "W_25": W_25, "W_hist": W_hist,
    }
    # Faithful translation of BaseModel.get_concated_embedding.
    # 1) per-field embedding lookup on [B, 1] indices -> [B, 1, D]
    sparse_embeds = []
    for i in range(N_SPARSE):
        emb = jnp.take(kw["W_%d" % i], kw["sparse_%d" % i], axis=0)
        sparse_embeds.append(emb)
    # 2) concat along last dim then squeeze dim=1 -> [B, 26*D]
    concat_sparse = jnp.squeeze(jnp.concatenate(sparse_embeds, axis=-1), axis=1)
    # 3) varlen feature: lookup [B, L] -> [B, L, D]; combiner 'average' does
    #    torch.mean(embed, dim=-1) i.e. mean over embedding dim -> [B, L]
    hist_emb = jnp.take(kw["W_hist"], kw["hist"], axis=0)
    hist_emb = jnp.mean(hist_emb, axis=-1)
    # 4) merge -> [B, 26*D + L]
    merged = jnp.concatenate([concat_sparse, hist_emb], axis=-1)
    return merged

if __name__ == "__main__":
    import jax
    _d = setup_inputs()
    print(jax.jit(kernel)(*tuple(_d.values())))

</pallas_src>

<mosaic_0001>
#map = affine_map<(d0, d1) -> (0, 0)>
#map1 = affine_map<(d0, d1) -> (0)>
module attributes {stable_mosaic.version = 14 : i64} {
  func.func @_body(%arg0: i32, %arg1: i32, %arg2: memref<32x100096xf32, #tpu.memory_space<hbm>>, %arg3: memref<32x100096xf32, #tpu.memory_space<hbm>>, %arg4: memref<8192xi32, #tpu.memory_space<hbm>>, %arg5: memref<64x4096xf32, #tpu.memory_space<hbm>>, %arg6: memref<2x128xi32, #tpu.memory_space<vmem>>, %arg7: memref<2x32x128xf32, #tpu.memory_space<vmem>>, %arg8: memref<!tpu.dma_semaphore, #tpu.memory_space<semaphore_mem>>, %arg9: memref<!tpu.dma_semaphore, #tpu.memory_space<semaphore_mem>>, %arg10: memref<!tpu.dma_semaphore, #tpu.memory_space<semaphore_mem>>) attributes {dimension_semantics = [#tpu.dimension_semantics<core_parallel>, #tpu.dimension_semantics<subcore_parallel>], iteration_bounds = array<i64: 2, 16>, scalar_prefetch = 0 : i64, scratch_operands = 5 : i64, tpu.core_type = #tpu.core_type<sc_vector_subcore>, window_params = [{transform_indices = #map}, {transform_indices = #map}, {transform_indices = #map1}, {transform_indices = #map}]} {
    %mul3A = arith.constant 2 : i32
    %mul3A_0 = arith.muli %arg1, %mul3A : i32
    %add3A = arith.addi %mul3A_0, %arg0 : i32
    %mul3A_1 = arith.constant 128 : i32
    %mul3A_2 = arith.muli %add3A, %mul3A_1 : i32
    %run_scoped3A = arith.constant 0 : i32
    "tpu.region"() ({
      %run_scoped3A_97 = tpu.sem_alloc : memref<!tpu.dma_semaphore, #tpu.memory_space<semaphore_mem>>
      %dma_start3A_98 = arith.constant 0 : i32
      %dma_start3A_99 = tpu.memref_slice %arg6[%run_scoped3A, %dma_start3A_98] : memref<2x128xi32, #tpu.memory_space<vmem>> -> memref<1x128xi32, #tpu.memory_space<vmem>>
      %dma_start3A_100 = tpu.memref_squeeze %dma_start3A_99 : memref<1x128xi32, #tpu.memory_space<vmem>> -> memref<128xi32, #tpu.memory_space<vmem>>
      %dma_start3A_101 = tpu.memref_slice %arg4[%mul3A_2] : memref<8192xi32, #tpu.memory_space<hbm>> -> memref<128xi32, #tpu.memory_space<hbm>>
      %dma_start3A_102 = arith.constant 0 : i32
      %dma_start3A_103 = tpu.memref_slice %arg6[%run_scoped3A, %dma_start3A_102] : memref<2x128xi32, #tpu.memory_space<vmem>> -> memref<1x128xi32, #tpu.memory_space<vmem>>
      %dma_start3A_104 = tpu.memref_squeeze %dma_start3A_103 : memref<1x128xi32, #tpu.memory_space<vmem>> -> memref<128xi32, #tpu.memory_space<vmem>>
      %dma_start3A_105 = tpu.memref_slice %arg4[%mul3A_2] : memref<8192xi32, #tpu.memory_space<hbm>> -> memref<128xi32, #tpu.memory_space<hbm>>
      tpu.enqueue_dma source(%dma_start3A_105 : memref<128xi32, #tpu.memory_space<hbm>>) target(%dma_start3A_104 : memref<128xi32, #tpu.memory_space<vmem>>) target_semaphore(%run_scoped3A_97 : memref<!tpu.dma_semaphore, #tpu.memory_space<semaphore_mem>>)
      %dma_wait3A_106 = arith.constant 0 : i32
      %dma_wait3A_107 = tpu.memref_slice %arg6[%run_scoped3A, %dma_wait3A_106] : memref<2x128xi32, #tpu.memory_space<vmem>> -> memref<1x128xi32, #tpu.memory_space<vmem>>
      %dma_wait3A_108 = tpu.memref_squeeze %dma_wait3A_107 : memref<1x128xi32, #tpu.memory_space<vmem>> -> memref<128xi32, #tpu.memory_space<vmem>>
      %dma_wait3A_109 = tpu.memref_slice %arg4[%mul3A_2] : memref<8192xi32, #tpu.memory_space<hbm>> -> memref<128xi32, #tpu.memory_space<hbm>>
      %dma_wait3A_110 = arith.constant 0 : i32
      %dma_wait3A_111 = tpu.memref_slice %arg6[%run_scoped3A, %dma_wait3A_110] : memref<2x128xi32, #tpu.memory_space<vmem>> -> memref<1x128xi32, #tpu.memory_space<vmem>>
      %dma_wait3A_112 = tpu.memref_squeeze %dma_wait3A_111 : memref<1x128xi32, #tpu.memory_space<vmem>> -> memref<128xi32, #tpu.memory_space<vmem>>
      %dma_wait3A_113 = tpu.memref_slice %arg4[%mul3A_2] : memref<8192xi32, #tpu.memory_space<hbm>> -> memref<128xi32, #tpu.memory_space<hbm>>
      tpu.wait_dma2 semaphore(%run_scoped3A_97 : memref<!tpu.dma_semaphore, #tpu.memory_space<semaphore_mem>>) src(%dma_wait3A_113 : memref<128xi32, #tpu.memory_space<hbm>>) dst(%dma_wait3A_112 : memref<128xi32, #tpu.memory_space<vmem>>)
      tpu.yield
    }) : () -> ()
    %scan3A = arith.constant 0 : i32
    %scan3A_3 = arith.constant 0 : i32
    %scan3A_4 = arith.constant 0 : i32
    %scan3A_5 = arith.constant 32 : i32
    %scan3A_6 = arith.addi %scan3A_4, %scan3A_5 : i32
    %scan3A_7 = arith.constant 1 : i32
    %scan3A_8 = scf.for %scan3A_97 = %scan3A_4 to %scan3A_6 step %scan3A_7 iter_args(%scan3A_98 = %scan3A_3) -> (i32)  : i32 {
      %dma_start3A_99 = arith.constant 0 : i32
      %dma_start3A_100 = arith.constant 0 : i32
      %dma_start3A_101 = arith.constant 0 : i32
      %dma_start3A_102 = tpu.memref_slice %arg7[%scan3A, %dma_start3A_100, %dma_start3A_101] : memref<2x32x128xf32, #tpu.memory_space<vmem>> -> memref<1x32x128xf32, #tpu.memory_space<vmem>>
      %dma_start3A_103 = tpu.memref_squeeze %dma_start3A_102 : memref<1x32x128xf32, #tpu.memory_space<vmem>> -> memref<32x128xf32, #tpu.memory_space<vmem>>
      %dma_start3A_104 = arith.constant 0 : i32
      %dma_start3A_105 = tpu.memref_slice %dma_start3A_103[%scan3A_97, %dma_start3A_104] : memref<32x128xf32, #tpu.memory_space<vmem>> -> memref<1x128xf32, #tpu.memory_space<vmem>>
      %dma_start3A_106 = tpu.memref_squeeze %dma_start3A_105 : memref<1x128xf32, #tpu.memory_space<vmem>> -> memref<128xf32, #tpu.memory_space<vmem>>
      %dma_start3A_107 = arith.constant 0 : i32
      %dma_start3A_108 = tpu.memref_slice %arg6[%dma_start3A_99, %dma_start3A_107] : memref<2x128xi32, #tpu.memory_space<vmem>> -> memref<1x128xi32, #tpu.memory_space<vmem>>
      %dma_start3A_109 = tpu.memref_squeeze %dma_start3A_108 : memref<1x128xi32, #tpu.memory_space<vmem>> -> memref<128xi32, #tpu.memory_space<vmem>>
      %dma_start3A_110 = arith.constant 0 : i32
      %dma_start3A_111 = tpu.memref_slice %arg2[%scan3A_97, %dma_start3A_110] : memref<32x100096xf32, #tpu.memory_space<hbm>> -> memref<1x100096xf32, #tpu.memory_space<hbm>>
      %dma_start3A_112 = tpu.memref_squeeze %dma_start3A_111 : memref<1x100096xf32, #tpu.memory_space<hbm>> -> memref<100096xf32, #tpu.memory_space<hbm>>
      %dma_start3A_113 = arith.constant 0 : i32
      %dma_start3A_114 = tpu.memref_slice %dma_start3A_112[%dma_start3A_113] : memref<100096xf32, #tpu.memory_space<hbm>> -> memref<100096xf32, #tpu.memory_space<hbm>>
      tpu.enqueue_indirect_dma source(%dma_start3A_114 : memref<100096xf32, #tpu.memory_space<hbm>>) target(%dma_start3A_106 : memref<128xf32, #tpu.memory_space<vmem>>) offsets(%dma_start3A_109 : memref<128xi32, #tpu.memory_space<vmem>>) semaphore(%arg8 : memref<!tpu.dma_semaphore, #tpu.memory_space<semaphore_mem>>)
      %scan3A_115 = arith.constant 0 : i32
      scf.yield %scan3A_115 : i32
    }
    %scan3A_9 = arith.constant 32 : i32
    %add3A_10 = arith.constant 4096 : i32
    %add3A_11 = arith.addi %add3A_10, %mul3A_2 : i32
    %run_scoped3A_12 = arith.constant 1 : i32
    "tpu.region"() ({
      %run_scoped3A_97 = tpu.sem_alloc : memref<!tpu.dma_semaphore, #tpu.memory_space<semaphore_mem>>
      %dma_start3A_98 = arith.constant 0 : i32
      %dma_start3A_99 = tpu.memref_slice %arg6[%run_scoped3A_12, %dma_start3A_98] : memref<2x128xi32, #tpu.memory_space<vmem>> -> memref<1x128xi32, #tpu.memory_space<vmem>>
      %dma_start3A_100 = tpu.memref_squeeze %dma_start3A_99 : memref<1x128xi32, #tpu.memory_space<vmem>> -> memref<128xi32, #tpu.memory_space<vmem>>
      %dma_start3A_101 = tpu.memref_slice %arg4[%add3A_11] : memref<8192xi32, #tpu.memory_space<hbm>> -> memref<128xi32, #tpu.memory_space<hbm>>
      %dma_start3A_102 = arith.constant 0 : i32
      %dma_start3A_103 = tpu.memref_slice %arg6[%run_scoped3A_12, %dma_start3A_102] : memref<2x128xi32, #tpu.memory_space<vmem>> -> memref<1x128xi32, #tpu.memory_space<vmem>>
      %dma_start3A_104 = tpu.memref_squeeze %dma_start3A_103 : memref<1x128xi32, #tpu.memory_space<vmem>> -> memref<128xi32, #tpu.memory_space<vmem>>
      %dma_start3A_105 = tpu.memref_slice %arg4[%add3A_11] : memref<8192xi32, #tpu.memory_space<hbm>> -> memref<128xi32, #tpu.memory_space<hbm>>
      tpu.enqueue_dma source(%dma_start3A_105 : memref<128xi32, #tpu.memory_space<hbm>>) target(%dma_start3A_104 : memref<128xi32, #tpu.memory_space<vmem>>) target_semaphore(%run_scoped3A_97 : memref<!tpu.dma_semaphore, #tpu.memory_space<semaphore_mem>>)
      %dma_wait3A_106 = arith.constant 0 : i32
      %dma_wait3A_107 = tpu.memref_slice %arg6[%run_scoped3A_12, %dma_wait3A_106] : memref<2x128xi32, #tpu.memory_space<vmem>> -> memref<1x128xi32, #tpu.memory_space<vmem>>
      %dma_wait3A_108 = tpu.memref_squeeze %dma_wait3A_107 : memref<1x128xi32, #tpu.memory_space<vmem>> -> memref<128xi32, #tpu.memory_space<vmem>>
      %dma_wait3A_109 = tpu.memref_slice %arg4[%add3A_11] : memref<8192xi32, #tpu.memory_space<hbm>> -> memref<128xi32, #tpu.memory_space<hbm>>
      %dma_wait3A_110 = arith.constant 0 : i32
      %dma_wait3A_111 = tpu.memref_slice %arg6[%run_scoped3A_12, %dma_wait3A_110] : memref<2x128xi32, #tpu.memory_space<vmem>> -> memref<1x128xi32, #tpu.memory_space<vmem>>
      %dma_wait3A_112 = tpu.memref_squeeze %dma_wait3A_111 : memref<1x128xi32, #tpu.memory_space<vmem>> -> memref<128xi32, #tpu.memory_space<vmem>>
      %dma_wait3A_113 = tpu.memref_slice %arg4[%add3A_11] : memref<8192xi32, #tpu.memory_space<hbm>> -> memref<128xi32, #tpu.memory_space<hbm>>
      tpu.wait_dma2 semaphore(%run_scoped3A_97 : memref<!tpu.dma_semaphore, #tpu.memory_space<semaphore_mem>>) src(%dma_wait3A_113 : memref<128xi32, #tpu.memory_space<hbm>>) dst(%dma_wait3A_112 : memref<128xi32, #tpu.memory_space<vmem>>)
      tpu.yield
    }) : () -> ()
    %scan3A_13 = arith.constant 1 : i32
    %scan3A_14 = arith.constant 0 : i32
    %scan3A_15 = arith.constant 0 : i32
    %scan3A_16 = arith.constant 32 : i32
    %scan3A_17 = arith.addi %scan3A_15, %scan3A_16 : i32
    %scan3A_18 = arith.constant 1 : i32
    %scan3A_19 = scf.for %scan3A_97 = %scan3A_15 to %scan3A_17 step %scan3A_18 iter_args(%scan3A_98 = %scan3A_14) -> (i32)  : i32 {
      %dma_start3A_99 = arith.constant 1 : i32
      %dma_start3A_100 = arith.constant 0 : i32
      %dma_start3A_101 = arith.constant 0 : i32
      %dma_start3A_102 = tpu.memref_slice %arg7[%scan3A_13, %dma_start3A_100, %dma_start3A_101] : memref<2x32x128xf32, #tpu.memory_space<vmem>> -> memref<1x32x128xf32, #tpu.memory_space<vmem>>
      %dma_start3A_103 = tpu.memref_squeeze %dma_start3A_102 : memref<1x32x128xf32, #tpu.memory_space<vmem>> -> memref<32x128xf32, #tpu.memory_space<vmem>>
      %dma_start3A_104 = arith.constant 0 : i32
      %dma_start3A_105 = tpu.memref_slice %dma_start3A_103[%scan3A_97, %dma_start3A_104] : memref<32x128xf32, #tpu.memory_space<vmem>> -> memref<1x128xf32, #tpu.memory_space<vmem>>
      %dma_start3A_106 = tpu.memref_squeeze %dma_start3A_105 : memref<1x128xf32, #tpu.memory_space<vmem>> -> memref<128xf32, #tpu.memory_space<vmem>>
      %dma_start3A_107 = arith.constant 0 : i32
      %dma_start3A_108 = tpu.memref_slice %arg6[%dma_start3A_99, %dma_start3A_107] : memref<2x128xi32, #tpu.memory_space<vmem>> -> memref<1x128xi32, #tpu.memory_space<vmem>>
      %dma_start3A_109 = tpu.memref_squeeze %dma_start3A_108 : memref<1x128xi32, #tpu.memory_space<vmem>> -> memref<128xi32, #tpu.memory_space<vmem>>
      %dma_start3A_110 = arith.constant 0 : i32
      %dma_start3A_111 = tpu.memref_slice %arg3[%scan3A_97, %dma_start3A_110] : memref<32x100096xf32, #tpu.memory_space<hbm>> -> memref<1x100096xf32, #tpu.memory_space<hbm>>
      %dma_start3A_112 = tpu.memref_squeeze %dma_start3A_111 : memref<1x100096xf32, #tpu.memory_space<hbm>> -> memref<100096xf32, #tpu.memory_space<hbm>>
      %dma_start3A_113 = arith.constant 0 : i32
      %dma_start3A_114 = tpu.memref_slice %dma_start3A_112[%dma_start3A_113] : memref<100096xf32, #tpu.memory_space<hbm>> -> memref<100096xf32, #tpu.memory_space<hbm>>
      tpu.enqueue_indirect_dma source(%dma_start3A_114 : memref<100096xf32, #tpu.memory_space<hbm>>) target(%dma_start3A_106 : memref<128xf32, #tpu.memory_space<vmem>>) offsets(%dma_start3A_109 : memref<128xi32, #tpu.memory_space<vmem>>) semaphore(%arg9 : memref<!tpu.dma_semaphore, #tpu.memory_space<semaphore_mem>>)
      %scan3A_115 = arith.constant 0 : i32
      scf.yield %scan3A_115 : i32
    }
    %scan3A_20 = arith.constant 32 : i32
    %dma_wait3A = arith.constant 0 : i32
    %dma_wait3A_21 = arith.constant 0 : i32
    %dma_wait3A_22 = arith.constant 0 : i32
    %dma_wait3A_23 = tpu.memref_slice %arg7[%dma_wait3A, %dma_wait3A_21, %dma_wait3A_22] : memref<2x32x128xf32, #tpu.memory_space<vmem>> -> memref<1x32x128xf32, #tpu.memory_space<vmem>>
    %dma_wait3A_24 = tpu.memref_squeeze %dma_wait3A_23 : memref<1x32x128xf32, #tpu.memory_space<vmem>> -> memref<32x128xf32, #tpu.memory_space<vmem>>
    %dma_wait3A_25 = arith.constant 0 : i32
    %dma_wait3A_26 = tpu.memref_slice %arg4[%dma_wait3A_25] : memref<8192xi32, #tpu.memory_space<hbm>> -> memref<4096xi32, #tpu.memory_space<hbm>>
    %dma_wait3A_27 = arith.constant 0 : i32
    %dma_wait3A_28 = arith.constant 0 : i32
    %dma_wait3A_29 = tpu.memref_slice %arg7[%dma_wait3A, %dma_wait3A_27, %dma_wait3A_28] : memref<2x32x128xf32, #tpu.memory_space<vmem>> -> memref<1x32x128xf32, #tpu.memory_space<vmem>>
    %dma_wait3A_30 = tpu.memref_squeeze %dma_wait3A_29 : memref<1x32x128xf32, #tpu.memory_space<vmem>> -> memref<32x128xf32, #tpu.memory_space<vmem>>
    %dma_wait3A_31 = arith.constant 0 : i32
    %dma_wait3A_32 = tpu.memref_slice %arg4[%dma_wait3A_31] : memref<8192xi32, #tpu.memory_space<hbm>> -> memref<4096xi32, #tpu.memory_space<hbm>>
    tpu.wait_dma2 semaphore(%arg8 : memref<!tpu.dma_semaphore, #tpu.memory_space<semaphore_mem>>) src(%dma_wait3A_32 : memref<4096xi32, #tpu.memory_space<hbm>>) dst(%dma_wait3A_30 : memref<32x128xf32, #tpu.memory_space<vmem>>)
    %dma_start3A = arith.constant 0 : i32
    %dma_start3A_33 = arith.constant 0 : i32
    %dma_start3A_34 = arith.constant 0 : i32
    %dma_start3A_35 = tpu.memref_slice %arg7[%dma_start3A, %dma_start3A_33, %dma_start3A_34] : memref<2x32x128xf32, #tpu.memory_space<vmem>> -> memref<1x32x128xf32, #tpu.memory_space<vmem>>
    %dma_start3A_36 = tpu.memref_squeeze %dma_start3A_35 : memref<1x32x128xf32, #tpu.memory_space<vmem>> -> memref<32x128xf32, #tpu.memory_space<vmem>>
    %dma_start3A_37 = arith.constant 0 : i32
    %dma_start3A_38 = tpu.memref_slice %arg5[%dma_start3A_37, %mul3A_2] : memref<64x4096xf32, #tpu.memory_space<hbm>> -> memref<32x128xf32, #tpu.memory_space<hbm>>
    %dma_start3A_39 = arith.constant 0 : i32
    %dma_start3A_40 = tpu.memref_slice %arg5[%dma_start3A_39, %mul3A_2] : memref<64x4096xf32, #tpu.memory_space<hbm>> -> memref<32x128xf32, #tpu.memory_space<hbm>>
    %dma_start3A_41 = arith.constant 0 : i32
    %dma_start3A_42 = arith.constant 0 : i32
    %dma_start3A_43 = tpu.memref_slice %arg7[%dma_start3A, %dma_start3A_41, %dma_start3A_42] : memref<2x32x128xf32, #tpu.memory_space<vmem>> -> memref<1x32x128xf32, #tpu.memory_space<vmem>>
    %dma_start3A_44 = tpu.memref_squeeze %dma_start3A_43 : memref<1x32x128xf32, #tpu.memory_space<vmem>> -> memref<32x128xf32, #tpu.memory_space<vmem>>
    tpu.enqueue_dma source(%dma_start3A_44 : memref<32x128xf32, #tpu.memory_space<vmem>>) target(%dma_start3A_40 : memref<32x128xf32, #tpu.memory_space<hbm>>) target_semaphore(%arg10 : memref<!tpu.dma_semaphore, #tpu.memory_space<semaphore_mem>>)
    %dma_wait3A_45 = arith.constant 1 : i32
    %dma_wait3A_46 = arith.constant 0 : i32
    %dma_wait3A_47 = arith.constant 0 : i32
    %dma_wait3A_48 = tpu.memref_slice %arg7[%dma_wait3A_45, %dma_wait3A_46, %dma_wait3A_47] : memref<2x32x128xf32, #tpu.memory_space<vmem>> -> memref<1x32x128xf32, #tpu.memory_space<vmem>>
    %dma_wait3A_49 = tpu.memref_squeeze %dma_wait3A_48 : memref<1x32x128xf32, #tpu.memory_space<vmem>> -> memref<32x128xf32, #tpu.memory_space<vmem>>
    %dma_wait3A_50 = arith.constant 0 : i32
    %dma_wait3A_51 = tpu.memref_slice %arg4[%dma_wait3A_50] : memref<8192xi32, #tpu.memory_space<hbm>> -> memref<4096xi32, #tpu.memory_space<hbm>>
    %dma_wait3A_52 = arith.constant 0 : i32
    %dma_wait3A_53 = arith.constant 0 : i32
    %dma_wait3A_54 = tpu.memref_slice %arg7[%dma_wait3A_45, %dma_wait3A_52, %dma_wait3A_53] : memref<2x32x128xf32, #tpu.memory_space<vmem>> -> memref<1x32x128xf32, #tpu.memory_space<vmem>>
    %dma_wait3A_55 = tpu.memref_squeeze %dma_wait3A_54 : memref<1x32x128xf32, #tpu.memory_space<vmem>> -> memref<32x128xf32, #tpu.memory_space<vmem>>
    %dma_wait3A_56 = arith.constant 0 : i32
    %dma_wait3A_57 = tpu.memref_slice %arg4[%dma_wait3A_56] : memref<8192xi32, #tpu.memory_space<hbm>> -> memref<4096xi32, #tpu.memory_space<hbm>>
    tpu.wait_dma2 semaphore(%arg9 : memref<!tpu.dma_semaphore, #tpu.memory_space<semaphore_mem>>) src(%dma_wait3A_57 : memref<4096xi32, #tpu.memory_space<hbm>>) dst(%dma_wait3A_55 : memref<32x128xf32, #tpu.memory_space<vmem>>)
    %dma_start3A_58 = arith.constant 1 : i32
    %dma_start3A_59 = arith.constant 0 : i32
    %dma_start3A_60 = arith.constant 0 : i32
    %dma_start3A_61 = tpu.memref_slice %arg7[%dma_start3A_58, %dma_start3A_59, %dma_start3A_60] : memref<2x32x128xf32, #tpu.memory_space<vmem>> -> memref<1x32x128xf32, #tpu.memory_space<vmem>>
    %dma_start3A_62 = tpu.memref_squeeze %dma_start3A_61 : memref<1x32x128xf32, #tpu.memory_space<vmem>> -> memref<32x128xf32, #tpu.memory_space<vmem>>
    %dma_start3A_63 = arith.constant 32 : i32
    %dma_start3A_64 = tpu.memref_slice %arg5[%dma_start3A_63, %mul3A_2] : memref<64x4096xf32, #tpu.memory_space<hbm>> -> memref<32x128xf32, #tpu.memory_space<hbm>>
    %dma_start3A_65 = arith.constant 32 : i32
    %dma_start3A_66 = tpu.memref_slice %arg5[%dma_start3A_65, %mul3A_2] : memref<64x4096xf32, #tpu.memory_space<hbm>> -> memref<32x128xf32, #tpu.memory_space<hbm>>
    %dma_start3A_67 = arith.constant 0 : i32
    %dma_start3A_68 = arith.constant 0 : i32
    %dma_start3A_69 = tpu.memref_slice %arg7[%dma_start3A_58, %dma_start3A_67, %dma_start3A_68] : memref<2x32x128xf32, #tpu.memory_space<vmem>> -> memref<1x32x128xf32, #tpu.memory_space<vmem>>
    %dma_start3A_70 = tpu.memref_squeeze %dma_start3A_69 : memref<1x32x128xf32, #tpu.memory_space<vmem>> -> memref<32x128xf32, #tpu.memory_space<vmem>>
    tpu.enqueue_dma source(%dma_start3A_70 : memref<32x128xf32, #tpu.memory_space<vmem>>) target(%dma_start3A_66 : memref<32x128xf32, #tpu.memory_space<hbm>>) target_semaphore(%arg10 : memref<!tpu.dma_semaphore, #tpu.memory_space<semaphore_mem>>)
    %dma_wait3A_71 = arith.constant 0 : i32
    %dma_wait3A_72 = arith.constant 0 : i32
    %dma_wait3A_73 = arith.constant 0 : i32
    %dma_wait3A_74 = tpu.memref_slice %arg7[%dma_wait3A_71, %dma_wait3A_72, %dma_wait3A_73] : memref<2x32x128xf32, #tpu.memory_space<vmem>> -> memref<1x32x128xf32, #tpu.memory_space<vmem>>
    %dma_wait3A_75 = tpu.memref_squeeze %dma_wait3A_74 : memref<1x32x128xf32, #tpu.memory_space<vmem>> -> memref<32x128xf32, #tpu.memory_space<vmem>>
    %dma_wait3A_76 = arith.constant 0 : i32
    %dma_wait3A_77 = tpu.memref_slice %arg5[%dma_wait3A_76, %mul3A_2] : memref<64x4096xf32, #tpu.memory_space<hbm>> -> memref<32x128xf32, #tpu.memory_space<hbm>>
    %dma_wait3A_78 = arith.constant 0 : i32
    %dma_wait3A_79 = tpu.memref_slice %arg5[%dma_wait3A_78, %mul3A_2] : memref<64x4096xf32, #tpu.memory_space<hbm>> -> memref<32x128xf32, #tpu.memory_space<hbm>>
    %dma_wait3A_80 = arith.constant 0 : i32
    %dma_wait3A_81 = arith.constant 0 : i32
    %dma_wait3A_82 = tpu.memref_slice %arg7[%dma_wait3A_71, %dma_wait3A_80, %dma_wait3A_81] : memref<2x32x128xf32, #tpu.memory_space<vmem>> -> memref<1x32x128xf32, #tpu.memory_space<vmem>>
    %dma_wait3A_83 = tpu.memref_squeeze %dma_wait3A_82 : memref<1x32x128xf32, #tpu.memory_space<vmem>> -> memref<32x128xf32, #tpu.memory_space<vmem>>
    tpu.wait_dma2 semaphore(%arg10 : memref<!tpu.dma_semaphore, #tpu.memory_space<semaphore_mem>>) src(%dma_wait3A_83 : memref<32x128xf32, #tpu.memory_space<vmem>>) dst(%dma_wait3A_79 : memref<32x128xf32, #tpu.memory_space<hbm>>)
    %dma_wait3A_84 = arith.constant 1 : i32
    %dma_wait3A_85 = arith.constant 0 : i32
    %dma_wait3A_86 = arith.constant 0 : i32
    %dma_wait3A_87 = tpu.memref_slice %arg7[%dma_wait3A_84, %dma_wait3A_85, %dma_wait3A_86] : memref<2x32x128xf32, #tpu.memory_space<vmem>> -> memref<1x32x128xf32, #tpu.memory_space<vmem>>
    %dma_wait3A_88 = tpu.memref_squeeze %dma_wait3A_87 : memref<1x32x128xf32, #tpu.memory_space<vmem>> -> memref<32x128xf32, #tpu.memory_space<vmem>>
    %dma_wait3A_89 = arith.constant 32 : i32
    %dma_wait3A_90 = tpu.memref_slice %arg5[%dma_wait3A_89, %mul3A_2] : memref<64x4096xf32, #tpu.memory_space<hbm>> -> memref<32x128xf32, #tpu.memory_space<hbm>>
    %dma_wait3A_91 = arith.constant 32 : i32
    %dma_wait3A_92 = tpu.memref_slice %arg5[%dma_wait3A_91, %mul3A_2] : memref<64x4096xf32, #tpu.memory_space<hbm>> -> memref<32x128xf32, #tpu.memory_space<hbm>>
    %dma_wait3A_93 = arith.constant 0 : i32
    %dma_wait3A_94 = arith.constant 0 : i32
    %dma_wait3A_95 = tpu.memref_slice %arg7[%dma_wait3A_84, %dma_wait3A_93, %dma_wait3A_94] : memref<2x32x128xf32, #tpu.memory_space<vmem>> -> memref<1x32x128xf32, #tpu.memory_space<vmem>>
    %dma_wait3A_96 = tpu.memref_squeeze %dma_wait3A_95 : memref<1x32x128xf32, #tpu.memory_space<vmem>> -> memref<32x128xf32, #tpu.memory_space<vmem>>
    tpu.wait_dma2 semaphore(%arg10 : memref<!tpu.dma_semaphore, #tpu.memory_space<semaphore_mem>>) src(%dma_wait3A_96 : memref<32x128xf32, #tpu.memory_space<vmem>>) dst(%dma_wait3A_92 : memref<32x128xf32, #tpu.memory_space<hbm>>)
    return
  }
}

#map = affine_map<(d0, d1) -> (0, 0)>
#map1 = affine_map<(d0, d1) -> (0)>
module attributes {stable_mosaic.version = 14 : i64} {
  func.func @_body(%arg0: i32, %arg1: i32, %arg2: memref<32x100096xf32, #tpu.memory_space<hbm>>, %arg3: memref<32x100096xf32, #tpu.memory_space<hbm>>, %arg4: memref<32x100096xf32, #tpu.memory_space<hbm>>, %arg5: memref<32x100096xf32, #tpu.memory_space<hbm>>, %arg6: memref<16384xi32, #tpu.memory_space<hbm>>, %arg7: memref<128x4096xf32, #tpu.memory_space<hbm>>, %arg8: memref<2x128xi32, #tpu.memory_space<vmem>>, %arg9: memref<2x32x128xf32, #tpu.memory_space<vmem>>, %arg10: memref<!tpu.dma_semaphore, #tpu.memory_space<semaphore_mem>>, %arg11: memref<!tpu.dma_semaphore, #tpu.memory_space<semaphore_mem>>, %arg12: memref<!tpu.dma_semaphore, #tpu.memory_space<semaphore_mem>>) attributes {dimension_semantics = [#tpu.dimension_semantics<core_parallel>, #tpu.dimension_semantics<subcore_parallel>], iteration_bounds = array<i64: 2, 16>, scalar_prefetch = 0 : i64, scratch_operands = 5 : i64, tpu.core_type = #tpu.core_type<sc_vector_subcore>, window_params = [{transform_indices = #map}, {transform_indices = #map}, {transform_indices = #map}, {transform_indices = #map}, {transform_indices = #map1}, {transform_indices = #map}]} {
    %mul3A = arith.constant 2 : i32
    %mul3A_0 = arith.muli %arg1, %mul3A : i32
    %add3A = arith.addi %mul3A_0, %arg0 : i32
    %mul3A_1 = arith.constant 128 : i32
    %mul3A_2 = arith.muli %add3A, %mul3A_1 : i32
    %run_scoped3A = arith.constant 0 : i32
    "tpu.region"() ({
      %run_scoped3A_197 = tpu.sem_alloc : memref<!tpu.dma_semaphore, #tpu.memory_space<semaphore_mem>>
      %dma_start3A_198 = arith.constant 0 : i32
      %dma_start3A_199 = tpu.memref_slice %arg8[%run_scoped3A, %dma_start3A_198] : memref<2x128xi32, #tpu.memory_space<vmem>> -> memref<1x128xi32, #tpu.memory_space<vmem>>
      %dma_start3A_200 = tpu.memref_squeeze %dma_start3A_199 : memref<1x128xi32, #tpu.memory_space<vmem>> -> memref<128xi32, #tpu.memory_space<vmem>>
      %dma_start3A_201 = tpu.memref_slice %arg6[%mul3A_2] : memref<16384xi32, #tpu.memory_space<hbm>> -> memref<128xi32, #tpu.memory_space<hbm>>
      %dma_start3A_202 = arith.constant 0 : i32
      %dma_start3A_203 = tpu.memref_slice %arg8[%run_scoped3A, %dma_start3A_202] : memref<2x128xi32, #tpu.memory_space<vmem>> -> memref<1x128xi32, #tpu.memory_space<vmem>>
      %dma_start3A_204 = tpu.memref_squeeze %dma_start3A_203 : memref<1x128xi32, #tpu.memory_space<vmem>> -> memref<128xi32, #tpu.memory_space<vmem>>
      %dma_start3A_205 = tpu.memref_slice %arg6[%mul3A_2] : memref<16384xi32, #tpu.memory_space<hbm>> -> memref<128xi32, #tpu.memory_space<hbm>>
      tpu.enqueue_dma source(%dma_start3A_205 : memref<128xi32, #tpu.memory_space<hbm>>) target(%dma_start3A_204 : memref<128xi32, #tpu.memory_space<vmem>>) target_semaphore(%run_scoped3A_197 : memref<!tpu.dma_semaphore, #tpu.memory_space<semaphore_mem>>)
      %dma_wait3A_206 = arith.constant 0 : i32
      %dma_wait3A_207 = tpu.memref_slice %arg8[%run_scoped3A, %dma_wait3A_206] : memref<2x128xi32, #tpu.memory_space<vmem>> -> memref<1x128xi32, #tpu.memory_space<vmem>>
      %dma_wait3A_208 = tpu.memref_squeeze %dma_wait3A_207 : memref<1x128xi32, #tpu.memory_space<vmem>> -> memref<128xi32, #tpu.memory_space<vmem>>
      %dma_wait3A_209 = tpu.memref_slice %arg6[%mul3A_2] : memref<16384xi32, #tpu.memory_space<hbm>> -> memref<128xi32, #tpu.memory_space<hbm>>
      %dma_wait3A_210 = arith.constant 0 : i32
      %dma_wait3A_211 = tpu.memref_slice %arg8[%run_scoped3A, %dma_wait3A_210] : memref<2x128xi32, #tpu.memory_space<vmem>> -> memref<1x128xi32, #tpu.memory_space<vmem>>
      %dma_wait3A_212 = tpu.memref_squeeze %dma_wait3A_211 : memref<1x128xi32, #tpu.memory_space<vmem>> -> memref<128xi32, #tpu.memory_space<vmem>>
      %dma_wait3A_213 = tpu.memref_slice %arg6[%mul3A_2] : memref<16384xi32, #tpu.memory_space<hbm>> -> memref<128xi32, #tpu.memory_space<hbm>>
      tpu.wait_dma2 semaphore(%run_scoped3A_197 : memref<!tpu.dma_semaphore, #tpu.memory_space<semaphore_mem>>) src(%dma_wait3A_213 : memref<128xi32, #tpu.memory_space<hbm>>) dst(%dma_wait3A_212 : memref<128xi32, #tpu.memory_space<vmem>>)
      tpu.yield
    }) : () -> ()
    %scan3A = arith.constant 0 : i32
    %scan3A_3 = arith.constant 0 : i32
    %scan3A_4 = arith.constant 0 : i32
    %scan3A_5 = arith.constant 32 : i32
    %scan3A_6 = arith.addi %scan3A_4, %scan3A_5 : i32
    %scan3A_7 = arith.constant 1 : i32
    %scan3A_8 = scf.for %scan3A_197 = %scan3A_4 to %scan3A_6 step %scan3A_7 iter_args(%scan3A_198 = %scan3A_3) -> (i32)  : i32 {
      %dma_start3A_199 = arith.constant 0 : i32
      %dma_start3A_200 = arith.constant 0 : i32
      %dma_start3A_201 = arith.constant 0 : i32
      %dma_start3A_202 = tpu.memref_slice %arg9[%scan3A, %dma_start3A_200, %dma_start3A_201] : memref<2x32x128xf32, #tpu.memory_space<vmem>> -> memref<1x32x128xf32, #tpu.memory_space<vmem>>
      %dma_start3A_203 = tpu.memref_squeeze %dma_start3A_202 : memref<1x32x128xf32, #tpu.memory_space<vmem>> -> memref<32x128xf32, #tpu.memory_space<vmem>>
      %dma_start3A_204 = arith.constant 0 : i32
      %dma_start3A_205 = tpu.memref_slice %dma_start3A_203[%scan3A_197, %dma_start3A_204] : memref<32x128xf32, #tpu.memory_space<vmem>> -> memref<1x128xf32, #tpu.memory_space<vmem>>
      %dma_start3A_206 = tpu.memref_squeeze %dma_start3A_205 : memref<1x128xf32, #tpu.memory_space<vmem>> -> memref<128xf32, #tpu.memory_space<vmem>>
      %dma_start3A_207 = arith.constant 0 : i32
      %dma_start3A_208 = tpu.memref_slice %arg8[%dma_start3A_199, %dma_start3A_207] : memref<2x128xi32, #tpu.memory_space<vmem>> -> memref<1x128xi32, #tpu.memory_space<vmem>>
      %dma_start3A_209 = tpu.memref_squeeze %dma_start3A_208 : memref<1x128xi32, #tpu.memory_space<vmem>> -> memref<128xi32, #tpu.memory_space<vmem>>
      %dma_start3A_210 = arith.constant 0 : i32
      %dma_start3A_211 = tpu.memref_slice %arg2[%scan3A_197, %dma_start3A_210] : memref<32x100096xf32, #tpu.memory_space<hbm>> -> memref<1x100096xf32, #tpu.memory_space<hbm>>
      %dma_start3A_212 = tpu.memref_squeeze %dma_start3A_211 : memref<1x100096xf32, #tpu.memory_space<hbm>> -> memref<100096xf32, #tpu.memory_space<hbm>>
      %dma_start3A_213 = arith.constant 0 : i32
      %dma_start3A_214 = tpu.memref_slice %dma_start3A_212[%dma_start3A_213] : memref<100096xf32, #tpu.memory_space<hbm>> -> memref<100096xf32, #tpu.memory_space<hbm>>
      tpu.enqueue_indirect_dma source(%dma_start3A_214 : memref<100096xf32, #tpu.memory_space<hbm>>) target(%dma_start3A_206 : memref<128xf32, #tpu.memory_space<vmem>>) offsets(%dma_start3A_209 : memref<128xi32, #tpu.memory_space<vmem>>) semaphore(%arg10 : memref<!tpu.dma_semaphore, #tpu.memory_space<semaphore_mem>>)
      %scan3A_215 = arith.constant 0 : i32
      scf.yield %scan3A_215 : i32
    }
    %scan3A_9 = arith.constant 32 : i32
    %add3A_10 = arith.constant 4096 : i32
    %add3A_11 = arith.addi %add3A_10, %mul3A_2 : i32
    %run_scoped3A_12 = arith.constant 1 : i32
    "tpu.region"() ({
      %run_scoped3A_197 = tpu.sem_alloc : memref<!tpu.dma_semaphore, #tpu.memory_space<semaphore_mem>>
      %dma_start3A_198 = arith.constant 0 : i32
      %dma_start3A_199 = tpu.memref_slice %arg8[%run_scoped3A_12, %dma_start3A_198] : memref<2x128xi32, #tpu.memory_space<vmem>> -> memref<1x128xi32, #tpu.memory_space<vmem>>
      %dma_start3A_200 = tpu.memref_squeeze %dma_start3A_199 : memref<1x128xi32, #tpu.memory_space<vmem>> -> memref<128xi32, #tpu.memory_space<vmem>>
      %dma_start3A_201 = tpu.memref_slice %arg6[%add3A_11] : memref<16384xi32, #tpu.memory_space<hbm>> -> memref<128xi32, #tpu.memory_space<hbm>>
      %dma_start3A_202 = arith.constant 0 : i32
      %dma_start3A_203 = tpu.memref_slice %arg8[%run_scoped3A_12, %dma_start3A_202] : memref<2x128xi32, #tpu.memory_space<vmem>> -> memref<1x128xi32, #tpu.memory_space<vmem>>
      %dma_start3A_204 = tpu.memref_squeeze %dma_start3A_203 : memref<1x128xi32, #tpu.memory_space<vmem>> -> memref<128xi32, #tpu.memory_space<vmem>>
      %dma_start3A_205 = tpu.memref_slice %arg6[%add3A_11] : memref<16384xi32, #tpu.memory_space<hbm>> -> memref<128xi32, #tpu.memory_space<hbm>>
      tpu.enqueue_dma source(%dma_start3A_205 : memref<128xi32, #tpu.memory_space<hbm>>) target(%dma_start3A_204 : memref<128xi32, #tpu.memory_space<vmem>>) target_semaphore(%run_scoped3A_197 : memref<!tpu.dma_semaphore, #tpu.memory_space<semaphore_mem>>)
      %dma_wait3A_206 = arith.constant 0 : i32
      %dma_wait3A_207 = tpu.memref_slice %arg8[%run_scoped3A_12, %dma_wait3A_206] : memref<2x128xi32, #tpu.memory_space<vmem>> -> memref<1x128xi32, #tpu.memory_space<vmem>>
      %dma_wait3A_208 = tpu.memref_squeeze %dma_wait3A_207 : memref<1x128xi32, #tpu.memory_space<vmem>> -> memref<128xi32, #tpu.memory_space<vmem>>
      %dma_wait3A_209 = tpu.memref_slice %arg6[%add3A_11] : memref<16384xi32, #tpu.memory_space<hbm>> -> memref<128xi32, #tpu.memory_space<hbm>>
      %dma_wait3A_210 = arith.constant 0 : i32
      %dma_wait3A_211 = tpu.memref_slice %arg8[%run_scoped3A_12, %dma_wait3A_210] : memref<2x128xi32, #tpu.memory_space<vmem>> -> memref<1x128xi32, #tpu.memory_space<vmem>>
      %dma_wait3A_212 = tpu.memref_squeeze %dma_wait3A_211 : memref<1x128xi32, #tpu.memory_space<vmem>> -> memref<128xi32, #tpu.memory_space<vmem>>
      %dma_wait3A_213 = tpu.memref_slice %arg6[%add3A_11] : memref<16384xi32, #tpu.memory_space<hbm>> -> memref<128xi32, #tpu.memory_space<hbm>>
      tpu.wait_dma2 semaphore(%run_scoped3A_197 : memref<!tpu.dma_semaphore, #tpu.memory_space<semaphore_mem>>) src(%dma_wait3A_213 : memref<128xi32, #tpu.memory_space<hbm>>) dst(%dma_wait3A_212 : memref<128xi32, #tpu.memory_space<vmem>>)
      tpu.yield
    }) : () -> ()
    %scan3A_13 = arith.constant 1 : i32
    %scan3A_14 = arith.constant 0 : i32
    %scan3A_15 = arith.constant 0 : i32
    %scan3A_16 = arith.constant 32 : i32
    %scan3A_17 = arith.addi %scan3A_15, %scan3A_16 : i32
    %scan3A_18 = arith.constant 1 : i32
    %scan3A_19 = scf.for %scan3A_197 = %scan3A_15 to %scan3A_17 step %scan3A_18 iter_args(%scan3A_198 = %scan3A_14) -> (i32)  : i32 {
      %dma_start3A_199 = arith.constant 1 : i32
      %dma_start3A_200 = arith.constant 0 : i32
      %dma_start3A_201 = arith.constant 0 : i32
      %dma_start3A_202 = tpu.memref_slice %arg9[%scan3A_13, %dma_start3A_200, %dma_start3A_201] : memref<2x32x128xf32, #tpu.memory_space<vmem>> -> memref<1x32x128xf32, #tpu.memory_space<vmem>>
      %dma_start3A_203 = tpu.memref_squeeze %dma_start3A_202 : memref<1x32x128xf32, #tpu.memory_space<vmem>> -> memref<32x128xf32, #tpu.memory_space<vmem>>
      %dma_start3A_204 = arith.constant 0 : i32
      %dma_start3A_205 = tpu.memref_slice %dma_start3A_203[%scan3A_197, %dma_start3A_204] : memref<32x128xf32, #tpu.memory_space<vmem>> -> memref<1x128xf32, #tpu.memory_space<vmem>>
      %dma_start3A_206 = tpu.memref_squeeze %dma_start3A_205 : memref<1x128xf32, #tpu.memory_space<vmem>> -> memref<128xf32, #tpu.memory_space<vmem>>
      %dma_start3A_207 = arith.constant 0 : i32
      %dma_start3A_208 = tpu.memref_slice %arg8[%dma_start3A_199, %dma_start3A_207] : memref<2x128xi32, #tpu.memory_space<vmem>> -> memref<1x128xi32, #tpu.memory_space<vmem>>
      %dma_start3A_209 = tpu.memref_squeeze %dma_start3A_208 : memref<1x128xi32, #tpu.memory_space<vmem>> -> memref<128xi32, #tpu.memory_space<vmem>>
      %dma_start3A_210 = arith.constant 0 : i32
      %dma_start3A_211 = tpu.memref_slice %arg3[%scan3A_197, %dma_start3A_210] : memref<32x100096xf32, #tpu.memory_space<hbm>> -> memref<1x100096xf32, #tpu.memory_space<hbm>>
      %dma_start3A_212 = tpu.memref_squeeze %dma_start3A_211 : memref<1x100096xf32, #tpu.memory_space<hbm>> -> memref<100096xf32, #tpu.memory_space<hbm>>
      %dma_start3A_213 = arith.constant 0 : i32
      %dma_start3A_214 = tpu.memref_slice %dma_start3A_212[%dma_start3A_213] : memref<100096xf32, #tpu.memory_space<hbm>> -> memref<100096xf32, #tpu.memory_space<hbm>>
      tpu.enqueue_indirect_dma source(%dma_start3A_214 : memref<100096xf32, #tpu.memory_space<hbm>>) target(%dma_start3A_206 : memref<128xf32, #tpu.memory_space<vmem>>) offsets(%dma_start3A_209 : memref<128xi32, #tpu.memory_space<vmem>>) semaphore(%arg11 : memref<!tpu.dma_semaphore, #tpu.memory_space<semaphore_mem>>)
      %scan3A_215 = arith.constant 0 : i32
      scf.yield %scan3A_215 : i32
    }
    %scan3A_20 = arith.constant 32 : i32
    %dma_wait3A = arith.constant 0 : i32
    %dma_wait3A_21 = arith.constant 0 : i32
    %dma_wait3A_22 = arith.constant 0 : i32
    %dma_wait3A_23 = tpu.memref_slice %arg9[%dma_wait3A, %dma_wait3A_21, %dma_wait3A_22] : memref<2x32x128xf32, #tpu.memory_space<vmem>> -> memref<1x32x128xf32, #tpu.memory_space<vmem>>
    %dma_wait3A_24 = tpu.memref_squeeze %dma_wait3A_23 : memref<1x32x128xf32, #tpu.memory_space<vmem>> -> memref<32x128xf32, #tpu.memory_space<vmem>>
    %dma_wait3A_25 = arith.constant 0 : i32
    %dma_wait3A_26 = tpu.memref_slice %arg6[%dma_wait3A_25] : memref<16384xi32, #tpu.memory_space<hbm>> -> memref<4096xi32, #tpu.memory_space<hbm>>
    %dma_wait3A_27 = arith.constant 0 : i32
    %dma_wait3A_28 = arith.constant 0 : i32
    %dma_wait3A_29 = tpu.memref_slice %arg9[%dma_wait3A, %dma_wait3A_27, %dma_wait3A_28] : memref<2x32x128xf32, #tpu.memory_space<vmem>> -> memref<1x32x128xf32, #tpu.memory_space<vmem>>
    %dma_wait3A_30 = tpu.memref_squeeze %dma_wait3A_29 : memref<1x32x128xf32, #tpu.memory_space<vmem>> -> memref<32x128xf32, #tpu.memory_space<vmem>>
    %dma_wait3A_31 = arith.constant 0 : i32
    %dma_wait3A_32 = tpu.memref_slice %arg6[%dma_wait3A_31] : memref<16384xi32, #tpu.memory_space<hbm>> -> memref<4096xi32, #tpu.memory_space<hbm>>
    tpu.wait_dma2 semaphore(%arg10 : memref<!tpu.dma_semaphore, #tpu.memory_space<semaphore_mem>>) src(%dma_wait3A_32 : memref<4096xi32, #tpu.memory_space<hbm>>) dst(%dma_wait3A_30 : memref<32x128xf32, #tpu.memory_space<vmem>>)
    %dma_start3A = arith.constant 0 : i32
    %dma_start3A_33 = arith.constant 0 : i32
    %dma_start3A_34 = arith.constant 0 : i32
    %dma_start3A_35 = tpu.memref_slice %arg9[%dma_start3A, %dma_start3A_33, %dma_start3A_34] : memref<2x32x128xf32, #tpu.memory_space<vmem>> -> memref<1x32x128xf32, #tpu.memory_space<vmem>>
    %dma_start3A_36 = tpu.memref_squeeze %dma_start3A_35 : memref<1x32x128xf32, #tpu.memory_space<vmem>> -> memref<32x128xf32, #tpu.memory_space<vmem>>
    %dma_start3A_37 = arith.constant 0 : i32
    %dma_start3A_38 = tpu.memref_slice %arg7[%dma_start3A_37, %mul3A_2] : memref<128x4096xf32, #tpu.memory_space<hbm>> -> memref<32x128xf32, #tpu.memory_space<hbm>>
    %dma_start3A_39 = arith.constant 0 : i32
    %dma_start3A_40 = tpu.memref_slice %arg7[%dma_start3A_39, %mul3A_2] : memref<128x4096xf32, #tpu.memory_space<hbm>> -> memref<32x128xf32, #tpu.memory_space<hbm>>
    %dma_start3A_41 = arith.constant 0 : i32
    %dma_start3A_42 = arith.constant 0 : i32
    %dma_start3A_43 = tpu.memref_slice %arg9[%dma_start3A, %dma_start3A_41, %dma_start3A_42] : memref<2x32x128xf32, #tpu.memory_space<vmem>> -> memref<1x32x128xf32, #tpu.memory_space<vmem>>
    %dma_start3A_44 = tpu.memref_squeeze %dma_start3A_43 : memref<1x32x128xf32, #tpu.memory_space<vmem>> -> memref<32x128xf32, #tpu.memory_space<vmem>>
    tpu.enqueue_dma source(%dma_start3A_44 : memref<32x128xf32, #tpu.memory_space<vmem>>) target(%dma_start3A_40 : memref<32x128xf32, #tpu.memory_space<hbm>>) target_semaphore(%arg12 : memref<!tpu.dma_semaphore, #tpu.memory_space<semaphore_mem>>)
    %add3A_45 = arith.constant 8192 : i32
    %add3A_46 = arith.addi %add3A_45, %mul3A_2 : i32
    %run_scoped3A_47 = arith.constant 0 : i32
    "tpu.region"() ({
      %run_scoped3A_197 = tpu.sem_alloc : memref<!tpu.dma_semaphore, #tpu.memory_space<semaphore_mem>>
      %dma_start3A_198 = arith.constant 0 : i32
      %dma_start3A_199 = tpu.memref_slice %arg8[%run_scoped3A_47, %dma_start3A_198] : memref<2x128xi32, #tpu.memory_space<vmem>> -> memref<1x128xi32, #tpu.memory_space<vmem>>
      %dma_start3A_200 = tpu.memref_squeeze %dma_start3A_199 : memref<1x128xi32, #tpu.memory_space<vmem>> -> memref<128xi32, #tpu.memory_space<vmem>>
      %dma_start3A_201 = tpu.memref_slice %arg6[%add3A_46] : memref<16384xi32, #tpu.memory_space<hbm>> -> memref<128xi32, #tpu.memory_space<hbm>>
      %dma_start3A_202 = arith.constant 0 : i32
      %dma_start3A_203 = tpu.memref_slice %arg8[%run_scoped3A_47, %dma_start3A_202] : memref<2x128xi32, #tpu.memory_space<vmem>> -> memref<1x128xi32, #tpu.memory_space<vmem>>
      %dma_start3A_204 = tpu.memref_squeeze %dma_start3A_203 : memref<1x128xi32, #tpu.memory_space<vmem>> -> memref<128xi32, #tpu.memory_space<vmem>>
      %dma_start3A_205 = tpu.memref_slice %arg6[%add3A_46] : memref<16384xi32, #tpu.memory_space<hbm>> -> memref<128xi32, #tpu.memory_space<hbm>>
      tpu.enqueue_dma source(%dma_start3A_205 : memref<128xi32, #tpu.memory_space<hbm>>) target(%dma_start3A_204 : memref<128xi32, #tpu.memory_space<vmem>>) target_semaphore(%run_scoped3A_197 : memref<!tpu.dma_semaphore, #tpu.memory_space<semaphore_mem>>)
      %dma_wait3A_206 = arith.constant 0 : i32
      %dma_wait3A_207 = tpu.memref_slice %arg8[%run_scoped3A_47, %dma_wait3A_206] : memref<2x128xi32, #tpu.memory_space<vmem>> -> memref<1x128xi32, #tpu.memory_space<vmem>>
      %dma_wait3A_208 = tpu.memref_squeeze %dma_wait3A_207 : memref<1x128xi32, #tpu.memory_space<vmem>> -> memref<128xi32, #tpu.memory_space<vmem>>
      %dma_wait3A_209 = tpu.memref_slice %arg6[%add3A_46] : memref<16384xi32, #tpu.memory_space<hbm>> -> memref<128xi32, #tpu.memory_space<hbm>>
      %dma_wait3A_210 = arith.constant 0 : i32
      %dma_wait3A_211 = tpu.memref_slice %arg8[%run_scoped3A_47, %dma_wait3A_210] : memref<2x128xi32, #tpu.memory_space<vmem>> -> memref<1x128xi32, #tpu.memory_space<vmem>>
      %dma_wait3A_212 = tpu.memref_squeeze %dma_wait3A_211 : memref<1x128xi32, #tpu.memory_space<vmem>> -> memref<128xi32, #tpu.memory_space<vmem>>
      %dma_wait3A_213 = tpu.memref_slice %arg6[%add3A_46] : memref<16384xi32, #tpu.memory_space<hbm>> -> memref<128xi32, #tpu.memory_space<hbm>>
      tpu.wait_dma2 semaphore(%run_scoped3A_197 : memref<!tpu.dma_semaphore, #tpu.memory_space<semaphore_mem>>) src(%dma_wait3A_213 : memref<128xi32, #tpu.memory_space<hbm>>) dst(%dma_wait3A_212 : memref<128xi32, #tpu.memory_space<vmem>>)
      tpu.yield
    }) : () -> ()
    %dma_wait3A_48 = arith.constant 0 : i32
    %dma_wait3A_49 = arith.constant 0 : i32
    %dma_wait3A_50 = arith.constant 0 : i32
    %dma_wait3A_51 = tpu.memref_slice %arg9[%dma_wait3A_48, %dma_wait3A_49, %dma_wait3A_50] : memref<2x32x128xf32, #tpu.memory_space<vmem>> -> memref<1x32x128xf32, #tpu.memory_space<vmem>>
    %dma_wait3A_52 = tpu.memref_squeeze %dma_wait3A_51 : memref<1x32x128xf32, #tpu.memory_space<vmem>> -> memref<32x128xf32, #tpu.memory_space<vmem>>
    %dma_wait3A_53 = arith.constant 0 : i32
    %dma_wait3A_54 = tpu.memref_slice %arg7[%dma_wait3A_53, %mul3A_2] : memref<128x4096xf32, #tpu.memory_space<hbm>> -> memref<32x128xf32, #tpu.memory_space<hbm>>
    %dma_wait3A_55 = arith.constant 0 : i32
    %dma_wait3A_56 = tpu.memref_slice %arg7[%dma_wait3A_55, %mul3A_2] : memref<128x4096xf32, #tpu.memory_space<hbm>> -> memref<32x128xf32, #tpu.memory_space<hbm>>
    %dma_wait3A_57 = arith.constant 0 : i32
    %dma_wait3A_58 = arith.constant 0 : i32
    %dma_wait3A_59 = tpu.memref_slice %arg9[%dma_wait3A_48, %dma_wait3A_57, %dma_wait3A_58] : memref<2x32x128xf32, #tpu.memory_space<vmem>> -> memref<1x32x128xf32, #tpu.memory_space<vmem>>
    %dma_wait3A_60 = tpu.memref_squeeze %dma_wait3A_59 : memref<1x32x128xf32, #tpu.memory_space<vmem>> -> memref<32x128xf32, #tpu.memory_space<vmem>>
    tpu.wait_dma2 semaphore(%arg12 : memref<!tpu.dma_semaphore, #tpu.memory_space<semaphore_mem>>) src(%dma_wait3A_60 : memref<32x128xf32, #tpu.memory_space<vmem>>) dst(%dma_wait3A_56 : memref<32x128xf32, #tpu.memory_space<hbm>>)
    %scan3A_61 = arith.constant 0 : i32
    %scan3A_62 = arith.constant 0 : i32
    %scan3A_63 = arith.constant 0 : i32
    %scan3A_64 = arith.constant 32 : i32
    %scan3A_65 = arith.addi %scan3A_63, %scan3A_64 : i32
    %scan3A_66 = arith.constant 1 : i32
    %scan3A_67 = scf.for %scan3A_197 = %scan3A_63 to %scan3A_65 step %scan3A_66 iter_args(%scan3A_198 = %scan3A_62) -> (i32)  : i32 {
      %dma_start3A_199 = arith.constant 0 : i32
      %dma_start3A_200 = arith.constant 0 : i32
      %dma_start3A_201 = arith.constant 0 : i32
      %dma_start3A_202 = tpu.memref_slice %arg9[%scan3A_61, %dma_start3A_200, %dma_start3A_201] : memref<2x32x128xf32, #tpu.memory_space<vmem>> -> memref<1x32x128xf32, #tpu.memory_space<vmem>>
      %dma_start3A_203 = tpu.memref_squeeze %dma_start3A_202 : memref<1x32x128xf32, #tpu.memory_space<vmem>> -> memref<32x128xf32, #tpu.memory_space<vmem>>
      %dma_start3A_204 = arith.constant 0 : i32
      %dma_start3A_205 = tpu.memref_slice %dma_start3A_203[%scan3A_197, %dma_start3A_204] : memref<32x128xf32, #tpu.memory_space<vmem>> -> memref<1x128xf32, #tpu.memory_space<vmem>>
      %dma_start3A_206 = tpu.memref_squeeze %dma_start3A_205 : memref<1x128xf32, #tpu.memory_space<vmem>> -> memref<128xf32, #tpu.memory_space<vmem>>
      %dma_start3A_207 = arith.constant 0 : i32
      %dma_start3A_208 = tpu.memref_slice %arg8[%dma_start3A_199, %dma_start3A_207] : memref<2x128xi32, #tpu.memory_space<vmem>> -> memref<1x128xi32, #tpu.memory_space<vmem>>
      %dma_start3A_209 = tpu.memref_squeeze %dma_start3A_208 : memref<1x128xi32, #tpu.memory_space<vmem>> -> memref<128xi32, #tpu.memory_space<vmem>>
      %dma_start3A_210 = arith.constant 0 : i32
      %dma_start3A_211 = tpu.memref_slice %arg4[%scan3A_197, %dma_start3A_210] : memref<32x100096xf32, #tpu.memory_space<hbm>> -> memref<1x100096xf32, #tpu.memory_space<hbm>>
      %dma_start3A_212 = tpu.memref_squeeze %dma_start3A_211 : memref<1x100096xf32, #tpu.memory_space<hbm>> -> memref<100096xf32, #tpu.memory_space<hbm>>
      %dma_start3A_213 = arith.constant 0 : i32
      %dma_start3A_214 = tpu.memref_slice %dma_start3A_212[%dma_start3A_213] : memref<100096xf32, #tpu.memory_space<hbm>> -> memref<100096xf32, #tpu.memory_space<hbm>>
      tpu.enqueue_indirect_dma source(%dma_start3A_214 : memref<100096xf32, #tpu.memory_space<hbm>>) target(%dma_start3A_206 : memref<128xf32, #tpu.memory_space<vmem>>) offsets(%dma_start3A_209 : memref<128xi32, #tpu.memory_space<vmem>>) semaphore(%arg10 : memref<!tpu.dma_semaphore, #tpu.memory_space<semaphore_mem>>)
      %scan3A_215 = arith.constant 0 : i32
      scf.yield %scan3A_215 : i32
    }
    %scan3A_68 = arith.constant 32 : i32
    %dma_wait3A_69 = arith.constant 1 : i32
    %dma_wait3A_70 = arith.constant 0 : i32
    %dma_wait3A_71 = arith.constant 0 : i32
    %dma_wait3A_72 = tpu.memref_slice %arg9[%dma_wait3A_69, %dma_wait3A_70, %dma_wait3A_71] : memref<2x32x128xf32, #tpu.memory_space<vmem>> -> memref<1x32x128xf32, #tpu.memory_space<vmem>>
    %dma_wait3A_73 = tpu.memref_squeeze %dma_wait3A_72 : memref<1x32x128xf32, #tpu.memory_space<vmem>> -> memref<32x128xf32, #tpu.memory_space<vmem>>
    %dma_wait3A_74 = arith.constant 0 : i32
    %dma_wait3A_75 = tpu.memref_slice %arg6[%dma_wait3A_74] : memref<16384xi32, #tpu.memory_space<hbm>> -> memref<4096xi32, #tpu.memory_space<hbm>>
    %dma_wait3A_76 = arith.constant 0 : i32
    %dma_wait3A_77 = arith.constant 0 : i32
    %dma_wait3A_78 = tpu.memref_slice %arg9[%dma_wait3A_69, %dma_wait3A_76, %dma_wait3A_77] : memref<2x32x128xf32, #tpu.memory_space<vmem>> -> memref<1x32x128xf32, #tpu.memory_space<vmem>>
    %dma_wait3A_79 = tpu.memref_squeeze %dma_wait3A_78 : memref<1x32x128xf32, #tpu.memory_space<vmem>> -> memref<32x128xf32, #tpu.memory_space<vmem>>
    %dma_wait3A_80 = arith.constant 0 : i32
    %dma_wait3A_81 = tpu.memref_slice %arg6[%dma_wait3A_80] : memref<16384xi32, #tpu.memory_space<hbm>> -> memref<4096xi32, #tpu.memory_space<hbm>>
    tpu.wait_dma2 semaphore(%arg11 : memref<!tpu.dma_semaphore, #tpu.memory_space<semaphore_mem>>) src(%dma_wait3A_81 : memref<4096xi32, #tpu.memory_space<hbm>>) dst(%dma_wait3A_79 : memref<32x128xf32, #tpu.memory_space<vmem>>)
    %dma_start3A_82 = arith.constant 1 : i32
    %dma_start3A_83 = arith.constant 0 : i32
    %dma_start3A_84 = arith.constant 0 : i32
    %dma_start3A_85 = tpu.memref_slice %arg9[%dma_start3A_82, %dma_start3A_83, %dma_start3A_84] : memref<2x32x128xf32, #tpu.memory_space<vmem>> -> memref<1x32x128xf32, #tpu.memory_space<vmem>>
    %dma_start3A_86 = tpu.memref_squeeze %dma_start3A_85 : memref<1x32x128xf32, #tpu.memory_space<vmem>> -> memref<32x128xf32, #tpu.memory_space<vmem>>
    %dma_start3A_87 = arith.constant 32 : i32
    %dma_start3A_88 = tpu.memref_slice %arg7[%dma_start3A_87, %mul3A_2] : memref<128x4096xf32, #tpu.memory_space<hbm>> -> memref<32x128xf32, #tpu.memory_space<hbm>>
    %dma_start3A_89 = arith.constant 32 : i32
    %dma_start3A_90 = tpu.memref_slice %arg7[%dma_start3A_89, %mul3A_2] : memref<128x4096xf32, #tpu.memory_space<hbm>> -> memref<32x128xf32, #tpu.memory_space<hbm>>
    %dma_start3A_91 = arith.constant 0 : i32
    %dma_start3A_92 = arith.constant 0 : i32
    %dma_start3A_93 = tpu.memref_slice %arg9[%dma_start3A_82, %dma_start3A_91, %dma_start3A_92] : memref<2x32x128xf32, #tpu.memory_space<vmem>> -> memref<1x32x128xf32, #tpu.memory_space<vmem>>
    %dma_start3A_94 = tpu.memref_squeeze %dma_start3A_93 : memref<1x32x128xf32, #tpu.memory_space<vmem>> -> memref<32x128xf32, #tpu.memory_space<vmem>>
    tpu.enqueue_dma source(%dma_start3A_94 : memref<32x128xf32, #tpu.memory_space<vmem>>) target(%dma_start3A_90 : memref<32x128xf32, #tpu.memory_space<hbm>>) target_semaphore(%arg12 : memref<!tpu.dma_semaphore, #tpu.memory_space<semaphore_mem>>)
    %add3A_95 = arith.constant 12288 : i32
    %add3A_96 = arith.addi %add3A_95, %mul3A_2 : i32
    %run_scoped3A_97 = arith.constant 1 : i32
    "tpu.region"() ({
      %run_scoped3A_197 = tpu.sem_alloc : memref<!tpu.dma_semaphore, #tpu.memory_space<semaphore_mem>>
      %dma_start3A_198 = arith.constant 0 : i32
      %dma_start3A_199 = tpu.memref_slice %arg8[%run_scoped3A_97, %dma_start3A_198] : memref<2x128xi32, #tpu.memory_space<vmem>> -> memref<1x128xi32, #tpu.memory_space<vmem>>
      %dma_start3A_200 = tpu.memref_squeeze %dma_start3A_199 : memref<1x128xi32, #tpu.memory_space<vmem>> -> memref<128xi32, #tpu.memory_space<vmem>>
      %dma_start3A_201 = tpu.memref_slice %arg6[%add3A_96] : memref<16384xi32, #tpu.memory_space<hbm>> -> memref<128xi32, #tpu.memory_space<hbm>>
      %dma_start3A_202 = arith.constant 0 : i32
      %dma_start3A_203 = tpu.memref_slice %arg8[%run_scoped3A_97, %dma_start3A_202] : memref<2x128xi32, #tpu.memory_space<vmem>> -> memref<1x128xi32, #tpu.memory_space<vmem>>
      %dma_start3A_204 = tpu.memref_squeeze %dma_start3A_203 : memref<1x128xi32, #tpu.memory_space<vmem>> -> memref<128xi32, #tpu.memory_space<vmem>>
      %dma_start3A_205 = tpu.memref_slice %arg6[%add3A_96] : memref<16384xi32, #tpu.memory_space<hbm>> -> memref<128xi32, #tpu.memory_space<hbm>>
      tpu.enqueue_dma source(%dma_start3A_205 : memref<128xi32, #tpu.memory_space<hbm>>) target(%dma_start3A_204 : memref<128xi32, #tpu.memory_space<vmem>>) target_semaphore(%run_scoped3A_197 : memref<!tpu.dma_semaphore, #tpu.memory_space<semaphore_mem>>)
      %dma_wait3A_206 = arith.constant 0 : i32
      %dma_wait3A_207 = tpu.memref_slice %arg8[%run_scoped3A_97, %dma_wait3A_206] : memref<2x128xi32, #tpu.memory_space<vmem>> -> memref<1x128xi32, #tpu.memory_space<vmem>>
      %dma_wait3A_208 = tpu.memref_squeeze %dma_wait3A_207 : memref<1x128xi32, #tpu.memory_space<vmem>> -> memref<128xi32, #tpu.memory_space<vmem>>
      %dma_wait3A_209 = tpu.memref_slice %arg6[%add3A_96] : memref<16384xi32, #tpu.memory_space<hbm>> -> memref<128xi32, #tpu.memory_space<hbm>>
      %dma_wait3A_210 = arith.constant 0 : i32
      %dma_wait3A_211 = tpu.memref_slice %arg8[%run_scoped3A_97, %dma_wait3A_210] : memref<2x128xi32, #tpu.memory_space<vmem>> -> memref<1x128xi32, #tpu.memory_space<vmem>>
      %dma_wait3A_212 = tpu.memref_squeeze %dma_wait3A_211 : memref<1x128xi32, #tpu.memory_space<vmem>> -> memref<128xi32, #tpu.memory_space<vmem>>
      %dma_wait3A_213 = tpu.memref_slice %arg6[%add3A_96] : memref<16384xi32, #tpu.memory_space<hbm>> -> memref<128xi32, #tpu.memory_space<hbm>>
      tpu.wait_dma2 semaphore(%run_scoped3A_197 : memref<!tpu.dma_semaphore, #tpu.memory_space<semaphore_mem>>) src(%dma_wait3A_213 : memref<128xi32, #tpu.memory_space<hbm>>) dst(%dma_wait3A_212 : memref<128xi32, #tpu.memory_space<vmem>>)
      tpu.yield
    }) : () -> ()
    %dma_wait3A_98 = arith.constant 1 : i32
    %dma_wait3A_99 = arith.constant 0 : i32
    %dma_wait3A_100 = arith.constant 0 : i32
    %dma_wait3A_101 = tpu.memref_slice %arg9[%dma_wait3A_98, %dma_wait3A_99, %dma_wait3A_100] : memref<2x32x128xf32, #tpu.memory_space<vmem>> -> memref<1x32x128xf32, #tpu.memory_space<vmem>>
    %dma_wait3A_102 = tpu.memref_squeeze %dma_wait3A_101 : memref<1x32x128xf32, #tpu.memory_space<vmem>> -> memref<32x128xf32, #tpu.memory_space<vmem>>
    %dma_wait3A_103 = arith.constant 32 : i32
    %dma_wait3A_104 = tpu.memref_slice %arg7[%dma_wait3A_103, %mul3A_2] : memref<128x4096xf32, #tpu.memory_space<hbm>> -> memref<32x128xf32, #tpu.memory_space<hbm>>
    %dma_wait3A_105 = arith.constant 32 : i32
    %dma_wait3A_106 = tpu.memref_slice %arg7[%dma_wait3A_105, %mul3A_2] : memref<128x4096xf32, #tpu.memory_space<hbm>> -> memref<32x128xf32, #tpu.memory_space<hbm>>
    %dma_wait3A_107 = arith.constant 0 : i32
    %dma_wait3A_108 = arith.constant 0 : i32
    %dma_wait3A_109 = tpu.memref_slice %arg9[%dma_wait3A_98, %dma_wait3A_107, %dma_wait3A_108] : memref<2x32x128xf32, #tpu.memory_space<vmem>> -> memref<1x32x128xf32, #tpu.memory_space<vmem>>
    %dma_wait3A_110 = tpu.memref_squeeze %dma_wait3A_109 : memref<1x32x128xf32, #tpu.memory_space<vmem>> -> memref<32x128xf32, #tpu.memory_space<vmem>>
    tpu.wait_dma2 semaphore(%arg12 : memref<!tpu.dma_semaphore, #tpu.memory_space<semaphore_mem>>) src(%dma_wait3A_110 : memref<32x128xf32, #tpu.memory_space<vmem>>) dst(%dma_wait3A_106 : memref<32x128xf32, #tpu.memory_space<hbm>>)
    %scan3A_111 = arith.constant 1 : i32
    %scan3A_112 = arith.constant 0 : i32
    %scan3A_113 = arith.constant 0 : i32
    %scan3A_114 = arith.constant 32 : i32
    %scan3A_115 = arith.addi %scan3A_113, %scan3A_114 : i32
    %scan3A_116 = arith.constant 1 : i32
    %scan3A_117 = scf.for %scan3A_197 = %scan3A_113 to %scan3A_115 step %scan3A_116 iter_args(%scan3A_198 = %scan3A_112) -> (i32)  : i32 {
      %dma_start3A_199 = arith.constant 1 : i32
      %dma_start3A_200 = arith.constant 0 : i32
      %dma_start3A_201 = arith.constant 0 : i32
      %dma_start3A_202 = tpu.memref_slice %arg9[%scan3A_111, %dma_start3A_200, %dma_start3A_201] : memref<2x32x128xf32, #tpu.memory_space<vmem>> -> memref<1x32x128xf32, #tpu.memory_space<vmem>>
      %dma_start3A_203 = tpu.memref_squeeze %dma_start3A_202 : memref<1x32x128xf32, #tpu.memory_space<vmem>> -> memref<32x128xf32, #tpu.memory_space<vmem>>
      %dma_start3A_204 = arith.constant 0 : i32
      %dma_start3A_205 = tpu.memref_slice %dma_start3A_203[%scan3A_197, %dma_start3A_204] : memref<32x128xf32, #tpu.memory_space<vmem>> -> memref<1x128xf32, #tpu.memory_space<vmem>>
      %dma_start3A_206 = tpu.memref_squeeze %dma_start3A_205 : memref<1x128xf32, #tpu.memory_space<vmem>> -> memref<128xf32, #tpu.memory_space<vmem>>
      %dma_start3A_207 = arith.constant 0 : i32
      %dma_start3A_208 = tpu.memref_slice %arg8[%dma_start3A_199, %dma_start3A_207] : memref<2x128xi32, #tpu.memory_space<vmem>> -> memref<1x128xi32, #tpu.memory_space<vmem>>
      %dma_start3A_209 = tpu.memref_squeeze %dma_start3A_208 : memref<1x128xi32, #tpu.memory_space<vmem>> -> memref<128xi32, #tpu.memory_space<vmem>>
      %dma_start3A_210 = arith.constant 0 : i32
      %dma_start3A_211 = tpu.memref_slice %arg5[%scan3A_197, %dma_start3A_210] : memref<32x100096xf32, #tpu.memory_space<hbm>> -> memref<1x100096xf32, #tpu.memory_space<hbm>>
      %dma_start3A_212 = tpu.memref_squeeze %dma_start3A_211 : memref<1x100096xf32, #tpu.memory_space<hbm>> -> memref<100096xf32, #tpu.memory_space<hbm>>
      %dma_start3A_213 = arith.constant 0 : i32
      %dma_start3A_214 = tpu.memref_slice %dma_start3A_212[%dma_start3A_213] : memref<100096xf32, #tpu.memory_space<hbm>> -> memref<100096xf32, #tpu.memory_space<hbm>>
      tpu.enqueue_indirect_dma source(%dma_start3A_214 : memref<100096xf32, #tpu.memory_space<hbm>>) target(%dma_start3A_206 : memref<128xf32, #tpu.memory_space<vmem>>) offsets(%dma_start3A_209 : memref<128xi32, #tpu.memory_space<vmem>>) semaphore(%arg11 : memref<!tpu.dma_semaphore, #tpu.memory_space<semaphore_mem>>)
      %scan3A_215 = arith.constant 0 : i32
      scf.yield %scan3A_215 : i32
    }
    %scan3A_118 = arith.constant 32 : i32
    %dma_wait3A_119 = arith.constant 0 : i32
    %dma_wait3A_120 = arith.constant 0 : i32
    %dma_wait3A_121 = arith.constant 0 : i32
    %dma_wait3A_122 = tpu.memref_slice %arg9[%dma_wait3A_119, %dma_wait3A_120, %dma_wait3A_121] : memref<2x32x128xf32, #tpu.memory_space<vmem>> -> memref<1x32x128xf32, #tpu.memory_space<vmem>>
    %dma_wait3A_123 = tpu.memref_squeeze %dma_wait3A_122 : memref<1x32x128xf32, #tpu.memory_space<vmem>> -> memref<32x128xf32, #tpu.memory_space<vmem>>
    %dma_wait3A_124 = arith.constant 0 : i32
    %dma_wait3A_125 = tpu.memref_slice %arg6[%dma_wait3A_124] : memref<16384xi32, #tpu.memory_space<hbm>> -> memref<4096xi32, #tpu.memory_space<hbm>>
    %dma_wait3A_126 = arith.constant 0 : i32
    %dma_wait3A_127 = arith.constant 0 : i32
    %dma_wait3A_128 = tpu.memref_slice %arg9[%dma_wait3A_119, %dma_wait3A_126, %dma_wait3A_127] : memref<2x32x128xf32, #tpu.memory_space<vmem>> -> memref<1x32x128xf32, #tpu.memory_space<vmem>>
    %dma_wait3A_129 = tpu.memref_squeeze %dma_wait3A_128 : memref<1x32x128xf32, #tpu.memory_space<vmem>> -> memref<32x128xf32, #tpu.memory_space<vmem>>
    %dma_wait3A_130 = arith.constant 0 : i32
    %dma_wait3A_131 = tpu.memref_slice %arg6[%dma_wait3A_130] : memref<16384xi32, #tpu.memory_space<hbm>> -> memref<4096xi32, #tpu.memory_space<hbm>>
    tpu.wait_dma2 semaphore(%arg10 : memref<!tpu.dma_semaphore, #tpu.memory_space<semaphore_mem>>) src(%dma_wait3A_131 : memref<4096xi32, #tpu.memory_space<hbm>>) dst(%dma_wait3A_129 : memref<32x128xf32, #tpu.memory_space<vmem>>)
    %dma_start3A_132 = arith.constant 0 : i32
    %dma_start3A_133 = arith.constant 0 : i32
    %dma_start3A_134 = arith.constant 0 : i32
    %dma_start3A_135 = tpu.memref_slice %arg9[%dma_start3A_132, %dma_start3A_133, %dma_start3A_134] : memref<2x32x128xf32, #tpu.memory_space<vmem>> -> memref<1x32x128xf32, #tpu.memory_space<vmem>>
    %dma_start3A_136 = tpu.memref_squeeze %dma_start3A_135 : memref<1x32x128xf32, #tpu.memory_space<vmem>> -> memref<32x128xf32, #tpu.memory_space<vmem>>
    %dma_start3A_137 = arith.constant 64 : i32
    %dma_start3A_138 = tpu.memref_slice %arg7[%dma_start3A_137, %mul3A_2] : memref<128x4096xf32, #tpu.memory_space<hbm>> -> memref<32x128xf32, #tpu.memory_space<hbm>>
    %dma_start3A_139 = arith.constant 64 : i32
    %dma_start3A_140 = tpu.memref_slice %arg7[%dma_start3A_139, %mul3A_2] : memref<128x4096xf32, #tpu.memory_space<hbm>> -> memref<32x128xf32, #tpu.memory_space<hbm>>
    %dma_start3A_141 = arith.constant 0 : i32
    %dma_start3A_142 = arith.constant 0 : i32
    %dma_start3A_143 = tpu.memref_slice %arg9[%dma_start3A_132, %dma_start3A_141, %dma_start3A_142] : memref<2x32x128xf32, #tpu.memory_space<vmem>> -> memref<1x32x128xf32, #tpu.memory_space<vmem>>
    %dma_start3A_144 = tpu.memref_squeeze %dma_start3A_143 : memref<1x32x128xf32, #tpu.memory_space<vmem>> -> memref<32x128xf32, #tpu.memory_space<vmem>>
    tpu.enqueue_dma source(%dma_start3A_144 : memref<32x128xf32, #tpu.memory_space<vmem>>) target(%dma_start3A_140 : memref<32x128xf32, #tpu.memory_space<hbm>>) target_semaphore(%arg12 : memref<!tpu.dma_semaphore, #tpu.memory_space<semaphore_mem>>)
    %dma_wait3A_145 = arith.constant 1 : i32
    %dma_wait3A_146 = arith.constant 0 : i32
    %dma_wait3A_147 = arith.constant 0 : i32
    %dma_wait3A_148 = tpu.memref_slice %arg9[%dma_wait3A_145, %dma_wait3A_146, %dma_wait3A_147] : memref<2x32x128xf32, #tpu.memory_space<vmem>> -> memref<1x32x128xf32, #tpu.memory_space<vmem>>
    %dma_wait3A_149 = tpu.memref_squeeze %dma_wait3A_148 : memref<1x32x128xf32, #tpu.memory_space<vmem>> -> memref<32x128xf32, #tpu.memory_space<vmem>>
    %dma_wait3A_150 = arith.constant 0 : i32
    %dma_wait3A_151 = tpu.memref_slice %arg6[%dma_wait3A_150] : memref<16384xi32, #tpu.memory_space<hbm>> -> memref<4096xi32, #tpu.memory_space<hbm>>
    %dma_wait3A_152 = arith.constant 0 : i32
    %dma_wait3A_153 = arith.constant 0 : i32
    %dma_wait3A_154 = tpu.memref_slice %arg9[%dma_wait3A_145, %dma_wait3A_152, %dma_wait3A_153] : memref<2x32x128xf32, #tpu.memory_space<vmem>> -> memref<1x32x128xf32, #tpu.memory_space<vmem>>
    %dma_wait3A_155 = tpu.memref_squeeze %dma_wait3A_154 : memref<1x32x128xf32, #tpu.memory_space<vmem>> -> memref<32x128xf32, #tpu.memory_space<vmem>>
    %dma_wait3A_156 = arith.constant 0 : i32
    %dma_wait3A_157 = tpu.memref_slice %arg6[%dma_wait3A_156] : memref<16384xi32, #tpu.memory_space<hbm>> -> memref<4096xi32, #tpu.memory_space<hbm>>
    tpu.wait_dma2 semaphore(%arg11 : memref<!tpu.dma_semaphore, #tpu.memory_space<semaphore_mem>>) src(%dma_wait3A_157 : memref<4096xi32, #tpu.memory_space<hbm>>) dst(%dma_wait3A_155 : memref<32x128xf32, #tpu.memory_space<vmem>>)
    %dma_start3A_158 = arith.constant 1 : i32
    %dma_start3A_159 = arith.constant 0 : i32
    %dma_start3A_160 = arith.constant 0 : i32
    %dma_start3A_161 = tpu.memref_slice %arg9[%dma_start3A_158, %dma_start3A_159, %dma_start3A_160] : memref<2x32x128xf32, #tpu.memory_space<vmem>> -> memref<1x32x128xf32, #tpu.memory_space<vmem>>
    %dma_start3A_162 = tpu.memref_squeeze %dma_start3A_161 : memref<1x32x128xf32, #tpu.memory_space<vmem>> -> memref<32x128xf32, #tpu.memory_space<vmem>>
    %dma_start3A_163 = arith.constant 96 : i32
    %dma_start3A_164 = tpu.memref_slice %arg7[%dma_start3A_163, %mul3A_2] : memref<128x4096xf32, #tpu.memory_space<hbm>> -> memref<32x128xf32, #tpu.memory_space<hbm>>
    %dma_start3A_165 = arith.constant 96 : i32
    %dma_start3A_166 = tpu.memref_slice %arg7[%dma_start3A_165, %mul3A_2] : memref<128x4096xf32, #tpu.memory_space<hbm>> -> memref<32x128xf32, #tpu.memory_space<hbm>>
    %dma_start3A_167 = arith.constant 0 : i32
    %dma_start3A_168 = arith.constant 0 : i32
    %dma_start3A_169 = tpu.memref_slice %arg9[%dma_start3A_158, %dma_start3A_167, %dma_start3A_168] : memref<2x32x128xf32, #tpu.memory_space<vmem>> -> memref<1x32x128xf32, #tpu.memory_space<vmem>>
    %dma_start3A_170 = tpu.memref_squeeze %dma_start3A_169 : memref<1x32x128xf32, #tpu.memory_space<vmem>> -> memref<32x128xf32, #tpu.memory_space<vmem>>
    tpu.enqueue_dma source(%dma_start3A_170 : memref<32x128xf32, #tpu.memory_space<vmem>>) target(%dma_start3A_166 : memref<32x128xf32, #tpu.memory_space<hbm>>) target_semaphore(%arg12 : memref<!tpu.dma_semaphore, #tpu.memory_space<semaphore_mem>>)
    %dma_wait3A_171 = arith.constant 0 : i32
    %dma_wait3A_172 = arith.constant 0 : i32
    %dma_wait3A_173 = arith.constant 0 : i32
    %dma_wait3A_174 = tpu.memref_slice %arg9[%dma_wait3A_171, %dma_wait3A_172, %dma_wait3A_173] : memref<2x32x128xf32, #tpu.memory_space<vmem>> -> memref<1x32x128xf32, #tpu.memory_space<vmem>>
    %dma_wait3A_175 = tpu.memref_squeeze %dma_wait3A_174 : memref<1x32x128xf32, #tpu.memory_space<vmem>> -> memref<32x128xf32, #tpu.memory_space<vmem>>
    %dma_wait3A_176 = arith.constant 64 : i32
    %dma_wait3A_177 = tpu.memref_slice %arg7[%dma_wait3A_176, %mul3A_2] : memref<128x4096xf32, #tpu.memory_space<hbm>> -> memref<32x128xf32, #tpu.memory_space<hbm>>
    %dma_wait3A_178 = arith.constant 64 : i32
    %dma_wait3A_179 = tpu.memref_slice %arg7[%dma_wait3A_178, %mul3A_2] : memref<128x4096xf32, #tpu.memory_space<hbm>> -> memref<32x128xf32, #tpu.memory_space<hbm>>
    %dma_wait3A_180 = arith.constant 0 : i32
    %dma_wait3A_181 = arith.constant 0 : i32
    %dma_wait3A_182 = tpu.memref_slice %arg9[%dma_wait3A_171, %dma_wait3A_180, %dma_wait3A_181] : memref<2x32x128xf32, #tpu.memory_space<vmem>> -> memref<1x32x128xf32, #tpu.memory_space<vmem>>
    %dma_wait3A_183 = tpu.memref_squeeze %dma_wait3A_182 : memref<1x32x128xf32, #tpu.memory_space<vmem>> -> memref<32x128xf32, #tpu.memory_space<vmem>>
    tpu.wait_dma2 semaphore(%arg12 : memref<!tpu.dma_semaphore, #tpu.memory_space<semaphore_mem>>) src(%dma_wait3A_183 : memref<32x128xf32, #tpu.memory_space<vmem>>) dst(%dma_wait3A_179 : memref<32x128xf32, #tpu.memory_space<hbm>>)
    %dma_wait3A_184 = arith.constant 1 : i32
    %dma_wait3A_185 = arith.constant 0 : i32
    %dma_wait3A_186 = arith.constant 0 : i32
    %dma_wait3A_187 = tpu.memref_slice %arg9[%dma_wait3A_184, %dma_wait3A_185, %dma_wait3A_186] : memref<2x32x128xf32, #tpu.memory_space<vmem>> -> memref<1x32x128xf32, #tpu.memory_space<vmem>>
    %dma_wait3A_188 = tpu.memref_squeeze %dma_wait3A_187 : memref<1x32x128xf32, #tpu.memory_space<vmem>> -> memref<32x128xf32, #tpu.memory_space<vmem>>
    %dma_wait3A_189 = arith.constant 96 : i32
    %dma_wait3A_190 = tpu.memref_slice %arg7[%dma_wait3A_189, %mul3A_2] : memref<128x4096xf32, #tpu.memory_space<hbm>> -> memref<32x128xf32, #tpu.memory_space<hbm>>
    %dma_wait3A_191 = arith.constant 96 : i32
    %dma_wait3A_192 = tpu.memref_slice %arg7[%dma_wait3A_191, %mul3A_2] : memref<128x4096xf32, #tpu.memory_space<hbm>> -> memref<32x128xf32, #tpu.memory_space<hbm>>
    %dma_wait3A_193 = arith.constant 0 : i32
    %dma_wait3A_194 = arith.constant 0 : i32
    %dma_wait3A_195 = tpu.memref_slice %arg9[%dma_wait3A_184, %dma_wait3A_193, %dma_wait3A_194] : memref<2x32x128xf32, #tpu.memory_space<vmem>> -> memref<1x32x128xf32, #tpu.memory_space<vmem>>
    %dma_wait3A_196 = tpu.memref_squeeze %dma_wait3A_195 : memref<1x32x128xf32, #tpu.memory_space<vmem>> -> memref<32x128xf32, #tpu.memory_space<vmem>>
    tpu.wait_dma2 semaphore(%arg12 : memref<!tpu.dma_semaphore, #tpu.memory_space<semaphore_mem>>) src(%dma_wait3A_196 : memref<32x128xf32, #tpu.memory_space<vmem>>) dst(%dma_wait3A_192 : memref<32x128xf32, #tpu.memory_space<hbm>>)
    return
  }
}

#map = affine_map<(d0, d1) -> (0, 0)>
#map1 = affine_map<(d0, d1) -> (0)>
module attributes {stable_mosaic.version = 14 : i64} {
  func.func @_hist_body(%arg0: i32, %arg1: i32, %arg2: memref<50x4096xi32, #tpu.memory_space<hbm>>, %arg3: memref<100000xf32, #tpu.memory_space<hbm>>, %arg4: memref<50x4096xf32, #tpu.memory_space<hbm>>, %arg5: memref<50x128xi32, #tpu.memory_space<vmem>>, %arg6: memref<50x128xf32, #tpu.memory_space<vmem>>, %arg7: memref<!tpu.dma_semaphore, #tpu.memory_space<semaphore_mem>>) attributes {dimension_semantics = [#tpu.dimension_semantics<core_parallel>, #tpu.dimension_semantics<subcore_parallel>], iteration_bounds = array<i64: 2, 16>, scalar_prefetch = 0 : i64, scratch_operands = 3 : i64, tpu.core_type = #tpu.core_type<sc_vector_subcore>, window_params = [{transform_indices = #map}, {transform_indices = #map1}, {transform_indices = #map}]} {
    %mul3A = arith.constant 2 : i32
    %mul3A_0 = arith.muli %arg1, %mul3A : i32
    %add3A = arith.addi %mul3A_0, %arg0 : i32
    %mul3A_1 = arith.constant 128 : i32
    %mul3A_2 = arith.muli %add3A, %mul3A_1 : i32
    "tpu.region"() ({
      %run_scoped3A = tpu.sem_alloc : memref<!tpu.dma_semaphore, #tpu.memory_space<semaphore_mem>>
      %dma_start3A = arith.constant 0 : i32
      %dma_start3A_14 = tpu.memref_slice %arg2[%dma_start3A, %mul3A_2] : memref<50x4096xi32, #tpu.memory_space<hbm>> -> memref<50x128xi32, #tpu.memory_space<hbm>>
      %dma_start3A_15 = arith.constant 0 : i32
      %dma_start3A_16 = tpu.memref_slice %arg2[%dma_start3A_15, %mul3A_2] : memref<50x4096xi32, #tpu.memory_space<hbm>> -> memref<50x128xi32, #tpu.memory_space<hbm>>
      tpu.enqueue_dma source(%dma_start3A_16 : memref<50x128xi32, #tpu.memory_space<hbm>>) target(%arg5 : memref<50x128xi32, #tpu.memory_space<vmem>>) target_semaphore(%run_scoped3A : memref<!tpu.dma_semaphore, #tpu.memory_space<semaphore_mem>>)
      %dma_wait3A_17 = arith.constant 0 : i32
      %dma_wait3A_18 = tpu.memref_slice %arg2[%dma_wait3A_17, %mul3A_2] : memref<50x4096xi32, #tpu.memory_space<hbm>> -> memref<50x128xi32, #tpu.memory_space<hbm>>
      %dma_wait3A_19 = arith.constant 0 : i32
      %dma_wait3A_20 = tpu.memref_slice %arg2[%dma_wait3A_19, %mul3A_2] : memref<50x4096xi32, #tpu.memory_space<hbm>> -> memref<50x128xi32, #tpu.memory_space<hbm>>
      tpu.wait_dma2 semaphore(%run_scoped3A : memref<!tpu.dma_semaphore, #tpu.memory_space<semaphore_mem>>) src(%dma_wait3A_20 : memref<50x128xi32, #tpu.memory_space<hbm>>) dst(%arg5 : memref<50x128xi32, #tpu.memory_space<vmem>>)
      tpu.yield
    }) : () -> ()
    %scan3A = arith.constant 0 : i32
    %scan3A_3 = arith.constant 0 : i32
    %scan3A_4 = arith.constant 50 : i32
    %scan3A_5 = arith.addi %scan3A_3, %scan3A_4 : i32
    %scan3A_6 = arith.constant 1 : i32
    %scan3A_7 = scf.for %scan3A_14 = %scan3A_3 to %scan3A_5 step %scan3A_6 iter_args(%scan3A_15 = %scan3A) -> (i32)  : i32 {
      %dma_start3A = arith.constant 0 : i32
      %dma_start3A_16 = tpu.memref_slice %arg6[%scan3A_14, %dma_start3A] : memref<50x128xf32, #tpu.memory_space<vmem>> -> memref<1x128xf32, #tpu.memory_space<vmem>>
      %dma_start3A_17 = tpu.memref_squeeze %dma_start3A_16 : memref<1x128xf32, #tpu.memory_space<vmem>> -> memref<128xf32, #tpu.memory_space<vmem>>
      %dma_start3A_18 = arith.constant 0 : i32
      %dma_start3A_19 = tpu.memref_slice %arg5[%scan3A_14, %dma_start3A_18] : memref<50x128xi32, #tpu.memory_space<vmem>> -> memref<1x128xi32, #tpu.memory_space<vmem>>
      %dma_start3A_20 = tpu.memref_squeeze %dma_start3A_19 : memref<1x128xi32, #tpu.memory_space<vmem>> -> memref<128xi32, #tpu.memory_space<vmem>>
      %dma_start3A_21 = arith.constant 0 : i32
      %dma_start3A_22 = tpu.memref_slice %arg3[%dma_start3A_21] : memref<100000xf32, #tpu.memory_space<hbm>> -> memref<100000xf32, #tpu.memory_space<hbm>>
      tpu.enqueue_indirect_dma source(%dma_start3A_22 : memref<100000xf32, #tpu.memory_space<hbm>>) target(%dma_start3A_17 : memref<128xf32, #tpu.memory_space<vmem>>) offsets(%dma_start3A_20 : memref<128xi32, #tpu.memory_space<vmem>>) semaphore(%arg7 : memref<!tpu.dma_semaphore, #tpu.memory_space<semaphore_mem>>)
      %scan3A_23 = arith.constant 0 : i32
      scf.yield %scan3A_23 : i32
    }
    %scan3A_8 = arith.constant 50 : i32
    %dma_wait3A = arith.constant 0 : i32
    %dma_wait3A_9 = arith.constant 0 : i32
    %dma_wait3A_10 = tpu.memref_slice %arg2[%dma_wait3A, %dma_wait3A_9] : memref<50x4096xi32, #tpu.memory_space<hbm>> -> memref<50x128xi32, #tpu.memory_space<hbm>>
    %dma_wait3A_11 = arith.constant 0 : i32
    %dma_wait3A_12 = arith.constant 0 : i32
    %dma_wait3A_13 = tpu.memref_slice %arg2[%dma_wait3A_11, %dma_wait3A_12] : memref<50x4096xi32, #tpu.memory_space<hbm>> -> memref<50x128xi32, #tpu.memory_space<hbm>>
    tpu.wait_dma2 semaphore(%arg7 : memref<!tpu.dma_semaphore, #tpu.memory_space<semaphore_mem>>) src(%dma_wait3A_13 : memref<50x128xi32, #tpu.memory_space<hbm>>) dst(%arg6 : memref<50x128xf32, #tpu.memory_space<vmem>>)
    "tpu.region"() ({
      %run_scoped3A = tpu.sem_alloc : memref<!tpu.dma_semaphore, #tpu.memory_space<semaphore_mem>>
      %dma_start3A = arith.constant 0 : i32
      %dma_start3A_14 = tpu.memref_slice %arg4[%dma_start3A, %mul3A_2] : memref<50x4096xf32, #tpu.memory_space<hbm>> -> memref<50x128xf32, #tpu.memory_space<hbm>>
      %dma_start3A_15 = arith.constant 0 : i32
      %dma_start3A_16 = tpu.memref_slice %arg4[%dma_start3A_15, %mul3A_2] : memref<50x4096xf32, #tpu.memory_space<hbm>> -> memref<50x128xf32, #tpu.memory_space<hbm>>
      tpu.enqueue_dma source(%arg6 : memref<50x128xf32, #tpu.memory_space<vmem>>) target(%dma_start3A_16 : memref<50x128xf32, #tpu.memory_space<hbm>>) target_semaphore(%run_scoped3A : memref<!tpu.dma_semaphore, #tpu.memory_space<semaphore_mem>>)
      %dma_wait3A_17 = arith.constant 0 : i32
      %dma_wait3A_18 = tpu.memref_slice %arg4[%dma_wait3A_17, %mul3A_2] : memref<50x4096xf32, #tpu.memory_space<hbm>> -> memref<50x128xf32, #tpu.memory_space<hbm>>
      %dma_wait3A_19 = arith.constant 0 : i32
      %dma_wait3A_20 = tpu.memref_slice %arg4[%dma_wait3A_19, %mul3A_2] : memref<50x4096xf32, #tpu.memory_space<hbm>> -> memref<50x128xf32, #tpu.memory_space<hbm>>
      tpu.wait_dma2 semaphore(%run_scoped3A : memref<!tpu.dma_semaphore, #tpu.memory_space<semaphore_mem>>) src(%arg6 : memref<50x128xf32, #tpu.memory_space<vmem>>) dst(%dma_wait3A_20 : memref<50x128xf32, #tpu.memory_space<hbm>>)
      tpu.yield
    }) : () -> ()
    return
  }
}

#map = affine_map<(d0, d1) -> (0, 0)>
#map1 = affine_map<(d0, d1) -> (0)>
module attributes {stable_mosaic.version = 14 : i64} {
  func.func @_body(%arg0: i32, %arg1: i32, %arg2: memref<32x100096xf32, #tpu.memory_space<hbm>>, %arg3: memref<32x100096xf32, #tpu.memory_space<hbm>>, %arg4: memref<32x100096xf32, #tpu.memory_space<hbm>>, %arg5: memref<12288xi32, #tpu.memory_space<hbm>>, %arg6: memref<96x4096xf32, #tpu.memory_space<hbm>>, %arg7: memref<2x128xi32, #tpu.memory_space<vmem>>, %arg8: memref<2x32x128xf32, #tpu.memory_space<vmem>>, %arg9: memref<!tpu.dma_semaphore, #tpu.memory_space<semaphore_mem>>, %arg10: memref<!tpu.dma_semaphore, #tpu.memory_space<semaphore_mem>>, %arg11: memref<!tpu.dma_semaphore, #tpu.memory_space<semaphore_mem>>) attributes {dimension_semantics = [#tpu.dimension_semantics<core_parallel>, #tpu.dimension_semantics<subcore_parallel>], iteration_bounds = array<i64: 2, 16>, scalar_prefetch = 0 : i64, scratch_operands = 5 : i64, tpu.core_type = #tpu.core_type<sc_vector_subcore>, window_params = [{transform_indices = #map}, {transform_indices = #map}, {transform_indices = #map}, {transform_indices = #map1}, {transform_indices = #map}]} {
    %mul3A = arith.constant 2 : i32
    %mul3A_0 = arith.muli %arg1, %mul3A : i32
    %add3A = arith.addi %mul3A_0, %arg0 : i32
    %mul3A_1 = arith.constant 128 : i32
    %mul3A_2 = arith.muli %add3A, %mul3A_1 : i32
    %run_scoped3A = arith.constant 0 : i32
    "tpu.region"() ({
      %run_scoped3A_147 = tpu.sem_alloc : memref<!tpu.dma_semaphore, #tpu.memory_space<semaphore_mem>>
      %dma_start3A_148 = arith.constant 0 : i32
      %dma_start3A_149 = tpu.memref_slice %arg7[%run_scoped3A, %dma_start3A_148] : memref<2x128xi32, #tpu.memory_space<vmem>> -> memref<1x128xi32, #tpu.memory_space<vmem>>
      %dma_start3A_150 = tpu.memref_squeeze %dma_start3A_149 : memref<1x128xi32, #tpu.memory_space<vmem>> -> memref<128xi32, #tpu.memory_space<vmem>>
      %dma_start3A_151 = tpu.memref_slice %arg5[%mul3A_2] : memref<12288xi32, #tpu.memory_space<hbm>> -> memref<128xi32, #tpu.memory_space<hbm>>
      %dma_start3A_152 = arith.constant 0 : i32
      %dma_start3A_153 = tpu.memref_slice %arg7[%run_scoped3A, %dma_start3A_152] : memref<2x128xi32, #tpu.memory_space<vmem>> -> memref<1x128xi32, #tpu.memory_space<vmem>>
      %dma_start3A_154 = tpu.memref_squeeze %dma_start3A_153 : memref<1x128xi32, #tpu.memory_space<vmem>> -> memref<128xi32, #tpu.memory_space<vmem>>
      %dma_start3A_155 = tpu.memref_slice %arg5[%mul3A_2] : memref<12288xi32, #tpu.memory_space<hbm>> -> memref<128xi32, #tpu.memory_space<hbm>>
      tpu.enqueue_dma source(%dma_start3A_155 : memref<128xi32, #tpu.memory_space<hbm>>) target(%dma_start3A_154 : memref<128xi32, #tpu.memory_space<vmem>>) target_semaphore(%run_scoped3A_147 : memref<!tpu.dma_semaphore, #tpu.memory_space<semaphore_mem>>)
      %dma_wait3A_156 = arith.constant 0 : i32
      %dma_wait3A_157 = tpu.memref_slice %arg7[%run_scoped3A, %dma_wait3A_156] : memref<2x128xi32, #tpu.memory_space<vmem>> -> memref<1x128xi32, #tpu.memory_space<vmem>>
      %dma_wait3A_158 = tpu.memref_squeeze %dma_wait3A_157 : memref<1x128xi32, #tpu.memory_space<vmem>> -> memref<128xi32, #tpu.memory_space<vmem>>
      %dma_wait3A_159 = tpu.memref_slice %arg5[%mul3A_2] : memref<12288xi32, #tpu.memory_space<hbm>> -> memref<128xi32, #tpu.memory_space<hbm>>
      %dma_wait3A_160 = arith.constant 0 : i32
      %dma_wait3A_161 = tpu.memref_slice %arg7[%run_scoped3A, %dma_wait3A_160] : memref<2x128xi32, #tpu.memory_space<vmem>> -> memref<1x128xi32, #tpu.memory_space<vmem>>
      %dma_wait3A_162 = tpu.memref_squeeze %dma_wait3A_161 : memref<1x128xi32, #tpu.memory_space<vmem>> -> memref<128xi32, #tpu.memory_space<vmem>>
      %dma_wait3A_163 = tpu.memref_slice %arg5[%mul3A_2] : memref<12288xi32, #tpu.memory_space<hbm>> -> memref<128xi32, #tpu.memory_space<hbm>>
      tpu.wait_dma2 semaphore(%run_scoped3A_147 : memref<!tpu.dma_semaphore, #tpu.memory_space<semaphore_mem>>) src(%dma_wait3A_163 : memref<128xi32, #tpu.memory_space<hbm>>) dst(%dma_wait3A_162 : memref<128xi32, #tpu.memory_space<vmem>>)
      tpu.yield
    }) : () -> ()
    %scan3A = arith.constant 0 : i32
    %scan3A_3 = arith.constant 0 : i32
    %scan3A_4 = arith.constant 0 : i32
    %scan3A_5 = arith.constant 32 : i32
    %scan3A_6 = arith.addi %scan3A_4, %scan3A_5 : i32
    %scan3A_7 = arith.constant 1 : i32
    %scan3A_8 = scf.for %scan3A_147 = %scan3A_4 to %scan3A_6 step %scan3A_7 iter_args(%scan3A_148 = %scan3A_3) -> (i32)  : i32 {
      %dma_start3A_149 = arith.constant 0 : i32
      %dma_start3A_150 = arith.constant 0 : i32
      %dma_start3A_151 = arith.constant 0 : i32
      %dma_start3A_152 = tpu.memref_slice %arg8[%scan3A, %dma_start3A_150, %dma_start3A_151] : memref<2x32x128xf32, #tpu.memory_space<vmem>> -> memref<1x32x128xf32, #tpu.memory_space<vmem>>
      %dma_start3A_153 = tpu.memref_squeeze %dma_start3A_152 : memref<1x32x128xf32, #tpu.memory_space<vmem>> -> memref<32x128xf32, #tpu.memory_space<vmem>>
      %dma_start3A_154 = arith.constant 0 : i32
      %dma_start3A_155 = tpu.memref_slice %dma_start3A_153[%scan3A_147, %dma_start3A_154] : memref<32x128xf32, #tpu.memory_space<vmem>> -> memref<1x128xf32, #tpu.memory_space<vmem>>
      %dma_start3A_156 = tpu.memref_squeeze %dma_start3A_155 : memref<1x128xf32, #tpu.memory_space<vmem>> -> memref<128xf32, #tpu.memory_space<vmem>>
      %dma_start3A_157 = arith.constant 0 : i32
      %dma_start3A_158 = tpu.memref_slice %arg7[%dma_start3A_149, %dma_start3A_157] : memref<2x128xi32, #tpu.memory_space<vmem>> -> memref<1x128xi32, #tpu.memory_space<vmem>>
      %dma_start3A_159 = tpu.memref_squeeze %dma_start3A_158 : memref<1x128xi32, #tpu.memory_space<vmem>> -> memref<128xi32, #tpu.memory_space<vmem>>
      %dma_start3A_160 = arith.constant 0 : i32
      %dma_start3A_161 = tpu.memref_slice %arg2[%scan3A_147, %dma_start3A_160] : memref<32x100096xf32, #tpu.memory_space<hbm>> -> memref<1x100096xf32, #tpu.memory_space<hbm>>
      %dma_start3A_162 = tpu.memref_squeeze %dma_start3A_161 : memref<1x100096xf32, #tpu.memory_space<hbm>> -> memref<100096xf32, #tpu.memory_space<hbm>>
      %dma_start3A_163 = arith.constant 0 : i32
      %dma_start3A_164 = tpu.memref_slice %dma_start3A_162[%dma_start3A_163] : memref<100096xf32, #tpu.memory_space<hbm>> -> memref<100096xf32, #tpu.memory_space<hbm>>
      tpu.enqueue_indirect_dma source(%dma_start3A_164 : memref<100096xf32, #tpu.memory_space<hbm>>) target(%dma_start3A_156 : memref<128xf32, #tpu.memory_space<vmem>>) offsets(%dma_start3A_159 : memref<128xi32, #tpu.memory_space<vmem>>) semaphore(%arg9 : memref<!tpu.dma_semaphore, #tpu.memory_space<semaphore_mem>>)
      %scan3A_165 = arith.constant 0 : i32
      scf.yield %scan3A_165 : i32
    }
    %scan3A_9 = arith.constant 32 : i32
    %add3A_10 = arith.constant 4096 : i32
    %add3A_11 = arith.addi %add3A_10, %mul3A_2 : i32
    %run_scoped3A_12 = arith.constant 1 : i32
    "tpu.region"() ({
      %run_scoped3A_147 = tpu.sem_alloc : memref<!tpu.dma_semaphore, #tpu.memory_space<semaphore_mem>>
      %dma_start3A_148 = arith.constant 0 : i32
      %dma_start3A_149 = tpu.memref_slice %arg7[%run_scoped3A_12, %dma_start3A_148] : memref<2x128xi32, #tpu.memory_space<vmem>> -> memref<1x128xi32, #tpu.memory_space<vmem>>
      %dma_start3A_150 = tpu.memref_squeeze %dma_start3A_149 : memref<1x128xi32, #tpu.memory_space<vmem>> -> memref<128xi32, #tpu.memory_space<vmem>>
      %dma_start3A_151 = tpu.memref_slice %arg5[%add3A_11] : memref<12288xi32, #tpu.memory_space<hbm>> -> memref<128xi32, #tpu.memory_space<hbm>>
      %dma_start3A_152 = arith.constant 0 : i32
      %dma_start3A_153 = tpu.memref_slice %arg7[%run_scoped3A_12, %dma_start3A_152] : memref<2x128xi32, #tpu.memory_space<vmem>> -> memref<1x128xi32, #tpu.memory_space<vmem>>
      %dma_start3A_154 = tpu.memref_squeeze %dma_start3A_153 : memref<1x128xi32, #tpu.memory_space<vmem>> -> memref<128xi32, #tpu.memory_space<vmem>>
      %dma_start3A_155 = tpu.memref_slice %arg5[%add3A_11] : memref<12288xi32, #tpu.memory_space<hbm>> -> memref<128xi32, #tpu.memory_space<hbm>>
      tpu.enqueue_dma source(%dma_start3A_155 : memref<128xi32, #tpu.memory_space<hbm>>) target(%dma_start3A_154 : memref<128xi32, #tpu.memory_space<vmem>>) target_semaphore(%run_scoped3A_147 : memref<!tpu.dma_semaphore, #tpu.memory_space<semaphore_mem>>)
      %dma_wait3A_156 = arith.constant 0 : i32
      %dma_wait3A_157 = tpu.memref_slice %arg7[%run_scoped3A_12, %dma_wait3A_156] : memref<2x128xi32, #tpu.memory_space<vmem>> -> memref<1x128xi32, #tpu.memory_space<vmem>>
      %dma_wait3A_158 = tpu.memref_squeeze %dma_wait3A_157 : memref<1x128xi32, #tpu.memory_space<vmem>> -> memref<128xi32, #tpu.memory_space<vmem>>
      %dma_wait3A_159 = tpu.memref_slice %arg5[%add3A_11] : memref<12288xi32, #tpu.memory_space<hbm>> -> memref<128xi32, #tpu.memory_space<hbm>>
      %dma_wait3A_160 = arith.constant 0 : i32
      %dma_wait3A_161 = tpu.memref_slice %arg7[%run_scoped3A_12, %dma_wait3A_160] : memref<2x128xi32, #tpu.memory_space<vmem>> -> memref<1x128xi32, #tpu.memory_space<vmem>>
      %dma_wait3A_162 = tpu.memref_squeeze %dma_wait3A_161 : memref<1x128xi32, #tpu.memory_space<vmem>> -> memref<128xi32, #tpu.memory_space<vmem>>
      %dma_wait3A_163 = tpu.memref_slice %arg5[%add3A_11] : memref<12288xi32, #tpu.memory_space<hbm>> -> memref<128xi32, #tpu.memory_space<hbm>>
      tpu.wait_dma2 semaphore(%run_scoped3A_147 : memref<!tpu.dma_semaphore, #tpu.memory_space<semaphore_mem>>) src(%dma_wait3A_163 : memref<128xi32, #tpu.memory_space<hbm>>) dst(%dma_wait3A_162 : memref<128xi32, #tpu.memory_space<vmem>>)
      tpu.yield
    }) : () -> ()
    %scan3A_13 = arith.constant 1 : i32
    %scan3A_14 = arith.constant 0 : i32
    %scan3A_15 = arith.constant 0 : i32
    %scan3A_16 = arith.constant 32 : i32
    %scan3A_17 = arith.addi %scan3A_15, %scan3A_16 : i32
    %scan3A_18 = arith.constant 1 : i32
    %scan3A_19 = scf.for %scan3A_147 = %scan3A_15 to %scan3A_17 step %scan3A_18 iter_args(%scan3A_148 = %scan3A_14) -> (i32)  : i32 {
      %dma_start3A_149 = arith.constant 1 : i32
      %dma_start3A_150 = arith.constant 0 : i32
      %dma_start3A_151 = arith.constant 0 : i32
      %dma_start3A_152 = tpu.memref_slice %arg8[%scan3A_13, %dma_start3A_150, %dma_start3A_151] : memref<2x32x128xf32, #tpu.memory_space<vmem>> -> memref<1x32x128xf32, #tpu.memory_space<vmem>>
      %dma_start3A_153 = tpu.memref_squeeze %dma_start3A_152 : memref<1x32x128xf32, #tpu.memory_space<vmem>> -> memref<32x128xf32, #tpu.memory_space<vmem>>
      %dma_start3A_154 = arith.constant 0 : i32
      %dma_start3A_155 = tpu.memref_slice %dma_start3A_153[%scan3A_147, %dma_start3A_154] : memref<32x128xf32, #tpu.memory_space<vmem>> -> memref<1x128xf32, #tpu.memory_space<vmem>>
      %dma_start3A_156 = tpu.memref_squeeze %dma_start3A_155 : memref<1x128xf32, #tpu.memory_space<vmem>> -> memref<128xf32, #tpu.memory_space<vmem>>
      %dma_start3A_157 = arith.constant 0 : i32
      %dma_start3A_158 = tpu.memref_slice %arg7[%dma_start3A_149, %dma_start3A_157] : memref<2x128xi32, #tpu.memory_space<vmem>> -> memref<1x128xi32, #tpu.memory_space<vmem>>
      %dma_start3A_159 = tpu.memref_squeeze %dma_start3A_158 : memref<1x128xi32, #tpu.memory_space<vmem>> -> memref<128xi32, #tpu.memory_space<vmem>>
      %dma_start3A_160 = arith.constant 0 : i32
      %dma_start3A_161 = tpu.memref_slice %arg3[%scan3A_147, %dma_start3A_160] : memref<32x100096xf32, #tpu.memory_space<hbm>> -> memref<1x100096xf32, #tpu.memory_space<hbm>>
      %dma_start3A_162 = tpu.memref_squeeze %dma_start3A_161 : memref<1x100096xf32, #tpu.memory_space<hbm>> -> memref<100096xf32, #tpu.memory_space<hbm>>
      %dma_start3A_163 = arith.constant 0 : i32
      %dma_start3A_164 = tpu.memref_slice %dma_start3A_162[%dma_start3A_163] : memref<100096xf32, #tpu.memory_space<hbm>> -> memref<100096xf32, #tpu.memory_space<hbm>>
      tpu.enqueue_indirect_dma source(%dma_start3A_164 : memref<100096xf32, #tpu.memory_space<hbm>>) target(%dma_start3A_156 : memref<128xf32, #tpu.memory_space<vmem>>) offsets(%dma_start3A_159 : memref<128xi32, #tpu.memory_space<vmem>>) semaphore(%arg10 : memref<!tpu.dma_semaphore, #tpu.memory_space<semaphore_mem>>)
      %scan3A_165 = arith.constant 0 : i32
      scf.yield %scan3A_165 : i32
    }
    %scan3A_20 = arith.constant 32 : i32
    %dma_wait3A = arith.constant 0 : i32
    %dma_wait3A_21 = arith.constant 0 : i32
    %dma_wait3A_22 = arith.constant 0 : i32
    %dma_wait3A_23 = tpu.memref_slice %arg8[%dma_wait3A, %dma_wait3A_21, %dma_wait3A_22] : memref<2x32x128xf32, #tpu.memory_space<vmem>> -> memref<1x32x128xf32, #tpu.memory_space<vmem>>
    %dma_wait3A_24 = tpu.memref_squeeze %dma_wait3A_23 : memref<1x32x128xf32, #tpu.memory_space<vmem>> -> memref<32x128xf32, #tpu.memory_space<vmem>>
    %dma_wait3A_25 = arith.constant 0 : i32
    %dma_wait3A_26 = tpu.memref_slice %arg5[%dma_wait3A_25] : memref<12288xi32, #tpu.memory_space<hbm>> -> memref<4096xi32, #tpu.memory_space<hbm>>
    %dma_wait3A_27 = arith.constant 0 : i32
    %dma_wait3A_28 = arith.constant 0 : i32
    %dma_wait3A_29 = tpu.memref_slice %arg8[%dma_wait3A, %dma_wait3A_27, %dma_wait3A_28] : memref<2x32x128xf32, #tpu.memory_space<vmem>> -> memref<1x32x128xf32, #tpu.memory_space<vmem>>
    %dma_wait3A_30 = tpu.memref_squeeze %dma_wait3A_29 : memref<1x32x128xf32, #tpu.memory_space<vmem>> -> memref<32x128xf32, #tpu.memory_space<vmem>>
    %dma_wait3A_31 = arith.constant 0 : i32
    %dma_wait3A_32 = tpu.memref_slice %arg5[%dma_wait3A_31] : memref<12288xi32, #tpu.memory_space<hbm>> -> memref<4096xi32, #tpu.memory_space<hbm>>
    tpu.wait_dma2 semaphore(%arg9 : memref<!tpu.dma_semaphore, #tpu.memory_space<semaphore_mem>>) src(%dma_wait3A_32 : memref<4096xi32, #tpu.memory_space<hbm>>) dst(%dma_wait3A_30 : memref<32x128xf32, #tpu.memory_space<vmem>>)
    %dma_start3A = arith.constant 0 : i32
    %dma_start3A_33 = arith.constant 0 : i32
    %dma_start3A_34 = arith.constant 0 : i32
    %dma_start3A_35 = tpu.memref_slice %arg8[%dma_start3A, %dma_start3A_33, %dma_start3A_34] : memref<2x32x128xf32, #tpu.memory_space<vmem>> -> memref<1x32x128xf32, #tpu.memory_space<vmem>>
    %dma_start3A_36 = tpu.memref_squeeze %dma_start3A_35 : memref<1x32x128xf32, #tpu.memory_space<vmem>> -> memref<32x128xf32, #tpu.memory_space<vmem>>
    %dma_start3A_37 = arith.constant 0 : i32
    %dma_start3A_38 = tpu.memref_slice %arg6[%dma_start3A_37, %mul3A_2] : memref<96x4096xf32, #tpu.memory_space<hbm>> -> memref<32x128xf32, #tpu.memory_space<hbm>>
    %dma_start3A_39 = arith.constant 0 : i32
    %dma_start3A_40 = tpu.memref_slice %arg6[%dma_start3A_39, %mul3A_2] : memref<96x4096xf32, #tpu.memory_space<hbm>> -> memref<32x128xf32, #tpu.memory_space<hbm>>
    %dma_start3A_41 = arith.constant 0 : i32
    %dma_start3A_42 = arith.constant 0 : i32
    %dma_start3A_43 = tpu.memref_slice %arg8[%dma_start3A, %dma_start3A_41, %dma_start3A_42] : memref<2x32x128xf32, #tpu.memory_space<vmem>> -> memref<1x32x128xf32, #tpu.memory_space<vmem>>
    %dma_start3A_44 = tpu.memref_squeeze %dma_start3A_43 : memref<1x32x128xf32, #tpu.memory_space<vmem>> -> memref<32x128xf32, #tpu.memory_space<vmem>>
    tpu.enqueue_dma source(%dma_start3A_44 : memref<32x128xf32, #tpu.memory_space<vmem>>) target(%dma_start3A_40 : memref<32x128xf32, #tpu.memory_space<hbm>>) target_semaphore(%arg11 : memref<!tpu.dma_semaphore, #tpu.memory_space<semaphore_mem>>)
    %add3A_45 = arith.constant 8192 : i32
    %add3A_46 = arith.addi %add3A_45, %mul3A_2 : i32
    %run_scoped3A_47 = arith.constant 0 : i32
    "tpu.region"() ({
      %run_scoped3A_147 = tpu.sem_alloc : memref<!tpu.dma_semaphore, #tpu.memory_space<semaphore_mem>>
      %dma_start3A_148 = arith.constant 0 : i32
      %dma_start3A_149 = tpu.memref_slice %arg7[%run_scoped3A_47, %dma_start3A_148] : memref<2x128xi32, #tpu.memory_space<vmem>> -> memref<1x128xi32, #tpu.memory_space<vmem>>
      %dma_start3A_150 = tpu.memref_squeeze %dma_start3A_149 : memref<1x128xi32, #tpu.memory_space<vmem>> -> memref<128xi32, #tpu.memory_space<vmem>>
      %dma_start3A_151 = tpu.memref_slice %arg5[%add3A_46] : memref<12288xi32, #tpu.memory_space<hbm>> -> memref<128xi32, #tpu.memory_space<hbm>>
      %dma_start3A_152 = arith.constant 0 : i32
      %dma_start3A_153 = tpu.memref_slice %arg7[%run_scoped3A_47, %dma_start3A_152] : memref<2x128xi32, #tpu.memory_space<vmem>> -> memref<1x128xi32, #tpu.memory_space<vmem>>
      %dma_start3A_154 = tpu.memref_squeeze %dma_start3A_153 : memref<1x128xi32, #tpu.memory_space<vmem>> -> memref<128xi32, #tpu.memory_space<vmem>>
      %dma_start3A_155 = tpu.memref_slice %arg5[%add3A_46] : memref<12288xi32, #tpu.memory_space<hbm>> -> memref<128xi32, #tpu.memory_space<hbm>>
      tpu.enqueue_dma source(%dma_start3A_155 : memref<128xi32, #tpu.memory_space<hbm>>) target(%dma_start3A_154 : memref<128xi32, #tpu.memory_space<vmem>>) target_semaphore(%run_scoped3A_147 : memref<!tpu.dma_semaphore, #tpu.memory_space<semaphore_mem>>)
      %dma_wait3A_156 = arith.constant 0 : i32
      %dma_wait3A_157 = tpu.memref_slice %arg7[%run_scoped3A_47, %dma_wait3A_156] : memref<2x128xi32, #tpu.memory_space<vmem>> -> memref<1x128xi32, #tpu.memory_space<vmem>>
      %dma_wait3A_158 = tpu.memref_squeeze %dma_wait3A_157 : memref<1x128xi32, #tpu.memory_space<vmem>> -> memref<128xi32, #tpu.memory_space<vmem>>
      %dma_wait3A_159 = tpu.memref_slice %arg5[%add3A_46] : memref<12288xi32, #tpu.memory_space<hbm>> -> memref<128xi32, #tpu.memory_space<hbm>>
      %dma_wait3A_160 = arith.constant 0 : i32
      %dma_wait3A_161 = tpu.memref_slice %arg7[%run_scoped3A_47, %dma_wait3A_160] : memref<2x128xi32, #tpu.memory_space<vmem>> -> memref<1x128xi32, #tpu.memory_space<vmem>>
      %dma_wait3A_162 = tpu.memref_squeeze %dma_wait3A_161 : memref<1x128xi32, #tpu.memory_space<vmem>> -> memref<128xi32, #tpu.memory_space<vmem>>
      %dma_wait3A_163 = tpu.memref_slice %arg5[%add3A_46] : memref<12288xi32, #tpu.memory_space<hbm>> -> memref<128xi32, #tpu.memory_space<hbm>>
      tpu.wait_dma2 semaphore(%run_scoped3A_147 : memref<!tpu.dma_semaphore, #tpu.memory_space<semaphore_mem>>) src(%dma_wait3A_163 : memref<128xi32, #tpu.memory_space<hbm>>) dst(%dma_wait3A_162 : memref<128xi32, #tpu.memory_space<vmem>>)
      tpu.yield
    }) : () -> ()
    %dma_wait3A_48 = arith.constant 0 : i32
    %dma_wait3A_49 = arith.constant 0 : i32
    %dma_wait3A_50 = arith.constant 0 : i32
    %dma_wait3A_51 = tpu.memref_slice %arg8[%dma_wait3A_48, %dma_wait3A_49, %dma_wait3A_50] : memref<2x32x128xf32, #tpu.memory_space<vmem>> -> memref<1x32x128xf32, #tpu.memory_space<vmem>>
    %dma_wait3A_52 = tpu.memref_squeeze %dma_wait3A_51 : memref<1x32x128xf32, #tpu.memory_space<vmem>> -> memref<32x128xf32, #tpu.memory_space<vmem>>
    %dma_wait3A_53 = arith.constant 0 : i32
    %dma_wait3A_54 = tpu.memref_slice %arg6[%dma_wait3A_53, %mul3A_2] : memref<96x4096xf32, #tpu.memory_space<hbm>> -> memref<32x128xf32, #tpu.memory_space<hbm>>
    %dma_wait3A_55 = arith.constant 0 : i32
    %dma_wait3A_56 = tpu.memref_slice %arg6[%dma_wait3A_55, %mul3A_2] : memref<96x4096xf32, #tpu.memory_space<hbm>> -> memref<32x128xf32, #tpu.memory_space<hbm>>
    %dma_wait3A_57 = arith.constant 0 : i32
    %dma_wait3A_58 = arith.constant 0 : i32
    %dma_wait3A_59 = tpu.memref_slice %arg8[%dma_wait3A_48, %dma_wait3A_57, %dma_wait3A_58] : memref<2x32x128xf32, #tpu.memory_space<vmem>> -> memref<1x32x128xf32, #tpu.memory_space<vmem>>
    %dma_wait3A_60 = tpu.memref_squeeze %dma_wait3A_59 : memref<1x32x128xf32, #tpu.memory_space<vmem>> -> memref<32x128xf32, #tpu.memory_space<vmem>>
    tpu.wait_dma2 semaphore(%arg11 : memref<!tpu.dma_semaphore, #tpu.memory_space<semaphore_mem>>) src(%dma_wait3A_60 : memref<32x128xf32, #tpu.memory_space<vmem>>) dst(%dma_wait3A_56 : memref<32x128xf32, #tpu.memory_space<hbm>>)
    %scan3A_61 = arith.constant 0 : i32
    %scan3A_62 = arith.constant 0 : i32
    %scan3A_63 = arith.constant 0 : i32
    %scan3A_64 = arith.constant 32 : i32
    %scan3A_65 = arith.addi %scan3A_63, %scan3A_64 : i32
    %scan3A_66 = arith.constant 1 : i32
    %scan3A_67 = scf.for %scan3A_147 = %scan3A_63 to %scan3A_65 step %scan3A_66 iter_args(%scan3A_148 = %scan3A_62) -> (i32)  : i32 {
      %dma_start3A_149 = arith.constant 0 : i32
      %dma_start3A_150 = arith.constant 0 : i32
      %dma_start3A_151 = arith.constant 0 : i32
      %dma_start3A_152 = tpu.memref_slice %arg8[%scan3A_61, %dma_start3A_150, %dma_start3A_151] : memref<2x32x128xf32, #tpu.memory_space<vmem>> -> memref<1x32x128xf32, #tpu.memory_space<vmem>>
      %dma_start3A_153 = tpu.memref_squeeze %dma_start3A_152 : memref<1x32x128xf32, #tpu.memory_space<vmem>> -> memref<32x128xf32, #tpu.memory_space<vmem>>
      %dma_start3A_154 = arith.constant 0 : i32
      %dma_start3A_155 = tpu.memref_slice %dma_start3A_153[%scan3A_147, %dma_start3A_154] : memref<32x128xf32, #tpu.memory_space<vmem>> -> memref<1x128xf32, #tpu.memory_space<vmem>>
      %dma_start3A_156 = tpu.memref_squeeze %dma_start3A_155 : memref<1x128xf32, #tpu.memory_space<vmem>> -> memref<128xf32, #tpu.memory_space<vmem>>
      %dma_start3A_157 = arith.constant 0 : i32
      %dma_start3A_158 = tpu.memref_slice %arg7[%dma_start3A_149, %dma_start3A_157] : memref<2x128xi32, #tpu.memory_space<vmem>> -> memref<1x128xi32, #tpu.memory_space<vmem>>
      %dma_start3A_159 = tpu.memref_squeeze %dma_start3A_158 : memref<1x128xi32, #tpu.memory_space<vmem>> -> memref<128xi32, #tpu.memory_space<vmem>>
      %dma_start3A_160 = arith.constant 0 : i32
      %dma_start3A_161 = tpu.memref_slice %arg4[%scan3A_147, %dma_start3A_160] : memref<32x100096xf32, #tpu.memory_space<hbm>> -> memref<1x100096xf32, #tpu.memory_space<hbm>>
      %dma_start3A_162 = tpu.memref_squeeze %dma_start3A_161 : memref<1x100096xf32, #tpu.memory_space<hbm>> -> memref<100096xf32, #tpu.memory_space<hbm>>
      %dma_start3A_163 = arith.constant 0 : i32
      %dma_start3A_164 = tpu.memref_slice %dma_start3A_162[%dma_start3A_163] : memref<100096xf32, #tpu.memory_space<hbm>> -> memref<100096xf32, #tpu.memory_space<hbm>>
      tpu.enqueue_indirect_dma source(%dma_start3A_164 : memref<100096xf32, #tpu.memory_space<hbm>>) target(%dma_start3A_156 : memref<128xf32, #tpu.memory_space<vmem>>) offsets(%dma_start3A_159 : memref<128xi32, #tpu.memory_space<vmem>>) semaphore(%arg9 : memref<!tpu.dma_semaphore, #tpu.memory_space<semaphore_mem>>)
      %scan3A_165 = arith.constant 0 : i32
      scf.yield %scan3A_165 : i32
    }
    %scan3A_68 = arith.constant 32 : i32
    %dma_wait3A_69 = arith.constant 1 : i32
    %dma_wait3A_70 = arith.constant 0 : i32
    %dma_wait3A_71 = arith.constant 0 : i32
    %dma_wait3A_72 = tpu.memref_slice %arg8[%dma_wait3A_69, %dma_wait3A_70, %dma_wait3A_71] : memref<2x32x128xf32, #tpu.memory_space<vmem>> -> memref<1x32x128xf32, #tpu.memory_space<vmem>>
    %dma_wait3A_73 = tpu.memref_squeeze %dma_wait3A_72 : memref<1x32x128xf32, #tpu.memory_space<vmem>> -> memref<32x128xf32, #tpu.memory_space<vmem>>
    %dma_wait3A_74 = arith.constant 0 : i32
    %dma_wait3A_75 = tpu.memref_slice %arg5[%dma_wait3A_74] : memref<12288xi32, #tpu.memory_space<hbm>> -> memref<4096xi32, #tpu.memory_space<hbm>>
    %dma_wait3A_76 = arith.constant 0 : i32
    %dma_wait3A_77 = arith.constant 0 : i32
    %dma_wait3A_78 = tpu.memref_slice %arg8[%dma_wait3A_69, %dma_wait3A_76, %dma_wait3A_77] : memref<2x32x128xf32, #tpu.memory_space<vmem>> -> memref<1x32x128xf32, #tpu.memory_space<vmem>>
    %dma_wait3A_79 = tpu.memref_squeeze %dma_wait3A_78 : memref<1x32x128xf32, #tpu.memory_space<vmem>> -> memref<32x128xf32, #tpu.memory_space<vmem>>
    %dma_wait3A_80 = arith.constant 0 : i32
    %dma_wait3A_81 = tpu.memref_slice %arg5[%dma_wait3A_80] : memref<12288xi32, #tpu.memory_space<hbm>> -> memref<4096xi32, #tpu.memory_space<hbm>>
    tpu.wait_dma2 semaphore(%arg10 : memref<!tpu.dma_semaphore, #tpu.memory_space<semaphore_mem>>) src(%dma_wait3A_81 : memref<4096xi32, #tpu.memory_space<hbm>>) dst(%dma_wait3A_79 : memref<32x128xf32, #tpu.memory_space<vmem>>)
    %dma_start3A_82 = arith.constant 1 : i32
    %dma_start3A_83 = arith.constant 0 : i32
    %dma_start3A_84 = arith.constant 0 : i32
    %dma_start3A_85 = tpu.memref_slice %arg8[%dma_start3A_82, %dma_start3A_83, %dma_start3A_84] : memref<2x32x128xf32, #tpu.memory_space<vmem>> -> memref<1x32x128xf32, #tpu.memory_space<vmem>>
    %dma_start3A_86 = tpu.memref_squeeze %dma_start3A_85 : memref<1x32x128xf32, #tpu.memory_space<vmem>> -> memref<32x128xf32, #tpu.memory_space<vmem>>
    %dma_start3A_87 = arith.constant 32 : i32
    %dma_start3A_88 = tpu.memref_slice %arg6[%dma_start3A_87, %mul3A_2] : memref<96x4096xf32, #tpu.memory_space<hbm>> -> memref<32x128xf32, #tpu.memory_space<hbm>>
    %dma_start3A_89 = arith.constant 32 : i32
    %dma_start3A_90 = tpu.memref_slice %arg6[%dma_start3A_89, %mul3A_2] : memref<96x4096xf32, #tpu.memory_space<hbm>> -> memref<32x128xf32, #tpu.memory_space<hbm>>
    %dma_start3A_91 = arith.constant 0 : i32
    %dma_start3A_92 = arith.constant 0 : i32
    %dma_start3A_93 = tpu.memref_slice %arg8[%dma_start3A_82, %dma_start3A_91, %dma_start3A_92] : memref<2x32x128xf32, #tpu.memory_space<vmem>> -> memref<1x32x128xf32, #tpu.memory_space<vmem>>
    %dma_start3A_94 = tpu.memref_squeeze %dma_start3A_93 : memref<1x32x128xf32, #tpu.memory_space<vmem>> -> memref<32x128xf32, #tpu.memory_space<vmem>>
    tpu.enqueue_dma source(%dma_start3A_94 : memref<32x128xf32, #tpu.memory_space<vmem>>) target(%dma_start3A_90 : memref<32x128xf32, #tpu.memory_space<hbm>>) target_semaphore(%arg11 : memref<!tpu.dma_semaphore, #tpu.memory_space<semaphore_mem>>)
    %dma_wait3A_95 = arith.constant 0 : i32
    %dma_wait3A_96 = arith.constant 0 : i32
    %dma_wait3A_97 = arith.constant 0 : i32
    %dma_wait3A_98 = tpu.memref_slice %arg8[%dma_wait3A_95, %dma_wait3A_96, %dma_wait3A_97] : memref<2x32x128xf32, #tpu.memory_space<vmem>> -> memref<1x32x128xf32, #tpu.memory_space<vmem>>
    %dma_wait3A_99 = tpu.memref_squeeze %dma_wait3A_98 : memref<1x32x128xf32, #tpu.memory_space<vmem>> -> memref<32x128xf32, #tpu.memory_space<vmem>>
    %dma_wait3A_100 = arith.constant 0 : i32
    %dma_wait3A_101 = tpu.memref_slice %arg5[%dma_wait3A_100] : memref<12288xi32, #tpu.memory_space<hbm>> -> memref<4096xi32, #tpu.memory_space<hbm>>
    %dma_wait3A_102 = arith.constant 0 : i32
    %dma_wait3A_103 = arith.constant 0 : i32
    %dma_wait3A_104 = tpu.memref_slice %arg8[%dma_wait3A_95, %dma_wait3A_102, %dma_wait3A_103] : memref<2x32x128xf32, #tpu.memory_space<vmem>> -> memref<1x32x128xf32, #tpu.memory_space<vmem>>
    %dma_wait3A_105 = tpu.memref_squeeze %dma_wait3A_104 : memref<1x32x128xf32, #tpu.memory_space<vmem>> -> memref<32x128xf32, #tpu.memory_space<vmem>>
    %dma_wait3A_106 = arith.constant 0 : i32
    %dma_wait3A_107 = tpu.memref_slice %arg5[%dma_wait3A_106] : memref<12288xi32, #tpu.memory_space<hbm>> -> memref<4096xi32, #tpu.memory_space<hbm>>
    tpu.wait_dma2 semaphore(%arg9 : memref<!tpu.dma_semaphore, #tpu.memory_space<semaphore_mem>>) src(%dma_wait3A_107 : memref<4096xi32, #tpu.memory_space<hbm>>) dst(%dma_wait3A_105 : memref<32x128xf32, #tpu.memory_space<vmem>>)
    %dma_start3A_108 = arith.constant 0 : i32
    %dma_start3A_109 = arith.constant 0 : i32
    %dma_start3A_110 = arith.constant 0 : i32
    %dma_start3A_111 = tpu.memref_slice %arg8[%dma_start3A_108, %dma_start3A_109, %dma_start3A_110] : memref<2x32x128xf32, #tpu.memory_space<vmem>> -> memref<1x32x128xf32, #tpu.memory_space<vmem>>
    %dma_start3A_112 = tpu.memref_squeeze %dma_start3A_111 : memref<1x32x128xf32, #tpu.memory_space<vmem>> -> memref<32x128xf32, #tpu.memory_space<vmem>>
    %dma_start3A_113 = arith.constant 64 : i32
    %dma_start3A_114 = tpu.memref_slice %arg6[%dma_start3A_113, %mul3A_2] : memref<96x4096xf32, #tpu.memory_space<hbm>> -> memref<32x128xf32, #tpu.memory_space<hbm>>
    %dma_start3A_115 = arith.constant 64 : i32
    %dma_start3A_116 = tpu.memref_slice %arg6[%dma_start3A_115, %mul3A_2] : memref<96x4096xf32, #tpu.memory_space<hbm>> -> memref<32x128xf32, #tpu.memory_space<hbm>>
    %dma_start3A_117 = arith.constant 0 : i32
    %dma_start3A_118 = arith.constant 0 : i32
    %dma_start3A_119 = tpu.memref_slice %arg8[%dma_start3A_108, %dma_start3A_117, %dma_start3A_118] : memref<2x32x128xf32, #tpu.memory_space<vmem>> -> memref<1x32x128xf32, #tpu.memory_space<vmem>>
    %dma_start3A_120 = tpu.memref_squeeze %dma_start3A_119 : memref<1x32x128xf32, #tpu.memory_space<vmem>> -> memref<32x128xf32, #tpu.memory_space<vmem>>
    tpu.enqueue_dma source(%dma_start3A_120 : memref<32x128xf32, #tpu.memory_space<vmem>>) target(%dma_start3A_116 : memref<32x128xf32, #tpu.memory_space<hbm>>) target_semaphore(%arg11 : memref<!tpu.dma_semaphore, #tpu.memory_space<semaphore_mem>>)
    %dma_wait3A_121 = arith.constant 1 : i32
    %dma_wait3A_122 = arith.constant 0 : i32
    %dma_wait3A_123 = arith.constant 0 : i32
    %dma_wait3A_124 = tpu.memref_slice %arg8[%dma_wait3A_121, %dma_wait3A_122, %dma_wait3A_123] : memref<2x32x128xf32, #tpu.memory_space<vmem>> -> memref<1x32x128xf32, #tpu.memory_space<vmem>>
    %dma_wait3A_125 = tpu.memref_squeeze %dma_wait3A_124 : memref<1x32x128xf32, #tpu.memory_space<vmem>> -> memref<32x128xf32, #tpu.memory_space<vmem>>
    %dma_wait3A_126 = arith.constant 32 : i32
    %dma_wait3A_127 = tpu.memref_slice %arg6[%dma_wait3A_126, %mul3A_2] : memref<96x4096xf32, #tpu.memory_space<hbm>> -> memref<32x128xf32, #tpu.memory_space<hbm>>
    %dma_wait3A_128 = arith.constant 32 : i32
    %dma_wait3A_129 = tpu.memref_slice %arg6[%dma_wait3A_128, %mul3A_2] : memref<96x4096xf32, #tpu.memory_space<hbm>> -> memref<32x128xf32, #tpu.memory_space<hbm>>
    %dma_wait3A_130 = arith.constant 0 : i32
    %dma_wait3A_131 = arith.constant 0 : i32
    %dma_wait3A_132 = tpu.memref_slice %arg8[%dma_wait3A_121, %dma_wait3A_130, %dma_wait3A_131] : memref<2x32x128xf32, #tpu.memory_space<vmem>> -> memref<1x32x128xf32, #tpu.memory_space<vmem>>
    %dma_wait3A_133 = tpu.memref_squeeze %dma_wait3A_132 : memref<1x32x128xf32, #tpu.memory_space<vmem>> -> memref<32x128xf32, #tpu.memory_space<vmem>>
    tpu.wait_dma2 semaphore(%arg11 : memref<!tpu.dma_semaphore, #tpu.memory_space<semaphore_mem>>) src(%dma_wait3A_133 : memref<32x128xf32, #tpu.memory_space<vmem>>) dst(%dma_wait3A_129 : memref<32x128xf32, #tpu.memory_space<hbm>>)
    %dma_wait3A_134 = arith.constant 0 : i32
    %dma_wait3A_135 = arith.constant 0 : i32
    %dma_wait3A_136 = arith.constant 0 : i32
    %dma_wait3A_137 = tpu.memref_slice %arg8[%dma_wait3A_134, %dma_wait3A_135, %dma_wait3A_136] : memref<2x32x128xf32, #tpu.memory_space<vmem>> -> memref<1x32x128xf32, #tpu.memory_space<vmem>>
    %dma_wait3A_138 = tpu.memref_squeeze %dma_wait3A_137 : memref<1x32x128xf32, #tpu.memory_space<vmem>> -> memref<32x128xf32, #tpu.memory_space<vmem>>
    %dma_wait3A_139 = arith.constant 64 : i32
    %dma_wait3A_140 = tpu.memref_slice %arg6[%dma_wait3A_139, %mul3A_2] : memref<96x4096xf32, #tpu.memory_space<hbm>> -> memref<32x128xf32, #tpu.memory_space<hbm>>
    %dma_wait3A_141 = arith.constant 64 : i32
    %dma_wait3A_142 = tpu.memref_slice %arg6[%dma_wait3A_141, %mul3A_2] : memref<96x4096xf32, #tpu.memory_space<hbm>> -> memref<32x128xf32, #tpu.memory_space<hbm>>
    %dma_wait3A_143 = arith.constant 0 : i32
    %dma_wait3A_144 = arith.constant 0 : i32
    %dma_wait3A_145 = tpu.memref_slice %arg8[%dma_wait3A_134, %dma_wait3A_143, %dma_wait3A_144] : memref<2x32x128xf32, #tpu.memory_space<vmem>> -> memref<1x32x128xf32, #tpu.memory_space<vmem>>
    %dma_wait3A_146 = tpu.memref_squeeze %dma_wait3A_145 : memref<1x32x128xf32, #tpu.memory_space<vmem>> -> memref<32x128xf32, #tpu.memory_space<vmem>>
    tpu.wait_dma2 semaphore(%arg11 : memref<!tpu.dma_semaphore, #tpu.memory_space<semaphore_mem>>) src(%dma_wait3A_146 : memref<32x128xf32, #tpu.memory_space<vmem>>) dst(%dma_wait3A_142 : memref<32x128xf32, #tpu.memory_space<hbm>>)
    return
  }
}

#map = affine_map<(d0, d1) -> (0, 0)>
#map1 = affine_map<(d0, d1) -> (0)>
module attributes {stable_mosaic.version = 14 : i64} {
  func.func @_body(%arg0: i32, %arg1: i32, %arg2: memref<32x100096xf32, #tpu.memory_space<hbm>>, %arg3: memref<32x100096xf32, #tpu.memory_space<hbm>>, %arg4: memref<32x100096xf32, #tpu.memory_space<hbm>>, %arg5: memref<32x100096xf32, #tpu.memory_space<hbm>>, %arg6: memref<16384xi32, #tpu.memory_space<hbm>>, %arg7: memref<128x4096xf32, #tpu.memory_space<hbm>>, %arg8: memref<2x128xi32, #tpu.memory_space<vmem>>, %arg9: memref<2x32x128xf32, #tpu.memory_space<vmem>>, %arg10: memref<!tpu.dma_semaphore, #tpu.memory_space<semaphore_mem>>, %arg11: memref<!tpu.dma_semaphore, #tpu.memory_space<semaphore_mem>>, %arg12: memref<!tpu.dma_semaphore, #tpu.memory_space<semaphore_mem>>) attributes {dimension_semantics = [#tpu.dimension_semantics<core_parallel>, #tpu.dimension_semantics<subcore_parallel>], iteration_bounds = array<i64: 2, 16>, scalar_prefetch = 0 : i64, scratch_operands = 5 : i64, tpu.core_type = #tpu.core_type<sc_vector_subcore>, window_params = [{transform_indices = #map}, {transform_indices = #map}, {transform_indices = #map}, {transform_indices = #map}, {transform_indices = #map1}, {transform_indices = #map}]} {
    %mul3A = arith.constant 2 : i32
    %mul3A_0 = arith.muli %arg1, %mul3A : i32
    %add3A = arith.addi %mul3A_0, %arg0 : i32
    %mul3A_1 = arith.constant 128 : i32
    %mul3A_2 = arith.muli %add3A, %mul3A_1 : i32
    %run_scoped3A = arith.constant 0 : i32
    "tpu.region"() ({
      %run_scoped3A_197 = tpu.sem_alloc : memref<!tpu.dma_semaphore, #tpu.memory_space<semaphore_mem>>
      %dma_start3A_198 = arith.constant 0 : i32
      %dma_start3A_199 = tpu.memref_slice %arg8[%run_scoped3A, %dma_start3A_198] : memref<2x128xi32, #tpu.memory_space<vmem>> -> memref<1x128xi32, #tpu.memory_space<vmem>>
      %dma_start3A_200 = tpu.memref_squeeze %dma_start3A_199 : memref<1x128xi32, #tpu.memory_space<vmem>> -> memref<128xi32, #tpu.memory_space<vmem>>
      %dma_start3A_201 = tpu.memref_slice %arg6[%mul3A_2] : memref<16384xi32, #tpu.memory_space<hbm>> -> memref<128xi32, #tpu.memory_space<hbm>>
      %dma_start3A_202 = arith.constant 0 : i32
      %dma_start3A_203 = tpu.memref_slice %arg8[%run_scoped3A, %dma_start3A_202] : memref<2x128xi32, #tpu.memory_space<vmem>> -> memref<1x128xi32, #tpu.memory_space<vmem>>
      %dma_start3A_204 = tpu.memref_squeeze %dma_start3A_203 : memref<1x128xi32, #tpu.memory_space<vmem>> -> memref<128xi32, #tpu.memory_space<vmem>>
      %dma_start3A_205 = tpu.memref_slice %arg6[%mul3A_2] : memref<16384xi32, #tpu.memory_space<hbm>> -> memref<128xi32, #tpu.memory_space<hbm>>
      tpu.enqueue_dma source(%dma_start3A_205 : memref<128xi32, #tpu.memory_space<hbm>>) target(%dma_start3A_204 : memref<128xi32, #tpu.memory_space<vmem>>) target_semaphore(%run_scoped3A_197 : memref<!tpu.dma_semaphore, #tpu.memory_space<semaphore_mem>>)
      %dma_wait3A_206 = arith.constant 0 : i32
      %dma_wait3A_207 = tpu.memref_slice %arg8[%run_scoped3A, %dma_wait3A_206] : memref<2x128xi32, #tpu.memory_space<vmem>> -> memref<1x128xi32, #tpu.memory_space<vmem>>
      %dma_wait3A_208 = tpu.memref_squeeze %dma_wait3A_207 : memref<1x128xi32, #tpu.memory_space<vmem>> -> memref<128xi32, #tpu.memory_space<vmem>>
      %dma_wait3A_209 = tpu.memref_slice %arg6[%mul3A_2] : memref<16384xi32, #tpu.memory_space<hbm>> -> memref<128xi32, #tpu.memory_space<hbm>>
      %dma_wait3A_210 = arith.constant 0 : i32
      %dma_wait3A_211 = tpu.memref_slice %arg8[%run_scoped3A, %dma_wait3A_210] : memref<2x128xi32, #tpu.memory_space<vmem>> -> memref<1x128xi32, #tpu.memory_space<vmem>>
      %dma_wait3A_212 = tpu.memref_squeeze %dma_wait3A_211 : memref<1x128xi32, #tpu.memory_space<vmem>> -> memref<128xi32, #tpu.memory_space<vmem>>
      %dma_wait3A_213 = tpu.memref_slice %arg6[%mul3A_2] : memref<16384xi32, #tpu.memory_space<hbm>> -> memref<128xi32, #tpu.memory_space<hbm>>
      tpu.wait_dma2 semaphore(%run_scoped3A_197 : memref<!tpu.dma_semaphore, #tpu.memory_space<semaphore_mem>>) src(%dma_wait3A_213 : memref<128xi32, #tpu.memory_space<hbm>>) dst(%dma_wait3A_212 : memref<128xi32, #tpu.memory_space<vmem>>)
      tpu.yield
    }) : () -> ()
    %scan3A = arith.constant 0 : i32
    %scan3A_3 = arith.constant 0 : i32
    %scan3A_4 = arith.constant 0 : i32
    %scan3A_5 = arith.constant 32 : i32
    %scan3A_6 = arith.addi %scan3A_4, %scan3A_5 : i32
    %scan3A_7 = arith.constant 1 : i32
    %scan3A_8 = scf.for %scan3A_197 = %scan3A_4 to %scan3A_6 step %scan3A_7 iter_args(%scan3A_198 = %scan3A_3) -> (i32)  : i32 {
      %dma_start3A_199 = arith.constant 0 : i32
      %dma_start3A_200 = arith.constant 0 : i32
      %dma_start3A_201 = arith.constant 0 : i32
      %dma_start3A_202 = tpu.memref_slice %arg9[%scan3A, %dma_start3A_200, %dma_start3A_201] : memref<2x32x128xf32, #tpu.memory_space<vmem>> -> memref<1x32x128xf32, #tpu.memory_space<vmem>>
      %dma_start3A_203 = tpu.memref_squeeze %dma_start3A_202 : memref<1x32x128xf32, #tpu.memory_space<vmem>> -> memref<32x128xf32, #tpu.memory_space<vmem>>
      %dma_start3A_204 = arith.constant 0 : i32
      %dma_start3A_205 = tpu.memref_slice %dma_start3A_203[%scan3A_197, %dma_start3A_204] : memref<32x128xf32, #tpu.memory_space<vmem>> -> memref<1x128xf32, #tpu.memory_space<vmem>>
      %dma_start3A_206 = tpu.memref_squeeze %dma_start3A_205 : memref<1x128xf32, #tpu.memory_space<vmem>> -> memref<128xf32, #tpu.memory_space<vmem>>
      %dma_start3A_207 = arith.constant 0 : i32
      %dma_start3A_208 = tpu.memref_slice %arg8[%dma_start3A_199, %dma_start3A_207] : memref<2x128xi32, #tpu.memory_space<vmem>> -> memref<1x128xi32, #tpu.memory_space<vmem>>
      %dma_start3A_209 = tpu.memref_squeeze %dma_start3A_208 : memref<1x128xi32, #tpu.memory_space<vmem>> -> memref<128xi32, #tpu.memory_space<vmem>>
      %dma_start3A_210 = arith.constant 0 : i32
      %dma_start3A_211 = tpu.memref_slice %arg2[%scan3A_197, %dma_start3A_210] : memref<32x100096xf32, #tpu.memory_space<hbm>> -> memref<1x100096xf32, #tpu.memory_space<hbm>>
      %dma_start3A_212 = tpu.memref_squeeze %dma_start3A_211 : memref<1x100096xf32, #tpu.memory_space<hbm>> -> memref<100096xf32, #tpu.memory_space<hbm>>
      %dma_start3A_213 = arith.constant 0 : i32
      %dma_start3A_214 = tpu.memref_slice %dma_start3A_212[%dma_start3A_213] : memref<100096xf32, #tpu.memory_space<hbm>> -> memref<100096xf32, #tpu.memory_space<hbm>>
      tpu.enqueue_indirect_dma source(%dma_start3A_214 : memref<100096xf32, #tpu.memory_space<hbm>>) target(%dma_start3A_206 : memref<128xf32, #tpu.memory_space<vmem>>) offsets(%dma_start3A_209 : memref<128xi32, #tpu.memory_space<vmem>>) semaphore(%arg10 : memref<!tpu.dma_semaphore, #tpu.memory_space<semaphore_mem>>)
      %scan3A_215 = arith.constant 0 : i32
      scf.yield %scan3A_215 : i32
    }
    %scan3A_9 = arith.constant 32 : i32
    %add3A_10 = arith.constant 4096 : i32
    %add3A_11 = arith.addi %add3A_10, %mul3A_2 : i32
    %run_scoped3A_12 = arith.constant 1 : i32
    "tpu.region"() ({
      %run_scoped3A_197 = tpu.sem_alloc : memref<!tpu.dma_semaphore, #tpu.memory_space<semaphore_mem>>
      %dma_start3A_198 = arith.constant 0 : i32
      %dma_start3A_199 = tpu.memref_slice %arg8[%run_scoped3A_12, %dma_start3A_198] : memref<2x128xi32, #tpu.memory_space<vmem>> -> memref<1x128xi32, #tpu.memory_space<vmem>>
      %dma_start3A_200 = tpu.memref_squeeze %dma_start3A_199 : memref<1x128xi32, #tpu.memory_space<vmem>> -> memref<128xi32, #tpu.memory_space<vmem>>
      %dma_start3A_201 = tpu.memref_slice %arg6[%add3A_11] : memref<16384xi32, #tpu.memory_space<hbm>> -> memref<128xi32, #tpu.memory_space<hbm>>
      %dma_start3A_202 = arith.constant 0 : i32
      %dma_start3A_203 = tpu.memref_slice %arg8[%run_scoped3A_12, %dma_start3A_202] : memref<2x128xi32, #tpu.memory_space<vmem>> -> memref<1x128xi32, #tpu.memory_space<vmem>>
      %dma_start3A_204 = tpu.memref_squeeze %dma_start3A_203 : memref<1x128xi32, #tpu.memory_space<vmem>> -> memref<128xi32, #tpu.memory_space<vmem>>
      %dma_start3A_205 = tpu.memref_slice %arg6[%add3A_11] : memref<16384xi32, #tpu.memory_space<hbm>> -> memref<128xi32, #tpu.memory_space<hbm>>
      tpu.enqueue_dma source(%dma_start3A_205 : memref<128xi32, #tpu.memory_space<hbm>>) target(%dma_start3A_204 : memref<128xi32, #tpu.memory_space<vmem>>) target_semaphore(%run_scoped3A_197 : memref<!tpu.dma_semaphore, #tpu.memory_space<semaphore_mem>>)
      %dma_wait3A_206 = arith.constant 0 : i32
      %dma_wait3A_207 = tpu.memref_slice %arg8[%run_scoped3A_12, %dma_wait3A_206] : memref<2x128xi32, #tpu.memory_space<vmem>> -> memref<1x128xi32, #tpu.memory_space<vmem>>
      %dma_wait3A_208 = tpu.memref_squeeze %dma_wait3A_207 : memref<1x128xi32, #tpu.memory_space<vmem>> -> memref<128xi32, #tpu.memory_space<vmem>>
      %dma_wait3A_209 = tpu.memref_slice %arg6[%add3A_11] : memref<16384xi32, #tpu.memory_space<hbm>> -> memref<128xi32, #tpu.memory_space<hbm>>
      %dma_wait3A_210 = arith.constant 0 : i32
      %dma_wait3A_211 = tpu.memref_slice %arg8[%run_scoped3A_12, %dma_wait3A_210] : memref<2x128xi32, #tpu.memory_space<vmem>> -> memref<1x128xi32, #tpu.memory_space<vmem>>
      %dma_wait3A_212 = tpu.memref_squeeze %dma_wait3A_211 : memref<1x128xi32, #tpu.memory_space<vmem>> -> memref<128xi32, #tpu.memory_space<vmem>>
      %dma_wait3A_213 = tpu.memref_slice %arg6[%add3A_11] : memref<16384xi32, #tpu.memory_space<hbm>> -> memref<128xi32, #tpu.memory_space<hbm>>
      tpu.wait_dma2 semaphore(%run_scoped3A_197 : memref<!tpu.dma_semaphore, #tpu.memory_space<semaphore_mem>>) src(%dma_wait3A_213 : memref<128xi32, #tpu.memory_space<hbm>>) dst(%dma_wait3A_212 : memref<128xi32, #tpu.memory_space<vmem>>)
      tpu.yield
    }) : () -> ()
    %scan3A_13 = arith.constant 1 : i32
    %scan3A_14 = arith.constant 0 : i32
    %scan3A_15 = arith.constant 0 : i32
    %scan3A_16 = arith.constant 32 : i32
    %scan3A_17 = arith.addi %scan3A_15, %scan3A_16 : i32
    %scan3A_18 = arith.constant 1 : i32
    %scan3A_19 = scf.for %scan3A_197 = %scan3A_15 to %scan3A_17 step %scan3A_18 iter_args(%scan3A_198 = %scan3A_14) -> (i32)  : i32 {
      %dma_start3A_199 = arith.constant 1 : i32
      %dma_start3A_200 = arith.constant 0 : i32
      %dma_start3A_201 = arith.constant 0 : i32
      %dma_start3A_202 = tpu.memref_slice %arg9[%scan3A_13, %dma_start3A_200, %dma_start3A_201] : memref<2x32x128xf32, #tpu.memory_space<vmem>> -> memref<1x32x128xf32, #tpu.memory_space<vmem>>
      %dma_start3A_203 = tpu.memref_squeeze %dma_start3A_202 : memref<1x32x128xf32, #tpu.memory_space<vmem>> -> memref<32x128xf32, #tpu.memory_space<vmem>>
      %dma_start3A_204 = arith.constant 0 : i32
      %dma_start3A_205 = tpu.memref_slice %dma_start3A_203[%scan3A_197, %dma_start3A_204] : memref<32x128xf32, #tpu.memory_space<vmem>> -> memref<1x128xf32, #tpu.memory_space<vmem>>
      %dma_start3A_206 = tpu.memref_squeeze %dma_start3A_205 : memref<1x128xf32, #tpu.memory_space<vmem>> -> memref<128xf32, #tpu.memory_space<vmem>>
      %dma_start3A_207 = arith.constant 0 : i32
      %dma_start3A_208 = tpu.memref_slice %arg8[%dma_start3A_199, %dma_start3A_207] : memref<2x128xi32, #tpu.memory_space<vmem>> -> memref<1x128xi32, #tpu.memory_space<vmem>>
      %dma_start3A_209 = tpu.memref_squeeze %dma_start3A_208 : memref<1x128xi32, #tpu.memory_space<vmem>> -> memref<128xi32, #tpu.memory_space<vmem>>
      %dma_start3A_210 = arith.constant 0 : i32
      %dma_start3A_211 = tpu.memref_slice %arg3[%scan3A_197, %dma_start3A_210] : memref<32x100096xf32, #tpu.memory_space<hbm>> -> memref<1x100096xf32, #tpu.memory_space<hbm>>
      %dma_start3A_212 = tpu.memref_squeeze %dma_start3A_211 : memref<1x100096xf32, #tpu.memory_space<hbm>> -> memref<100096xf32, #tpu.memory_space<hbm>>
      %dma_start3A_213 = arith.constant 0 : i32
      %dma_start3A_214 = tpu.memref_slice %dma_start3A_212[%dma_start3A_213] : memref<100096xf32, #tpu.memory_space<hbm>> -> memref<100096xf32, #tpu.memory_space<hbm>>
      tpu.enqueue_indirect_dma source(%dma_start3A_214 : memref<100096xf32, #tpu.memory_space<hbm>>) target(%dma_start3A_206 : memref<128xf32, #tpu.memory_space<vmem>>) offsets(%dma_start3A_209 : memref<128xi32, #tpu.memory_space<vmem>>) semaphore(%arg11 : memref<!tpu.dma_semaphore, #tpu.memory_space<semaphore_mem>>)
      %scan3A_215 = arith.constant 0 : i32
      scf.yield %scan3A_215 : i32
    }
    %scan3A_20 = arith.constant 32 : i32
    %dma_wait3A = arith.constant 0 : i32
    %dma_wait3A_21 = arith.constant 0 : i32
    %dma_wait3A_22 = arith.constant 0 : i32
    %dma_wait3A_23 = tpu.memref_slice %arg9[%dma_wait3A, %dma_wait3A_21, %dma_wait3A_22] : memref<2x32x128xf32, #tpu.memory_space<vmem>> -> memref<1x32x128xf32, #tpu.memory_space<vmem>>
    %dma_wait3A_24 = tpu.memref_squeeze %dma_wait3A_23 : memref<1x32x128xf32, #tpu.memory_space<vmem>> -> memref<32x128xf32, #tpu.memory_space<vmem>>
    %dma_wait3A_25 = arith.constant 0 : i32
    %dma_wait3A_26 = tpu.memref_slice %arg6[%dma_wait3A_25] : memref<16384xi32, #tpu.memory_space<hbm>> -> memref<4096xi32, #tpu.memory_space<hbm>>
    %dma_wait3A_27 = arith.constant 0 : i32
    %dma_wait3A_28 = arith.constant 0 : i32
    %dma_wait3A_29 = tpu.memref_slice %arg9[%dma_wait3A, %dma_wait3A_27, %dma_wait3A_28] : memref<2x32x128xf32, #tpu.memory_space<vmem>> -> memref<1x32x128xf32, #tpu.memory_space<vmem>>
    %dma_wait3A_30 = tpu.memref_squeeze %dma_wait3A_29 : memref<1x32x128xf32, #tpu.memory_space<vmem>> -> memref<32x128xf32, #tpu.memory_space<vmem>>
    %dma_wait3A_31 = arith.constant 0 : i32
    %dma_wait3A_32 = tpu.memref_slice %arg6[%dma_wait3A_31] : memref<16384xi32, #tpu.memory_space<hbm>> -> memref<4096xi32, #tpu.memory_space<hbm>>
    tpu.wait_dma2 semaphore(%arg10 : memref<!tpu.dma_semaphore, #tpu.memory_space<semaphore_mem>>) src(%dma_wait3A_32 : memref<4096xi32, #tpu.memory_space<hbm>>) dst(%dma_wait3A_30 : memref<32x128xf32, #tpu.memory_space<vmem>>)
    %dma_start3A = arith.constant 0 : i32
    %dma_start3A_33 = arith.constant 0 : i32
    %dma_start3A_34 = arith.constant 0 : i32
    %dma_start3A_35 = tpu.memref_slice %arg9[%dma_start3A, %dma_start3A_33, %dma_start3A_34] : memref<2x32x128xf32, #tpu.memory_space<vmem>> -> memref<1x32x128xf32, #tpu.memory_space<vmem>>
    %dma_start3A_36 = tpu.memref_squeeze %dma_start3A_35 : memref<1x32x128xf32, #tpu.memory_space<vmem>> -> memref<32x128xf32, #tpu.memory_space<vmem>>
    %dma_start3A_37 = arith.constant 0 : i32
    %dma_start3A_38 = tpu.memref_slice %arg7[%dma_start3A_37, %mul3A_2] : memref<128x4096xf32, #tpu.memory_space<hbm>> -> memref<32x128xf32, #tpu.memory_space<hbm>>
    %dma_start3A_39 = arith.constant 0 : i32
    %dma_start3A_40 = tpu.memref_slice %arg7[%dma_start3A_39, %mul3A_2] : memref<128x4096xf32, #tpu.memory_space<hbm>> -> memref<32x128xf32, #tpu.memory_space<hbm>>
    %dma_start3A_41 = arith.constant 0 : i32
    %dma_start3A_42 = arith.constant 0 : i32
    %dma_start3A_43 = tpu.memref_slice %arg9[%dma_start3A, %dma_start3A_41, %dma_start3A_42] : memref<2x32x128xf32, #tpu.memory_space<vmem>> -> memref<1x32x128xf32, #tpu.memory_space<vmem>>
    %dma_start3A_44 = tpu.memref_squeeze %dma_start3A_43 : memref<1x32x128xf32, #tpu.memory_space<vmem>> -> memref<32x128xf32, #tpu.memory_space<vmem>>
    tpu.enqueue_dma source(%dma_start3A_44 : memref<32x128xf32, #tpu.memory_space<vmem>>) target(%dma_start3A_40 : memref<32x128xf32, #tpu.memory_space<hbm>>) target_semaphore(%arg12 : memref<!tpu.dma_semaphore, #tpu.memory_space<semaphore_mem>>)
    %add3A_45 = arith.constant 8192 : i32
    %add3A_46 = arith.addi %add3A_45, %mul3A_2 : i32
    %run_scoped3A_47 = arith.constant 0 : i32
    "tpu.region"() ({
      %run_scoped3A_197 = tpu.sem_alloc : memref<!tpu.dma_semaphore, #tpu.memory_space<semaphore_mem>>
      %dma_start3A_198 = arith.constant 0 : i32
      %dma_start3A_199 = tpu.memref_slice %arg8[%run_scoped3A_47, %dma_start3A_198] : memref<2x128xi32, #tpu.memory_space<vmem>> -> memref<1x128xi32, #tpu.memory_space<vmem>>
      %dma_start3A_200 = tpu.memref_squeeze %dma_start3A_199 : memref<1x128xi32, #tpu.memory_space<vmem>> -> memref<128xi32, #tpu.memory_space<vmem>>
      %dma_start3A_201 = tpu.memref_slice %arg6[%add3A_46] : memref<16384xi32, #tpu.memory_space<hbm>> -> memref<128xi32, #tpu.memory_space<hbm>>
      %dma_start3A_202 = arith.constant 0 : i32
      %dma_start3A_203 = tpu.memref_slice %arg8[%run_scoped3A_47, %dma_start3A_202] : memref<2x128xi32, #tpu.memory_space<vmem>> -> memref<1x128xi32, #tpu.memory_space<vmem>>
      %dma_start3A_204 = tpu.memref_squeeze %dma_start3A_203 : memref<1x128xi32, #tpu.memory_space<vmem>> -> memref<128xi32, #tpu.memory_space<vmem>>
      %dma_start3A_205 = tpu.memref_slice %arg6[%add3A_46] : memref<16384xi32, #tpu.memory_space<hbm>> -> memref<128xi32, #tpu.memory_space<hbm>>
      tpu.enqueue_dma source(%dma_start3A_205 : memref<128xi32, #tpu.memory_space<hbm>>) target(%dma_start3A_204 : memref<128xi32, #tpu.memory_space<vmem>>) target_semaphore(%run_scoped3A_197 : memref<!tpu.dma_semaphore, #tpu.memory_space<semaphore_mem>>)
      %dma_wait3A_206 = arith.constant 0 : i32
      %dma_wait3A_207 = tpu.memref_slice %arg8[%run_scoped3A_47, %dma_wait3A_206] : memref<2x128xi32, #tpu.memory_space<vmem>> -> memref<1x128xi32, #tpu.memory_space<vmem>>
      %dma_wait3A_208 = tpu.memref_squeeze %dma_wait3A_207 : memref<1x128xi32, #tpu.memory_space<vmem>> -> memref<128xi32, #tpu.memory_space<vmem>>
      %dma_wait3A_209 = tpu.memref_slice %arg6[%add3A_46] : memref<16384xi32, #tpu.memory_space<hbm>> -> memref<128xi32, #tpu.memory_space<hbm>>
      %dma_wait3A_210 = arith.constant 0 : i32
      %dma_wait3A_211 = tpu.memref_slice %arg8[%run_scoped3A_47, %dma_wait3A_210] : memref<2x128xi32, #tpu.memory_space<vmem>> -> memref<1x128xi32, #tpu.memory_space<vmem>>
      %dma_wait3A_212 = tpu.memref_squeeze %dma_wait3A_211 : memref<1x128xi32, #tpu.memory_space<vmem>> -> memref<128xi32, #tpu.memory_space<vmem>>
      %dma_wait3A_213 = tpu.memref_slice %arg6[%add3A_46] : memref<16384xi32, #tpu.memory_space<hbm>> -> memref<128xi32, #tpu.memory_space<hbm>>
      tpu.wait_dma2 semaphore(%run_scoped3A_197 : memref<!tpu.dma_semaphore, #tpu.memory_space<semaphore_mem>>) src(%dma_wait3A_213 : memref<128xi32, #tpu.memory_space<hbm>>) dst(%dma_wait3A_212 : memref<128xi32, #tpu.memory_space<vmem>>)
      tpu.yield
    }) : () -> ()
    %dma_wait3A_48 = arith.constant 0 : i32
    %dma_wait3A_49 = arith.constant 0 : i32
    %dma_wait3A_50 = arith.constant 0 : i32
    %dma_wait3A_51 = tpu.memref_slice %arg9[%dma_wait3A_48, %dma_wait3A_49, %dma_wait3A_50] : memref<2x32x128xf32, #tpu.memory_space<vmem>> -> memref<1x32x128xf32, #tpu.memory_space<vmem>>
    %dma_wait3A_52 = tpu.memref_squeeze %dma_wait3A_51 : memref<1x32x128xf32, #tpu.memory_space<vmem>> -> memref<32x128xf32, #tpu.memory_space<vmem>>
    %dma_wait3A_53 = arith.constant 0 : i32
    %dma_wait3A_54 = tpu.memref_slice %arg7[%dma_wait3A_53, %mul3A_2] : memref<128x4096xf32, #tpu.memory_space<hbm>> -> memref<32x128xf32, #tpu.memory_space<hbm>>
    %dma_wait3A_55 = arith.constant 0 : i32
    %dma_wait3A_56 = tpu.memref_slice %arg7[%dma_wait3A_55, %mul3A_2] : memref<128x4096xf32, #tpu.memory_space<hbm>> -> memref<32x128xf32, #tpu.memory_space<hbm>>
    %dma_wait3A_57 = arith.constant 0 : i32
    %dma_wait3A_58 = arith.constant 0 : i32
    %dma_wait3A_59 = tpu.memref_slice %arg9[%dma_wait3A_48, %dma_wait3A_57, %dma_wait3A_58] : memref<2x32x128xf32, #tpu.memory_space<vmem>> -> memref<1x32x128xf32, #tpu.memory_space<vmem>>
    %dma_wait3A_60 = tpu.memref_squeeze %dma_wait3A_59 : memref<1x32x128xf32, #tpu.memory_space<vmem>> -> memref<32x128xf32, #tpu.memory_space<vmem>>
    tpu.wait_dma2 semaphore(%arg12 : memref<!tpu.dma_semaphore, #tpu.memory_space<semaphore_mem>>) src(%dma_wait3A_60 : memref<32x128xf32, #tpu.memory_space<vmem>>) dst(%dma_wait3A_56 : memref<32x128xf32, #tpu.memory_space<hbm>>)
    %scan3A_61 = arith.constant 0 : i32
    %scan3A_62 = arith.constant 0 : i32
    %scan3A_63 = arith.constant 0 : i32
    %scan3A_64 = arith.constant 32 : i32
    %scan3A_65 = arith.addi %scan3A_63, %scan3A_64 : i32
    %scan3A_66 = arith.constant 1 : i32
    %scan3A_67 = scf.for %scan3A_197 = %scan3A_63 to %scan3A_65 step %scan3A_66 iter_args(%scan3A_198 = %scan3A_62) -> (i32)  : i32 {
      %dma_start3A_199 = arith.constant 0 : i32
      %dma_start3A_200 = arith.constant 0 : i32
      %dma_start3A_201 = arith.constant 0 : i32
      %dma_start3A_202 = tpu.memref_slice %arg9[%scan3A_61, %dma_start3A_200, %dma_start3A_201] : memref<2x32x128xf32, #tpu.memory_space<vmem>> -> memref<1x32x128xf32, #tpu.memory_space<vmem>>
      %dma_start3A_203 = tpu.memref_squeeze %dma_start3A_202 : memref<1x32x128xf32, #tpu.memory_space<vmem>> -> memref<32x128xf32, #tpu.memory_space<vmem>>
      %dma_start3A_204 = arith.constant 0 : i32
      %dma_start3A_205 = tpu.memref_slice %dma_start3A_203[%scan3A_197, %dma_start3A_204] : memref<32x128xf32, #tpu.memory_space<vmem>> -> memref<1x128xf32, #tpu.memory_space<vmem>>
      %dma_start3A_206 = tpu.memref_squeeze %dma_start3A_205 : memref<1x128xf32, #tpu.memory_space<vmem>> -> memref<128xf32, #tpu.memory_space<vmem>>
      %dma_start3A_207 = arith.constant 0 : i32
      %dma_start3A_208 = tpu.memref_slice %arg8[%dma_start3A_199, %dma_start3A_207] : memref<2x128xi32, #tpu.memory_space<vmem>> -> memref<1x128xi32, #tpu.memory_space<vmem>>
      %dma_start3A_209 = tpu.memref_squeeze %dma_start3A_208 : memref<1x128xi32, #tpu.memory_space<vmem>> -> memref<128xi32, #tpu.memory_space<vmem>>
      %dma_start3A_210 = arith.constant 0 : i32
      %dma_start3A_211 = tpu.memref_slice %arg4[%scan3A_197, %dma_start3A_210] : memref<32x100096xf32, #tpu.memory_space<hbm>> -> memref<1x100096xf32, #tpu.memory_space<hbm>>
      %dma_start3A_212 = tpu.memref_squeeze %dma_start3A_211 : memref<1x100096xf32, #tpu.memory_space<hbm>> -> memref<100096xf32, #tpu.memory_space<hbm>>
      %dma_start3A_213 = arith.constant 0 : i32
      %dma_start3A_214 = tpu.memref_slice %dma_start3A_212[%dma_start3A_213] : memref<100096xf32, #tpu.memory_space<hbm>> -> memref<100096xf32, #tpu.memory_space<hbm>>
      tpu.enqueue_indirect_dma source(%dma_start3A_214 : memref<100096xf32, #tpu.memory_space<hbm>>) target(%dma_start3A_206 : memref<128xf32, #tpu.memory_space<vmem>>) offsets(%dma_start3A_209 : memref<128xi32, #tpu.memory_space<vmem>>) semaphore(%arg10 : memref<!tpu.dma_semaphore, #tpu.memory_space<semaphore_mem>>)
      %scan3A_215 = arith.constant 0 : i32
      scf.yield %scan3A_215 : i32
    }
    %scan3A_68 = arith.constant 32 : i32
    %dma_wait3A_69 = arith.constant 1 : i32
    %dma_wait3A_70 = arith.constant 0 : i32
    %dma_wait3A_71 = arith.constant 0 : i32
    %dma_wait3A_72 = tpu.memref_slice %arg9[%dma_wait3A_69, %dma_wait3A_70, %dma_wait3A_71] : memref<2x32x128xf32, #tpu.memory_space<vmem>> -> memref<1x32x128xf32, #tpu.memory_space<vmem>>
    %dma_wait3A_73 = tpu.memref_squeeze %dma_wait3A_72 : memref<1x32x128xf32, #tpu.memory_space<vmem>> -> memref<32x128xf32, #tpu.memory_space<vmem>>
    %dma_wait3A_74 = arith.constant 0 : i32
    %dma_wait3A_75 = tpu.memref_slice %arg6[%dma_wait3A_74] : memref<16384xi32, #tpu.memory_space<hbm>> -> memref<4096xi32, #tpu.memory_space<hbm>>
    %dma_wait3A_76 = arith.constant 0 : i32
    %dma_wait3A_77 = arith.constant 0 : i32
    %dma_wait3A_78 = tpu.memref_slice %arg9[%dma_wait3A_69, %dma_wait3A_76, %dma_wait3A_77] : memref<2x32x128xf32, #tpu.memory_space<vmem>> -> memref<1x32x128xf32, #tpu.memory_space<vmem>>
    %dma_wait3A_79 = tpu.memref_squeeze %dma_wait3A_78 : memref<1x32x128xf32, #tpu.memory_space<vmem>> -> memref<32x128xf32, #tpu.memory_space<vmem>>
    %dma_wait3A_80 = arith.constant 0 : i32
    %dma_wait3A_81 = tpu.memref_slice %arg6[%dma_wait3A_80] : memref<16384xi32, #tpu.memory_space<hbm>> -> memref<4096xi32, #tpu.memory_space<hbm>>
    tpu.wait_dma2 semaphore(%arg11 : memref<!tpu.dma_semaphore, #tpu.memory_space<semaphore_mem>>) src(%dma_wait3A_81 : memref<4096xi32, #tpu.memory_space<hbm>>) dst(%dma_wait3A_79 : memref<32x128xf32, #tpu.memory_space<vmem>>)
    %dma_start3A_82 = arith.constant 1 : i32
    %dma_start3A_83 = arith.constant 0 : i32
    %dma_start3A_84 = arith.constant 0 : i32
    %dma_start3A_85 = tpu.memref_slice %arg9[%dma_start3A_82, %dma_start3A_83, %dma_start3A_84] : memref<2x32x128xf32, #tpu.memory_space<vmem>> -> memref<1x32x128xf32, #tpu.memory_space<vmem>>
    %dma_start3A_86 = tpu.memref_squeeze %dma_start3A_85 : memref<1x32x128xf32, #tpu.memory_space<vmem>> -> memref<32x128xf32, #tpu.memory_space<vmem>>
    %dma_start3A_87 = arith.constant 32 : i32
    %dma_start3A_88 = tpu.memref_slice %arg7[%dma_start3A_87, %mul3A_2] : memref<128x4096xf32, #tpu.memory_space<hbm>> -> memref<32x128xf32, #tpu.memory_space<hbm>>
    %dma_start3A_89 = arith.constant 32 : i32
    %dma_start3A_90 = tpu.memref_slice %arg7[%dma_start3A_89, %mul3A_2] : memref<128x4096xf32, #tpu.memory_space<hbm>> -> memref<32x128xf32, #tpu.memory_space<hbm>>
    %dma_start3A_91 = arith.constant 0 : i32
    %dma_start3A_92 = arith.constant 0 : i32
    %dma_start3A_93 = tpu.memref_slice %arg9[%dma_start3A_82, %dma_start3A_91, %dma_start3A_92] : memref<2x32x128xf32, #tpu.memory_space<vmem>> -> memref<1x32x128xf32, #tpu.memory_space<vmem>>
    %dma_start3A_94 = tpu.memref_squeeze %dma_start3A_93 : memref<1x32x128xf32, #tpu.memory_space<vmem>> -> memref<32x128xf32, #tpu.memory_space<vmem>>
    tpu.enqueue_dma source(%dma_start3A_94 : memref<32x128xf32, #tpu.memory_space<vmem>>) target(%dma_start3A_90 : memref<32x128xf32, #tpu.memory_space<hbm>>) target_semaphore(%arg12 : memref<!tpu.dma_semaphore, #tpu.memory_space<semaphore_mem>>)
    %add3A_95 = arith.constant 12288 : i32
    %add3A_96 = arith.addi %add3A_95, %mul3A_2 : i32
    %run_scoped3A_97 = arith.constant 1 : i32
    "tpu.region"() ({
      %run_scoped3A_197 = tpu.sem_alloc : memref<!tpu.dma_semaphore, #tpu.memory_space<semaphore_mem>>
      %dma_start3A_198 = arith.constant 0 : i32
      %dma_start3A_199 = tpu.memref_slice %arg8[%run_scoped3A_97, %dma_start3A_198] : memref<2x128xi32, #tpu.memory_space<vmem>> -> memref<1x128xi32, #tpu.memory_space<vmem>>
      %dma_start3A_200 = tpu.memref_squeeze %dma_start3A_199 : memref<1x128xi32, #tpu.memory_space<vmem>> -> memref<128xi32, #tpu.memory_space<vmem>>
      %dma_start3A_201 = tpu.memref_slice %arg6[%add3A_96] : memref<16384xi32, #tpu.memory_space<hbm>> -> memref<128xi32, #tpu.memory_space<hbm>>
      %dma_start3A_202 = arith.constant 0 : i32
      %dma_start3A_203 = tpu.memref_slice %arg8[%run_scoped3A_97, %dma_start3A_202] : memref<2x128xi32, #tpu.memory_space<vmem>> -> memref<1x128xi32, #tpu.memory_space<vmem>>
      %dma_start3A_204 = tpu.memref_squeeze %dma_start3A_203 : memref<1x128xi32, #tpu.memory_space<vmem>> -> memref<128xi32, #tpu.memory_space<vmem>>
      %dma_start3A_205 = tpu.memref_slice %arg6[%add3A_96] : memref<16384xi32, #tpu.memory_space<hbm>> -> memref<128xi32, #tpu.memory_space<hbm>>
      tpu.enqueue_dma source(%dma_start3A_205 : memref<128xi32, #tpu.memory_space<hbm>>) target(%dma_start3A_204 : memref<128xi32, #tpu.memory_space<vmem>>) target_semaphore(%run_scoped3A_197 : memref<!tpu.dma_semaphore, #tpu.memory_space<semaphore_mem>>)
      %dma_wait3A_206 = arith.constant 0 : i32
      %dma_wait3A_207 = tpu.memref_slice %arg8[%run_scoped3A_97, %dma_wait3A_206] : memref<2x128xi32, #tpu.memory_space<vmem>> -> memref<1x128xi32, #tpu.memory_space<vmem>>
      %dma_wait3A_208 = tpu.memref_squeeze %dma_wait3A_207 : memref<1x128xi32, #tpu.memory_space<vmem>> -> memref<128xi32, #tpu.memory_space<vmem>>
      %dma_wait3A_209 = tpu.memref_slice %arg6[%add3A_96] : memref<16384xi32, #tpu.memory_space<hbm>> -> memref<128xi32, #tpu.memory_space<hbm>>
      %dma_wait3A_210 = arith.constant 0 : i32
      %dma_wait3A_211 = tpu.memref_slice %arg8[%run_scoped3A_97, %dma_wait3A_210] : memref<2x128xi32, #tpu.memory_space<vmem>> -> memref<1x128xi32, #tpu.memory_space<vmem>>
      %dma_wait3A_212 = tpu.memref_squeeze %dma_wait3A_211 : memref<1x128xi32, #tpu.memory_space<vmem>> -> memref<128xi32, #tpu.memory_space<vmem>>
      %dma_wait3A_213 = tpu.memref_slice %arg6[%add3A_96] : memref<16384xi32, #tpu.memory_space<hbm>> -> memref<128xi32, #tpu.memory_space<hbm>>
      tpu.wait_dma2 semaphore(%run_scoped3A_197 : memref<!tpu.dma_semaphore, #tpu.memory_space<semaphore_mem>>) src(%dma_wait3A_213 : memref<128xi32, #tpu.memory_space<hbm>>) dst(%dma_wait3A_212 : memref<128xi32, #tpu.memory_space<vmem>>)
      tpu.yield
    }) : () -> ()
    %dma_wait3A_98 = arith.constant 1 : i32
    %dma_wait3A_99 = arith.constant 0 : i32
    %dma_wait3A_100 = arith.constant 0 : i32
    %dma_wait3A_101 = tpu.memref_slice %arg9[%dma_wait3A_98, %dma_wait3A_99, %dma_wait3A_100] : memref<2x32x128xf32, #tpu.memory_space<vmem>> -> memref<1x32x128xf32, #tpu.memory_space<vmem>>
    %dma_wait3A_102 = tpu.memref_squeeze %dma_wait3A_101 : memref<1x32x128xf32, #tpu.memory_space<vmem>> -> memref<32x128xf32, #tpu.memory_space<vmem>>
    %dma_wait3A_103 = arith.constant 32 : i32
    %dma_wait3A_104 = tpu.memref_slice %arg7[%dma_wait3A_103, %mul3A_2] : memref<128x4096xf32, #tpu.memory_space<hbm>> -> memref<32x128xf32, #tpu.memory_space<hbm>>
    %dma_wait3A_105 = arith.constant 32 : i32
    %dma_wait3A_106 = tpu.memref_slice %arg7[%dma_wait3A_105, %mul3A_2] : memref<128x4096xf32, #tpu.memory_space<hbm>> -> memref<32x128xf32, #tpu.memory_space<hbm>>
    %dma_wait3A_107 = arith.constant 0 : i32
    %dma_wait3A_108 = arith.constant 0 : i32
    %dma_wait3A_109 = tpu.memref_slice %arg9[%dma_wait3A_98, %dma_wait3A_107, %dma_wait3A_108] : memref<2x32x128xf32, #tpu.memory_space<vmem>> -> memref<1x32x128xf32, #tpu.memory_space<vmem>>
    %dma_wait3A_110 = tpu.memref_squeeze %dma_wait3A_109 : memref<1x32x128xf32, #tpu.memory_space<vmem>> -> memref<32x128xf32, #tpu.memory_space<vmem>>
    tpu.wait_dma2 semaphore(%arg12 : memref<!tpu.dma_semaphore, #tpu.memory_space<semaphore_mem>>) src(%dma_wait3A_110 : memref<32x128xf32, #tpu.memory_space<vmem>>) dst(%dma_wait3A_106 : memref<32x128xf32, #tpu.memory_space<hbm>>)
    %scan3A_111 = arith.constant 1 : i32
    %scan3A_112 = arith.constant 0 : i32
    %scan3A_113 = arith.constant 0 : i32
    %scan3A_114 = arith.constant 32 : i32
    %scan3A_115 = arith.addi %scan3A_113, %scan3A_114 : i32
    %scan3A_116 = arith.constant 1 : i32
    %scan3A_117 = scf.for %scan3A_197 = %scan3A_113 to %scan3A_115 step %scan3A_116 iter_args(%scan3A_198 = %scan3A_112) -> (i32)  : i32 {
      %dma_start3A_199 = arith.constant 1 : i32
      %dma_start3A_200 = arith.constant 0 : i32
      %dma_start3A_201 = arith.constant 0 : i32
      %dma_start3A_202 = tpu.memref_slice %arg9[%scan3A_111, %dma_start3A_200, %dma_start3A_201] : memref<2x32x128xf32, #tpu.memory_space<vmem>> -> memref<1x32x128xf32, #tpu.memory_space<vmem>>
      %dma_start3A_203 = tpu.memref_squeeze %dma_start3A_202 : memref<1x32x128xf32, #tpu.memory_space<vmem>> -> memref<32x128xf32, #tpu.memory_space<vmem>>
      %dma_start3A_204 = arith.constant 0 : i32
      %dma_start3A_205 = tpu.memref_slice %dma_start3A_203[%scan3A_197, %dma_start3A_204] : memref<32x128xf32, #tpu.memory_space<vmem>> -> memref<1x128xf32, #tpu.memory_space<vmem>>
      %dma_start3A_206 = tpu.memref_squeeze %dma_start3A_205 : memref<1x128xf32, #tpu.memory_space<vmem>> -> memref<128xf32, #tpu.memory_space<vmem>>
      %dma_start3A_207 = arith.constant 0 : i32
      %dma_start3A_208 = tpu.memref_slice %arg8[%dma_start3A_199, %dma_start3A_207] : memref<2x128xi32, #tpu.memory_space<vmem>> -> memref<1x128xi32, #tpu.memory_space<vmem>>
      %dma_start3A_209 = tpu.memref_squeeze %dma_start3A_208 : memref<1x128xi32, #tpu.memory_space<vmem>> -> memref<128xi32, #tpu.memory_space<vmem>>
      %dma_start3A_210 = arith.constant 0 : i32
      %dma_start3A_211 = tpu.memref_slice %arg5[%scan3A_197, %dma_start3A_210] : memref<32x100096xf32, #tpu.memory_space<hbm>> -> memref<1x100096xf32, #tpu.memory_space<hbm>>
      %dma_start3A_212 = tpu.memref_squeeze %dma_start3A_211 : memref<1x100096xf32, #tpu.memory_space<hbm>> -> memref<100096xf32, #tpu.memory_space<hbm>>
      %dma_start3A_213 = arith.constant 0 : i32
      %dma_start3A_214 = tpu.memref_slice %dma_start3A_212[%dma_start3A_213] : memref<100096xf32, #tpu.memory_space<hbm>> -> memref<100096xf32, #tpu.memory_space<hbm>>
      tpu.enqueue_indirect_dma source(%dma_start3A_214 : memref<100096xf32, #tpu.memory_space<hbm>>) target(%dma_start3A_206 : memref<128xf32, #tpu.memory_space<vmem>>) offsets(%dma_start3A_209 : memref<128xi32, #tpu.memory_space<vmem>>) semaphore(%arg11 : memref<!tpu.dma_semaphore, #tpu.memory_space<semaphore_mem>>)
      %scan3A_215 = arith.constant 0 : i32
      scf.yield %scan3A_215 : i32
    }
    %scan3A_118 = arith.constant 32 : i32
    %dma_wait3A_119 = arith.constant 0 : i32
    %dma_wait3A_120 = arith.constant 0 : i32
    %dma_wait3A_121 = arith.constant 0 : i32
    %dma_wait3A_122 = tpu.memref_slice %arg9[%dma_wait3A_119, %dma_wait3A_120, %dma_wait3A_121] : memref<2x32x128xf32, #tpu.memory_space<vmem>> -> memref<1x32x128xf32, #tpu.memory_space<vmem>>
    %dma_wait3A_123 = tpu.memref_squeeze %dma_wait3A_122 : memref<1x32x128xf32, #tpu.memory_space<vmem>> -> memref<32x128xf32, #tpu.memory_space<vmem>>
    %dma_wait3A_124 = arith.constant 0 : i32
    %dma_wait3A_125 = tpu.memref_slice %arg6[%dma_wait3A_124] : memref<16384xi32, #tpu.memory_space<hbm>> -> memref<4096xi32, #tpu.memory_space<hbm>>
    %dma_wait3A_126 = arith.constant 0 : i32
    %dma_wait3A_127 = arith.constant 0 : i32
    %dma_wait3A_128 = tpu.memref_slice %arg9[%dma_wait3A_119, %dma_wait3A_126, %dma_wait3A_127] : memref<2x32x128xf32, #tpu.memory_space<vmem>> -> memref<1x32x128xf32, #tpu.memory_space<vmem>>
    %dma_wait3A_129 = tpu.memref_squeeze %dma_wait3A_128 : memref<1x32x128xf32, #tpu.memory_space<vmem>> -> memref<32x128xf32, #tpu.memory_space<vmem>>
    %dma_wait3A_130 = arith.constant 0 : i32
    %dma_wait3A_131 = tpu.memref_slice %arg6[%dma_wait3A_130] : memref<16384xi32, #tpu.memory_space<hbm>> -> memref<4096xi32, #tpu.memory_space<hbm>>
    tpu.wait_dma2 semaphore(%arg10 : memref<!tpu.dma_semaphore, #tpu.memory_space<semaphore_mem>>) src(%dma_wait3A_131 : memref<4096xi32, #tpu.memory_space<hbm>>) dst(%dma_wait3A_129 : memref<32x128xf32, #tpu.memory_space<vmem>>)
    %dma_start3A_132 = arith.constant 0 : i32
    %dma_start3A_133 = arith.constant 0 : i32
    %dma_start3A_134 = arith.constant 0 : i32
    %dma_start3A_135 = tpu.memref_slice %arg9[%dma_start3A_132, %dma_start3A_133, %dma_start3A_134] : memref<2x32x128xf32, #tpu.memory_space<vmem>> -> memref<1x32x128xf32, #tpu.memory_space<vmem>>
    %dma_start3A_136 = tpu.memref_squeeze %dma_start3A_135 : memref<1x32x128xf32, #tpu.memory_space<vmem>> -> memref<32x128xf32, #tpu.memory_space<vmem>>
    %dma_start3A_137 = arith.constant 64 : i32
    %dma_start3A_138 = tpu.memref_slice %arg7[%dma_start3A_137, %mul3A_2] : memref<128x4096xf32, #tpu.memory_space<hbm>> -> memref<32x128xf32, #tpu.memory_space<hbm>>
    %dma_start3A_139 = arith.constant 64 : i32
    %dma_start3A_140 = tpu.memref_slice %arg7[%dma_start3A_139, %mul3A_2] : memref<128x4096xf32, #tpu.memory_space<hbm>> -> memref<32x128xf32, #tpu.memory_space<hbm>>
    %dma_start3A_141 = arith.constant 0 : i32
    %dma_start3A_142 = arith.constant 0 : i32
    %dma_start3A_143 = tpu.memref_slice %arg9[%dma_start3A_132, %dma_start3A_141, %dma_start3A_142] : memref<2x32x128xf32, #tpu.memory_space<vmem>> -> memref<1x32x128xf32, #tpu.memory_space<vmem>>
    %dma_start3A_144 = tpu.memref_squeeze %dma_start3A_143 : memref<1x32x128xf32, #tpu.memory_space<vmem>> -> memref<32x128xf32, #tpu.memory_space<vmem>>
    tpu.enqueue_dma source(%dma_start3A_144 : memref<32x128xf32, #tpu.memory_space<vmem>>) target(%dma_start3A_140 : memref<32x128xf32, #tpu.memory_space<hbm>>) target_semaphore(%arg12 : memref<!tpu.dma_semaphore, #tpu.memory_space<semaphore_mem>>)
    %dma_wait3A_145 = arith.constant 1 : i32
    %dma_wait3A_146 = arith.constant 0 : i32
    %dma_wait3A_147 = arith.constant 0 : i32
    %dma_wait3A_148 = tpu.memref_slice %arg9[%dma_wait3A_145, %dma_wait3A_146, %dma_wait3A_147] : memref<2x32x128xf32, #tpu.memory_space<vmem>> -> memref<1x32x128xf32, #tpu.memory_space<vmem>>
    %dma_wait3A_149 = tpu.memref_squeeze %dma_wait3A_148 : memref<1x32x128xf32, #tpu.memory_space<vmem>> -> memref<32x128xf32, #tpu.memory_space<vmem>>
    %dma_wait3A_150 = arith.constant 0 : i32
    %dma_wait3A_151 = tpu.memref_slice %arg6[%dma_wait3A_150] : memref<16384xi32, #tpu.memory_space<hbm>> -> memref<4096xi32, #tpu.memory_space<hbm>>
    %dma_wait3A_152 = arith.constant 0 : i32
    %dma_wait3A_153 = arith.constant 0 : i32
    %dma_wait3A_154 = tpu.memref_slice %arg9[%dma_wait3A_145, %dma_wait3A_152, %dma_wait3A_153] : memref<2x32x128xf32, #tpu.memory_space<vmem>> -> memref<1x32x128xf32, #tpu.memory_space<vmem>>
    %dma_wait3A_155 = tpu.memref_squeeze %dma_wait3A_154 : memref<1x32x128xf32, #tpu.memory_space<vmem>> -> memref<32x128xf32, #tpu.memory_space<vmem>>
    %dma_wait3A_156 = arith.constant 0 : i32
    %dma_wait3A_157 = tpu.memref_slice %arg6[%dma_wait3A_156] : memref<16384xi32, #tpu.memory_space<hbm>> -> memref<4096xi32, #tpu.memory_space<hbm>>
    tpu.wait_dma2 semaphore(%arg11 : memref<!tpu.dma_semaphore, #tpu.memory_space<semaphore_mem>>) src(%dma_wait3A_157 : memref<4096xi32, #tpu.memory_space<hbm>>) dst(%dma_wait3A_155 : memref<32x128xf32, #tpu.memory_space<vmem>>)
    %dma_start3A_158 = arith.constant 1 : i32
    %dma_start3A_159 = arith.constant 0 : i32
    %dma_start3A_160 = arith.constant 0 : i32
    %dma_start3A_161 = tpu.memref_slice %arg9[%dma_start3A_158, %dma_start3A_159, %dma_start3A_160] : memref<2x32x128xf32, #tpu.memory_space<vmem>> -> memref<1x32x128xf32, #tpu.memory_space<vmem>>
    %dma_start3A_162 = tpu.memref_squeeze %dma_start3A_161 : memref<1x32x128xf32, #tpu.memory_space<vmem>> -> memref<32x128xf32, #tpu.memory_space<vmem>>
    %dma_start3A_163 = arith.constant 96 : i32
    %dma_start3A_164 = tpu.memref_slice %arg7[%dma_start3A_163, %mul3A_2] : memref<128x4096xf32, #tpu.memory_space<hbm>> -> memref<32x128xf32, #tpu.memory_space<hbm>>
    %dma_start3A_165 = arith.constant 96 : i32
    %dma_start3A_166 = tpu.memref_slice %arg7[%dma_start3A_165, %mul3A_2] : memref<128x4096xf32, #tpu.memory_space<hbm>> -> memref<32x128xf32, #tpu.memory_space<hbm>>
    %dma_start3A_167 = arith.constant 0 : i32
    %dma_start3A_168 = arith.constant 0 : i32
    %dma_start3A_169 = tpu.memref_slice %arg9[%dma_start3A_158, %dma_start3A_167, %dma_start3A_168] : memref<2x32x128xf32, #tpu.memory_space<vmem>> -> memref<1x32x128xf32, #tpu.memory_space<vmem>>
    %dma_start3A_170 = tpu.memref_squeeze %dma_start3A_169 : memref<1x32x128xf32, #tpu.memory_space<vmem>> -> memref<32x128xf32, #tpu.memory_space<vmem>>
    tpu.enqueue_dma source(%dma_start3A_170 : memref<32x128xf32, #tpu.memory_space<vmem>>) target(%dma_start3A_166 : memref<32x128xf32, #tpu.memory_space<hbm>>) target_semaphore(%arg12 : memref<!tpu.dma_semaphore, #tpu.memory_space<semaphore_mem>>)
    %dma_wait3A_171 = arith.constant 0 : i32
    %dma_wait3A_172 = arith.constant 0 : i32
    %dma_wait3A_173 = arith.constant 0 : i32
    %dma_wait3A_174 = tpu.memref_slice %arg9[%dma_wait3A_171, %dma_wait3A_172, %dma_wait3A_173] : memref<2x32x128xf32, #tpu.memory_space<vmem>> -> memref<1x32x128xf32, #tpu.memory_space<vmem>>
    %dma_wait3A_175 = tpu.memref_squeeze %dma_wait3A_174 : memref<1x32x128xf32, #tpu.memory_space<vmem>> -> memref<32x128xf32, #tpu.memory_space<vmem>>
    %dma_wait3A_176 = arith.constant 64 : i32
    %dma_wait3A_177 = tpu.memref_slice %arg7[%dma_wait3A_176, %mul3A_2] : memref<128x4096xf32, #tpu.memory_space<hbm>> -> memref<32x128xf32, #tpu.memory_space<hbm>>
    %dma_wait3A_178 = arith.constant 64 : i32
    %dma_wait3A_179 = tpu.memref_slice %arg7[%dma_wait3A_178, %mul3A_2] : memref<128x4096xf32, #tpu.memory_space<hbm>> -> memref<32x128xf32, #tpu.memory_space<hbm>>
    %dma_wait3A_180 = arith.constant 0 : i32
    %dma_wait3A_181 = arith.constant 0 : i32
    %dma_wait3A_182 = tpu.memref_slice %arg9[%dma_wait3A_171, %dma_wait3A_180, %dma_wait3A_181] : memref<2x32x128xf32, #tpu.memory_space<vmem>> -> memref<1x32x128xf32, #tpu.memory_space<vmem>>
    %dma_wait3A_183 = tpu.memref_squeeze %dma_wait3A_182 : memref<1x32x128xf32, #tpu.memory_space<vmem>> -> memref<32x128xf32, #tpu.memory_space<vmem>>
    tpu.wait_dma2 semaphore(%arg12 : memref<!tpu.dma_semaphore, #tpu.memory_space<semaphore_mem>>) src(%dma_wait3A_183 : memref<32x128xf32, #tpu.memory_space<vmem>>) dst(%dma_wait3A_179 : memref<32x128xf32, #tpu.memory_space<hbm>>)
    %dma_wait3A_184 = arith.constant 1 : i32
    %dma_wait3A_185 = arith.constant 0 : i32
    %dma_wait3A_186 = arith.constant 0 : i32
    %dma_wait3A_187 = tpu.memref_slice %arg9[%dma_wait3A_184, %dma_wait3A_185, %dma_wait3A_186] : memref<2x32x128xf32, #tpu.memory_space<vmem>> -> memref<1x32x128xf32, #tpu.memory_space<vmem>>
    %dma_wait3A_188 = tpu.memref_squeeze %dma_wait3A_187 : memref<1x32x128xf32, #tpu.memory_space<vmem>> -> memref<32x128xf32, #tpu.memory_space<vmem>>
    %dma_wait3A_189 = arith.constant 96 : i32
    %dma_wait3A_190 = tpu.memref_slice %arg7[%dma_wait3A_189, %mul3A_2] : memref<128x4096xf32, #tpu.memory_space<hbm>> -> memref<32x128xf32, #tpu.memory_space<hbm>>
    %dma_wait3A_191 = arith.constant 96 : i32
    %dma_wait3A_192 = tpu.memref_slice %arg7[%dma_wait3A_191, %mul3A_2] : memref<128x4096xf32, #tpu.memory_space<hbm>> -> memref<32x128xf32, #tpu.memory_space<hbm>>
    %dma_wait3A_193 = arith.constant 0 : i32
    %dma_wait3A_194 = arith.constant 0 : i32
    %dma_wait3A_195 = tpu.memref_slice %arg9[%dma_wait3A_184, %dma_wait3A_193, %dma_wait3A_194] : memref<2x32x128xf32, #tpu.memory_space<vmem>> -> memref<1x32x128xf32, #tpu.memory_space<vmem>>
    %dma_wait3A_196 = tpu.memref_squeeze %dma_wait3A_195 : memref<1x32x128xf32, #tpu.memory_space<vmem>> -> memref<32x128xf32, #tpu.memory_space<vmem>>
    tpu.wait_dma2 semaphore(%arg12 : memref<!tpu.dma_semaphore, #tpu.memory_space<semaphore_mem>>) src(%dma_wait3A_196 : memref<32x128xf32, #tpu.memory_space<vmem>>) dst(%dma_wait3A_192 : memref<32x128xf32, #tpu.memory_space<hbm>>)
    return
  }
}

#map = affine_map<(d0, d1) -> (0, 0)>
#map1 = affine_map<(d0, d1) -> (0)>
module attributes {stable_mosaic.version = 14 : i64} {
  func.func @_body(%arg0: i32, %arg1: i32, %arg2: memref<32x100096xf32, #tpu.memory_space<hbm>>, %arg3: memref<32x100096xf32, #tpu.memory_space<hbm>>, %arg4: memref<32x100096xf32, #tpu.memory_space<hbm>>, %arg5: memref<32x100096xf32, #tpu.memory_space<hbm>>, %arg6: memref<16384xi32, #tpu.memory_space<hbm>>, %arg7: memref<128x4096xf32, #tpu.memory_space<hbm>>, %arg8: memref<2x128xi32, #tpu.memory_space<vmem>>, %arg9: memref<2x32x128xf32, #tpu.memory_space<vmem>>, %arg10: memref<!tpu.dma_semaphore, #tpu.memory_space<semaphore_mem>>, %arg11: memref<!tpu.dma_semaphore, #tpu.memory_space<semaphore_mem>>, %arg12: memref<!tpu.dma_semaphore, #tpu.memory_space<semaphore_mem>>) attributes {dimension_semantics = [#tpu.dimension_semantics<core_parallel>, #tpu.dimension_semantics<subcore_parallel>], iteration_bounds = array<i64: 2, 16>, scalar_prefetch = 0 : i64, scratch_operands = 5 : i64, tpu.core_type = #tpu.core_type<sc_vector_subcore>, window_params = [{transform_indices = #map}, {transform_indices = #map}, {transform_indices = #map}, {transform_indices = #map}, {transform_indices = #map1}, {transform_indices = #map}]} {
    %mul3A = arith.constant 2 : i32
    %mul3A_0 = arith.muli %arg1, %mul3A : i32
    %add3A = arith.addi %mul3A_0, %arg0 : i32
    %mul3A_1 = arith.constant 128 : i32
    %mul3A_2 = arith.muli %add3A, %mul3A_1 : i32
    %run_scoped3A = arith.constant 0 : i32
    "tpu.region"() ({
      %run_scoped3A_197 = tpu.sem_alloc : memref<!tpu.dma_semaphore, #tpu.memory_space<semaphore_mem>>
      %dma_start3A_198 = arith.constant 0 : i32
      %dma_start3A_199 = tpu.memref_slice %arg8[%run_scoped3A, %dma_start3A_198] : memref<2x128xi32, #tpu.memory_space<vmem>> -> memref<1x128xi32, #tpu.memory_space<vmem>>
      %dma_start3A_200 = tpu.memref_squeeze %dma_start3A_199 : memref<1x128xi32, #tpu.memory_space<vmem>> -> memref<128xi32, #tpu.memory_space<vmem>>
      %dma_start3A_201 = tpu.memref_slice %arg6[%mul3A_2] : memref<16384xi32, #tpu.memory_space<hbm>> -> memref<128xi32, #tpu.memory_space<hbm>>
      %dma_start3A_202 = arith.constant 0 : i32
      %dma_start3A_203 = tpu.memref_slice %arg8[%run_scoped3A, %dma_start3A_202] : memref<2x128xi32, #tpu.memory_space<vmem>> -> memref<1x128xi32, #tpu.memory_space<vmem>>
      %dma_start3A_204 = tpu.memref_squeeze %dma_start3A_203 : memref<1x128xi32, #tpu.memory_space<vmem>> -> memref<128xi32, #tpu.memory_space<vmem>>
      %dma_start3A_205 = tpu.memref_slice %arg6[%mul3A_2] : memref<16384xi32, #tpu.memory_space<hbm>> -> memref<128xi32, #tpu.memory_space<hbm>>
      tpu.enqueue_dma source(%dma_start3A_205 : memref<128xi32, #tpu.memory_space<hbm>>) target(%dma_start3A_204 : memref<128xi32, #tpu.memory_space<vmem>>) target_semaphore(%run_scoped3A_197 : memref<!tpu.dma_semaphore, #tpu.memory_space<semaphore_mem>>)
      %dma_wait3A_206 = arith.constant 0 : i32
      %dma_wait3A_207 = tpu.memref_slice %arg8[%run_scoped3A, %dma_wait3A_206] : memref<2x128xi32, #tpu.memory_space<vmem>> -> memref<1x128xi32, #tpu.memory_space<vmem>>
      %dma_wait3A_208 = tpu.memref_squeeze %dma_wait3A_207 : memref<1x128xi32, #tpu.memory_space<vmem>> -> memref<128xi32, #tpu.memory_space<vmem>>
      %dma_wait3A_209 = tpu.memref_slice %arg6[%mul3A_2] : memref<16384xi32, #tpu.memory_space<hbm>> -> memref<128xi32, #tpu.memory_space<hbm>>
      %dma_wait3A_210 = arith.constant 0 : i32
      %dma_wait3A_211 = tpu.memref_slice %arg8[%run_scoped3A, %dma_wait3A_210] : memref<2x128xi32, #tpu.memory_space<vmem>> -> memref<1x128xi32, #tpu.memory_space<vmem>>
      %dma_wait3A_212 = tpu.memref_squeeze %dma_wait3A_211 : memref<1x128xi32, #tpu.memory_space<vmem>> -> memref<128xi32, #tpu.memory_space<vmem>>
      %dma_wait3A_213 = tpu.memref_slice %arg6[%mul3A_2] : memref<16384xi32, #tpu.memory_space<hbm>> -> memref<128xi32, #tpu.memory_space<hbm>>
      tpu.wait_dma2 semaphore(%run_scoped3A_197 : memref<!tpu.dma_semaphore, #tpu.memory_space<semaphore_mem>>) src(%dma_wait3A_213 : memref<128xi32, #tpu.memory_space<hbm>>) dst(%dma_wait3A_212 : memref<128xi32, #tpu.memory_space<vmem>>)
      tpu.yield
    }) : () -> ()
    %scan3A = arith.constant 0 : i32
    %scan3A_3 = arith.constant 0 : i32
    %scan3A_4 = arith.constant 0 : i32
    %scan3A_5 = arith.constant 32 : i32
    %scan3A_6 = arith.addi %scan3A_4, %scan3A_5 : i32
    %scan3A_7 = arith.constant 1 : i32
    %scan3A_8 = scf.for %scan3A_197 = %scan3A_4 to %scan3A_6 step %scan3A_7 iter_args(%scan3A_198 = %scan3A_3) -> (i32)  : i32 {
      %dma_start3A_199 = arith.constant 0 : i32
      %dma_start3A_200 = arith.constant 0 : i32
      %dma_start3A_201 = arith.constant 0 : i32
      %dma_start3A_202 = tpu.memref_slice %arg9[%scan3A, %dma_start3A_200, %dma_start3A_201] : memref<2x32x128xf32, #tpu.memory_space<vmem>> -> memref<1x32x128xf32, #tpu.memory_space<vmem>>
      %dma_start3A_203 = tpu.memref_squeeze %dma_start3A_202 : memref<1x32x128xf32, #tpu.memory_space<vmem>> -> memref<32x128xf32, #tpu.memory_space<vmem>>
      %dma_start3A_204 = arith.constant 0 : i32
      %dma_start3A_205 = tpu.memref_slice %dma_start3A_203[%scan3A_197, %dma_start3A_204] : memref<32x128xf32, #tpu.memory_space<vmem>> -> memref<1x128xf32, #tpu.memory_space<vmem>>
      %dma_start3A_206 = tpu.memref_squeeze %dma_start3A_205 : memref<1x128xf32, #tpu.memory_space<vmem>> -> memref<128xf32, #tpu.memory_space<vmem>>
      %dma_start3A_207 = arith.constant 0 : i32
      %dma_start3A_208 = tpu.memref_slice %arg8[%dma_start3A_199, %dma_start3A_207] : memref<2x128xi32, #tpu.memory_space<vmem>> -> memref<1x128xi32, #tpu.memory_space<vmem>>
      %dma_start3A_209 = tpu.memref_squeeze %dma_start3A_208 : memref<1x128xi32, #tpu.memory_space<vmem>> -> memref<128xi32, #tpu.memory_space<vmem>>
      %dma_start3A_210 = arith.constant 0 : i32
      %dma_start3A_211 = tpu.memref_slice %arg2[%scan3A_197, %dma_start3A_210] : memref<32x100096xf32, #tpu.memory_space<hbm>> -> memref<1x100096xf32, #tpu.memory_space<hbm>>
      %dma_start3A_212 = tpu.memref_squeeze %dma_start3A_211 : memref<1x100096xf32, #tpu.memory_space<hbm>> -> memref<100096xf32, #tpu.memory_space<hbm>>
      %dma_start3A_213 = arith.constant 0 : i32
      %dma_start3A_214 = tpu.memref_slice %dma_start3A_212[%dma_start3A_213] : memref<100096xf32, #tpu.memory_space<hbm>> -> memref<100096xf32, #tpu.memory_space<hbm>>
      tpu.enqueue_indirect_dma source(%dma_start3A_214 : memref<100096xf32, #tpu.memory_space<hbm>>) target(%dma_start3A_206 : memref<128xf32, #tpu.memory_space<vmem>>) offsets(%dma_start3A_209 : memref<128xi32, #tpu.memory_space<vmem>>) semaphore(%arg10 : memref<!tpu.dma_semaphore, #tpu.memory_space<semaphore_mem>>)
      %scan3A_215 = arith.constant 0 : i32
      scf.yield %scan3A_215 : i32
    }
    %scan3A_9 = arith.constant 32 : i32
    %add3A_10 = arith.constant 4096 : i32
    %add3A_11 = arith.addi %add3A_10, %mul3A_2 : i32
    %run_scoped3A_12 = arith.constant 1 : i32
    "tpu.region"() ({
      %run_scoped3A_197 = tpu.sem_alloc : memref<!tpu.dma_semaphore, #tpu.memory_space<semaphore_mem>>
      %dma_start3A_198 = arith.constant 0 : i32
      %dma_start3A_199 = tpu.memref_slice %arg8[%run_scoped3A_12, %dma_start3A_198] : memref<2x128xi32, #tpu.memory_space<vmem>> -> memref<1x128xi32, #tpu.memory_space<vmem>>
      %dma_start3A_200 = tpu.memref_squeeze %dma_start3A_199 : memref<1x128xi32, #tpu.memory_space<vmem>> -> memref<128xi32, #tpu.memory_space<vmem>>
      %dma_start3A_201 = tpu.memref_slice %arg6[%add3A_11] : memref<16384xi32, #tpu.memory_space<hbm>> -> memref<128xi32, #tpu.memory_space<hbm>>
      %dma_start3A_202 = arith.constant 0 : i32
      %dma_start3A_203 = tpu.memref_slice %arg8[%run_scoped3A_12, %dma_start3A_202] : memref<2x128xi32, #tpu.memory_space<vmem>> -> memref<1x128xi32, #tpu.memory_space<vmem>>
      %dma_start3A_204 = tpu.memref_squeeze %dma_start3A_203 : memref<1x128xi32, #tpu.memory_space<vmem>> -> memref<128xi32, #tpu.memory_space<vmem>>
      %dma_start3A_205 = tpu.memref_slice %arg6[%add3A_11] : memref<16384xi32, #tpu.memory_space<hbm>> -> memref<128xi32, #tpu.memory_space<hbm>>
      tpu.enqueue_dma source(%dma_start3A_205 : memref<128xi32, #tpu.memory_space<hbm>>) target(%dma_start3A_204 : memref<128xi32, #tpu.memory_space<vmem>>) target_semaphore(%run_scoped3A_197 : memref<!tpu.dma_semaphore, #tpu.memory_space<semaphore_mem>>)
      %dma_wait3A_206 = arith.constant 0 : i32
      %dma_wait3A_207 = tpu.memref_slice %arg8[%run_scoped3A_12, %dma_wait3A_206] : memref<2x128xi32, #tpu.memory_space<vmem>> -> memref<1x128xi32, #tpu.memory_space<vmem>>
      %dma_wait3A_208 = tpu.memref_squeeze %dma_wait3A_207 : memref<1x128xi32, #tpu.memory_space<vmem>> -> memref<128xi32, #tpu.memory_space<vmem>>
      %dma_wait3A_209 = tpu.memref_slice %arg6[%add3A_11] : memref<16384xi32, #tpu.memory_space<hbm>> -> memref<128xi32, #tpu.memory_space<hbm>>
      %dma_wait3A_210 = arith.constant 0 : i32
      %dma_wait3A_211 = tpu.memref_slice %arg8[%run_scoped3A_12, %dma_wait3A_210] : memref<2x128xi32, #tpu.memory_space<vmem>> -> memref<1x128xi32, #tpu.memory_space<vmem>>
      %dma_wait3A_212 = tpu.memref_squeeze %dma_wait3A_211 : memref<1x128xi32, #tpu.memory_space<vmem>> -> memref<128xi32, #tpu.memory_space<vmem>>
      %dma_wait3A_213 = tpu.memref_slice %arg6[%add3A_11] : memref<16384xi32, #tpu.memory_space<hbm>> -> memref<128xi32, #tpu.memory_space<hbm>>
      tpu.wait_dma2 semaphore(%run_scoped3A_197 : memref<!tpu.dma_semaphore, #tpu.memory_space<semaphore_mem>>) src(%dma_wait3A_213 : memref<128xi32, #tpu.memory_space<hbm>>) dst(%dma_wait3A_212 : memref<128xi32, #tpu.memory_space<vmem>>)
      tpu.yield
    }) : () -> ()
    %scan3A_13 = arith.constant 1 : i32
    %scan3A_14 = arith.constant 0 : i32
    %scan3A_15 = arith.constant 0 : i32
    %scan3A_16 = arith.constant 32 : i32
    %scan3A_17 = arith.addi %scan3A_15, %scan3A_16 : i32
    %scan3A_18 = arith.constant 1 : i32
    %scan3A_19 = scf.for %scan3A_197 = %scan3A_15 to %scan3A_17 step %scan3A_18 iter_args(%scan3A_198 = %scan3A_14) -> (i32)  : i32 {
      %dma_start3A_199 = arith.constant 1 : i32
      %dma_start3A_200 = arith.constant 0 : i32
      %dma_start3A_201 = arith.constant 0 : i32
      %dma_start3A_202 = tpu.memref_slice %arg9[%scan3A_13, %dma_start3A_200, %dma_start3A_201] : memref<2x32x128xf32, #tpu.memory_space<vmem>> -> memref<1x32x128xf32, #tpu.memory_space<vmem>>
      %dma_start3A_203 = tpu.memref_squeeze %dma_start3A_202 : memref<1x32x128xf32, #tpu.memory_space<vmem>> -> memref<32x128xf32, #tpu.memory_space<vmem>>
      %dma_start3A_204 = arith.constant 0 : i32
      %dma_start3A_205 = tpu.memref_slice %dma_start3A_203[%scan3A_197, %dma_start3A_204] : memref<32x128xf32, #tpu.memory_space<vmem>> -> memref<1x128xf32, #tpu.memory_space<vmem>>
      %dma_start3A_206 = tpu.memref_squeeze %dma_start3A_205 : memref<1x128xf32, #tpu.memory_space<vmem>> -> memref<128xf32, #tpu.memory_space<vmem>>
      %dma_start3A_207 = arith.constant 0 : i32
      %dma_start3A_208 = tpu.memref_slice %arg8[%dma_start3A_199, %dma_start3A_207] : memref<2x128xi32, #tpu.memory_space<vmem>> -> memref<1x128xi32, #tpu.memory_space<vmem>>
      %dma_start3A_209 = tpu.memref_squeeze %dma_start3A_208 : memref<1x128xi32, #tpu.memory_space<vmem>> -> memref<128xi32, #tpu.memory_space<vmem>>
      %dma_start3A_210 = arith.constant 0 : i32
      %dma_start3A_211 = tpu.memref_slice %arg3[%scan3A_197, %dma_start3A_210] : memref<32x100096xf32, #tpu.memory_space<hbm>> -> memref<1x100096xf32, #tpu.memory_space<hbm>>
      %dma_start3A_212 = tpu.memref_squeeze %dma_start3A_211 : memref<1x100096xf32, #tpu.memory_space<hbm>> -> memref<100096xf32, #tpu.memory_space<hbm>>
      %dma_start3A_213 = arith.constant 0 : i32
      %dma_start3A_214 = tpu.memref_slice %dma_start3A_212[%dma_start3A_213] : memref<100096xf32, #tpu.memory_space<hbm>> -> memref<100096xf32, #tpu.memory_space<hbm>>
      tpu.enqueue_indirect_dma source(%dma_start3A_214 : memref<100096xf32, #tpu.memory_space<hbm>>) target(%dma_start3A_206 : memref<128xf32, #tpu.memory_space<vmem>>) offsets(%dma_start3A_209 : memref<128xi32, #tpu.memory_space<vmem>>) semaphore(%arg11 : memref<!tpu.dma_semaphore, #tpu.memory_space<semaphore_mem>>)
      %scan3A_215 = arith.constant 0 : i32
      scf.yield %scan3A_215 : i32
    }
    %scan3A_20 = arith.constant 32 : i32
    %dma_wait3A = arith.constant 0 : i32
    %dma_wait3A_21 = arith.constant 0 : i32
    %dma_wait3A_22 = arith.constant 0 : i32
    %dma_wait3A_23 = tpu.memref_slice %arg9[%dma_wait3A, %dma_wait3A_21, %dma_wait3A_22] : memref<2x32x128xf32, #tpu.memory_space<vmem>> -> memref<1x32x128xf32, #tpu.memory_space<vmem>>
    %dma_wait3A_24 = tpu.memref_squeeze %dma_wait3A_23 : memref<1x32x128xf32, #tpu.memory_space<vmem>> -> memref<32x128xf32, #tpu.memory_space<vmem>>
    %dma_wait3A_25 = arith.constant 0 : i32
    %dma_wait3A_26 = tpu.memref_slice %arg6[%dma_wait3A_25] : memref<16384xi32, #tpu.memory_space<hbm>> -> memref<4096xi32, #tpu.memory_space<hbm>>
    %dma_wait3A_27 = arith.constant 0 : i32
    %dma_wait3A_28 = arith.constant 0 : i32
    %dma_wait3A_29 = tpu.memref_slice %arg9[%dma_wait3A, %dma_wait3A_27, %dma_wait3A_28] : memref<2x32x128xf32, #tpu.memory_space<vmem>> -> memref<1x32x128xf32, #tpu.memory_space<vmem>>
    %dma_wait3A_30 = tpu.memref_squeeze %dma_wait3A_29 : memref<1x32x128xf32, #tpu.memory_space<vmem>> -> memref<32x128xf32, #tpu.memory_space<vmem>>
    %dma_wait3A_31 = arith.constant 0 : i32
    %dma_wait3A_32 = tpu.memref_slice %arg6[%dma_wait3A_31] : memref<16384xi32, #tpu.memory_space<hbm>> -> memref<4096xi32, #tpu.memory_space<hbm>>
    tpu.wait_dma2 semaphore(%arg10 : memref<!tpu.dma_semaphore, #tpu.memory_space<semaphore_mem>>) src(%dma_wait3A_32 : memref<4096xi32, #tpu.memory_space<hbm>>) dst(%dma_wait3A_30 : memref<32x128xf32, #tpu.memory_space<vmem>>)
    %dma_start3A = arith.constant 0 : i32
    %dma_start3A_33 = arith.constant 0 : i32
    %dma_start3A_34 = arith.constant 0 : i32
    %dma_start3A_35 = tpu.memref_slice %arg9[%dma_start3A, %dma_start3A_33, %dma_start3A_34] : memref<2x32x128xf32, #tpu.memory_space<vmem>> -> memref<1x32x128xf32, #tpu.memory_space<vmem>>
    %dma_start3A_36 = tpu.memref_squeeze %dma_start3A_35 : memref<1x32x128xf32, #tpu.memory_space<vmem>> -> memref<32x128xf32, #tpu.memory_space<vmem>>
    %dma_start3A_37 = arith.constant 0 : i32
    %dma_start3A_38 = tpu.memref_slice %arg7[%dma_start3A_37, %mul3A_2] : memref<128x4096xf32, #tpu.memory_space<hbm>> -> memref<32x128xf32, #tpu.memory_space<hbm>>
    %dma_start3A_39 = arith.constant 0 : i32
    %dma_start3A_40 = tpu.memref_slice %arg7[%dma_start3A_39, %mul3A_2] : memref<128x4096xf32, #tpu.memory_space<hbm>> -> memref<32x128xf32, #tpu.memory_space<hbm>>
    %dma_start3A_41 = arith.constant 0 : i32
    %dma_start3A_42 = arith.constant 0 : i32
    %dma_start3A_43 = tpu.memref_slice %arg9[%dma_start3A, %dma_start3A_41, %dma_start3A_42] : memref<2x32x128xf32, #tpu.memory_space<vmem>> -> memref<1x32x128xf32, #tpu.memory_space<vmem>>
    %dma_start3A_44 = tpu.memref_squeeze %dma_start3A_43 : memref<1x32x128xf32, #tpu.memory_space<vmem>> -> memref<32x128xf32, #tpu.memory_space<vmem>>
    tpu.enqueue_dma source(%dma_start3A_44 : memref<32x128xf32, #tpu.memory_space<vmem>>) target(%dma_start3A_40 : memref<32x128xf32, #tpu.memory_space<hbm>>) target_semaphore(%arg12 : memref<!tpu.dma_semaphore, #tpu.memory_space<semaphore_mem>>)
    %add3A_45 = arith.constant 8192 : i32
    %add3A_46 = arith.addi %add3A_45, %mul3A_2 : i32
    %run_scoped3A_47 = arith.constant 0 : i32
    "tpu.region"() ({
      %run_scoped3A_197 = tpu.sem_alloc : memref<!tpu.dma_semaphore, #tpu.memory_space<semaphore_mem>>
      %dma_start3A_198 = arith.constant 0 : i32
      %dma_start3A_199 = tpu.memref_slice %arg8[%run_scoped3A_47, %dma_start3A_198] : memref<2x128xi32, #tpu.memory_space<vmem>> -> memref<1x128xi32, #tpu.memory_space<vmem>>
      %dma_start3A_200 = tpu.memref_squeeze %dma_start3A_199 : memref<1x128xi32, #tpu.memory_space<vmem>> -> memref<128xi32, #tpu.memory_space<vmem>>
      %dma_start3A_201 = tpu.memref_slice %arg6[%add3A_46] : memref<16384xi32, #tpu.memory_space<hbm>> -> memref<128xi32, #tpu.memory_space<hbm>>
      %dma_start3A_202 = arith.constant 0 : i32
      %dma_start3A_203 = tpu.memref_slice %arg8[%run_scoped3A_47, %dma_start3A_202] : memref<2x128xi32, #tpu.memory_space<vmem>> -> memref<1x128xi32, #tpu.memory_space<vmem>>
      %dma_start3A_204 = tpu.memref_squeeze %dma_start3A_203 : memref<1x128xi32, #tpu.memory_space<vmem>> -> memref<128xi32, #tpu.memory_space<vmem>>
      %dma_start3A_205 = tpu.memref_slice %arg6[%add3A_46] : memref<16384xi32, #tpu.memory_space<hbm>> -> memref<128xi32, #tpu.memory_space<hbm>>
      tpu.enqueue_dma source(%dma_start3A_205 : memref<128xi32, #tpu.memory_space<hbm>>) target(%dma_start3A_204 : memref<128xi32, #tpu.memory_space<vmem>>) target_semaphore(%run_scoped3A_197 : memref<!tpu.dma_semaphore, #tpu.memory_space<semaphore_mem>>)
      %dma_wait3A_206 = arith.constant 0 : i32
      %dma_wait3A_207 = tpu.memref_slice %arg8[%run_scoped3A_47, %dma_wait3A_206] : memref<2x128xi32, #tpu.memory_space<vmem>> -> memref<1x128xi32, #tpu.memory_space<vmem>>
      %dma_wait3A_208 = tpu.memref_squeeze %dma_wait3A_207 : memref<1x128xi32, #tpu.memory_space<vmem>> -> memref<128xi32, #tpu.memory_space<vmem>>
      %dma_wait3A_209 = tpu.memref_slice %arg6[%add3A_46] : memref<16384xi32, #tpu.memory_space<hbm>> -> memref<128xi32, #tpu.memory_space<hbm>>
      %dma_wait3A_210 = arith.constant 0 : i32
      %dma_wait3A_211 = tpu.memref_slice %arg8[%run_scoped3A_47, %dma_wait3A_210] : memref<2x128xi32, #tpu.memory_space<vmem>> -> memref<1x128xi32, #tpu.memory_space<vmem>>
      %dma_wait3A_212 = tpu.memref_squeeze %dma_wait3A_211 : memref<1x128xi32, #tpu.memory_space<vmem>> -> memref<128xi32, #tpu.memory_space<vmem>>
      %dma_wait3A_213 = tpu.memref_slice %arg6[%add3A_46] : memref<16384xi32, #tpu.memory_space<hbm>> -> memref<128xi32, #tpu.memory_space<hbm>>
      tpu.wait_dma2 semaphore(%run_scoped3A_197 : memref<!tpu.dma_semaphore, #tpu.memory_space<semaphore_mem>>) src(%dma_wait3A_213 : memref<128xi32, #tpu.memory_space<hbm>>) dst(%dma_wait3A_212 : memref<128xi32, #tpu.memory_space<vmem>>)
      tpu.yield
    }) : () -> ()
    %dma_wait3A_48 = arith.constant 0 : i32
    %dma_wait3A_49 = arith.constant 0 : i32
    %dma_wait3A_50 = arith.constant 0 : i32
    %dma_wait3A_51 = tpu.memref_slice %arg9[%dma_wait3A_48, %dma_wait3A_49, %dma_wait3A_50] : memref<2x32x128xf32, #tpu.memory_space<vmem>> -> memref<1x32x128xf32, #tpu.memory_space<vmem>>
    %dma_wait3A_52 = tpu.memref_squeeze %dma_wait3A_51 : memref<1x32x128xf32, #tpu.memory_space<vmem>> -> memref<32x128xf32, #tpu.memory_space<vmem>>
    %dma_wait3A_53 = arith.constant 0 : i32
    %dma_wait3A_54 = tpu.memref_slice %arg7[%dma_wait3A_53, %mul3A_2] : memref<128x4096xf32, #tpu.memory_space<hbm>> -> memref<32x128xf32, #tpu.memory_space<hbm>>
    %dma_wait3A_55 = arith.constant 0 : i32
    %dma_wait3A_56 = tpu.memref_slice %arg7[%dma_wait3A_55, %mul3A_2] : memref<128x4096xf32, #tpu.memory_space<hbm>> -> memref<32x128xf32, #tpu.memory_space<hbm>>
    %dma_wait3A_57 = arith.constant 0 : i32
    %dma_wait3A_58 = arith.constant 0 : i32
    %dma_wait3A_59 = tpu.memref_slice %arg9[%dma_wait3A_48, %dma_wait3A_57, %dma_wait3A_58] : memref<2x32x128xf32, #tpu.memory_space<vmem>> -> memref<1x32x128xf32, #tpu.memory_space<vmem>>
    %dma_wait3A_60 = tpu.memref_squeeze %dma_wait3A_59 : memref<1x32x128xf32, #tpu.memory_space<vmem>> -> memref<32x128xf32, #tpu.memory_space<vmem>>
    tpu.wait_dma2 semaphore(%arg12 : memref<!tpu.dma_semaphore, #tpu.memory_space<semaphore_mem>>) src(%dma_wait3A_60 : memref<32x128xf32, #tpu.memory_space<vmem>>) dst(%dma_wait3A_56 : memref<32x128xf32, #tpu.memory_space<hbm>>)
    %scan3A_61 = arith.constant 0 : i32
    %scan3A_62 = arith.constant 0 : i32
    %scan3A_63 = arith.constant 0 : i32
    %scan3A_64 = arith.constant 32 : i32
    %scan3A_65 = arith.addi %scan3A_63, %scan3A_64 : i32
    %scan3A_66 = arith.constant 1 : i32
    %scan3A_67 = scf.for %scan3A_197 = %scan3A_63 to %scan3A_65 step %scan3A_66 iter_args(%scan3A_198 = %scan3A_62) -> (i32)  : i32 {
      %dma_start3A_199 = arith.constant 0 : i32
      %dma_start3A_200 = arith.constant 0 : i32
      %dma_start3A_201 = arith.constant 0 : i32
      %dma_start3A_202 = tpu.memref_slice %arg9[%scan3A_61, %dma_start3A_200, %dma_start3A_201] : memref<2x32x128xf32, #tpu.memory_space<vmem>> -> memref<1x32x128xf32, #tpu.memory_space<vmem>>
      %dma_start3A_203 = tpu.memref_squeeze %dma_start3A_202 : memref<1x32x128xf32, #tpu.memory_space<vmem>> -> memref<32x128xf32, #tpu.memory_space<vmem>>
      %dma_start3A_204 = arith.constant 0 : i32
      %dma_start3A_205 = tpu.memref_slice %dma_start3A_203[%scan3A_197, %dma_start3A_204] : memref<32x128xf32, #tpu.memory_space<vmem>> -> memref<1x128xf32, #tpu.memory_space<vmem>>
      %dma_start3A_206 = tpu.memref_squeeze %dma_start3A_205 : memref<1x128xf32, #tpu.memory_space<vmem>> -> memref<128xf32, #tpu.memory_space<vmem>>
      %dma_start3A_207 = arith.constant 0 : i32
      %dma_start3A_208 = tpu.memref_slice %arg8[%dma_start3A_199, %dma_start3A_207] : memref<2x128xi32, #tpu.memory_space<vmem>> -> memref<1x128xi32, #tpu.memory_space<vmem>>
      %dma_start3A_209 = tpu.memref_squeeze %dma_start3A_208 : memref<1x128xi32, #tpu.memory_space<vmem>> -> memref<128xi32, #tpu.memory_space<vmem>>
      %dma_start3A_210 = arith.constant 0 : i32
      %dma_start3A_211 = tpu.memref_slice %arg4[%scan3A_197, %dma_start3A_210] : memref<32x100096xf32, #tpu.memory_space<hbm>> -> memref<1x100096xf32, #tpu.memory_space<hbm>>
      %dma_start3A_212 = tpu.memref_squeeze %dma_start3A_211 : memref<1x100096xf32, #tpu.memory_space<hbm>> -> memref<100096xf32, #tpu.memory_space<hbm>>
      %dma_start3A_213 = arith.constant 0 : i32
      %dma_start3A_214 = tpu.memref_slice %dma_start3A_212[%dma_start3A_213] : memref<100096xf32, #tpu.memory_space<hbm>> -> memref<100096xf32, #tpu.memory_space<hbm>>
      tpu.enqueue_indirect_dma source(%dma_start3A_214 : memref<100096xf32, #tpu.memory_space<hbm>>) target(%dma_start3A_206 : memref<128xf32, #tpu.memory_space<vmem>>) offsets(%dma_start3A_209 : memref<128xi32, #tpu.memory_space<vmem>>) semaphore(%arg10 : memref<!tpu.dma_semaphore, #tpu.memory_space<semaphore_mem>>)
      %scan3A_215 = arith.constant 0 : i32
      scf.yield %scan3A_215 : i32
    }
    %scan3A_68 = arith.constant 32 : i32
    %dma_wait3A_69 = arith.constant 1 : i32
    %dma_wait3A_70 = arith.constant 0 : i32
    %dma_wait3A_71 = arith.constant 0 : i32
    %dma_wait3A_72 = tpu.memref_slice %arg9[%dma_wait3A_69, %dma_wait3A_70, %dma_wait3A_71] : memref<2x32x128xf32, #tpu.memory_space<vmem>> -> memref<1x32x128xf32, #tpu.memory_space<vmem>>
    %dma_wait3A_73 = tpu.memref_squeeze %dma_wait3A_72 : memref<1x32x128xf32, #tpu.memory_space<vmem>> -> memref<32x128xf32, #tpu.memory_space<vmem>>
    %dma_wait3A_74 = arith.constant 0 : i32
    %dma_wait3A_75 = tpu.memref_slice %arg6[%dma_wait3A_74] : memref<16384xi32, #tpu.memory_space<hbm>> -> memref<4096xi32, #tpu.memory_space<hbm>>
    %dma_wait3A_76 = arith.constant 0 : i32
    %dma_wait3A_77 = arith.constant 0 : i32
    %dma_wait3A_78 = tpu.memref_slice %arg9[%dma_wait3A_69, %dma_wait3A_76, %dma_wait3A_77] : memref<2x32x128xf32, #tpu.memory_space<vmem>> -> memref<1x32x128xf32, #tpu.memory_space<vmem>>
    %dma_wait3A_79 = tpu.memref_squeeze %dma_wait3A_78 : memref<1x32x128xf32, #tpu.memory_space<vmem>> -> memref<32x128xf32, #tpu.memory_space<vmem>>
    %dma_wait3A_80 = arith.constant 0 : i32
    %dma_wait3A_81 = tpu.memref_slice %arg6[%dma_wait3A_80] : memref<16384xi32, #tpu.memory_space<hbm>> -> memref<4096xi32, #tpu.memory_space<hbm>>
    tpu.wait_dma2 semaphore(%arg11 : memref<!tpu.dma_semaphore, #tpu.memory_space<semaphore_mem>>) src(%dma_wait3A_81 : memref<4096xi32, #tpu.memory_space<hbm>>) dst(%dma_wait3A_79 : memref<32x128xf32, #tpu.memory_space<vmem>>)
    %dma_start3A_82 = arith.constant 1 : i32
    %dma_start3A_83 = arith.constant 0 : i32
    %dma_start3A_84 = arith.constant 0 : i32
    %dma_start3A_85 = tpu.memref_slice %arg9[%dma_start3A_82, %dma_start3A_83, %dma_start3A_84] : memref<2x32x128xf32, #tpu.memory_space<vmem>> -> memref<1x32x128xf32, #tpu.memory_space<vmem>>
    %dma_start3A_86 = tpu.memref_squeeze %dma_start3A_85 : memref<1x32x128xf32, #tpu.memory_space<vmem>> -> memref<32x128xf32, #tpu.memory_space<vmem>>
    %dma_start3A_87 = arith.constant 32 : i32
    %dma_start3A_88 = tpu.memref_slice %arg7[%dma_start3A_87, %mul3A_2] : memref<128x4096xf32, #tpu.memory_space<hbm>> -> memref<32x128xf32, #tpu.memory_space<hbm>>
    %dma_start3A_89 = arith.constant 32 : i32
    %dma_start3A_90 = tpu.memref_slice %arg7[%dma_start3A_89, %mul3A_2] : memref<128x4096xf32, #tpu.memory_space<hbm>> -> memref<32x128xf32, #tpu.memory_space<hbm>>
    %dma_start3A_91 = arith.constant 0 : i32
    %dma_start3A_92 = arith.constant 0 : i32
    %dma_start3A_93 = tpu.memref_slice %arg9[%dma_start3A_82, %dma_start3A_91, %dma_start3A_92] : memref<2x32x128xf32, #tpu.memory_space<vmem>> -> memref<1x32x128xf32, #tpu.memory_space<vmem>>
    %dma_start3A_94 = tpu.memref_squeeze %dma_start3A_93 : memref<1x32x128xf32, #tpu.memory_space<vmem>> -> memref<32x128xf32, #tpu.memory_space<vmem>>
    tpu.enqueue_dma source(%dma_start3A_94 : memref<32x128xf32, #tpu.memory_space<vmem>>) target(%dma_start3A_90 : memref<32x128xf32, #tpu.memory_space<hbm>>) target_semaphore(%arg12 : memref<!tpu.dma_semaphore, #tpu.memory_space<semaphore_mem>>)
    %add3A_95 = arith.constant 12288 : i32
    %add3A_96 = arith.addi %add3A_95, %mul3A_2 : i32
    %run_scoped3A_97 = arith.constant 1 : i32
    "tpu.region"() ({
      %run_scoped3A_197 = tpu.sem_alloc : memref<!tpu.dma_semaphore, #tpu.memory_space<semaphore_mem>>
      %dma_start3A_198 = arith.constant 0 : i32
      %dma_start3A_199 = tpu.memref_slice %arg8[%run_scoped3A_97, %dma_start3A_198] : memref<2x128xi32, #tpu.memory_space<vmem>> -> memref<1x128xi32, #tpu.memory_space<vmem>>
      %dma_start3A_200 = tpu.memref_squeeze %dma_start3A_199 : memref<1x128xi32, #tpu.memory_space<vmem>> -> memref<128xi32, #tpu.memory_space<vmem>>
      %dma_start3A_201 = tpu.memref_slice %arg6[%add3A_96] : memref<16384xi32, #tpu.memory_space<hbm>> -> memref<128xi32, #tpu.memory_space<hbm>>
      %dma_start3A_202 = arith.constant 0 : i32
      %dma_start3A_203 = tpu.memref_slice %arg8[%run_scoped3A_97, %dma_start3A_202] : memref<2x128xi32, #tpu.memory_space<vmem>> -> memref<1x128xi32, #tpu.memory_space<vmem>>
      %dma_start3A_204 = tpu.memref_squeeze %dma_start3A_203 : memref<1x128xi32, #tpu.memory_space<vmem>> -> memref<128xi32, #tpu.memory_space<vmem>>
      %dma_start3A_205 = tpu.memref_slice %arg6[%add3A_96] : memref<16384xi32, #tpu.memory_space<hbm>> -> memref<128xi32, #tpu.memory_space<hbm>>
      tpu.enqueue_dma source(%dma_start3A_205 : memref<128xi32, #tpu.memory_space<hbm>>) target(%dma_start3A_204 : memref<128xi32, #tpu.memory_space<vmem>>) target_semaphore(%run_scoped3A_197 : memref<!tpu.dma_semaphore, #tpu.memory_space<semaphore_mem>>)
      %dma_wait3A_206 = arith.constant 0 : i32
      %dma_wait3A_207 = tpu.memref_slice %arg8[%run_scoped3A_97, %dma_wait3A_206] : memref<2x128xi32, #tpu.memory_space<vmem>> -> memref<1x128xi32, #tpu.memory_space<vmem>>
      %dma_wait3A_208 = tpu.memref_squeeze %dma_wait3A_207 : memref<1x128xi32, #tpu.memory_space<vmem>> -> memref<128xi32, #tpu.memory_space<vmem>>
      %dma_wait3A_209 = tpu.memref_slice %arg6[%add3A_96] : memref<16384xi32, #tpu.memory_space<hbm>> -> memref<128xi32, #tpu.memory_space<hbm>>
      %dma_wait3A_210 = arith.constant 0 : i32
      %dma_wait3A_211 = tpu.memref_slice %arg8[%run_scoped3A_97, %dma_wait3A_210] : memref<2x128xi32, #tpu.memory_space<vmem>> -> memref<1x128xi32, #tpu.memory_space<vmem>>
      %dma_wait3A_212 = tpu.memref_squeeze %dma_wait3A_211 : memref<1x128xi32, #tpu.memory_space<vmem>> -> memref<128xi32, #tpu.memory_space<vmem>>
      %dma_wait3A_213 = tpu.memref_slice %arg6[%add3A_96] : memref<16384xi32, #tpu.memory_space<hbm>> -> memref<128xi32, #tpu.memory_space<hbm>>
      tpu.wait_dma2 semaphore(%run_scoped3A_197 : memref<!tpu.dma_semaphore, #tpu.memory_space<semaphore_mem>>) src(%dma_wait3A_213 : memref<128xi32, #tpu.memory_space<hbm>>) dst(%dma_wait3A_212 : memref<128xi32, #tpu.memory_space<vmem>>)
      tpu.yield
    }) : () -> ()
    %dma_wait3A_98 = arith.constant 1 : i32
    %dma_wait3A_99 = arith.constant 0 : i32
    %dma_wait3A_100 = arith.constant 0 : i32
    %dma_wait3A_101 = tpu.memref_slice %arg9[%dma_wait3A_98, %dma_wait3A_99, %dma_wait3A_100] : memref<2x32x128xf32, #tpu.memory_space<vmem>> -> memref<1x32x128xf32, #tpu.memory_space<vmem>>
    %dma_wait3A_102 = tpu.memref_squeeze %dma_wait3A_101 : memref<1x32x128xf32, #tpu.memory_space<vmem>> -> memref<32x128xf32, #tpu.memory_space<vmem>>
    %dma_wait3A_103 = arith.constant 32 : i32
    %dma_wait3A_104 = tpu.memref_slice %arg7[%dma_wait3A_103, %mul3A_2] : memref<128x4096xf32, #tpu.memory_space<hbm>> -> memref<32x128xf32, #tpu.memory_space<hbm>>
    %dma_wait3A_105 = arith.constant 32 : i32
    %dma_wait3A_106 = tpu.memref_slice %arg7[%dma_wait3A_105, %mul3A_2] : memref<128x4096xf32, #tpu.memory_space<hbm>> -> memref<32x128xf32, #tpu.memory_space<hbm>>
    %dma_wait3A_107 = arith.constant 0 : i32
    %dma_wait3A_108 = arith.constant 0 : i32
    %dma_wait3A_109 = tpu.memref_slice %arg9[%dma_wait3A_98, %dma_wait3A_107, %dma_wait3A_108] : memref<2x32x128xf32, #tpu.memory_space<vmem>> -> memref<1x32x128xf32, #tpu.memory_space<vmem>>
    %dma_wait3A_110 = tpu.memref_squeeze %dma_wait3A_109 : memref<1x32x128xf32, #tpu.memory_space<vmem>> -> memref<32x128xf32, #tpu.memory_space<vmem>>
    tpu.wait_dma2 semaphore(%arg12 : memref<!tpu.dma_semaphore, #tpu.memory_space<semaphore_mem>>) src(%dma_wait3A_110 : memref<32x128xf32, #tpu.memory_space<vmem>>) dst(%dma_wait3A_106 : memref<32x128xf32, #tpu.memory_space<hbm>>)
    %scan3A_111 = arith.constant 1 : i32
    %scan3A_112 = arith.constant 0 : i32
    %scan3A_113 = arith.constant 0 : i32
    %scan3A_114 = arith.constant 32 : i32
    %scan3A_115 = arith.addi %scan3A_113, %scan3A_114 : i32
    %scan3A_116 = arith.constant 1 : i32
    %scan3A_117 = scf.for %scan3A_197 = %scan3A_113 to %scan3A_115 step %scan3A_116 iter_args(%scan3A_198 = %scan3A_112) -> (i32)  : i32 {
      %dma_start3A_199 = arith.constant 1 : i32
      %dma_start3A_200 = arith.constant 0 : i32
      %dma_start3A_201 = arith.constant 0 : i32
      %dma_start3A_202 = tpu.memref_slice %arg9[%scan3A_111, %dma_start3A_200, %dma_start3A_201] : memref<2x32x128xf32, #tpu.memory_space<vmem>> -> memref<1x32x128xf32, #tpu.memory_space<vmem>>
      %dma_start3A_203 = tpu.memref_squeeze %dma_start3A_202 : memref<1x32x128xf32, #tpu.memory_space<vmem>> -> memref<32x128xf32, #tpu.memory_space<vmem>>
      %dma_start3A_204 = arith.constant 0 : i32
      %dma_start3A_205 = tpu.memref_slice %dma_start3A_203[%scan3A_197, %dma_start3A_204] : memref<32x128xf32, #tpu.memory_space<vmem>> -> memref<1x128xf32, #tpu.memory_space<vmem>>
      %dma_start3A_206 = tpu.memref_squeeze %dma_start3A_205 : memref<1x128xf32, #tpu.memory_space<vmem>> -> memref<128xf32, #tpu.memory_space<vmem>>
      %dma_start3A_207 = arith.constant 0 : i32
      %dma_start3A_208 = tpu.memref_slice %arg8[%dma_start3A_199, %dma_start3A_207] : memref<2x128xi32, #tpu.memory_space<vmem>> -> memref<1x128xi32, #tpu.memory_space<vmem>>
      %dma_start3A_209 = tpu.memref_squeeze %dma_start3A_208 : memref<1x128xi32, #tpu.memory_space<vmem>> -> memref<128xi32, #tpu.memory_space<vmem>>
      %dma_start3A_210 = arith.constant 0 : i32
      %dma_start3A_211 = tpu.memref_slice %arg5[%scan3A_197, %dma_start3A_210] : memref<32x100096xf32, #tpu.memory_space<hbm>> -> memref<1x100096xf32, #tpu.memory_space<hbm>>
      %dma_start3A_212 = tpu.memref_squeeze %dma_start3A_211 : memref<1x100096xf32, #tpu.memory_space<hbm>> -> memref<100096xf32, #tpu.memory_space<hbm>>
      %dma_start3A_213 = arith.constant 0 : i32
      %dma_start3A_214 = tpu.memref_slice %dma_start3A_212[%dma_start3A_213] : memref<100096xf32, #tpu.memory_space<hbm>> -> memref<100096xf32, #tpu.memory_space<hbm>>
      tpu.enqueue_indirect_dma source(%dma_start3A_214 : memref<100096xf32, #tpu.memory_space<hbm>>) target(%dma_start3A_206 : memref<128xf32, #tpu.memory_space<vmem>>) offsets(%dma_start3A_209 : memref<128xi32, #tpu.memory_space<vmem>>) semaphore(%arg11 : memref<!tpu.dma_semaphore, #tpu.memory_space<semaphore_mem>>)
      %scan3A_215 = arith.constant 0 : i32
      scf.yield %scan3A_215 : i32
    }
    %scan3A_118 = arith.constant 32 : i32
    %dma_wait3A_119 = arith.constant 0 : i32
    %dma_wait3A_120 = arith.constant 0 : i32
    %dma_wait3A_121 = arith.constant 0 : i32
    %dma_wait3A_122 = tpu.memref_slice %arg9[%dma_wait3A_119, %dma_wait3A_120, %dma_wait3A_121] : memref<2x32x128xf32, #tpu.memory_space<vmem>> -> memref<1x32x128xf32, #tpu.memory_space<vmem>>
    %dma_wait3A_123 = tpu.memref_squeeze %dma_wait3A_122 : memref<1x32x128xf32, #tpu.memory_space<vmem>> -> memref<32x128xf32, #tpu.memory_space<vmem>>
    %dma_wait3A_124 = arith.constant 0 : i32
    %dma_wait3A_125 = tpu.memref_slice %arg6[%dma_wait3A_124] : memref<16384xi32, #tpu.memory_space<hbm>> -> memref<4096xi32, #tpu.memory_space<hbm>>
    %dma_wait3A_126 = arith.constant 0 : i32
    %dma_wait3A_127 = arith.constant 0 : i32
    %dma_wait3A_128 = tpu.memref_slice %arg9[%dma_wait3A_119, %dma_wait3A_126, %dma_wait3A_127] : memref<2x32x128xf32, #tpu.memory_space<vmem>> -> memref<1x32x128xf32, #tpu.memory_space<vmem>>
    %dma_wait3A_129 = tpu.memref_squeeze %dma_wait3A_128 : memref<1x32x128xf32, #tpu.memory_space<vmem>> -> memref<32x128xf32, #tpu.memory_space<vmem>>
    %dma_wait3A_130 = arith.constant 0 : i32
    %dma_wait3A_131 = tpu.memref_slice %arg6[%dma_wait3A_130] : memref<16384xi32, #tpu.memory_space<hbm>> -> memref<4096xi32, #tpu.memory_space<hbm>>
    tpu.wait_dma2 semaphore(%arg10 : memref<!tpu.dma_semaphore, #tpu.memory_space<semaphore_mem>>) src(%dma_wait3A_131 : memref<4096xi32, #tpu.memory_space<hbm>>) dst(%dma_wait3A_129 : memref<32x128xf32, #tpu.memory_space<vmem>>)
    %dma_start3A_132 = arith.constant 0 : i32
    %dma_start3A_133 = arith.constant 0 : i32
    %dma_start3A_134 = arith.constant 0 : i32
    %dma_start3A_135 = tpu.memref_slice %arg9[%dma_start3A_132, %dma_start3A_133, %dma_start3A_134] : memref<2x32x128xf32, #tpu.memory_space<vmem>> -> memref<1x32x128xf32, #tpu.memory_space<vmem>>
    %dma_start3A_136 = tpu.memref_squeeze %dma_start3A_135 : memref<1x32x128xf32, #tpu.memory_space<vmem>> -> memref<32x128xf32, #tpu.memory_space<vmem>>
    %dma_start3A_137 = arith.constant 64 : i32
    %dma_start3A_138 = tpu.memref_slice %arg7[%dma_start3A_137, %mul3A_2] : memref<128x4096xf32, #tpu.memory_space<hbm>> -> memref<32x128xf32, #tpu.memory_space<hbm>>
    %dma_start3A_139 = arith.constant 64 : i32
    %dma_start3A_140 = tpu.memref_slice %arg7[%dma_start3A_139, %mul3A_2] : memref<128x4096xf32, #tpu.memory_space<hbm>> -> memref<32x128xf32, #tpu.memory_space<hbm>>
    %dma_start3A_141 = arith.constant 0 : i32
    %dma_start3A_142 = arith.constant 0 : i32
    %dma_start3A_143 = tpu.memref_slice %arg9[%dma_start3A_132, %dma_start3A_141, %dma_start3A_142] : memref<2x32x128xf32, #tpu.memory_space<vmem>> -> memref<1x32x128xf32, #tpu.memory_space<vmem>>
    %dma_start3A_144 = tpu.memref_squeeze %dma_start3A_143 : memref<1x32x128xf32, #tpu.memory_space<vmem>> -> memref<32x128xf32, #tpu.memory_space<vmem>>
    tpu.enqueue_dma source(%dma_start3A_144 : memref<32x128xf32, #tpu.memory_space<vmem>>) target(%dma_start3A_140 : memref<32x128xf32, #tpu.memory_space<hbm>>) target_semaphore(%arg12 : memref<!tpu.dma_semaphore, #tpu.memory_space<semaphore_mem>>)
    %dma_wait3A_145 = arith.constant 1 : i32
    %dma_wait3A_146 = arith.constant 0 : i32
    %dma_wait3A_147 = arith.constant 0 : i32
    %dma_wait3A_148 = tpu.memref_slice %arg9[%dma_wait3A_145, %dma_wait3A_146, %dma_wait3A_147] : memref<2x32x128xf32, #tpu.memory_space<vmem>> -> memref<1x32x128xf32, #tpu.memory_space<vmem>>
    %dma_wait3A_149 = tpu.memref_squeeze %dma_wait3A_148 : memref<1x32x128xf32, #tpu.memory_space<vmem>> -> memref<32x128xf32, #tpu.memory_space<vmem>>
    %dma_wait3A_150 = arith.constant 0 : i32
    %dma_wait3A_151 = tpu.memref_slice %arg6[%dma_wait3A_150] : memref<16384xi32, #tpu.memory_space<hbm>> -> memref<4096xi32, #tpu.memory_space<hbm>>
    %dma_wait3A_152 = arith.constant 0 : i32
    %dma_wait3A_153 = arith.constant 0 : i32
    %dma_wait3A_154 = tpu.memref_slice %arg9[%dma_wait3A_145, %dma_wait3A_152, %dma_wait3A_153] : memref<2x32x128xf32, #tpu.memory_space<vmem>> -> memref<1x32x128xf32, #tpu.memory_space<vmem>>
    %dma_wait3A_155 = tpu.memref_squeeze %dma_wait3A_154 : memref<1x32x128xf32, #tpu.memory_space<vmem>> -> memref<32x128xf32, #tpu.memory_space<vmem>>
    %dma_wait3A_156 = arith.constant 0 : i32
    %dma_wait3A_157 = tpu.memref_slice %arg6[%dma_wait3A_156] : memref<16384xi32, #tpu.memory_space<hbm>> -> memref<4096xi32, #tpu.memory_space<hbm>>
    tpu.wait_dma2 semaphore(%arg11 : memref<!tpu.dma_semaphore, #tpu.memory_space<semaphore_mem>>) src(%dma_wait3A_157 : memref<4096xi32, #tpu.memory_space<hbm>>) dst(%dma_wait3A_155 : memref<32x128xf32, #tpu.memory_space<vmem>>)
    %dma_start3A_158 = arith.constant 1 : i32
    %dma_start3A_159 = arith.constant 0 : i32
    %dma_start3A_160 = arith.constant 0 : i32
    %dma_start3A_161 = tpu.memref_slice %arg9[%dma_start3A_158, %dma_start3A_159, %dma_start3A_160] : memref<2x32x128xf32, #tpu.memory_space<vmem>> -> memref<1x32x128xf32, #tpu.memory_space<vmem>>
    %dma_start3A_162 = tpu.memref_squeeze %dma_start3A_161 : memref<1x32x128xf32, #tpu.memory_space<vmem>> -> memref<32x128xf32, #tpu.memory_space<vmem>>
    %dma_start3A_163 = arith.constant 96 : i32
    %dma_start3A_164 = tpu.memref_slice %arg7[%dma_start3A_163, %mul3A_2] : memref<128x4096xf32, #tpu.memory_space<hbm>> -> memref<32x128xf32, #tpu.memory_space<hbm>>
    %dma_start3A_165 = arith.constant 96 : i32
    %dma_start3A_166 = tpu.memref_slice %arg7[%dma_start3A_165, %mul3A_2] : memref<128x4096xf32, #tpu.memory_space<hbm>> -> memref<32x128xf32, #tpu.memory_space<hbm>>
    %dma_start3A_167 = arith.constant 0 : i32
    %dma_start3A_168 = arith.constant 0 : i32
    %dma_start3A_169 = tpu.memref_slice %arg9[%dma_start3A_158, %dma_start3A_167, %dma_start3A_168] : memref<2x32x128xf32, #tpu.memory_space<vmem>> -> memref<1x32x128xf32, #tpu.memory_space<vmem>>
    %dma_start3A_170 = tpu.memref_squeeze %dma_start3A_169 : memref<1x32x128xf32, #tpu.memory_space<vmem>> -> memref<32x128xf32, #tpu.memory_space<vmem>>
    tpu.enqueue_dma source(%dma_start3A_170 : memref<32x128xf32, #tpu.memory_space<vmem>>) target(%dma_start3A_166 : memref<32x128xf32, #tpu.memory_space<hbm>>) target_semaphore(%arg12 : memref<!tpu.dma_semaphore, #tpu.memory_space<semaphore_mem>>)
    %dma_wait3A_171 = arith.constant 0 : i32
    %dma_wait3A_172 = arith.constant 0 : i32
    %dma_wait3A_173 = arith.constant 0 : i32
    %dma_wait3A_174 = tpu.memref_slice %arg9[%dma_wait3A_171, %dma_wait3A_172, %dma_wait3A_173] : memref<2x32x128xf32, #tpu.memory_space<vmem>> -> memref<1x32x128xf32, #tpu.memory_space<vmem>>
    %dma_wait3A_175 = tpu.memref_squeeze %dma_wait3A_174 : memref<1x32x128xf32, #tpu.memory_space<vmem>> -> memref<32x128xf32, #tpu.memory_space<vmem>>
    %dma_wait3A_176 = arith.constant 64 : i32
    %dma_wait3A_177 = tpu.memref_slice %arg7[%dma_wait3A_176, %mul3A_2] : memref<128x4096xf32, #tpu.memory_space<hbm>> -> memref<32x128xf32, #tpu.memory_space<hbm>>
    %dma_wait3A_178 = arith.constant 64 : i32
    %dma_wait3A_179 = tpu.memref_slice %arg7[%dma_wait3A_178, %mul3A_2] : memref<128x4096xf32, #tpu.memory_space<hbm>> -> memref<32x128xf32, #tpu.memory_space<hbm>>
    %dma_wait3A_180 = arith.constant 0 : i32
    %dma_wait3A_181 = arith.constant 0 : i32
    %dma_wait3A_182 = tpu.memref_slice %arg9[%dma_wait3A_171, %dma_wait3A_180, %dma_wait3A_181] : memref<2x32x128xf32, #tpu.memory_space<vmem>> -> memref<1x32x128xf32, #tpu.memory_space<vmem>>
    %dma_wait3A_183 = tpu.memref_squeeze %dma_wait3A_182 : memref<1x32x128xf32, #tpu.memory_space<vmem>> -> memref<32x128xf32, #tpu.memory_space<vmem>>
    tpu.wait_dma2 semaphore(%arg12 : memref<!tpu.dma_semaphore, #tpu.memory_space<semaphore_mem>>) src(%dma_wait3A_183 : memref<32x128xf32, #tpu.memory_space<vmem>>) dst(%dma_wait3A_179 : memref<32x128xf32, #tpu.memory_space<hbm>>)
    %dma_wait3A_184 = arith.constant 1 : i32
    %dma_wait3A_185 = arith.constant 0 : i32
    %dma_wait3A_186 = arith.constant 0 : i32
    %dma_wait3A_187 = tpu.memref_slice %arg9[%dma_wait3A_184, %dma_wait3A_185, %dma_wait3A_186] : memref<2x32x128xf32, #tpu.memory_space<vmem>> -> memref<1x32x128xf32, #tpu.memory_space<vmem>>
    %dma_wait3A_188 = tpu.memref_squeeze %dma_wait3A_187 : memref<1x32x128xf32, #tpu.memory_space<vmem>> -> memref<32x128xf32, #tpu.memory_space<vmem>>
    %dma_wait3A_189 = arith.constant 96 : i32
    %dma_wait3A_190 = tpu.memref_slice %arg7[%dma_wait3A_189, %mul3A_2] : memref<128x4096xf32, #tpu.memory_space<hbm>> -> memref<32x128xf32, #tpu.memory_space<hbm>>
    %dma_wait3A_191 = arith.constant 96 : i32
    %dma_wait3A_192 = tpu.memref_slice %arg7[%dma_wait3A_191, %mul3A_2] : memref<128x4096xf32, #tpu.memory_space<hbm>> -> memref<32x128xf32, #tpu.memory_space<hbm>>
    %dma_wait3A_193 = arith.constant 0 : i32
    %dma_wait3A_194 = arith.constant 0 : i32
    %dma_wait3A_195 = tpu.memref_slice %arg9[%dma_wait3A_184, %dma_wait3A_193, %dma_wait3A_194] : memref<2x32x128xf32, #tpu.memory_space<vmem>> -> memref<1x32x128xf32, #tpu.memory_space<vmem>>
    %dma_wait3A_196 = tpu.memref_squeeze %dma_wait3A_195 : memref<1x32x128xf32, #tpu.memory_space<vmem>> -> memref<32x128xf32, #tpu.memory_space<vmem>>
    tpu.wait_dma2 semaphore(%arg12 : memref<!tpu.dma_semaphore, #tpu.memory_space<semaphore_mem>>) src(%dma_wait3A_196 : memref<32x128xf32, #tpu.memory_space<vmem>>) dst(%dma_wait3A_192 : memref<32x128xf32, #tpu.memory_space<hbm>>)
    return
  }
}

#map = affine_map<(d0, d1) -> (0, 0)>
#map1 = affine_map<(d0, d1) -> (0)>
module attributes {stable_mosaic.version = 14 : i64} {
  func.func @_body(%arg0: i32, %arg1: i32, %arg2: memref<32x100096xf32, #tpu.memory_space<hbm>>, %arg3: memref<32x100096xf32, #tpu.memory_space<hbm>>, %arg4: memref<32x100096xf32, #tpu.memory_space<hbm>>, %arg5: memref<32x100096xf32, #tpu.memory_space<hbm>>, %arg6: memref<16384xi32, #tpu.memory_space<hbm>>, %arg7: memref<128x4096xf32, #tpu.memory_space<hbm>>, %arg8: memref<2x128xi32, #tpu.memory_space<vmem>>, %arg9: memref<2x32x128xf32, #tpu.memory_space<vmem>>, %arg10: memref<!tpu.dma_semaphore, #tpu.memory_space<semaphore_mem>>, %arg11: memref<!tpu.dma_semaphore, #tpu.memory_space<semaphore_mem>>, %arg12: memref<!tpu.dma_semaphore, #tpu.memory_space<semaphore_mem>>) attributes {dimension_semantics = [#tpu.dimension_semantics<core_parallel>, #tpu.dimension_semantics<subcore_parallel>], iteration_bounds = array<i64: 2, 16>, scalar_prefetch = 0 : i64, scratch_operands = 5 : i64, tpu.core_type = #tpu.core_type<sc_vector_subcore>, window_params = [{transform_indices = #map}, {transform_indices = #map}, {transform_indices = #map}, {transform_indices = #map}, {transform_indices = #map1}, {transform_indices = #map}]} {
    %mul3A = arith.constant 2 : i32
    %mul3A_0 = arith.muli %arg1, %mul3A : i32
    %add3A = arith.addi %mul3A_0, %arg0 : i32
    %mul3A_1 = arith.constant 128 : i32
    %mul3A_2 = arith.muli %add3A, %mul3A_1 : i32
    %run_scoped3A = arith.constant 0 : i32
    "tpu.region"() ({
      %run_scoped3A_197 = tpu.sem_alloc : memref<!tpu.dma_semaphore, #tpu.memory_space<semaphore_mem>>
      %dma_start3A_198 = arith.constant 0 : i32
      %dma_start3A_199 = tpu.memref_slice %arg8[%run_scoped3A, %dma_start3A_198] : memref<2x128xi32, #tpu.memory_space<vmem>> -> memref<1x128xi32, #tpu.memory_space<vmem>>
      %dma_start3A_200 = tpu.memref_squeeze %dma_start3A_199 : memref<1x128xi32, #tpu.memory_space<vmem>> -> memref<128xi32, #tpu.memory_space<vmem>>
      %dma_start3A_201 = tpu.memref_slice %arg6[%mul3A_2] : memref<16384xi32, #tpu.memory_space<hbm>> -> memref<128xi32, #tpu.memory_space<hbm>>
      %dma_start3A_202 = arith.constant 0 : i32
      %dma_start3A_203 = tpu.memref_slice %arg8[%run_scoped3A, %dma_start3A_202] : memref<2x128xi32, #tpu.memory_space<vmem>> -> memref<1x128xi32, #tpu.memory_space<vmem>>
      %dma_start3A_204 = tpu.memref_squeeze %dma_start3A_203 : memref<1x128xi32, #tpu.memory_space<vmem>> -> memref<128xi32, #tpu.memory_space<vmem>>
      %dma_start3A_205 = tpu.memref_slice %arg6[%mul3A_2] : memref<16384xi32, #tpu.memory_space<hbm>> -> memref<128xi32, #tpu.memory_space<hbm>>
      tpu.enqueue_dma source(%dma_start3A_205 : memref<128xi32, #tpu.memory_space<hbm>>) target(%dma_start3A_204 : memref<128xi32, #tpu.memory_space<vmem>>) target_semaphore(%run_scoped3A_197 : memref<!tpu.dma_semaphore, #tpu.memory_space<semaphore_mem>>)
      %dma_wait3A_206 = arith.constant 0 : i32
      %dma_wait3A_207 = tpu.memref_slice %arg8[%run_scoped3A, %dma_wait3A_206] : memref<2x128xi32, #tpu.memory_space<vmem>> -> memref<1x128xi32, #tpu.memory_space<vmem>>
      %dma_wait3A_208 = tpu.memref_squeeze %dma_wait3A_207 : memref<1x128xi32, #tpu.memory_space<vmem>> -> memref<128xi32, #tpu.memory_space<vmem>>
      %dma_wait3A_209 = tpu.memref_slice %arg6[%mul3A_2] : memref<16384xi32, #tpu.memory_space<hbm>> -> memref<128xi32, #tpu.memory_space<hbm>>
      %dma_wait3A_210 = arith.constant 0 : i32
      %dma_wait3A_211 = tpu.memref_slice %arg8[%run_scoped3A, %dma_wait3A_210] : memref<2x128xi32, #tpu.memory_space<vmem>> -> memref<1x128xi32, #tpu.memory_space<vmem>>
      %dma_wait3A_212 = tpu.memref_squeeze %dma_wait3A_211 : memref<1x128xi32, #tpu.memory_space<vmem>> -> memref<128xi32, #tpu.memory_space<vmem>>
      %dma_wait3A_213 = tpu.memref_slice %arg6[%mul3A_2] : memref<16384xi32, #tpu.memory_space<hbm>> -> memref<128xi32, #tpu.memory_space<hbm>>
      tpu.wait_dma2 semaphore(%run_scoped3A_197 : memref<!tpu.dma_semaphore, #tpu.memory_space<semaphore_mem>>) src(%dma_wait3A_213 : memref<128xi32, #tpu.memory_space<hbm>>) dst(%dma_wait3A_212 : memref<128xi32, #tpu.memory_space<vmem>>)
      tpu.yield
    }) : () -> ()
    %scan3A = arith.constant 0 : i32
    %scan3A_3 = arith.constant 0 : i32
    %scan3A_4 = arith.constant 0 : i32
    %scan3A_5 = arith.constant 32 : i32
    %scan3A_6 = arith.addi %scan3A_4, %scan3A_5 : i32
    %scan3A_7 = arith.constant 1 : i32
    %scan3A_8 = scf.for %scan3A_197 = %scan3A_4 to %scan3A_6 step %scan3A_7 iter_args(%scan3A_198 = %scan3A_3) -> (i32)  : i32 {
      %dma_start3A_199 = arith.constant 0 : i32
      %dma_start3A_200 = arith.constant 0 : i32
      %dma_start3A_201 = arith.constant 0 : i32
      %dma_start3A_202 = tpu.memref_slice %arg9[%scan3A, %dma_start3A_200, %dma_start3A_201] : memref<2x32x128xf32, #tpu.memory_space<vmem>> -> memref<1x32x128xf32, #tpu.memory_space<vmem>>
      %dma_start3A_203 = tpu.memref_squeeze %dma_start3A_202 : memref<1x32x128xf32, #tpu.memory_space<vmem>> -> memref<32x128xf32, #tpu.memory_space<vmem>>
      %dma_start3A_204 = arith.constant 0 : i32
      %dma_start3A_205 = tpu.memref_slice %dma_start3A_203[%scan3A_197, %dma_start3A_204] : memref<32x128xf32, #tpu.memory_space<vmem>> -> memref<1x128xf32, #tpu.memory_space<vmem>>
      %dma_start3A_206 = tpu.memref_squeeze %dma_start3A_205 : memref<1x128xf32, #tpu.memory_space<vmem>> -> memref<128xf32, #tpu.memory_space<vmem>>
      %dma_start3A_207 = arith.constant 0 : i32
      %dma_start3A_208 = tpu.memref_slice %arg8[%dma_start3A_199, %dma_start3A_207] : memref<2x128xi32, #tpu.memory_space<vmem>> -> memref<1x128xi32, #tpu.memory_space<vmem>>
      %dma_start3A_209 = tpu.memref_squeeze %dma_start3A_208 : memref<1x128xi32, #tpu.memory_space<vmem>> -> memref<128xi32, #tpu.memory_space<vmem>>
      %dma_start3A_210 = arith.constant 0 : i32
      %dma_start3A_211 = tpu.memref_slice %arg2[%scan3A_197, %dma_start3A_210] : memref<32x100096xf32, #tpu.memory_space<hbm>> -> memref<1x100096xf32, #tpu.memory_space<hbm>>
      %dma_start3A_212 = tpu.memref_squeeze %dma_start3A_211 : memref<1x100096xf32, #tpu.memory_space<hbm>> -> memref<100096xf32, #tpu.memory_space<hbm>>
      %dma_start3A_213 = arith.constant 0 : i32
      %dma_start3A_214 = tpu.memref_slice %dma_start3A_212[%dma_start3A_213] : memref<100096xf32, #tpu.memory_space<hbm>> -> memref<100096xf32, #tpu.memory_space<hbm>>
      tpu.enqueue_indirect_dma source(%dma_start3A_214 : memref<100096xf32, #tpu.memory_space<hbm>>) target(%dma_start3A_206 : memref<128xf32, #tpu.memory_space<vmem>>) offsets(%dma_start3A_209 : memref<128xi32, #tpu.memory_space<vmem>>) semaphore(%arg10 : memref<!tpu.dma_semaphore, #tpu.memory_space<semaphore_mem>>)
      %scan3A_215 = arith.constant 0 : i32
      scf.yield %scan3A_215 : i32
    }
    %scan3A_9 = arith.constant 32 : i32
    %add3A_10 = arith.constant 4096 : i32
    %add3A_11 = arith.addi %add3A_10, %mul3A_2 : i32
    %run_scoped3A_12 = arith.constant 1 : i32
    "tpu.region"() ({
      %run_scoped3A_197 = tpu.sem_alloc : memref<!tpu.dma_semaphore, #tpu.memory_space<semaphore_mem>>
      %dma_start3A_198 = arith.constant 0 : i32
      %dma_start3A_199 = tpu.memref_slice %arg8[%run_scoped3A_12, %dma_start3A_198] : memref<2x128xi32, #tpu.memory_space<vmem>> -> memref<1x128xi32, #tpu.memory_space<vmem>>
      %dma_start3A_200 = tpu.memref_squeeze %dma_start3A_199 : memref<1x128xi32, #tpu.memory_space<vmem>> -> memref<128xi32, #tpu.memory_space<vmem>>
      %dma_start3A_201 = tpu.memref_slice %arg6[%add3A_11] : memref<16384xi32, #tpu.memory_space<hbm>> -> memref<128xi32, #tpu.memory_space<hbm>>
      %dma_start3A_202 = arith.constant 0 : i32
      %dma_start3A_203 = tpu.memref_slice %arg8[%run_scoped3A_12, %dma_start3A_202] : memref<2x128xi32, #tpu.memory_space<vmem>> -> memref<1x128xi32, #tpu.memory_space<vmem>>
      %dma_start3A_204 = tpu.memref_squeeze %dma_start3A_203 : memref<1x128xi32, #tpu.memory_space<vmem>> -> memref<128xi32, #tpu.memory_space<vmem>>
      %dma_start3A_205 = tpu.memref_slice %arg6[%add3A_11] : memref<16384xi32, #tpu.memory_space<hbm>> -> memref<128xi32, #tpu.memory_space<hbm>>
      tpu.enqueue_dma source(%dma_start3A_205 : memref<128xi32, #tpu.memory_space<hbm>>) target(%dma_start3A_204 : memref<128xi32, #tpu.memory_space<vmem>>) target_semaphore(%run_scoped3A_197 : memref<!tpu.dma_semaphore, #tpu.memory_space<semaphore_mem>>)
      %dma_wait3A_206 = arith.constant 0 : i32
      %dma_wait3A_207 = tpu.memref_slice %arg8[%run_scoped3A_12, %dma_wait3A_206] : memref<2x128xi32, #tpu.memory_space<vmem>> -> memref<1x128xi32, #tpu.memory_space<vmem>>
      %dma_wait3A_208 = tpu.memref_squeeze %dma_wait3A_207 : memref<1x128xi32, #tpu.memory_space<vmem>> -> memref<128xi32, #tpu.memory_space<vmem>>
      %dma_wait3A_209 = tpu.memref_slice %arg6[%add3A_11] : memref<16384xi32, #tpu.memory_space<hbm>> -> memref<128xi32, #tpu.memory_space<hbm>>
      %dma_wait3A_210 = arith.constant 0 : i32
      %dma_wait3A_211 = tpu.memref_slice %arg8[%run_scoped3A_12, %dma_wait3A_210] : memref<2x128xi32, #tpu.memory_space<vmem>> -> memref<1x128xi32, #tpu.memory_space<vmem>>
      %dma_wait3A_212 = tpu.memref_squeeze %dma_wait3A_211 : memref<1x128xi32, #tpu.memory_space<vmem>> -> memref<128xi32, #tpu.memory_space<vmem>>
      %dma_wait3A_213 = tpu.memref_slice %arg6[%add3A_11] : memref<16384xi32, #tpu.memory_space<hbm>> -> memref<128xi32, #tpu.memory_space<hbm>>
      tpu.wait_dma2 semaphore(%run_scoped3A_197 : memref<!tpu.dma_semaphore, #tpu.memory_space<semaphore_mem>>) src(%dma_wait3A_213 : memref<128xi32, #tpu.memory_space<hbm>>) dst(%dma_wait3A_212 : memref<128xi32, #tpu.memory_space<vmem>>)
      tpu.yield
    }) : () -> ()
    %scan3A_13 = arith.constant 1 : i32
    %scan3A_14 = arith.constant 0 : i32
    %scan3A_15 = arith.constant 0 : i32
    %scan3A_16 = arith.constant 32 : i32
    %scan3A_17 = arith.addi %scan3A_15, %scan3A_16 : i32
    %scan3A_18 = arith.constant 1 : i32
    %scan3A_19 = scf.for %scan3A_197 = %scan3A_15 to %scan3A_17 step %scan3A_18 iter_args(%scan3A_198 = %scan3A_14) -> (i32)  : i32 {
      %dma_start3A_199 = arith.constant 1 : i32
      %dma_start3A_200 = arith.constant 0 : i32
      %dma_start3A_201 = arith.constant 0 : i32
      %dma_start3A_202 = tpu.memref_slice %arg9[%scan3A_13, %dma_start3A_200, %dma_start3A_201] : memref<2x32x128xf32, #tpu.memory_space<vmem>> -> memref<1x32x128xf32, #tpu.memory_space<vmem>>
      %dma_start3A_203 = tpu.memref_squeeze %dma_start3A_202 : memref<1x32x128xf32, #tpu.memory_space<vmem>> -> memref<32x128xf32, #tpu.memory_space<vmem>>
      %dma_start3A_204 = arith.constant 0 : i32
      %dma_start3A_205 = tpu.memref_slice %dma_start3A_203[%scan3A_197, %dma_start3A_204] : memref<32x128xf32, #tpu.memory_space<vmem>> -> memref<1x128xf32, #tpu.memory_space<vmem>>
      %dma_start3A_206 = tpu.memref_squeeze %dma_start3A_205 : memref<1x128xf32, #tpu.memory_space<vmem>> -> memref<128xf32, #tpu.memory_space<vmem>>
      %dma_start3A_207 = arith.constant 0 : i32
      %dma_start3A_208 = tpu.memref_slice %arg8[%dma_start3A_199, %dma_start3A_207] : memref<2x128xi32, #tpu.memory_space<vmem>> -> memref<1x128xi32, #tpu.memory_space<vmem>>
      %dma_start3A_209 = tpu.memref_squeeze %dma_start3A_208 : memref<1x128xi32, #tpu.memory_space<vmem>> -> memref<128xi32, #tpu.memory_space<vmem>>
      %dma_start3A_210 = arith.constant 0 : i32
      %dma_start3A_211 = tpu.memref_slice %arg3[%scan3A_197, %dma_start3A_210] : memref<32x100096xf32, #tpu.memory_space<hbm>> -> memref<1x100096xf32, #tpu.memory_space<hbm>>
      %dma_start3A_212 = tpu.memref_squeeze %dma_start3A_211 : memref<1x100096xf32, #tpu.memory_space<hbm>> -> memref<100096xf32, #tpu.memory_space<hbm>>
      %dma_start3A_213 = arith.constant 0 : i32
      %dma_start3A_214 = tpu.memref_slice %dma_start3A_212[%dma_start3A_213] : memref<100096xf32, #tpu.memory_space<hbm>> -> memref<100096xf32, #tpu.memory_space<hbm>>
      tpu.enqueue_indirect_dma source(%dma_start3A_214 : memref<100096xf32, #tpu.memory_space<hbm>>) target(%dma_start3A_206 : memref<128xf32, #tpu.memory_space<vmem>>) offsets(%dma_start3A_209 : memref<128xi32, #tpu.memory_space<vmem>>) semaphore(%arg11 : memref<!tpu.dma_semaphore, #tpu.memory_space<semaphore_mem>>)
      %scan3A_215 = arith.constant 0 : i32
      scf.yield %scan3A_215 : i32
    }
    %scan3A_20 = arith.constant 32 : i32
    %dma_wait3A = arith.constant 0 : i32
    %dma_wait3A_21 = arith.constant 0 : i32
    %dma_wait3A_22 = arith.constant 0 : i32
    %dma_wait3A_23 = tpu.memref_slice %arg9[%dma_wait3A, %dma_wait3A_21, %dma_wait3A_22] : memref<2x32x128xf32, #tpu.memory_space<vmem>> -> memref<1x32x128xf32, #tpu.memory_space<vmem>>
    %dma_wait3A_24 = tpu.memref_squeeze %dma_wait3A_23 : memref<1x32x128xf32, #tpu.memory_space<vmem>> -> memref<32x128xf32, #tpu.memory_space<vmem>>
    %dma_wait3A_25 = arith.constant 0 : i32
    %dma_wait3A_26 = tpu.memref_slice %arg6[%dma_wait3A_25] : memref<16384xi32, #tpu.memory_space<hbm>> -> memref<4096xi32, #tpu.memory_space<hbm>>
    %dma_wait3A_27 = arith.constant 0 : i32
    %dma_wait3A_28 = arith.constant 0 : i32
    %dma_wait3A_29 = tpu.memref_slice %arg9[%dma_wait3A, %dma_wait3A_27, %dma_wait3A_28] : memref<2x32x128xf32, #tpu.memory_space<vmem>> -> memref<1x32x128xf32, #tpu.memory_space<vmem>>
    %dma_wait3A_30 = tpu.memref_squeeze %dma_wait3A_29 : memref<1x32x128xf32, #tpu.memory_space<vmem>> -> memref<32x128xf32, #tpu.memory_space<vmem>>
    %dma_wait3A_31 = arith.constant 0 : i32
    %dma_wait3A_32 = tpu.memref_slice %arg6[%dma_wait3A_31] : memref<16384xi32, #tpu.memory_space<hbm>> -> memref<4096xi32, #tpu.memory_space<hbm>>
    tpu.wait_dma2 semaphore(%arg10 : memref<!tpu.dma_semaphore, #tpu.memory_space<semaphore_mem>>) src(%dma_wait3A_32 : memref<4096xi32, #tpu.memory_space<hbm>>) dst(%dma_wait3A_30 : memref<32x128xf32, #tpu.memory_space<vmem>>)
    %dma_start3A = arith.constant 0 : i32
    %dma_start3A_33 = arith.constant 0 : i32
    %dma_start3A_34 = arith.constant 0 : i32
    %dma_start3A_35 = tpu.memref_slice %arg9[%dma_start3A, %dma_start3A_33, %dma_start3A_34] : memref<2x32x128xf32, #tpu.memory_space<vmem>> -> memref<1x32x128xf32, #tpu.memory_space<vmem>>
    %dma_start3A_36 = tpu.memref_squeeze %dma_start3A_35 : memref<1x32x128xf32, #tpu.memory_space<vmem>> -> memref<32x128xf32, #tpu.memory_space<vmem>>
    %dma_start3A_37 = arith.constant 0 : i32
    %dma_start3A_38 = tpu.memref_slice %arg7[%dma_start3A_37, %mul3A_2] : memref<128x4096xf32, #tpu.memory_space<hbm>> -> memref<32x128xf32, #tpu.memory_space<hbm>>
    %dma_start3A_39 = arith.constant 0 : i32
    %dma_start3A_40 = tpu.memref_slice %arg7[%dma_start3A_39, %mul3A_2] : memref<128x4096xf32, #tpu.memory_space<hbm>> -> memref<32x128xf32, #tpu.memory_space<hbm>>
    %dma_start3A_41 = arith.constant 0 : i32
    %dma_start3A_42 = arith.constant 0 : i32
    %dma_start3A_43 = tpu.memref_slice %arg9[%dma_start3A, %dma_start3A_41, %dma_start3A_42] : memref<2x32x128xf32, #tpu.memory_space<vmem>> -> memref<1x32x128xf32, #tpu.memory_space<vmem>>
    %dma_start3A_44 = tpu.memref_squeeze %dma_start3A_43 : memref<1x32x128xf32, #tpu.memory_space<vmem>> -> memref<32x128xf32, #tpu.memory_space<vmem>>
    tpu.enqueue_dma source(%dma_start3A_44 : memref<32x128xf32, #tpu.memory_space<vmem>>) target(%dma_start3A_40 : memref<32x128xf32, #tpu.memory_space<hbm>>) target_semaphore(%arg12 : memref<!tpu.dma_semaphore, #tpu.memory_space<semaphore_mem>>)
    %add3A_45 = arith.constant 8192 : i32
    %add3A_46 = arith.addi %add3A_45, %mul3A_2 : i32
    %run_scoped3A_47 = arith.constant 0 : i32
    "tpu.region"() ({
      %run_scoped3A_197 = tpu.sem_alloc : memref<!tpu.dma_semaphore, #tpu.memory_space<semaphore_mem>>
      %dma_start3A_198 = arith.constant 0 : i32
      %dma_start3A_199 = tpu.memref_slice %arg8[%run_scoped3A_47, %dma_start3A_198] : memref<2x128xi32, #tpu.memory_space<vmem>> -> memref<1x128xi32, #tpu.memory_space<vmem>>
      %dma_start3A_200 = tpu.memref_squeeze %dma_start3A_199 : memref<1x128xi32, #tpu.memory_space<vmem>> -> memref<128xi32, #tpu.memory_space<vmem>>
      %dma_start3A_201 = tpu.memref_slice %arg6[%add3A_46] : memref<16384xi32, #tpu.memory_space<hbm>> -> memref<128xi32, #tpu.memory_space<hbm>>
      %dma_start3A_202 = arith.constant 0 : i32
      %dma_start3A_203 = tpu.memref_slice %arg8[%run_scoped3A_47, %dma_start3A_202] : memref<2x128xi32, #tpu.memory_space<vmem>> -> memref<1x128xi32, #tpu.memory_space<vmem>>
      %dma_start3A_204 = tpu.memref_squeeze %dma_start3A_203 : memref<1x128xi32, #tpu.memory_space<vmem>> -> memref<128xi32, #tpu.memory_space<vmem>>
      %dma_start3A_205 = tpu.memref_slice %arg6[%add3A_46] : memref<16384xi32, #tpu.memory_space<hbm>> -> memref<128xi32, #tpu.memory_space<hbm>>
      tpu.enqueue_dma source(%dma_start3A_205 : memref<128xi32, #tpu.memory_space<hbm>>) target(%dma_start3A_204 : memref<128xi32, #tpu.memory_space<vmem>>) target_semaphore(%run_scoped3A_197 : memref<!tpu.dma_semaphore, #tpu.memory_space<semaphore_mem>>)
      %dma_wait3A_206 = arith.constant 0 : i32
      %dma_wait3A_207 = tpu.memref_slice %arg8[%run_scoped3A_47, %dma_wait3A_206] : memref<2x128xi32, #tpu.memory_space<vmem>> -> memref<1x128xi32, #tpu.memory_space<vmem>>
      %dma_wait3A_208 = tpu.memref_squeeze %dma_wait3A_207 : memref<1x128xi32, #tpu.memory_space<vmem>> -> memref<128xi32, #tpu.memory_space<vmem>>
      %dma_wait3A_209 = tpu.memref_slice %arg6[%add3A_46] : memref<16384xi32, #tpu.memory_space<hbm>> -> memref<128xi32, #tpu.memory_space<hbm>>
      %dma_wait3A_210 = arith.constant 0 : i32
      %dma_wait3A_211 = tpu.memref_slice %arg8[%run_scoped3A_47, %dma_wait3A_210] : memref<2x128xi32, #tpu.memory_space<vmem>> -> memref<1x128xi32, #tpu.memory_space<vmem>>
      %dma_wait3A_212 = tpu.memref_squeeze %dma_wait3A_211 : memref<1x128xi32, #tpu.memory_space<vmem>> -> memref<128xi32, #tpu.memory_space<vmem>>
      %dma_wait3A_213 = tpu.memref_slice %arg6[%add3A_46] : memref<16384xi32, #tpu.memory_space<hbm>> -> memref<128xi32, #tpu.memory_space<hbm>>
      tpu.wait_dma2 semaphore(%run_scoped3A_197 : memref<!tpu.dma_semaphore, #tpu.memory_space<semaphore_mem>>) src(%dma_wait3A_213 : memref<128xi32, #tpu.memory_space<hbm>>) dst(%dma_wait3A_212 : memref<128xi32, #tpu.memory_space<vmem>>)
      tpu.yield
    }) : () -> ()
    %dma_wait3A_48 = arith.constant 0 : i32
    %dma_wait3A_49 = arith.constant 0 : i32
    %dma_wait3A_50 = arith.constant 0 : i32
    %dma_wait3A_51 = tpu.memref_slice %arg9[%dma_wait3A_48, %dma_wait3A_49, %dma_wait3A_50] : memref<2x32x128xf32, #tpu.memory_space<vmem>> -> memref<1x32x128xf32, #tpu.memory_space<vmem>>
    %dma_wait3A_52 = tpu.memref_squeeze %dma_wait3A_51 : memref<1x32x128xf32, #tpu.memory_space<vmem>> -> memref<32x128xf32, #tpu.memory_space<vmem>>
    %dma_wait3A_53 = arith.constant 0 : i32
    %dma_wait3A_54 = tpu.memref_slice %arg7[%dma_wait3A_53, %mul3A_2] : memref<128x4096xf32, #tpu.memory_space<hbm>> -> memref<32x128xf32, #tpu.memory_space<hbm>>
    %dma_wait3A_55 = arith.constant 0 : i32
    %dma_wait3A_56 = tpu.memref_slice %arg7[%dma_wait3A_55, %mul3A_2] : memref<128x4096xf32, #tpu.memory_space<hbm>> -> memref<32x128xf32, #tpu.memory_space<hbm>>
    %dma_wait3A_57 = arith.constant 0 : i32
    %dma_wait3A_58 = arith.constant 0 : i32
    %dma_wait3A_59 = tpu.memref_slice %arg9[%dma_wait3A_48, %dma_wait3A_57, %dma_wait3A_58] : memref<2x32x128xf32, #tpu.memory_space<vmem>> -> memref<1x32x128xf32, #tpu.memory_space<vmem>>
    %dma_wait3A_60 = tpu.memref_squeeze %dma_wait3A_59 : memref<1x32x128xf32, #tpu.memory_space<vmem>> -> memref<32x128xf32, #tpu.memory_space<vmem>>
    tpu.wait_dma2 semaphore(%arg12 : memref<!tpu.dma_semaphore, #tpu.memory_space<semaphore_mem>>) src(%dma_wait3A_60 : memref<32x128xf32, #tpu.memory_space<vmem>>) dst(%dma_wait3A_56 : memref<32x128xf32, #tpu.memory_space<hbm>>)
    %scan3A_61 = arith.constant 0 : i32
    %scan3A_62 = arith.constant 0 : i32
    %scan3A_63 = arith.constant 0 : i32
    %scan3A_64 = arith.constant 32 : i32
    %scan3A_65 = arith.addi %scan3A_63, %scan3A_64 : i32
    %scan3A_66 = arith.constant 1 : i32
    %scan3A_67 = scf.for %scan3A_197 = %scan3A_63 to %scan3A_65 step %scan3A_66 iter_args(%scan3A_198 = %scan3A_62) -> (i32)  : i32 {
      %dma_start3A_199 = arith.constant 0 : i32
      %dma_start3A_200 = arith.constant 0 : i32
      %dma_start3A_201 = arith.constant 0 : i32
      %dma_start3A_202 = tpu.memref_slice %arg9[%scan3A_61, %dma_start3A_200, %dma_start3A_201] : memref<2x32x128xf32, #tpu.memory_space<vmem>> -> memref<1x32x128xf32, #tpu.memory_space<vmem>>
      %dma_start3A_203 = tpu.memref_squeeze %dma_start3A_202 : memref<1x32x128xf32, #tpu.memory_space<vmem>> -> memref<32x128xf32, #tpu.memory_space<vmem>>
      %dma_start3A_204 = arith.constant 0 : i32
      %dma_start3A_205 = tpu.memref_slice %dma_start3A_203[%scan3A_197, %dma_start3A_204] : memref<32x128xf32, #tpu.memory_space<vmem>> -> memref<1x128xf32, #tpu.memory_space<vmem>>
      %dma_start3A_206 = tpu.memref_squeeze %dma_start3A_205 : memref<1x128xf32, #tpu.memory_space<vmem>> -> memref<128xf32, #tpu.memory_space<vmem>>
      %dma_start3A_207 = arith.constant 0 : i32
      %dma_start3A_208 = tpu.memref_slice %arg8[%dma_start3A_199, %dma_start3A_207] : memref<2x128xi32, #tpu.memory_space<vmem>> -> memref<1x128xi32, #tpu.memory_space<vmem>>
      %dma_start3A_209 = tpu.memref_squeeze %dma_start3A_208 : memref<1x128xi32, #tpu.memory_space<vmem>> -> memref<128xi32, #tpu.memory_space<vmem>>
      %dma_start3A_210 = arith.constant 0 : i32
      %dma_start3A_211 = tpu.memref_slice %arg4[%scan3A_197, %dma_start3A_210] : memref<32x100096xf32, #tpu.memory_space<hbm>> -> memref<1x100096xf32, #tpu.memory_space<hbm>>
      %dma_start3A_212 = tpu.memref_squeeze %dma_start3A_211 : memref<1x100096xf32, #tpu.memory_space<hbm>> -> memref<100096xf32, #tpu.memory_space<hbm>>
      %dma_start3A_213 = arith.constant 0 : i32
      %dma_start3A_214 = tpu.memref_slice %dma_start3A_212[%dma_start3A_213] : memref<100096xf32, #tpu.memory_space<hbm>> -> memref<100096xf32, #tpu.memory_space<hbm>>
      tpu.enqueue_indirect_dma source(%dma_start3A_214 : memref<100096xf32, #tpu.memory_space<hbm>>) target(%dma_start3A_206 : memref<128xf32, #tpu.memory_space<vmem>>) offsets(%dma_start3A_209 : memref<128xi32, #tpu.memory_space<vmem>>) semaphore(%arg10 : memref<!tpu.dma_semaphore, #tpu.memory_space<semaphore_mem>>)
      %scan3A_215 = arith.constant 0 : i32
      scf.yield %scan3A_215 : i32
    }
    %scan3A_68 = arith.constant 32 : i32
    %dma_wait3A_69 = arith.constant 1 : i32
    %dma_wait3A_70 = arith.constant 0 : i32
    %dma_wait3A_71 = arith.constant 0 : i32
    %dma_wait3A_72 = tpu.memref_slice %arg9[%dma_wait3A_69, %dma_wait3A_70, %dma_wait3A_71] : memref<2x32x128xf32, #tpu.memory_space<vmem>> -> memref<1x32x128xf32, #tpu.memory_space<vmem>>
    %dma_wait3A_73 = tpu.memref_squeeze %dma_wait3A_72 : memref<1x32x128xf32, #tpu.memory_space<vmem>> -> memref<32x128xf32, #tpu.memory_space<vmem>>
    %dma_wait3A_74 = arith.constant 0 : i32
    %dma_wait3A_75 = tpu.memref_slice %arg6[%dma_wait3A_74] : memref<16384xi32, #tpu.memory_space<hbm>> -> memref<4096xi32, #tpu.memory_space<hbm>>
    %dma_wait3A_76 = arith.constant 0 : i32
    %dma_wait3A_77 = arith.constant 0 : i32
    %dma_wait3A_78 = tpu.memref_slice %arg9[%dma_wait3A_69, %dma_wait3A_76, %dma_wait3A_77] : memref<2x32x128xf32, #tpu.memory_space<vmem>> -> memref<1x32x128xf32, #tpu.memory_space<vmem>>
    %dma_wait3A_79 = tpu.memref_squeeze %dma_wait3A_78 : memref<1x32x128xf32, #tpu.memory_space<vmem>> -> memref<32x128xf32, #tpu.memory_space<vmem>>
    %dma_wait3A_80 = arith.constant 0 : i32
    %dma_wait3A_81 = tpu.memref_slice %arg6[%dma_wait3A_80] : memref<16384xi32, #tpu.memory_space<hbm>> -> memref<4096xi32, #tpu.memory_space<hbm>>
    tpu.wait_dma2 semaphore(%arg11 : memref<!tpu.dma_semaphore, #tpu.memory_space<semaphore_mem>>) src(%dma_wait3A_81 : memref<4096xi32, #tpu.memory_space<hbm>>) dst(%dma_wait3A_79 : memref<32x128xf32, #tpu.memory_space<vmem>>)
    %dma_start3A_82 = arith.constant 1 : i32
    %dma_start3A_83 = arith.constant 0 : i32
    %dma_start3A_84 = arith.constant 0 : i32
    %dma_start3A_85 = tpu.memref_slice %arg9[%dma_start3A_82, %dma_start3A_83, %dma_start3A_84] : memref<2x32x128xf32, #tpu.memory_space<vmem>> -> memref<1x32x128xf32, #tpu.memory_space<vmem>>
    %dma_start3A_86 = tpu.memref_squeeze %dma_start3A_85 : memref<1x32x128xf32, #tpu.memory_space<vmem>> -> memref<32x128xf32, #tpu.memory_space<vmem>>
    %dma_start3A_87 = arith.constant 32 : i32
    %dma_start3A_88 = tpu.memref_slice %arg7[%dma_start3A_87, %mul3A_2] : memref<128x4096xf32, #tpu.memory_space<hbm>> -> memref<32x128xf32, #tpu.memory_space<hbm>>
    %dma_start3A_89 = arith.constant 32 : i32
    %dma_start3A_90 = tpu.memref_slice %arg7[%dma_start3A_89, %mul3A_2] : memref<128x4096xf32, #tpu.memory_space<hbm>> -> memref<32x128xf32, #tpu.memory_space<hbm>>
    %dma_start3A_91 = arith.constant 0 : i32
    %dma_start3A_92 = arith.constant 0 : i32
    %dma_start3A_93 = tpu.memref_slice %arg9[%dma_start3A_82, %dma_start3A_91, %dma_start3A_92] : memref<2x32x128xf32, #tpu.memory_space<vmem>> -> memref<1x32x128xf32, #tpu.memory_space<vmem>>
    %dma_start3A_94 = tpu.memref_squeeze %dma_start3A_93 : memref<1x32x128xf32, #tpu.memory_space<vmem>> -> memref<32x128xf32, #tpu.memory_space<vmem>>
    tpu.enqueue_dma source(%dma_start3A_94 : memref<32x128xf32, #tpu.memory_space<vmem>>) target(%dma_start3A_90 : memref<32x128xf32, #tpu.memory_space<hbm>>) target_semaphore(%arg12 : memref<!tpu.dma_semaphore, #tpu.memory_space<semaphore_mem>>)
    %add3A_95 = arith.constant 12288 : i32
    %add3A_96 = arith.addi %add3A_95, %mul3A_2 : i32
    %run_scoped3A_97 = arith.constant 1 : i32
    "tpu.region"() ({
      %run_scoped3A_197 = tpu.sem_alloc : memref<!tpu.dma_semaphore, #tpu.memory_space<semaphore_mem>>
      %dma_start3A_198 = arith.constant 0 : i32
      %dma_start3A_199 = tpu.memref_slice %arg8[%run_scoped3A_97, %dma_start3A_198] : memref<2x128xi32, #tpu.memory_space<vmem>> -> memref<1x128xi32, #tpu.memory_space<vmem>>
      %dma_start3A_200 = tpu.memref_squeeze %dma_start3A_199 : memref<1x128xi32, #tpu.memory_space<vmem>> -> memref<128xi32, #tpu.memory_space<vmem>>
      %dma_start3A_201 = tpu.memref_slice %arg6[%add3A_96] : memref<16384xi32, #tpu.memory_space<hbm>> -> memref<128xi32, #tpu.memory_space<hbm>>
      %dma_start3A_202 = arith.constant 0 : i32
      %dma_start3A_203 = tpu.memref_slice %arg8[%run_scoped3A_97, %dma_start3A_202] : memref<2x128xi32, #tpu.memory_space<vmem>> -> memref<1x128xi32, #tpu.memory_space<vmem>>
      %dma_start3A_204 = tpu.memref_squeeze %dma_start3A_203 : memref<1x128xi32, #tpu.memory_space<vmem>> -> memref<128xi32, #tpu.memory_space<vmem>>
      %dma_start3A_205 = tpu.memref_slice %arg6[%add3A_96] : memref<16384xi32, #tpu.memory_space<hbm>> -> memref<128xi32, #tpu.memory_space<hbm>>
      tpu.enqueue_dma source(%dma_start3A_205 : memref<128xi32, #tpu.memory_space<hbm>>) target(%dma_start3A_204 : memref<128xi32, #tpu.memory_space<vmem>>) target_semaphore(%run_scoped3A_197 : memref<!tpu.dma_semaphore, #tpu.memory_space<semaphore_mem>>)
      %dma_wait3A_206 = arith.constant 0 : i32
      %dma_wait3A_207 = tpu.memref_slice %arg8[%run_scoped3A_97, %dma_wait3A_206] : memref<2x128xi32, #tpu.memory_space<vmem>> -> memref<1x128xi32, #tpu.memory_space<vmem>>
      %dma_wait3A_208 = tpu.memref_squeeze %dma_wait3A_207 : memref<1x128xi32, #tpu.memory_space<vmem>> -> memref<128xi32, #tpu.memory_space<vmem>>
      %dma_wait3A_209 = tpu.memref_slice %arg6[%add3A_96] : memref<16384xi32, #tpu.memory_space<hbm>> -> memref<128xi32, #tpu.memory_space<hbm>>
      %dma_wait3A_210 = arith.constant 0 : i32
      %dma_wait3A_211 = tpu.memref_slice %arg8[%run_scoped3A_97, %dma_wait3A_210] : memref<2x128xi32, #tpu.memory_space<vmem>> -> memref<1x128xi32, #tpu.memory_space<vmem>>
      %dma_wait3A_212 = tpu.memref_squeeze %dma_wait3A_211 : memref<1x128xi32, #tpu.memory_space<vmem>> -> memref<128xi32, #tpu.memory_space<vmem>>
      %dma_wait3A_213 = tpu.memref_slice %arg6[%add3A_96] : memref<16384xi32, #tpu.memory_space<hbm>> -> memref<128xi32, #tpu.memory_space<hbm>>
      tpu.wait_dma2 semaphore(%run_scoped3A_197 : memref<!tpu.dma_semaphore, #tpu.memory_space<semaphore_mem>>) src(%dma_wait3A_213 : memref<128xi32, #tpu.memory_space<hbm>>) dst(%dma_wait3A_212 : memref<128xi32, #tpu.memory_space<vmem>>)
      tpu.yield
    }) : () -> ()
    %dma_wait3A_98 = arith.constant 1 : i32
    %dma_wait3A_99 = arith.constant 0 : i32
    %dma_wait3A_100 = arith.constant 0 : i32
    %dma_wait3A_101 = tpu.memref_slice %arg9[%dma_wait3A_98, %dma_wait3A_99, %dma_wait3A_100] : memref<2x32x128xf32, #tpu.memory_space<vmem>> -> memref<1x32x128xf32, #tpu.memory_space<vmem>>
    %dma_wait3A_102 = tpu.memref_squeeze %dma_wait3A_101 : memref<1x32x128xf32, #tpu.memory_space<vmem>> -> memref<32x128xf32, #tpu.memory_space<vmem>>
    %dma_wait3A_103 = arith.constant 32 : i32
    %dma_wait3A_104 = tpu.memref_slice %arg7[%dma_wait3A_103, %mul3A_2] : memref<128x4096xf32, #tpu.memory_space<hbm>> -> memref<32x128xf32, #tpu.memory_space<hbm>>
    %dma_wait3A_105 = arith.constant 32 : i32
    %dma_wait3A_106 = tpu.memref_slice %arg7[%dma_wait3A_105, %mul3A_2] : memref<128x4096xf32, #tpu.memory_space<hbm>> -> memref<32x128xf32, #tpu.memory_space<hbm>>
    %dma_wait3A_107 = arith.constant 0 : i32
    %dma_wait3A_108 = arith.constant 0 : i32
    %dma_wait3A_109 = tpu.memref_slice %arg9[%dma_wait3A_98, %dma_wait3A_107, %dma_wait3A_108] : memref<2x32x128xf32, #tpu.memory_space<vmem>> -> memref<1x32x128xf32, #tpu.memory_space<vmem>>
    %dma_wait3A_110 = tpu.memref_squeeze %dma_wait3A_109 : memref<1x32x128xf32, #tpu.memory_space<vmem>> -> memref<32x128xf32, #tpu.memory_space<vmem>>
    tpu.wait_dma2 semaphore(%arg12 : memref<!tpu.dma_semaphore, #tpu.memory_space<semaphore_mem>>) src(%dma_wait3A_110 : memref<32x128xf32, #tpu.memory_space<vmem>>) dst(%dma_wait3A_106 : memref<32x128xf32, #tpu.memory_space<hbm>>)
    %scan3A_111 = arith.constant 1 : i32
    %scan3A_112 = arith.constant 0 : i32
    %scan3A_113 = arith.constant 0 : i32
    %scan3A_114 = arith.constant 32 : i32
    %scan3A_115 = arith.addi %scan3A_113, %scan3A_114 : i32
    %scan3A_116 = arith.constant 1 : i32
    %scan3A_117 = scf.for %scan3A_197 = %scan3A_113 to %scan3A_115 step %scan3A_116 iter_args(%scan3A_198 = %scan3A_112) -> (i32)  : i32 {
      %dma_start3A_199 = arith.constant 1 : i32
      %dma_start3A_200 = arith.constant 0 : i32
      %dma_start3A_201 = arith.constant 0 : i32
      %dma_start3A_202 = tpu.memref_slice %arg9[%scan3A_111, %dma_start3A_200, %dma_start3A_201] : memref<2x32x128xf32, #tpu.memory_space<vmem>> -> memref<1x32x128xf32, #tpu.memory_space<vmem>>
      %dma_start3A_203 = tpu.memref_squeeze %dma_start3A_202 : memref<1x32x128xf32, #tpu.memory_space<vmem>> -> memref<32x128xf32, #tpu.memory_space<vmem>>
      %dma_start3A_204 = arith.constant 0 : i32
      %dma_start3A_205 = tpu.memref_slice %dma_start3A_203[%scan3A_197, %dma_start3A_204] : memref<32x128xf32, #tpu.memory_space<vmem>> -> memref<1x128xf32, #tpu.memory_space<vmem>>
      %dma_start3A_206 = tpu.memref_squeeze %dma_start3A_205 : memref<1x128xf32, #tpu.memory_space<vmem>> -> memref<128xf32, #tpu.memory_space<vmem>>
      %dma_start3A_207 = arith.constant 0 : i32
      %dma_start3A_208 = tpu.memref_slice %arg8[%dma_start3A_199, %dma_start3A_207] : memref<2x128xi32, #tpu.memory_space<vmem>> -> memref<1x128xi32, #tpu.memory_space<vmem>>
      %dma_start3A_209 = tpu.memref_squeeze %dma_start3A_208 : memref<1x128xi32, #tpu.memory_space<vmem>> -> memref<128xi32, #tpu.memory_space<vmem>>
      %dma_start3A_210 = arith.constant 0 : i32
      %dma_start3A_211 = tpu.memref_slice %arg5[%scan3A_197, %dma_start3A_210] : memref<32x100096xf32, #tpu.memory_space<hbm>> -> memref<1x100096xf32, #tpu.memory_space<hbm>>
      %dma_start3A_212 = tpu.memref_squeeze %dma_start3A_211 : memref<1x100096xf32, #tpu.memory_space<hbm>> -> memref<100096xf32, #tpu.memory_space<hbm>>
      %dma_start3A_213 = arith.constant 0 : i32
      %dma_start3A_214 = tpu.memref_slice %dma_start3A_212[%dma_start3A_213] : memref<100096xf32, #tpu.memory_space<hbm>> -> memref<100096xf32, #tpu.memory_space<hbm>>
      tpu.enqueue_indirect_dma source(%dma_start3A_214 : memref<100096xf32, #tpu.memory_space<hbm>>) target(%dma_start3A_206 : memref<128xf32, #tpu.memory_space<vmem>>) offsets(%dma_start3A_209 : memref<128xi32, #tpu.memory_space<vmem>>) semaphore(%arg11 : memref<!tpu.dma_semaphore, #tpu.memory_space<semaphore_mem>>)
      %scan3A_215 = arith.constant 0 : i32
      scf.yield %scan3A_215 : i32
    }
    %scan3A_118 = arith.constant 32 : i32
    %dma_wait3A_119 = arith.constant 0 : i32
    %dma_wait3A_120 = arith.constant 0 : i32
    %dma_wait3A_121 = arith.constant 0 : i32
    %dma_wait3A_122 = tpu.memref_slice %arg9[%dma_wait3A_119, %dma_wait3A_120, %dma_wait3A_121] : memref<2x32x128xf32, #tpu.memory_space<vmem>> -> memref<1x32x128xf32, #tpu.memory_space<vmem>>
    %dma_wait3A_123 = tpu.memref_squeeze %dma_wait3A_122 : memref<1x32x128xf32, #tpu.memory_space<vmem>> -> memref<32x128xf32, #tpu.memory_space<vmem>>
    %dma_wait3A_124 = arith.constant 0 : i32
    %dma_wait3A_125 = tpu.memref_slice %arg6[%dma_wait3A_124] : memref<16384xi32, #tpu.memory_space<hbm>> -> memref<4096xi32, #tpu.memory_space<hbm>>
    %dma_wait3A_126 = arith.constant 0 : i32
    %dma_wait3A_127 = arith.constant 0 : i32
    %dma_wait3A_128 = tpu.memref_slice %arg9[%dma_wait3A_119, %dma_wait3A_126, %dma_wait3A_127] : memref<2x32x128xf32, #tpu.memory_space<vmem>> -> memref<1x32x128xf32, #tpu.memory_space<vmem>>
    %dma_wait3A_129 = tpu.memref_squeeze %dma_wait3A_128 : memref<1x32x128xf32, #tpu.memory_space<vmem>> -> memref<32x128xf32, #tpu.memory_space<vmem>>
    %dma_wait3A_130 = arith.constant 0 : i32
    %dma_wait3A_131 = tpu.memref_slice %arg6[%dma_wait3A_130] : memref<16384xi32, #tpu.memory_space<hbm>> -> memref<4096xi32, #tpu.memory_space<hbm>>
    tpu.wait_dma2 semaphore(%arg10 : memref<!tpu.dma_semaphore, #tpu.memory_space<semaphore_mem>>) src(%dma_wait3A_131 : memref<4096xi32, #tpu.memory_space<hbm>>) dst(%dma_wait3A_129 : memref<32x128xf32, #tpu.memory_space<vmem>>)
    %dma_start3A_132 = arith.constant 0 : i32
    %dma_start3A_133 = arith.constant 0 : i32
    %dma_start3A_134 = arith.constant 0 : i32
    %dma_start3A_135 = tpu.memref_slice %arg9[%dma_start3A_132, %dma_start3A_133, %dma_start3A_134] : memref<2x32x128xf32, #tpu.memory_space<vmem>> -> memref<1x32x128xf32, #tpu.memory_space<vmem>>
    %dma_start3A_136 = tpu.memref_squeeze %dma_start3A_135 : memref<1x32x128xf32, #tpu.memory_space<vmem>> -> memref<32x128xf32, #tpu.memory_space<vmem>>
    %dma_start3A_137 = arith.constant 64 : i32
    %dma_start3A_138 = tpu.memref_slice %arg7[%dma_start3A_137, %mul3A_2] : memref<128x4096xf32, #tpu.memory_space<hbm>> -> memref<32x128xf32, #tpu.memory_space<hbm>>
    %dma_start3A_139 = arith.constant 64 : i32
    %dma_start3A_140 = tpu.memref_slice %arg7[%dma_start3A_139, %mul3A_2] : memref<128x4096xf32, #tpu.memory_space<hbm>> -> memref<32x128xf32, #tpu.memory_space<hbm>>
    %dma_start3A_141 = arith.constant 0 : i32
    %dma_start3A_142 = arith.constant 0 : i32
    %dma_start3A_143 = tpu.memref_slice %arg9[%dma_start3A_132, %dma_start3A_141, %dma_start3A_142] : memref<2x32x128xf32, #tpu.memory_space<vmem>> -> memref<1x32x128xf32, #tpu.memory_space<vmem>>
    %dma_start3A_144 = tpu.memref_squeeze %dma_start3A_143 : memref<1x32x128xf32, #tpu.memory_space<vmem>> -> memref<32x128xf32, #tpu.memory_space<vmem>>
    tpu.enqueue_dma source(%dma_start3A_144 : memref<32x128xf32, #tpu.memory_space<vmem>>) target(%dma_start3A_140 : memref<32x128xf32, #tpu.memory_space<hbm>>) target_semaphore(%arg12 : memref<!tpu.dma_semaphore, #tpu.memory_space<semaphore_mem>>)
    %dma_wait3A_145 = arith.constant 1 : i32
    %dma_wait3A_146 = arith.constant 0 : i32
    %dma_wait3A_147 = arith.constant 0 : i32
    %dma_wait3A_148 = tpu.memref_slice %arg9[%dma_wait3A_145, %dma_wait3A_146, %dma_wait3A_147] : memref<2x32x128xf32, #tpu.memory_space<vmem>> -> memref<1x32x128xf32, #tpu.memory_space<vmem>>
    %dma_wait3A_149 = tpu.memref_squeeze %dma_wait3A_148 : memref<1x32x128xf32, #tpu.memory_space<vmem>> -> memref<32x128xf32, #tpu.memory_space<vmem>>
    %dma_wait3A_150 = arith.constant 0 : i32
    %dma_wait3A_151 = tpu.memref_slice %arg6[%dma_wait3A_150] : memref<16384xi32, #tpu.memory_space<hbm>> -> memref<4096xi32, #tpu.memory_space<hbm>>
    %dma_wait3A_152 = arith.constant 0 : i32
    %dma_wait3A_153 = arith.constant 0 : i32
    %dma_wait3A_154 = tpu.memref_slice %arg9[%dma_wait3A_145, %dma_wait3A_152, %dma_wait3A_153] : memref<2x32x128xf32, #tpu.memory_space<vmem>> -> memref<1x32x128xf32, #tpu.memory_space<vmem>>
    %dma_wait3A_155 = tpu.memref_squeeze %dma_wait3A_154 : memref<1x32x128xf32, #tpu.memory_space<vmem>> -> memref<32x128xf32, #tpu.memory_space<vmem>>
    %dma_wait3A_156 = arith.constant 0 : i32
    %dma_wait3A_157 = tpu.memref_slice %arg6[%dma_wait3A_156] : memref<16384xi32, #tpu.memory_space<hbm>> -> memref<4096xi32, #tpu.memory_space<hbm>>
    tpu.wait_dma2 semaphore(%arg11 : memref<!tpu.dma_semaphore, #tpu.memory_space<semaphore_mem>>) src(%dma_wait3A_157 : memref<4096xi32, #tpu.memory_space<hbm>>) dst(%dma_wait3A_155 : memref<32x128xf32, #tpu.memory_space<vmem>>)
    %dma_start3A_158 = arith.constant 1 : i32
    %dma_start3A_159 = arith.constant 0 : i32
    %dma_start3A_160 = arith.constant 0 : i32
    %dma_start3A_161 = tpu.memref_slice %arg9[%dma_start3A_158, %dma_start3A_159, %dma_start3A_160] : memref<2x32x128xf32, #tpu.memory_space<vmem>> -> memref<1x32x128xf32, #tpu.memory_space<vmem>>
    %dma_start3A_162 = tpu.memref_squeeze %dma_start3A_161 : memref<1x32x128xf32, #tpu.memory_space<vmem>> -> memref<32x128xf32, #tpu.memory_space<vmem>>
    %dma_start3A_163 = arith.constant 96 : i32
    %dma_start3A_164 = tpu.memref_slice %arg7[%dma_start3A_163, %mul3A_2] : memref<128x4096xf32, #tpu.memory_space<hbm>> -> memref<32x128xf32, #tpu.memory_space<hbm>>
    %dma_start3A_165 = arith.constant 96 : i32
    %dma_start3A_166 = tpu.memref_slice %arg7[%dma_start3A_165, %mul3A_2] : memref<128x4096xf32, #tpu.memory_space<hbm>> -> memref<32x128xf32, #tpu.memory_space<hbm>>
    %dma_start3A_167 = arith.constant 0 : i32
    %dma_start3A_168 = arith.constant 0 : i32
    %dma_start3A_169 = tpu.memref_slice %arg9[%dma_start3A_158, %dma_start3A_167, %dma_start3A_168] : memref<2x32x128xf32, #tpu.memory_space<vmem>> -> memref<1x32x128xf32, #tpu.memory_space<vmem>>
    %dma_start3A_170 = tpu.memref_squeeze %dma_start3A_169 : memref<1x32x128xf32, #tpu.memory_space<vmem>> -> memref<32x128xf32, #tpu.memory_space<vmem>>
    tpu.enqueue_dma source(%dma_start3A_170 : memref<32x128xf32, #tpu.memory_space<vmem>>) target(%dma_start3A_166 : memref<32x128xf32, #tpu.memory_space<hbm>>) target_semaphore(%arg12 : memref<!tpu.dma_semaphore, #tpu.memory_space<semaphore_mem>>)
    %dma_wait3A_171 = arith.constant 0 : i32
    %dma_wait3A_172 = arith.constant 0 : i32
    %dma_wait3A_173 = arith.constant 0 : i32
    %dma_wait3A_174 = tpu.memref_slice %arg9[%dma_wait3A_171, %dma_wait3A_172, %dma_wait3A_173] : memref<2x32x128xf32, #tpu.memory_space<vmem>> -> memref<1x32x128xf32, #tpu.memory_space<vmem>>
    %dma_wait3A_175 = tpu.memref_squeeze %dma_wait3A_174 : memref<1x32x128xf32, #tpu.memory_space<vmem>> -> memref<32x128xf32, #tpu.memory_space<vmem>>
    %dma_wait3A_176 = arith.constant 64 : i32
    %dma_wait3A_177 = tpu.memref_slice %arg7[%dma_wait3A_176, %mul3A_2] : memref<128x4096xf32, #tpu.memory_space<hbm>> -> memref<32x128xf32, #tpu.memory_space<hbm>>
    %dma_wait3A_178 = arith.constant 64 : i32
    %dma_wait3A_179 = tpu.memref_slice %arg7[%dma_wait3A_178, %mul3A_2] : memref<128x4096xf32, #tpu.memory_space<hbm>> -> memref<32x128xf32, #tpu.memory_space<hbm>>
    %dma_wait3A_180 = arith.constant 0 : i32
    %dma_wait3A_181 = arith.constant 0 : i32
    %dma_wait3A_182 = tpu.memref_slice %arg9[%dma_wait3A_171, %dma_wait3A_180, %dma_wait3A_181] : memref<2x32x128xf32, #tpu.memory_space<vmem>> -> memref<1x32x128xf32, #tpu.memory_space<vmem>>
    %dma_wait3A_183 = tpu.memref_squeeze %dma_wait3A_182 : memref<1x32x128xf32, #tpu.memory_space<vmem>> -> memref<32x128xf32, #tpu.memory_space<vmem>>
    tpu.wait_dma2 semaphore(%arg12 : memref<!tpu.dma_semaphore, #tpu.memory_space<semaphore_mem>>) src(%dma_wait3A_183 : memref<32x128xf32, #tpu.memory_space<vmem>>) dst(%dma_wait3A_179 : memref<32x128xf32, #tpu.memory_space<hbm>>)
    %dma_wait3A_184 = arith.constant 1 : i32
    %dma_wait3A_185 = arith.constant 0 : i32
    %dma_wait3A_186 = arith.constant 0 : i32
    %dma_wait3A_187 = tpu.memref_slice %arg9[%dma_wait3A_184, %dma_wait3A_185, %dma_wait3A_186] : memref<2x32x128xf32, #tpu.memory_space<vmem>> -> memref<1x32x128xf32, #tpu.memory_space<vmem>>
    %dma_wait3A_188 = tpu.memref_squeeze %dma_wait3A_187 : memref<1x32x128xf32, #tpu.memory_space<vmem>> -> memref<32x128xf32, #tpu.memory_space<vmem>>
    %dma_wait3A_189 = arith.constant 96 : i32
    %dma_wait3A_190 = tpu.memref_slice %arg7[%dma_wait3A_189, %mul3A_2] : memref<128x4096xf32, #tpu.memory_space<hbm>> -> memref<32x128xf32, #tpu.memory_space<hbm>>
    %dma_wait3A_191 = arith.constant 96 : i32
    %dma_wait3A_192 = tpu.memref_slice %arg7[%dma_wait3A_191, %mul3A_2] : memref<128x4096xf32, #tpu.memory_space<hbm>> -> memref<32x128xf32, #tpu.memory_space<hbm>>
    %dma_wait3A_193 = arith.constant 0 : i32
    %dma_wait3A_194 = arith.constant 0 : i32
    %dma_wait3A_195 = tpu.memref_slice %arg9[%dma_wait3A_184, %dma_wait3A_193, %dma_wait3A_194] : memref<2x32x128xf32, #tpu.memory_space<vmem>> -> memref<1x32x128xf32, #tpu.memory_space<vmem>>
    %dma_wait3A_196 = tpu.memref_squeeze %dma_wait3A_195 : memref<1x32x128xf32, #tpu.memory_space<vmem>> -> memref<32x128xf32, #tpu.memory_space<vmem>>
    tpu.wait_dma2 semaphore(%arg12 : memref<!tpu.dma_semaphore, #tpu.memory_space<semaphore_mem>>) src(%dma_wait3A_196 : memref<32x128xf32, #tpu.memory_space<vmem>>) dst(%dma_wait3A_192 : memref<32x128xf32, #tpu.memory_space<hbm>>)
    return
  }
}

#map = affine_map<(d0, d1) -> (0, 0)>
#map1 = affine_map<(d0, d1) -> (0)>
module attributes {stable_mosaic.version = 14 : i64} {
  func.func @_body(%arg0: i32, %arg1: i32, %arg2: memref<32x100096xf32, #tpu.memory_space<hbm>>, %arg3: memref<32x100096xf32, #tpu.memory_space<hbm>>, %arg4: memref<32x100096xf32, #tpu.memory_space<hbm>>, %arg5: memref<32x100096xf32, #tpu.memory_space<hbm>>, %arg6: memref<32x100096xf32, #tpu.memory_space<hbm>>, %arg7: memref<20480xi32, #tpu.memory_space<hbm>>, %arg8: memref<160x4096xf32, #tpu.memory_space<hbm>>, %arg9: memref<2x128xi32, #tpu.memory_space<vmem>>, %arg10: memref<2x32x128xf32, #tpu.memory_space<vmem>>, %arg11: memref<!tpu.dma_semaphore, #tpu.memory_space<semaphore_mem>>, %arg12: memref<!tpu.dma_semaphore, #tpu.memory_space<semaphore_mem>>, %arg13: memref<!tpu.dma_semaphore, #tpu.memory_space<semaphore_mem>>) attributes {dimension_semantics = [#tpu.dimension_semantics<core_parallel>, #tpu.dimension_semantics<subcore_parallel>], iteration_bounds = array<i64: 2, 16>, scalar_prefetch = 0 : i64, scratch_operands = 5 : i64, tpu.core_type = #tpu.core_type<sc_vector_subcore>, window_params = [{transform_indices = #map}, {transform_indices = #map}, {transform_indices = #map}, {transform_indices = #map}, {transform_indices = #map}, {transform_indices = #map1}, {transform_indices = #map}]} {
    %mul3A = arith.constant 2 : i32
    %mul3A_0 = arith.muli %arg1, %mul3A : i32
    %add3A = arith.addi %mul3A_0, %arg0 : i32
    %mul3A_1 = arith.constant 128 : i32
    %mul3A_2 = arith.muli %add3A, %mul3A_1 : i32
    %run_scoped3A = arith.constant 0 : i32
    "tpu.region"() ({
      %run_scoped3A_247 = tpu.sem_alloc : memref<!tpu.dma_semaphore, #tpu.memory_space<semaphore_mem>>
      %dma_start3A_248 = arith.constant 0 : i32
      %dma_start3A_249 = tpu.memref_slice %arg9[%run_scoped3A, %dma_start3A_248] : memref<2x128xi32, #tpu.memory_space<vmem>> -> memref<1x128xi32, #tpu.memory_space<vmem>>
      %dma_start3A_250 = tpu.memref_squeeze %dma_start3A_249 : memref<1x128xi32, #tpu.memory_space<vmem>> -> memref<128xi32, #tpu.memory_space<vmem>>
      %dma_start3A_251 = tpu.memref_slice %arg7[%mul3A_2] : memref<20480xi32, #tpu.memory_space<hbm>> -> memref<128xi32, #tpu.memory_space<hbm>>
      %dma_start3A_252 = arith.constant 0 : i32
      %dma_start3A_253 = tpu.memref_slice %arg9[%run_scoped3A, %dma_start3A_252] : memref<2x128xi32, #tpu.memory_space<vmem>> -> memref<1x128xi32, #tpu.memory_space<vmem>>
      %dma_start3A_254 = tpu.memref_squeeze %dma_start3A_253 : memref<1x128xi32, #tpu.memory_space<vmem>> -> memref<128xi32, #tpu.memory_space<vmem>>
      %dma_start3A_255 = tpu.memref_slice %arg7[%mul3A_2] : memref<20480xi32, #tpu.memory_space<hbm>> -> memref<128xi32, #tpu.memory_space<hbm>>
      tpu.enqueue_dma source(%dma_start3A_255 : memref<128xi32, #tpu.memory_space<hbm>>) target(%dma_start3A_254 : memref<128xi32, #tpu.memory_space<vmem>>) target_semaphore(%run_scoped3A_247 : memref<!tpu.dma_semaphore, #tpu.memory_space<semaphore_mem>>)
      %dma_wait3A_256 = arith.constant 0 : i32
      %dma_wait3A_257 = tpu.memref_slice %arg9[%run_scoped3A, %dma_wait3A_256] : memref<2x128xi32, #tpu.memory_space<vmem>> -> memref<1x128xi32, #tpu.memory_space<vmem>>
      %dma_wait3A_258 = tpu.memref_squeeze %dma_wait3A_257 : memref<1x128xi32, #tpu.memory_space<vmem>> -> memref<128xi32, #tpu.memory_space<vmem>>
      %dma_wait3A_259 = tpu.memref_slice %arg7[%mul3A_2] : memref<20480xi32, #tpu.memory_space<hbm>> -> memref<128xi32, #tpu.memory_space<hbm>>
      %dma_wait3A_260 = arith.constant 0 : i32
      %dma_wait3A_261 = tpu.memref_slice %arg9[%run_scoped3A, %dma_wait3A_260] : memref<2x128xi32, #tpu.memory_space<vmem>> -> memref<1x128xi32, #tpu.memory_space<vmem>>
      %dma_wait3A_262 = tpu.memref_squeeze %dma_wait3A_261 : memref<1x128xi32, #tpu.memory_space<vmem>> -> memref<128xi32, #tpu.memory_space<vmem>>
      %dma_wait3A_263 = tpu.memref_slice %arg7[%mul3A_2] : memref<20480xi32, #tpu.memory_space<hbm>> -> memref<128xi32, #tpu.memory_space<hbm>>
      tpu.wait_dma2 semaphore(%run_scoped3A_247 : memref<!tpu.dma_semaphore, #tpu.memory_space<semaphore_mem>>) src(%dma_wait3A_263 : memref<128xi32, #tpu.memory_space<hbm>>) dst(%dma_wait3A_262 : memref<128xi32, #tpu.memory_space<vmem>>)
      tpu.yield
    }) : () -> ()
    %scan3A = arith.constant 0 : i32
    %scan3A_3 = arith.constant 0 : i32
    %scan3A_4 = arith.constant 0 : i32
    %scan3A_5 = arith.constant 32 : i32
    %scan3A_6 = arith.addi %scan3A_4, %scan3A_5 : i32
    %scan3A_7 = arith.constant 1 : i32
    %scan3A_8 = scf.for %scan3A_247 = %scan3A_4 to %scan3A_6 step %scan3A_7 iter_args(%scan3A_248 = %scan3A_3) -> (i32)  : i32 {
      %dma_start3A_249 = arith.constant 0 : i32
      %dma_start3A_250 = arith.constant 0 : i32
      %dma_start3A_251 = arith.constant 0 : i32
      %dma_start3A_252 = tpu.memref_slice %arg10[%scan3A, %dma_start3A_250, %dma_start3A_251] : memref<2x32x128xf32, #tpu.memory_space<vmem>> -> memref<1x32x128xf32, #tpu.memory_space<vmem>>
      %dma_start3A_253 = tpu.memref_squeeze %dma_start3A_252 : memref<1x32x128xf32, #tpu.memory_space<vmem>> -> memref<32x128xf32, #tpu.memory_space<vmem>>
      %dma_start3A_254 = arith.constant 0 : i32
      %dma_start3A_255 = tpu.memref_slice %dma_start3A_253[%scan3A_247, %dma_start3A_254] : memref<32x128xf32, #tpu.memory_space<vmem>> -> memref<1x128xf32, #tpu.memory_space<vmem>>
      %dma_start3A_256 = tpu.memref_squeeze %dma_start3A_255 : memref<1x128xf32, #tpu.memory_space<vmem>> -> memref<128xf32, #tpu.memory_space<vmem>>
      %dma_start3A_257 = arith.constant 0 : i32
      %dma_start3A_258 = tpu.memref_slice %arg9[%dma_start3A_249, %dma_start3A_257] : memref<2x128xi32, #tpu.memory_space<vmem>> -> memref<1x128xi32, #tpu.memory_space<vmem>>
      %dma_start3A_259 = tpu.memref_squeeze %dma_start3A_258 : memref<1x128xi32, #tpu.memory_space<vmem>> -> memref<128xi32, #tpu.memory_space<vmem>>
      %dma_start3A_260 = arith.constant 0 : i32
      %dma_start3A_261 = tpu.memref_slice %arg2[%scan3A_247, %dma_start3A_260] : memref<32x100096xf32, #tpu.memory_space<hbm>> -> memref<1x100096xf32, #tpu.memory_space<hbm>>
      %dma_start3A_262 = tpu.memref_squeeze %dma_start3A_261 : memref<1x100096xf32, #tpu.memory_space<hbm>> -> memref<100096xf32, #tpu.memory_space<hbm>>
      %dma_start3A_263 = arith.constant 0 : i32
      %dma_start3A_264 = tpu.memref_slice %dma_start3A_262[%dma_start3A_263] : memref<100096xf32, #tpu.memory_space<hbm>> -> memref<100096xf32, #tpu.memory_space<hbm>>
      tpu.enqueue_indirect_dma source(%dma_start3A_264 : memref<100096xf32, #tpu.memory_space<hbm>>) target(%dma_start3A_256 : memref<128xf32, #tpu.memory_space<vmem>>) offsets(%dma_start3A_259 : memref<128xi32, #tpu.memory_space<vmem>>) semaphore(%arg11 : memref<!tpu.dma_semaphore, #tpu.memory_space<semaphore_mem>>)
      %scan3A_265 = arith.constant 0 : i32
      scf.yield %scan3A_265 : i32
    }
    %scan3A_9 = arith.constant 32 : i32
    %add3A_10 = arith.constant 4096 : i32
    %add3A_11 = arith.addi %add3A_10, %mul3A_2 : i32
    %run_scoped3A_12 = arith.constant 1 : i32
    "tpu.region"() ({
      %run_scoped3A_247 = tpu.sem_alloc : memref<!tpu.dma_semaphore, #tpu.memory_space<semaphore_mem>>
      %dma_start3A_248 = arith.constant 0 : i32
      %dma_start3A_249 = tpu.memref_slice %arg9[%run_scoped3A_12, %dma_start3A_248] : memref<2x128xi32, #tpu.memory_space<vmem>> -> memref<1x128xi32, #tpu.memory_space<vmem>>
      %dma_start3A_250 = tpu.memref_squeeze %dma_start3A_249 : memref<1x128xi32, #tpu.memory_space<vmem>> -> memref<128xi32, #tpu.memory_space<vmem>>
      %dma_start3A_251 = tpu.memref_slice %arg7[%add3A_11] : memref<20480xi32, #tpu.memory_space<hbm>> -> memref<128xi32, #tpu.memory_space<hbm>>
      %dma_start3A_252 = arith.constant 0 : i32
      %dma_start3A_253 = tpu.memref_slice %arg9[%run_scoped3A_12, %dma_start3A_252] : memref<2x128xi32, #tpu.memory_space<vmem>> -> memref<1x128xi32, #tpu.memory_space<vmem>>
      %dma_start3A_254 = tpu.memref_squeeze %dma_start3A_253 : memref<1x128xi32, #tpu.memory_space<vmem>> -> memref<128xi32, #tpu.memory_space<vmem>>
      %dma_start3A_255 = tpu.memref_slice %arg7[%add3A_11] : memref<20480xi32, #tpu.memory_space<hbm>> -> memref<128xi32, #tpu.memory_space<hbm>>
      tpu.enqueue_dma source(%dma_start3A_255 : memref<128xi32, #tpu.memory_space<hbm>>) target(%dma_start3A_254 : memref<128xi32, #tpu.memory_space<vmem>>) target_semaphore(%run_scoped3A_247 : memref<!tpu.dma_semaphore, #tpu.memory_space<semaphore_mem>>)
      %dma_wait3A_256 = arith.constant 0 : i32
      %dma_wait3A_257 = tpu.memref_slice %arg9[%run_scoped3A_12, %dma_wait3A_256] : memref<2x128xi32, #tpu.memory_space<vmem>> -> memref<1x128xi32, #tpu.memory_space<vmem>>
      %dma_wait3A_258 = tpu.memref_squeeze %dma_wait3A_257 : memref<1x128xi32, #tpu.memory_space<vmem>> -> memref<128xi32, #tpu.memory_space<vmem>>
      %dma_wait3A_259 = tpu.memref_slice %arg7[%add3A_11] : memref<20480xi32, #tpu.memory_space<hbm>> -> memref<128xi32, #tpu.memory_space<hbm>>
      %dma_wait3A_260 = arith.constant 0 : i32
      %dma_wait3A_261 = tpu.memref_slice %arg9[%run_scoped3A_12, %dma_wait3A_260] : memref<2x128xi32, #tpu.memory_space<vmem>> -> memref<1x128xi32, #tpu.memory_space<vmem>>
      %dma_wait3A_262 = tpu.memref_squeeze %dma_wait3A_261 : memref<1x128xi32, #tpu.memory_space<vmem>> -> memref<128xi32, #tpu.memory_space<vmem>>
      %dma_wait3A_263 = tpu.memref_slice %arg7[%add3A_11] : memref<20480xi32, #tpu.memory_space<hbm>> -> memref<128xi32, #tpu.memory_space<hbm>>
      tpu.wait_dma2 semaphore(%run_scoped3A_247 : memref<!tpu.dma_semaphore, #tpu.memory_space<semaphore_mem>>) src(%dma_wait3A_263 : memref<128xi32, #tpu.memory_space<hbm>>) dst(%dma_wait3A_262 : memref<128xi32, #tpu.memory_space<vmem>>)
      tpu.yield
    }) : () -> ()
    %scan3A_13 = arith.constant 1 : i32
    %scan3A_14 = arith.constant 0 : i32
    %scan3A_15 = arith.constant 0 : i32
    %scan3A_16 = arith.constant 32 : i32
    %scan3A_17 = arith.addi %scan3A_15, %scan3A_16 : i32
    %scan3A_18 = arith.constant 1 : i32
    %scan3A_19 = scf.for %scan3A_247 = %scan3A_15 to %scan3A_17 step %scan3A_18 iter_args(%scan3A_248 = %scan3A_14) -> (i32)  : i32 {
      %dma_start3A_249 = arith.constant 1 : i32
      %dma_start3A_250 = arith.constant 0 : i32
      %dma_start3A_251 = arith.constant 0 : i32
      %dma_start3A_252 = tpu.memref_slice %arg10[%scan3A_13, %dma_start3A_250, %dma_start3A_251] : memref<2x32x128xf32, #tpu.memory_space<vmem>> -> memref<1x32x128xf32, #tpu.memory_space<vmem>>
      %dma_start3A_253 = tpu.memref_squeeze %dma_start3A_252 : memref<1x32x128xf32, #tpu.memory_space<vmem>> -> memref<32x128xf32, #tpu.memory_space<vmem>>
      %dma_start3A_254 = arith.constant 0 : i32
      %dma_start3A_255 = tpu.memref_slice %dma_start3A_253[%scan3A_247, %dma_start3A_254] : memref<32x128xf32, #tpu.memory_space<vmem>> -> memref<1x128xf32, #tpu.memory_space<vmem>>
      %dma_start3A_256 = tpu.memref_squeeze %dma_start3A_255 : memref<1x128xf32, #tpu.memory_space<vmem>> -> memref<128xf32, #tpu.memory_space<vmem>>
      %dma_start3A_257 = arith.constant 0 : i32
      %dma_start3A_258 = tpu.memref_slice %arg9[%dma_start3A_249, %dma_start3A_257] : memref<2x128xi32, #tpu.memory_space<vmem>> -> memref<1x128xi32, #tpu.memory_space<vmem>>
      %dma_start3A_259 = tpu.memref_squeeze %dma_start3A_258 : memref<1x128xi32, #tpu.memory_space<vmem>> -> memref<128xi32, #tpu.memory_space<vmem>>
      %dma_start3A_260 = arith.constant 0 : i32
      %dma_start3A_261 = tpu.memref_slice %arg3[%scan3A_247, %dma_start3A_260] : memref<32x100096xf32, #tpu.memory_space<hbm>> -> memref<1x100096xf32, #tpu.memory_space<hbm>>
      %dma_start3A_262 = tpu.memref_squeeze %dma_start3A_261 : memref<1x100096xf32, #tpu.memory_space<hbm>> -> memref<100096xf32, #tpu.memory_space<hbm>>
      %dma_start3A_263 = arith.constant 0 : i32
      %dma_start3A_264 = tpu.memref_slice %dma_start3A_262[%dma_start3A_263] : memref<100096xf32, #tpu.memory_space<hbm>> -> memref<100096xf32, #tpu.memory_space<hbm>>
      tpu.enqueue_indirect_dma source(%dma_start3A_264 : memref<100096xf32, #tpu.memory_space<hbm>>) target(%dma_start3A_256 : memref<128xf32, #tpu.memory_space<vmem>>) offsets(%dma_start3A_259 : memref<128xi32, #tpu.memory_space<vmem>>) semaphore(%arg12 : memref<!tpu.dma_semaphore, #tpu.memory_space<semaphore_mem>>)
      %scan3A_265 = arith.constant 0 : i32
      scf.yield %scan3A_265 : i32
    }
    %scan3A_20 = arith.constant 32 : i32
    %dma_wait3A = arith.constant 0 : i32
    %dma_wait3A_21 = arith.constant 0 : i32
    %dma_wait3A_22 = arith.constant 0 : i32
    %dma_wait3A_23 = tpu.memref_slice %arg10[%dma_wait3A, %dma_wait3A_21, %dma_wait3A_22] : memref<2x32x128xf32, #tpu.memory_space<vmem>> -> memref<1x32x128xf32, #tpu.memory_space<vmem>>
    %dma_wait3A_24 = tpu.memref_squeeze %dma_wait3A_23 : memref<1x32x128xf32, #tpu.memory_space<vmem>> -> memref<32x128xf32, #tpu.memory_space<vmem>>
    %dma_wait3A_25 = arith.constant 0 : i32
    %dma_wait3A_26 = tpu.memref_slice %arg7[%dma_wait3A_25] : memref<20480xi32, #tpu.memory_space<hbm>> -> memref<4096xi32, #tpu.memory_space<hbm>>
    %dma_wait3A_27 = arith.constant 0 : i32
    %dma_wait3A_28 = arith.constant 0 : i32
    %dma_wait3A_29 = tpu.memref_slice %arg10[%dma_wait3A, %dma_wait3A_27, %dma_wait3A_28] : memref<2x32x128xf32, #tpu.memory_space<vmem>> -> memref<1x32x128xf32, #tpu.memory_space<vmem>>
    %dma_wait3A_30 = tpu.memref_squeeze %dma_wait3A_29 : memref<1x32x128xf32, #tpu.memory_space<vmem>> -> memref<32x128xf32, #tpu.memory_space<vmem>>
    %dma_wait3A_31 = arith.constant 0 : i32
    %dma_wait3A_32 = tpu.memref_slice %arg7[%dma_wait3A_31] : memref<20480xi32, #tpu.memory_space<hbm>> -> memref<4096xi32, #tpu.memory_space<hbm>>
    tpu.wait_dma2 semaphore(%arg11 : memref<!tpu.dma_semaphore, #tpu.memory_space<semaphore_mem>>) src(%dma_wait3A_32 : memref<4096xi32, #tpu.memory_space<hbm>>) dst(%dma_wait3A_30 : memref<32x128xf32, #tpu.memory_space<vmem>>)
    %dma_start3A = arith.constant 0 : i32
    %dma_start3A_33 = arith.constant 0 : i32
    %dma_start3A_34 = arith.constant 0 : i32
    %dma_start3A_35 = tpu.memref_slice %arg10[%dma_start3A, %dma_start3A_33, %dma_start3A_34] : memref<2x32x128xf32, #tpu.memory_space<vmem>> -> memref<1x32x128xf32, #tpu.memory_space<vmem>>
    %dma_start3A_36 = tpu.memref_squeeze %dma_start3A_35 : memref<1x32x128xf32, #tpu.memory_space<vmem>> -> memref<32x128xf32, #tpu.memory_space<vmem>>
    %dma_start3A_37 = arith.constant 0 : i32
    %dma_start3A_38 = tpu.memref_slice %arg8[%dma_start3A_37, %mul3A_2] : memref<160x4096xf32, #tpu.memory_space<hbm>> -> memref<32x128xf32, #tpu.memory_space<hbm>>
    %dma_start3A_39 = arith.constant 0 : i32
    %dma_start3A_40 = tpu.memref_slice %arg8[%dma_start3A_39, %mul3A_2] : memref<160x4096xf32, #tpu.memory_space<hbm>> -> memref<32x128xf32, #tpu.memory_space<hbm>>
    %dma_start3A_41 = arith.constant 0 : i32
    %dma_start3A_42 = arith.constant 0 : i32
    %dma_start3A_43 = tpu.memref_slice %arg10[%dma_start3A, %dma_start3A_41, %dma_start3A_42] : memref<2x32x128xf32, #tpu.memory_space<vmem>> -> memref<1x32x128xf32, #tpu.memory_space<vmem>>
    %dma_start3A_44 = tpu.memref_squeeze %dma_start3A_43 : memref<1x32x128xf32, #tpu.memory_space<vmem>> -> memref<32x128xf32, #tpu.memory_space<vmem>>
    tpu.enqueue_dma source(%dma_start3A_44 : memref<32x128xf32, #tpu.memory_space<vmem>>) target(%dma_start3A_40 : memref<32x128xf32, #tpu.memory_space<hbm>>) target_semaphore(%arg13 : memref<!tpu.dma_semaphore, #tpu.memory_space<semaphore_mem>>)
    %add3A_45 = arith.constant 8192 : i32
    %add3A_46 = arith.addi %add3A_45, %mul3A_2 : i32
    %run_scoped3A_47 = arith.constant 0 : i32
    "tpu.region"() ({
      %run_scoped3A_247 = tpu.sem_alloc : memref<!tpu.dma_semaphore, #tpu.memory_space<semaphore_mem>>
      %dma_start3A_248 = arith.constant 0 : i32
      %dma_start3A_249 = tpu.memref_slice %arg9[%run_scoped3A_47, %dma_start3A_248] : memref<2x128xi32, #tpu.memory_space<vmem>> -> memref<1x128xi32, #tpu.memory_space<vmem>>
      %dma_start3A_250 = tpu.memref_squeeze %dma_start3A_249 : memref<1x128xi32, #tpu.memory_space<vmem>> -> memref<128xi32, #tpu.memory_space<vmem>>
      %dma_start3A_251 = tpu.memref_slice %arg7[%add3A_46] : memref<20480xi32, #tpu.memory_space<hbm>> -> memref<128xi32, #tpu.memory_space<hbm>>
      %dma_start3A_252 = arith.constant 0 : i32
      %dma_start3A_253 = tpu.memref_slice %arg9[%run_scoped3A_47, %dma_start3A_252] : memref<2x128xi32, #tpu.memory_space<vmem>> -> memref<1x128xi32, #tpu.memory_space<vmem>>
      %dma_start3A_254 = tpu.memref_squeeze %dma_start3A_253 : memref<1x128xi32, #tpu.memory_space<vmem>> -> memref<128xi32, #tpu.memory_space<vmem>>
      %dma_start3A_255 = tpu.memref_slice %arg7[%add3A_46] : memref<20480xi32, #tpu.memory_space<hbm>> -> memref<128xi32, #tpu.memory_space<hbm>>
      tpu.enqueue_dma source(%dma_start3A_255 : memref<128xi32, #tpu.memory_space<hbm>>) target(%dma_start3A_254 : memref<128xi32, #tpu.memory_space<vmem>>) target_semaphore(%run_scoped3A_247 : memref<!tpu.dma_semaphore, #tpu.memory_space<semaphore_mem>>)
      %dma_wait3A_256 = arith.constant 0 : i32
      %dma_wait3A_257 = tpu.memref_slice %arg9[%run_scoped3A_47, %dma_wait3A_256] : memref<2x128xi32, #tpu.memory_space<vmem>> -> memref<1x128xi32, #tpu.memory_space<vmem>>
      %dma_wait3A_258 = tpu.memref_squeeze %dma_wait3A_257 : memref<1x128xi32, #tpu.memory_space<vmem>> -> memref<128xi32, #tpu.memory_space<vmem>>
      %dma_wait3A_259 = tpu.memref_slice %arg7[%add3A_46] : memref<20480xi32, #tpu.memory_space<hbm>> -> memref<128xi32, #tpu.memory_space<hbm>>
      %dma_wait3A_260 = arith.constant 0 : i32
      %dma_wait3A_261 = tpu.memref_slice %arg9[%run_scoped3A_47, %dma_wait3A_260] : memref<2x128xi32, #tpu.memory_space<vmem>> -> memref<1x128xi32, #tpu.memory_space<vmem>>
      %dma_wait3A_262 = tpu.memref_squeeze %dma_wait3A_261 : memref<1x128xi32, #tpu.memory_space<vmem>> -> memref<128xi32, #tpu.memory_space<vmem>>
      %dma_wait3A_263 = tpu.memref_slice %arg7[%add3A_46] : memref<20480xi32, #tpu.memory_space<hbm>> -> memref<128xi32, #tpu.memory_space<hbm>>
      tpu.wait_dma2 semaphore(%run_scoped3A_247 : memref<!tpu.dma_semaphore, #tpu.memory_space<semaphore_mem>>) src(%dma_wait3A_263 : memref<128xi32, #tpu.memory_space<hbm>>) dst(%dma_wait3A_262 : memref<128xi32, #tpu.memory_space<vmem>>)
      tpu.yield
    }) : () -> ()
    %dma_wait3A_48 = arith.constant 0 : i32
    %dma_wait3A_49 = arith.constant 0 : i32
    %dma_wait3A_50 = arith.constant 0 : i32
    %dma_wait3A_51 = tpu.memref_slice %arg10[%dma_wait3A_48, %dma_wait3A_49, %dma_wait3A_50] : memref<2x32x128xf32, #tpu.memory_space<vmem>> -> memref<1x32x128xf32, #tpu.memory_space<vmem>>
    %dma_wait3A_52 = tpu.memref_squeeze %dma_wait3A_51 : memref<1x32x128xf32, #tpu.memory_space<vmem>> -> memref<32x128xf32, #tpu.memory_space<vmem>>
    %dma_wait3A_53 = arith.constant 0 : i32
    %dma_wait3A_54 = tpu.memref_slice %arg8[%dma_wait3A_53, %mul3A_2] : memref<160x4096xf32, #tpu.memory_space<hbm>> -> memref<32x128xf32, #tpu.memory_space<hbm>>
    %dma_wait3A_55 = arith.constant 0 : i32
    %dma_wait3A_56 = tpu.memref_slice %arg8[%dma_wait3A_55, %mul3A_2] : memref<160x4096xf32, #tpu.memory_space<hbm>> -> memref<32x128xf32, #tpu.memory_space<hbm>>
    %dma_wait3A_57 = arith.constant 0 : i32
    %dma_wait3A_58 = arith.constant 0 : i32
    %dma_wait3A_59 = tpu.memref_slice %arg10[%dma_wait3A_48, %dma_wait3A_57, %dma_wait3A_58] : memref<2x32x128xf32, #tpu.memory_space<vmem>> -> memref<1x32x128xf32, #tpu.memory_space<vmem>>
    %dma_wait3A_60 = tpu.memref_squeeze %dma_wait3A_59 : memref<1x32x128xf32, #tpu.memory_space<vmem>> -> memref<32x128xf32, #tpu.memory_space<vmem>>
    tpu.wait_dma2 semaphore(%arg13 : memref<!tpu.dma_semaphore, #tpu.memory_space<semaphore_mem>>) src(%dma_wait3A_60 : memref<32x128xf32, #tpu.memory_space<vmem>>) dst(%dma_wait3A_56 : memref<32x128xf32, #tpu.memory_space<hbm>>)
    %scan3A_61 = arith.constant 0 : i32
    %scan3A_62 = arith.constant 0 : i32
    %scan3A_63 = arith.constant 0 : i32
    %scan3A_64 = arith.constant 32 : i32
    %scan3A_65 = arith.addi %scan3A_63, %scan3A_64 : i32
    %scan3A_66 = arith.constant 1 : i32
    %scan3A_67 = scf.for %scan3A_247 = %scan3A_63 to %scan3A_65 step %scan3A_66 iter_args(%scan3A_248 = %scan3A_62) -> (i32)  : i32 {
      %dma_start3A_249 = arith.constant 0 : i32
      %dma_start3A_250 = arith.constant 0 : i32
      %dma_start3A_251 = arith.constant 0 : i32
      %dma_start3A_252 = tpu.memref_slice %arg10[%scan3A_61, %dma_start3A_250, %dma_start3A_251] : memref<2x32x128xf32, #tpu.memory_space<vmem>> -> memref<1x32x128xf32, #tpu.memory_space<vmem>>
      %dma_start3A_253 = tpu.memref_squeeze %dma_start3A_252 : memref<1x32x128xf32, #tpu.memory_space<vmem>> -> memref<32x128xf32, #tpu.memory_space<vmem>>
      %dma_start3A_254 = arith.constant 0 : i32
      %dma_start3A_255 = tpu.memref_slice %dma_start3A_253[%scan3A_247, %dma_start3A_254] : memref<32x128xf32, #tpu.memory_space<vmem>> -> memref<1x128xf32, #tpu.memory_space<vmem>>
      %dma_start3A_256 = tpu.memref_squeeze %dma_start3A_255 : memref<1x128xf32, #tpu.memory_space<vmem>> -> memref<128xf32, #tpu.memory_space<vmem>>
      %dma_start3A_257 = arith.constant 0 : i32
      %dma_start3A_258 = tpu.memref_slice %arg9[%dma_start3A_249, %dma_start3A_257] : memref<2x128xi32, #tpu.memory_space<vmem>> -> memref<1x128xi32, #tpu.memory_space<vmem>>
      %dma_start3A_259 = tpu.memref_squeeze %dma_start3A_258 : memref<1x128xi32, #tpu.memory_space<vmem>> -> memref<128xi32, #tpu.memory_space<vmem>>
      %dma_start3A_260 = arith.constant 0 : i32
      %dma_start3A_261 = tpu.memref_slice %arg4[%scan3A_247, %dma_start3A_260] : memref<32x100096xf32, #tpu.memory_space<hbm>> -> memref<1x100096xf32, #tpu.memory_space<hbm>>
      %dma_start3A_262 = tpu.memref_squeeze %dma_start3A_261 : memref<1x100096xf32, #tpu.memory_space<hbm>> -> memref<100096xf32, #tpu.memory_space<hbm>>
      %dma_start3A_263 = arith.constant 0 : i32
      %dma_start3A_264 = tpu.memref_slice %dma_start3A_262[%dma_start3A_263] : memref<100096xf32, #tpu.memory_space<hbm>> -> memref<100096xf32, #tpu.memory_space<hbm>>
      tpu.enqueue_indirect_dma source(%dma_start3A_264 : memref<100096xf32, #tpu.memory_space<hbm>>) target(%dma_start3A_256 : memref<128xf32, #tpu.memory_space<vmem>>) offsets(%dma_start3A_259 : memref<128xi32, #tpu.memory_space<vmem>>) semaphore(%arg11 : memref<!tpu.dma_semaphore, #tpu.memory_space<semaphore_mem>>)
      %scan3A_265 = arith.constant 0 : i32
      scf.yield %scan3A_265 : i32
    }
    %scan3A_68 = arith.constant 32 : i32
    %dma_wait3A_69 = arith.constant 1 : i32
    %dma_wait3A_70 = arith.constant 0 : i32
    %dma_wait3A_71 = arith.constant 0 : i32
    %dma_wait3A_72 = tpu.memref_slice %arg10[%dma_wait3A_69, %dma_wait3A_70, %dma_wait3A_71] : memref<2x32x128xf32, #tpu.memory_space<vmem>> -> memref<1x32x128xf32, #tpu.memory_space<vmem>>
    %dma_wait3A_73 = tpu.memref_squeeze %dma_wait3A_72 : memref<1x32x128xf32, #tpu.memory_space<vmem>> -> memref<32x128xf32, #tpu.memory_space<vmem>>
    %dma_wait3A_74 = arith.constant 0 : i32
    %dma_wait3A_75 = tpu.memref_slice %arg7[%dma_wait3A_74] : memref<20480xi32, #tpu.memory_space<hbm>> -> memref<4096xi32, #tpu.memory_space<hbm>>
    %dma_wait3A_76 = arith.constant 0 : i32
    %dma_wait3A_77 = arith.constant 0 : i32
    %dma_wait3A_78 = tpu.memref_slice %arg10[%dma_wait3A_69, %dma_wait3A_76, %dma_wait3A_77] : memref<2x32x128xf32, #tpu.memory_space<vmem>> -> memref<1x32x128xf32, #tpu.memory_space<vmem>>
    %dma_wait3A_79 = tpu.memref_squeeze %dma_wait3A_78 : memref<1x32x128xf32, #tpu.memory_space<vmem>> -> memref<32x128xf32, #tpu.memory_space<vmem>>
    %dma_wait3A_80 = arith.constant 0 : i32
    %dma_wait3A_81 = tpu.memref_slice %arg7[%dma_wait3A_80] : memref<20480xi32, #tpu.memory_space<hbm>> -> memref<4096xi32, #tpu.memory_space<hbm>>
    tpu.wait_dma2 semaphore(%arg12 : memref<!tpu.dma_semaphore, #tpu.memory_space<semaphore_mem>>) src(%dma_wait3A_81 : memref<4096xi32, #tpu.memory_space<hbm>>) dst(%dma_wait3A_79 : memref<32x128xf32, #tpu.memory_space<vmem>>)
    %dma_start3A_82 = arith.constant 1 : i32
    %dma_start3A_83 = arith.constant 0 : i32
    %dma_start3A_84 = arith.constant 0 : i32
    %dma_start3A_85 = tpu.memref_slice %arg10[%dma_start3A_82, %dma_start3A_83, %dma_start3A_84] : memref<2x32x128xf32, #tpu.memory_space<vmem>> -> memref<1x32x128xf32, #tpu.memory_space<vmem>>
    %dma_start3A_86 = tpu.memref_squeeze %dma_start3A_85 : memref<1x32x128xf32, #tpu.memory_space<vmem>> -> memref<32x128xf32, #tpu.memory_space<vmem>>
    %dma_start3A_87 = arith.constant 32 : i32
    %dma_start3A_88 = tpu.memref_slice %arg8[%dma_start3A_87, %mul3A_2] : memref<160x4096xf32, #tpu.memory_space<hbm>> -> memref<32x128xf32, #tpu.memory_space<hbm>>
    %dma_start3A_89 = arith.constant 32 : i32
    %dma_start3A_90 = tpu.memref_slice %arg8[%dma_start3A_89, %mul3A_2] : memref<160x4096xf32, #tpu.memory_space<hbm>> -> memref<32x128xf32, #tpu.memory_space<hbm>>
    %dma_start3A_91 = arith.constant 0 : i32
    %dma_start3A_92 = arith.constant 0 : i32
    %dma_start3A_93 = tpu.memref_slice %arg10[%dma_start3A_82, %dma_start3A_91, %dma_start3A_92] : memref<2x32x128xf32, #tpu.memory_space<vmem>> -> memref<1x32x128xf32, #tpu.memory_space<vmem>>
    %dma_start3A_94 = tpu.memref_squeeze %dma_start3A_93 : memref<1x32x128xf32, #tpu.memory_space<vmem>> -> memref<32x128xf32, #tpu.memory_space<vmem>>
    tpu.enqueue_dma source(%dma_start3A_94 : memref<32x128xf32, #tpu.memory_space<vmem>>) target(%dma_start3A_90 : memref<32x128xf32, #tpu.memory_space<hbm>>) target_semaphore(%arg13 : memref<!tpu.dma_semaphore, #tpu.memory_space<semaphore_mem>>)
    %add3A_95 = arith.constant 12288 : i32
    %add3A_96 = arith.addi %add3A_95, %mul3A_2 : i32
    %run_scoped3A_97 = arith.constant 1 : i32
    "tpu.region"() ({
      %run_scoped3A_247 = tpu.sem_alloc : memref<!tpu.dma_semaphore, #tpu.memory_space<semaphore_mem>>
      %dma_start3A_248 = arith.constant 0 : i32
      %dma_start3A_249 = tpu.memref_slice %arg9[%run_scoped3A_97, %dma_start3A_248] : memref<2x128xi32, #tpu.memory_space<vmem>> -> memref<1x128xi32, #tpu.memory_space<vmem>>
      %dma_start3A_250 = tpu.memref_squeeze %dma_start3A_249 : memref<1x128xi32, #tpu.memory_space<vmem>> -> memref<128xi32, #tpu.memory_space<vmem>>
      %dma_start3A_251 = tpu.memref_slice %arg7[%add3A_96] : memref<20480xi32, #tpu.memory_space<hbm>> -> memref<128xi32, #tpu.memory_space<hbm>>
      %dma_start3A_252 = arith.constant 0 : i32
      %dma_start3A_253 = tpu.memref_slice %arg9[%run_scoped3A_97, %dma_start3A_252] : memref<2x128xi32, #tpu.memory_space<vmem>> -> memref<1x128xi32, #tpu.memory_space<vmem>>
      %dma_start3A_254 = tpu.memref_squeeze %dma_start3A_253 : memref<1x128xi32, #tpu.memory_space<vmem>> -> memref<128xi32, #tpu.memory_space<vmem>>
      %dma_start3A_255 = tpu.memref_slice %arg7[%add3A_96] : memref<20480xi32, #tpu.memory_space<hbm>> -> memref<128xi32, #tpu.memory_space<hbm>>
      tpu.enqueue_dma source(%dma_start3A_255 : memref<128xi32, #tpu.memory_space<hbm>>) target(%dma_start3A_254 : memref<128xi32, #tpu.memory_space<vmem>>) target_semaphore(%run_scoped3A_247 : memref<!tpu.dma_semaphore, #tpu.memory_space<semaphore_mem>>)
      %dma_wait3A_256 = arith.constant 0 : i32
      %dma_wait3A_257 = tpu.memref_slice %arg9[%run_scoped3A_97, %dma_wait3A_256] : memref<2x128xi32, #tpu.memory_space<vmem>> -> memref<1x128xi32, #tpu.memory_space<vmem>>
      %dma_wait3A_258 = tpu.memref_squeeze %dma_wait3A_257 : memref<1x128xi32, #tpu.memory_space<vmem>> -> memref<128xi32, #tpu.memory_space<vmem>>
      %dma_wait3A_259 = tpu.memref_slice %arg7[%add3A_96] : memref<20480xi32, #tpu.memory_space<hbm>> -> memref<128xi32, #tpu.memory_space<hbm>>
      %dma_wait3A_260 = arith.constant 0 : i32
      %dma_wait3A_261 = tpu.memref_slice %arg9[%run_scoped3A_97, %dma_wait3A_260] : memref<2x128xi32, #tpu.memory_space<vmem>> -> memref<1x128xi32, #tpu.memory_space<vmem>>
      %dma_wait3A_262 = tpu.memref_squeeze %dma_wait3A_261 : memref<1x128xi32, #tpu.memory_space<vmem>> -> memref<128xi32, #tpu.memory_space<vmem>>
      %dma_wait3A_263 = tpu.memref_slice %arg7[%add3A_96] : memref<20480xi32, #tpu.memory_space<hbm>> -> memref<128xi32, #tpu.memory_space<hbm>>
      tpu.wait_dma2 semaphore(%run_scoped3A_247 : memref<!tpu.dma_semaphore, #tpu.memory_space<semaphore_mem>>) src(%dma_wait3A_263 : memref<128xi32, #tpu.memory_space<hbm>>) dst(%dma_wait3A_262 : memref<128xi32, #tpu.memory_space<vmem>>)
      tpu.yield
    }) : () -> ()
    %dma_wait3A_98 = arith.constant 1 : i32
    %dma_wait3A_99 = arith.constant 0 : i32
    %dma_wait3A_100 = arith.constant 0 : i32
    %dma_wait3A_101 = tpu.memref_slice %arg10[%dma_wait3A_98, %dma_wait3A_99, %dma_wait3A_100] : memref<2x32x128xf32, #tpu.memory_space<vmem>> -> memref<1x32x128xf32, #tpu.memory_space<vmem>>
    %dma_wait3A_102 = tpu.memref_squeeze %dma_wait3A_101 : memref<1x32x128xf32, #tpu.memory_space<vmem>> -> memref<32x128xf32, #tpu.memory_space<vmem>>
    %dma_wait3A_103 = arith.constant 32 : i32
    %dma_wait3A_104 = tpu.memref_slice %arg8[%dma_wait3A_103, %mul3A_2] : memref<160x4096xf32, #tpu.memory_space<hbm>> -> memref<32x128xf32, #tpu.memory_space<hbm>>
    %dma_wait3A_105 = arith.constant 32 : i32
    %dma_wait3A_106 = tpu.memref_slice %arg8[%dma_wait3A_105, %mul3A_2] : memref<160x4096xf32, #tpu.memory_space<hbm>> -> memref<32x128xf32, #tpu.memory_space<hbm>>
    %dma_wait3A_107 = arith.constant 0 : i32
    %dma_wait3A_108 = arith.constant 0 : i32
    %dma_wait3A_109 = tpu.memref_slice %arg10[%dma_wait3A_98, %dma_wait3A_107, %dma_wait3A_108] : memref<2x32x128xf32, #tpu.memory_space<vmem>> -> memref<1x32x128xf32, #tpu.memory_space<vmem>>
    %dma_wait3A_110 = tpu.memref_squeeze %dma_wait3A_109 : memref<1x32x128xf32, #tpu.memory_space<vmem>> -> memref<32x128xf32, #tpu.memory_space<vmem>>
    tpu.wait_dma2 semaphore(%arg13 : memref<!tpu.dma_semaphore, #tpu.memory_space<semaphore_mem>>) src(%dma_wait3A_110 : memref<32x128xf32, #tpu.memory_space<vmem>>) dst(%dma_wait3A_106 : memref<32x128xf32, #tpu.memory_space<hbm>>)
    %scan3A_111 = arith.constant 1 : i32
    %scan3A_112 = arith.constant 0 : i32
    %scan3A_113 = arith.constant 0 : i32
    %scan3A_114 = arith.constant 32 : i32
    %scan3A_115 = arith.addi %scan3A_113, %scan3A_114 : i32
    %scan3A_116 = arith.constant 1 : i32
    %scan3A_117 = scf.for %scan3A_247 = %scan3A_113 to %scan3A_115 step %scan3A_116 iter_args(%scan3A_248 = %scan3A_112) -> (i32)  : i32 {
      %dma_start3A_249 = arith.constant 1 : i32
      %dma_start3A_250 = arith.constant 0 : i32
      %dma_start3A_251 = arith.constant 0 : i32
      %dma_start3A_252 = tpu.memref_slice %arg10[%scan3A_111, %dma_start3A_250, %dma_start3A_251] : memref<2x32x128xf32, #tpu.memory_space<vmem>> -> memref<1x32x128xf32, #tpu.memory_space<vmem>>
      %dma_start3A_253 = tpu.memref_squeeze %dma_start3A_252 : memref<1x32x128xf32, #tpu.memory_space<vmem>> -> memref<32x128xf32, #tpu.memory_space<vmem>>
      %dma_start3A_254 = arith.constant 0 : i32
      %dma_start3A_255 = tpu.memref_slice %dma_start3A_253[%scan3A_247, %dma_start3A_254] : memref<32x128xf32, #tpu.memory_space<vmem>> -> memref<1x128xf32, #tpu.memory_space<vmem>>
      %dma_start3A_256 = tpu.memref_squeeze %dma_start3A_255 : memref<1x128xf32, #tpu.memory_space<vmem>> -> memref<128xf32, #tpu.memory_space<vmem>>
      %dma_start3A_257 = arith.constant 0 : i32
      %dma_start3A_258 = tpu.memref_slice %arg9[%dma_start3A_249, %dma_start3A_257] : memref<2x128xi32, #tpu.memory_space<vmem>> -> memref<1x128xi32, #tpu.memory_space<vmem>>
      %dma_start3A_259 = tpu.memref_squeeze %dma_start3A_258 : memref<1x128xi32, #tpu.memory_space<vmem>> -> memref<128xi32, #tpu.memory_space<vmem>>
      %dma_start3A_260 = arith.constant 0 : i32
      %dma_start3A_261 = tpu.memref_slice %arg5[%scan3A_247, %dma_start3A_260] : memref<32x100096xf32, #tpu.memory_space<hbm>> -> memref<1x100096xf32, #tpu.memory_space<hbm>>
      %dma_start3A_262 = tpu.memref_squeeze %dma_start3A_261 : memref<1x100096xf32, #tpu.memory_space<hbm>> -> memref<100096xf32, #tpu.memory_space<hbm>>
      %dma_start3A_263 = arith.constant 0 : i32
      %dma_start3A_264 = tpu.memref_slice %dma_start3A_262[%dma_start3A_263] : memref<100096xf32, #tpu.memory_space<hbm>> -> memref<100096xf32, #tpu.memory_space<hbm>>
      tpu.enqueue_indirect_dma source(%dma_start3A_264 : memref<100096xf32, #tpu.memory_space<hbm>>) target(%dma_start3A_256 : memref<128xf32, #tpu.memory_space<vmem>>) offsets(%dma_start3A_259 : memref<128xi32, #tpu.memory_space<vmem>>) semaphore(%arg12 : memref<!tpu.dma_semaphore, #tpu.memory_space<semaphore_mem>>)
      %scan3A_265 = arith.constant 0 : i32
      scf.yield %scan3A_265 : i32
    }
    %scan3A_118 = arith.constant 32 : i32
    %dma_wait3A_119 = arith.constant 0 : i32
    %dma_wait3A_120 = arith.constant 0 : i32
    %dma_wait3A_121 = arith.constant 0 : i32
    %dma_wait3A_122 = tpu.memref_slice %arg10[%dma_wait3A_119, %dma_wait3A_120, %dma_wait3A_121] : memref<2x32x128xf32, #tpu.memory_space<vmem>> -> memref<1x32x128xf32, #tpu.memory_space<vmem>>
    %dma_wait3A_123 = tpu.memref_squeeze %dma_wait3A_122 : memref<1x32x128xf32, #tpu.memory_space<vmem>> -> memref<32x128xf32, #tpu.memory_space<vmem>>
    %dma_wait3A_124 = arith.constant 0 : i32
    %dma_wait3A_125 = tpu.memref_slice %arg7[%dma_wait3A_124] : memref<20480xi32, #tpu.memory_space<hbm>> -> memref<4096xi32, #tpu.memory_space<hbm>>
    %dma_wait3A_126 = arith.constant 0 : i32
    %dma_wait3A_127 = arith.constant 0 : i32
    %dma_wait3A_128 = tpu.memref_slice %arg10[%dma_wait3A_119, %dma_wait3A_126, %dma_wait3A_127] : memref<2x32x128xf32, #tpu.memory_space<vmem>> -> memref<1x32x128xf32, #tpu.memory_space<vmem>>
    %dma_wait3A_129 = tpu.memref_squeeze %dma_wait3A_128 : memref<1x32x128xf32, #tpu.memory_space<vmem>> -> memref<32x128xf32, #tpu.memory_space<vmem>>
    %dma_wait3A_130 = arith.constant 0 : i32
    %dma_wait3A_131 = tpu.memref_slice %arg7[%dma_wait3A_130] : memref<20480xi32, #tpu.memory_space<hbm>> -> memref<4096xi32, #tpu.memory_space<hbm>>
    tpu.wait_dma2 semaphore(%arg11 : memref<!tpu.dma_semaphore, #tpu.memory_space<semaphore_mem>>) src(%dma_wait3A_131 : memref<4096xi32, #tpu.memory_space<hbm>>) dst(%dma_wait3A_129 : memref<32x128xf32, #tpu.memory_space<vmem>>)
    %dma_start3A_132 = arith.constant 0 : i32
    %dma_start3A_133 = arith.constant 0 : i32
    %dma_start3A_134 = arith.constant 0 : i32
    %dma_start3A_135 = tpu.memref_slice %arg10[%dma_start3A_132, %dma_start3A_133, %dma_start3A_134] : memref<2x32x128xf32, #tpu.memory_space<vmem>> -> memref<1x32x128xf32, #tpu.memory_space<vmem>>
    %dma_start3A_136 = tpu.memref_squeeze %dma_start3A_135 : memref<1x32x128xf32, #tpu.memory_space<vmem>> -> memref<32x128xf32, #tpu.memory_space<vmem>>
    %dma_start3A_137 = arith.constant 64 : i32
    %dma_start3A_138 = tpu.memref_slice %arg8[%dma_start3A_137, %mul3A_2] : memref<160x4096xf32, #tpu.memory_space<hbm>> -> memref<32x128xf32, #tpu.memory_space<hbm>>
    %dma_start3A_139 = arith.constant 64 : i32
    %dma_start3A_140 = tpu.memref_slice %arg8[%dma_start3A_139, %mul3A_2] : memref<160x4096xf32, #tpu.memory_space<hbm>> -> memref<32x128xf32, #tpu.memory_space<hbm>>
    %dma_start3A_141 = arith.constant 0 : i32
    %dma_start3A_142 = arith.constant 0 : i32
    %dma_start3A_143 = tpu.memref_slice %arg10[%dma_start3A_132, %dma_start3A_141, %dma_start3A_142] : memref<2x32x128xf32, #tpu.memory_space<vmem>> -> memref<1x32x128xf32, #tpu.memory_space<vmem>>
    %dma_start3A_144 = tpu.memref_squeeze %dma_start3A_143 : memref<1x32x128xf32, #tpu.memory_space<vmem>> -> memref<32x128xf32, #tpu.memory_space<vmem>>
    tpu.enqueue_dma source(%dma_start3A_144 : memref<32x128xf32, #tpu.memory_space<vmem>>) target(%dma_start3A_140 : memref<32x128xf32, #tpu.memory_space<hbm>>) target_semaphore(%arg13 : memref<!tpu.dma_semaphore, #tpu.memory_space<semaphore_mem>>)
    %add3A_145 = arith.constant 16384 : i32
    %add3A_146 = arith.addi %add3A_145, %mul3A_2 : i32
    %run_scoped3A_147 = arith.constant 0 : i32
    "tpu.region"() ({
      %run_scoped3A_247 = tpu.sem_alloc : memref<!tpu.dma_semaphore, #tpu.memory_space<semaphore_mem>>
      %dma_start3A_248 = arith.constant 0 : i32
      %dma_start3A_249 = tpu.memref_slice %arg9[%run_scoped3A_147, %dma_start3A_248] : memref<2x128xi32, #tpu.memory_space<vmem>> -> memref<1x128xi32, #tpu.memory_space<vmem>>
      %dma_start3A_250 = tpu.memref_squeeze %dma_start3A_249 : memref<1x128xi32, #tpu.memory_space<vmem>> -> memref<128xi32, #tpu.memory_space<vmem>>
      %dma_start3A_251 = tpu.memref_slice %arg7[%add3A_146] : memref<20480xi32, #tpu.memory_space<hbm>> -> memref<128xi32, #tpu.memory_space<hbm>>
      %dma_start3A_252 = arith.constant 0 : i32
      %dma_start3A_253 = tpu.memref_slice %arg9[%run_scoped3A_147, %dma_start3A_252] : memref<2x128xi32, #tpu.memory_space<vmem>> -> memref<1x128xi32, #tpu.memory_space<vmem>>
      %dma_start3A_254 = tpu.memref_squeeze %dma_start3A_253 : memref<1x128xi32, #tpu.memory_space<vmem>> -> memref<128xi32, #tpu.memory_space<vmem>>
      %dma_start3A_255 = tpu.memref_slice %arg7[%add3A_146] : memref<20480xi32, #tpu.memory_space<hbm>> -> memref<128xi32, #tpu.memory_space<hbm>>
      tpu.enqueue_dma source(%dma_start3A_255 : memref<128xi32, #tpu.memory_space<hbm>>) target(%dma_start3A_254 : memref<128xi32, #tpu.memory_space<vmem>>) target_semaphore(%run_scoped3A_247 : memref<!tpu.dma_semaphore, #tpu.memory_space<semaphore_mem>>)
      %dma_wait3A_256 = arith.constant 0 : i32
      %dma_wait3A_257 = tpu.memref_slice %arg9[%run_scoped3A_147, %dma_wait3A_256] : memref<2x128xi32, #tpu.memory_space<vmem>> -> memref<1x128xi32, #tpu.memory_space<vmem>>
      %dma_wait3A_258 = tpu.memref_squeeze %dma_wait3A_257 : memref<1x128xi32, #tpu.memory_space<vmem>> -> memref<128xi32, #tpu.memory_space<vmem>>
      %dma_wait3A_259 = tpu.memref_slice %arg7[%add3A_146] : memref<20480xi32, #tpu.memory_space<hbm>> -> memref<128xi32, #tpu.memory_space<hbm>>
      %dma_wait3A_260 = arith.constant 0 : i32
      %dma_wait3A_261 = tpu.memref_slice %arg9[%run_scoped3A_147, %dma_wait3A_260] : memref<2x128xi32, #tpu.memory_space<vmem>> -> memref<1x128xi32, #tpu.memory_space<vmem>>
      %dma_wait3A_262 = tpu.memref_squeeze %dma_wait3A_261 : memref<1x128xi32, #tpu.memory_space<vmem>> -> memref<128xi32, #tpu.memory_space<vmem>>
      %dma_wait3A_263 = tpu.memref_slice %arg7[%add3A_146] : memref<20480xi32, #tpu.memory_space<hbm>> -> memref<128xi32, #tpu.memory_space<hbm>>
      tpu.wait_dma2 semaphore(%run_scoped3A_247 : memref<!tpu.dma_semaphore, #tpu.memory_space<semaphore_mem>>) src(%dma_wait3A_263 : memref<128xi32, #tpu.memory_space<hbm>>) dst(%dma_wait3A_262 : memref<128xi32, #tpu.memory_space<vmem>>)
      tpu.yield
    }) : () -> ()
    %dma_wait3A_148 = arith.constant 0 : i32
    %dma_wait3A_149 = arith.constant 0 : i32
    %dma_wait3A_150 = arith.constant 0 : i32
    %dma_wait3A_151 = tpu.memref_slice %arg10[%dma_wait3A_148, %dma_wait3A_149, %dma_wait3A_150] : memref<2x32x128xf32, #tpu.memory_space<vmem>> -> memref<1x32x128xf32, #tpu.memory_space<vmem>>
    %dma_wait3A_152 = tpu.memref_squeeze %dma_wait3A_151 : memref<1x32x128xf32, #tpu.memory_space<vmem>> -> memref<32x128xf32, #tpu.memory_space<vmem>>
    %dma_wait3A_153 = arith.constant 64 : i32
    %dma_wait3A_154 = tpu.memref_slice %arg8[%dma_wait3A_153, %mul3A_2] : memref<160x4096xf32, #tpu.memory_space<hbm>> -> memref<32x128xf32, #tpu.memory_space<hbm>>
    %dma_wait3A_155 = arith.constant 64 : i32
    %dma_wait3A_156 = tpu.memref_slice %arg8[%dma_wait3A_155, %mul3A_2] : memref<160x4096xf32, #tpu.memory_space<hbm>> -> memref<32x128xf32, #tpu.memory_space<hbm>>
    %dma_wait3A_157 = arith.constant 0 : i32
    %dma_wait3A_158 = arith.constant 0 : i32
    %dma_wait3A_159 = tpu.memref_slice %arg10[%dma_wait3A_148, %dma_wait3A_157, %dma_wait3A_158] : memref<2x32x128xf32, #tpu.memory_space<vmem>> -> memref<1x32x128xf32, #tpu.memory_space<vmem>>
    %dma_wait3A_160 = tpu.memref_squeeze %dma_wait3A_159 : memref<1x32x128xf32, #tpu.memory_space<vmem>> -> memref<32x128xf32, #tpu.memory_space<vmem>>
    tpu.wait_dma2 semaphore(%arg13 : memref<!tpu.dma_semaphore, #tpu.memory_space<semaphore_mem>>) src(%dma_wait3A_160 : memref<32x128xf32, #tpu.memory_space<vmem>>) dst(%dma_wait3A_156 : memref<32x128xf32, #tpu.memory_space<hbm>>)
    %scan3A_161 = arith.constant 0 : i32
    %scan3A_162 = arith.constant 0 : i32
    %scan3A_163 = arith.constant 0 : i32
    %scan3A_164 = arith.constant 32 : i32
    %scan3A_165 = arith.addi %scan3A_163, %scan3A_164 : i32
    %scan3A_166 = arith.constant 1 : i32
    %scan3A_167 = scf.for %scan3A_247 = %scan3A_163 to %scan3A_165 step %scan3A_166 iter_args(%scan3A_248 = %scan3A_162) -> (i32)  : i32 {
      %dma_start3A_249 = arith.constant 0 : i32
      %dma_start3A_250 = arith.constant 0 : i32
      %dma_start3A_251 = arith.constant 0 : i32
      %dma_start3A_252 = tpu.memref_slice %arg10[%scan3A_161, %dma_start3A_250, %dma_start3A_251] : memref<2x32x128xf32, #tpu.memory_space<vmem>> -> memref<1x32x128xf32, #tpu.memory_space<vmem>>
      %dma_start3A_253 = tpu.memref_squeeze %dma_start3A_252 : memref<1x32x128xf32, #tpu.memory_space<vmem>> -> memref<32x128xf32, #tpu.memory_space<vmem>>
      %dma_start3A_254 = arith.constant 0 : i32
      %dma_start3A_255 = tpu.memref_slice %dma_start3A_253[%scan3A_247, %dma_start3A_254] : memref<32x128xf32, #tpu.memory_space<vmem>> -> memref<1x128xf32, #tpu.memory_space<vmem>>
      %dma_start3A_256 = tpu.memref_squeeze %dma_start3A_255 : memref<1x128xf32, #tpu.memory_space<vmem>> -> memref<128xf32, #tpu.memory_space<vmem>>
      %dma_start3A_257 = arith.constant 0 : i32
      %dma_start3A_258 = tpu.memref_slice %arg9[%dma_start3A_249, %dma_start3A_257] : memref<2x128xi32, #tpu.memory_space<vmem>> -> memref<1x128xi32, #tpu.memory_space<vmem>>
      %dma_start3A_259 = tpu.memref_squeeze %dma_start3A_258 : memref<1x128xi32, #tpu.memory_space<vmem>> -> memref<128xi32, #tpu.memory_space<vmem>>
      %dma_start3A_260 = arith.constant 0 : i32
      %dma_start3A_261 = tpu.memref_slice %arg6[%scan3A_247, %dma_start3A_260] : memref<32x100096xf32, #tpu.memory_space<hbm>> -> memref<1x100096xf32, #tpu.memory_space<hbm>>
      %dma_start3A_262 = tpu.memref_squeeze %dma_start3A_261 : memref<1x100096xf32, #tpu.memory_space<hbm>> -> memref<100096xf32, #tpu.memory_space<hbm>>
      %dma_start3A_263 = arith.constant 0 : i32
      %dma_start3A_264 = tpu.memref_slice %dma_start3A_262[%dma_start3A_263] : memref<100096xf32, #tpu.memory_space<hbm>> -> memref<100096xf32, #tpu.memory_space<hbm>>
      tpu.enqueue_indirect_dma source(%dma_start3A_264 : memref<100096xf32, #tpu.memory_space<hbm>>) target(%dma_start3A_256 : memref<128xf32, #tpu.memory_space<vmem>>) offsets(%dma_start3A_259 : memref<128xi32, #tpu.memory_space<vmem>>) semaphore(%arg11 : memref<!tpu.dma_semaphore, #tpu.memory_space<semaphore_mem>>)
      %scan3A_265 = arith.constant 0 : i32
      scf.yield %scan3A_265 : i32
    }
    %scan3A_168 = arith.constant 32 : i32
    %dma_wait3A_169 = arith.constant 1 : i32
    %dma_wait3A_170 = arith.constant 0 : i32
    %dma_wait3A_171 = arith.constant 0 : i32
    %dma_wait3A_172 = tpu.memref_slice %arg10[%dma_wait3A_169, %dma_wait3A_170, %dma_wait3A_171] : memref<2x32x128xf32, #tpu.memory_space<vmem>> -> memref<1x32x128xf32, #tpu.memory_space<vmem>>
    %dma_wait3A_173 = tpu.memref_squeeze %dma_wait3A_172 : memref<1x32x128xf32, #tpu.memory_space<vmem>> -> memref<32x128xf32, #tpu.memory_space<vmem>>
    %dma_wait3A_174 = arith.constant 0 : i32
    %dma_wait3A_175 = tpu.memref_slice %arg7[%dma_wait3A_174] : memref<20480xi32, #tpu.memory_space<hbm>> -> memref<4096xi32, #tpu.memory_space<hbm>>
    %dma_wait3A_176 = arith.constant 0 : i32
    %dma_wait3A_177 = arith.constant 0 : i32
    %dma_wait3A_178 = tpu.memref_slice %arg10[%dma_wait3A_169, %dma_wait3A_176, %dma_wait3A_177] : memref<2x32x128xf32, #tpu.memory_space<vmem>> -> memref<1x32x128xf32, #tpu.memory_space<vmem>>
    %dma_wait3A_179 = tpu.memref_squeeze %dma_wait3A_178 : memref<1x32x128xf32, #tpu.memory_space<vmem>> -> memref<32x128xf32, #tpu.memory_space<vmem>>
    %dma_wait3A_180 = arith.constant 0 : i32
    %dma_wait3A_181 = tpu.memref_slice %arg7[%dma_wait3A_180] : memref<20480xi32, #tpu.memory_space<hbm>> -> memref<4096xi32, #tpu.memory_space<hbm>>
    tpu.wait_dma2 semaphore(%arg12 : memref<!tpu.dma_semaphore, #tpu.memory_space<semaphore_mem>>) src(%dma_wait3A_181 : memref<4096xi32, #tpu.memory_space<hbm>>) dst(%dma_wait3A_179 : memref<32x128xf32, #tpu.memory_space<vmem>>)
    %dma_start3A_182 = arith.constant 1 : i32
    %dma_start3A_183 = arith.constant 0 : i32
    %dma_start3A_184 = arith.constant 0 : i32
    %dma_start3A_185 = tpu.memref_slice %arg10[%dma_start3A_182, %dma_start3A_183, %dma_start3A_184] : memref<2x32x128xf32, #tpu.memory_space<vmem>> -> memref<1x32x128xf32, #tpu.memory_space<vmem>>
    %dma_start3A_186 = tpu.memref_squeeze %dma_start3A_185 : memref<1x32x128xf32, #tpu.memory_space<vmem>> -> memref<32x128xf32, #tpu.memory_space<vmem>>
    %dma_start3A_187 = arith.constant 96 : i32
    %dma_start3A_188 = tpu.memref_slice %arg8[%dma_start3A_187, %mul3A_2] : memref<160x4096xf32, #tpu.memory_space<hbm>> -> memref<32x128xf32, #tpu.memory_space<hbm>>
    %dma_start3A_189 = arith.constant 96 : i32
    %dma_start3A_190 = tpu.memref_slice %arg8[%dma_start3A_189, %mul3A_2] : memref<160x4096xf32, #tpu.memory_space<hbm>> -> memref<32x128xf32, #tpu.memory_space<hbm>>
    %dma_start3A_191 = arith.constant 0 : i32
    %dma_start3A_192 = arith.constant 0 : i32
    %dma_start3A_193 = tpu.memref_slice %arg10[%dma_start3A_182, %dma_start3A_191, %dma_start3A_192] : memref<2x32x128xf32, #tpu.memory_space<vmem>> -> memref<1x32x128xf32, #tpu.memory_space<vmem>>
    %dma_start3A_194 = tpu.memref_squeeze %dma_start3A_193 : memref<1x32x128xf32, #tpu.memory_space<vmem>> -> memref<32x128xf32, #tpu.memory_space<vmem>>
    tpu.enqueue_dma source(%dma_start3A_194 : memref<32x128xf32, #tpu.memory_space<vmem>>) target(%dma_start3A_190 : memref<32x128xf32, #tpu.memory_space<hbm>>) target_semaphore(%arg13 : memref<!tpu.dma_semaphore, #tpu.memory_space<semaphore_mem>>)
    %dma_wait3A_195 = arith.constant 0 : i32
    %dma_wait3A_196 = arith.constant 0 : i32
    %dma_wait3A_197 = arith.constant 0 : i32
    %dma_wait3A_198 = tpu.memref_slice %arg10[%dma_wait3A_195, %dma_wait3A_196, %dma_wait3A_197] : memref<2x32x128xf32, #tpu.memory_space<vmem>> -> memref<1x32x128xf32, #tpu.memory_space<vmem>>
    %dma_wait3A_199 = tpu.memref_squeeze %dma_wait3A_198 : memref<1x32x128xf32, #tpu.memory_space<vmem>> -> memref<32x128xf32, #tpu.memory_space<vmem>>
    %dma_wait3A_200 = arith.constant 0 : i32
    %dma_wait3A_201 = tpu.memref_slice %arg7[%dma_wait3A_200] : memref<20480xi32, #tpu.memory_space<hbm>> -> memref<4096xi32, #tpu.memory_space<hbm>>
    %dma_wait3A_202 = arith.constant 0 : i32
    %dma_wait3A_203 = arith.constant 0 : i32
    %dma_wait3A_204 = tpu.memref_slice %arg10[%dma_wait3A_195, %dma_wait3A_202, %dma_wait3A_203] : memref<2x32x128xf32, #tpu.memory_space<vmem>> -> memref<1x32x128xf32, #tpu.memory_space<vmem>>
    %dma_wait3A_205 = tpu.memref_squeeze %dma_wait3A_204 : memref<1x32x128xf32, #tpu.memory_space<vmem>> -> memref<32x128xf32, #tpu.memory_space<vmem>>
    %dma_wait3A_206 = arith.constant 0 : i32
    %dma_wait3A_207 = tpu.memref_slice %arg7[%dma_wait3A_206] : memref<20480xi32, #tpu.memory_space<hbm>> -> memref<4096xi32, #tpu.memory_space<hbm>>
    tpu.wait_dma2 semaphore(%arg11 : memref<!tpu.dma_semaphore, #tpu.memory_space<semaphore_mem>>) src(%dma_wait3A_207 : memref<4096xi32, #tpu.memory_space<hbm>>) dst(%dma_wait3A_205 : memref<32x128xf32, #tpu.memory_space<vmem>>)
    %dma_start3A_208 = arith.constant 0 : i32
    %dma_start3A_209 = arith.constant 0 : i32
    %dma_start3A_210 = arith.constant 0 : i32
    %dma_start3A_211 = tpu.memref_slice %arg10[%dma_start3A_208, %dma_start3A_209, %dma_start3A_210] : memref<2x32x128xf32, #tpu.memory_space<vmem>> -> memref<1x32x128xf32, #tpu.memory_space<vmem>>
    %dma_start3A_212 = tpu.memref_squeeze %dma_start3A_211 : memref<1x32x128xf32, #tpu.memory_space<vmem>> -> memref<32x128xf32, #tpu.memory_space<vmem>>
    %dma_start3A_213 = arith.constant 128 : i32
    %dma_start3A_214 = tpu.memref_slice %arg8[%dma_start3A_213, %mul3A_2] : memref<160x4096xf32, #tpu.memory_space<hbm>> -> memref<32x128xf32, #tpu.memory_space<hbm>>
    %dma_start3A_215 = arith.constant 128 : i32
    %dma_start3A_216 = tpu.memref_slice %arg8[%dma_start3A_215, %mul3A_2] : memref<160x4096xf32, #tpu.memory_space<hbm>> -> memref<32x128xf32, #tpu.memory_space<hbm>>
    %dma_start3A_217 = arith.constant 0 : i32
    %dma_start3A_218 = arith.constant 0 : i32
    %dma_start3A_219 = tpu.memref_slice %arg10[%dma_start3A_208, %dma_start3A_217, %dma_start3A_218] : memref<2x32x128xf32, #tpu.memory_space<vmem>> -> memref<1x32x128xf32, #tpu.memory_space<vmem>>
    %dma_start3A_220 = tpu.memref_squeeze %dma_start3A_219 : memref<1x32x128xf32, #tpu.memory_space<vmem>> -> memref<32x128xf32, #tpu.memory_space<vmem>>
    tpu.enqueue_dma source(%dma_start3A_220 : memref<32x128xf32, #tpu.memory_space<vmem>>) target(%dma_start3A_216 : memref<32x128xf32, #tpu.memory_space<hbm>>) target_semaphore(%arg13 : memref<!tpu.dma_semaphore, #tpu.memory_space<semaphore_mem>>)
    %dma_wait3A_221 = arith.constant 1 : i32
    %dma_wait3A_222 = arith.constant 0 : i32
    %dma_wait3A_223 = arith.constant 0 : i32
    %dma_wait3A_224 = tpu.memref_slice %arg10[%dma_wait3A_221, %dma_wait3A_222, %dma_wait3A_223] : memref<2x32x128xf32, #tpu.memory_space<vmem>> -> memref<1x32x128xf32, #tpu.memory_space<vmem>>
    %dma_wait3A_225 = tpu.memref_squeeze %dma_wait3A_224 : memref<1x32x128xf32, #tpu.memory_space<vmem>> -> memref<32x128xf32, #tpu.memory_space<vmem>>
    %dma_wait3A_226 = arith.constant 96 : i32
    %dma_wait3A_227 = tpu.memref_slice %arg8[%dma_wait3A_226, %mul3A_2] : memref<160x4096xf32, #tpu.memory_space<hbm>> -> memref<32x128xf32, #tpu.memory_space<hbm>>
    %dma_wait3A_228 = arith.constant 96 : i32
    %dma_wait3A_229 = tpu.memref_slice %arg8[%dma_wait3A_228, %mul3A_2] : memref<160x4096xf32, #tpu.memory_space<hbm>> -> memref<32x128xf32, #tpu.memory_space<hbm>>
    %dma_wait3A_230 = arith.constant 0 : i32
    %dma_wait3A_231 = arith.constant 0 : i32
    %dma_wait3A_232 = tpu.memref_slice %arg10[%dma_wait3A_221, %dma_wait3A_230, %dma_wait3A_231] : memref<2x32x128xf32, #tpu.memory_space<vmem>> -> memref<1x32x128xf32, #tpu.memory_space<vmem>>
    %dma_wait3A_233 = tpu.memref_squeeze %dma_wait3A_232 : memref<1x32x128xf32, #tpu.memory_space<vmem>> -> memref<32x128xf32, #tpu.memory_space<vmem>>
    tpu.wait_dma2 semaphore(%arg13 : memref<!tpu.dma_semaphore, #tpu.memory_space<semaphore_mem>>) src(%dma_wait3A_233 : memref<32x128xf32, #tpu.memory_space<vmem>>) dst(%dma_wait3A_229 : memref<32x128xf32, #tpu.memory_space<hbm>>)
    %dma_wait3A_234 = arith.constant 0 : i32
    %dma_wait3A_235 = arith.constant 0 : i32
    %dma_wait3A_236 = arith.constant 0 : i32
    %dma_wait3A_237 = tpu.memref_slice %arg10[%dma_wait3A_234, %dma_wait3A_235, %dma_wait3A_236] : memref<2x32x128xf32, #tpu.memory_space<vmem>> -> memref<1x32x128xf32, #tpu.memory_space<vmem>>
    %dma_wait3A_238 = tpu.memref_squeeze %dma_wait3A_237 : memref<1x32x128xf32, #tpu.memory_space<vmem>> -> memref<32x128xf32, #tpu.memory_space<vmem>>
    %dma_wait3A_239 = arith.constant 128 : i32
    %dma_wait3A_240 = tpu.memref_slice %arg8[%dma_wait3A_239, %mul3A_2] : memref<160x4096xf32, #tpu.memory_space<hbm>> -> memref<32x128xf32, #tpu.memory_space<hbm>>
    %dma_wait3A_241 = arith.constant 128 : i32
    %dma_wait3A_242 = tpu.memref_slice %arg8[%dma_wait3A_241, %mul3A_2] : memref<160x4096xf32, #tpu.memory_space<hbm>> -> memref<32x128xf32, #tpu.memory_space<hbm>>
    %dma_wait3A_243 = arith.constant 0 : i32
    %dma_wait3A_244 = arith.constant 0 : i32
    %dma_wait3A_245 = tpu.memref_slice %arg10[%dma_wait3A_234, %dma_wait3A_243, %dma_wait3A_244] : memref<2x32x128xf32, #tpu.memory_space<vmem>> -> memref<1x32x128xf32, #tpu.memory_space<vmem>>
    %dma_wait3A_246 = tpu.memref_squeeze %dma_wait3A_245 : memref<1x32x128xf32, #tpu.memory_space<vmem>> -> memref<32x128xf32, #tpu.memory_space<vmem>>
    tpu.wait_dma2 semaphore(%arg13 : memref<!tpu.dma_semaphore, #tpu.memory_space<semaphore_mem>>) src(%dma_wait3A_246 : memref<32x128xf32, #tpu.memory_space<vmem>>) dst(%dma_wait3A_242 : memref<32x128xf32, #tpu.memory_space<hbm>>)
    return
  }
}

module attributes {stable_mosaic.version = 14 : i64} {
  func.func @_row_mean_body(%arg0: i32, %arg1: memref<32x12800xf32, #tpu.memory_space<vmem>>, %arg2: memref<1x12800xf32, #tpu.memory_space<vmem>>) attributes {dimension_semantics = [#tpu.dimension_semantics<arbitrary>], iteration_bounds = array<i64: 8>, scalar_prefetch = 0 : i64, scratch_operands = 0 : i64, tpu.core_type = #tpu.core_type<tc>, window_params = [{transform_indices = @transform_0, window_bounds = array<i64: 32, 12800>}, {transform_indices = @transform_1, window_bounds = array<i64: 1, 12800>}]} {
    %get3A = arith.constant 0 : index
    %get3A_0 = arith.constant 0 : index
    %get3A_1 = vector.load %arg1[%get3A, %get3A_0] : memref<32x12800xf32, #tpu.memory_space<vmem>>, vector<32x12800xf32>
    %reduce_sum3A = arith.constant dense<0.000000e+00> : vector<12800xf32>
    %reduce_sum3A_2 = vector.multi_reduction <add>, %get3A_1, %reduce_sum3A [0] : vector<32x12800xf32> to vector<12800xf32>
    %broadcast_in_dim3A = vector.shape_cast %reduce_sum3A_2 : vector<12800xf32> to vector<1x12800xf32>
    %mul3A = arith.constant 3.125000e-02 : f32
    %mul3A_3 = vector.broadcast %mul3A : f32 to vector<1x12800xf32>
    %mul3A_4 = arith.mulf %broadcast_in_dim3A, %mul3A_3 : vector<1x12800xf32>
    %swap3A = arith.constant 0 : index
    %swap3A_5 = arith.constant 0 : index
    %swap3A_6 = vector.load %arg2[%swap3A, %swap3A_5] : memref<1x12800xf32, #tpu.memory_space<vmem>>, vector<1x12800xf32>
    tpu.vector_store %arg2[%swap3A, %swap3A_5], %mul3A_4 {strides = array<i32>} : memref<1x12800xf32, #tpu.memory_space<vmem>>, vector<1x12800xf32>,
    return
  }
  func.func @transform_0(%arg0: i32) -> (i32, i32) {
    %c0_i32 = arith.constant 0 : i32
    %c0_i32_0 = arith.constant 0 : i32
    return %c0_i32, %arg0 : i32, i32
  }
  func.func @transform_1(%arg0: i32) -> (i32, i32) {
    %c0_i32 = arith.constant 0 : i32
    %c0_i32_0 = arith.constant 0 : i32
    return %c0_i32, %arg0 : i32, i32
  }
}

module attributes {stable_mosaic.version = 14 : i64} {
  func.func @_repack_body(%arg0: i32, %arg1: memref<8x100000xf32, #tpu.memory_space<vmem>>, %arg2: memref<3203072xf32, #tpu.memory_space<any>>, %arg3: memref<8x128xf32, #tpu.memory_space<vmem>>, %arg4: memref<!tpu.dma_semaphore, #tpu.memory_space<semaphore_mem>>) attributes {dimension_semantics = [#tpu.dimension_semantics<arbitrary>], iteration_bounds = array<i64: 4>, scalar_prefetch = 0 : i64, scratch_operands = 2 : i64, tpu.core_type = #tpu.core_type<tc>, window_params = [{transform_indices = @transform_0, window_bounds = array<i64: 8, 100000>}, {}]} {
    %get3A = arith.constant 0 : index
    %get3A_0 = arith.constant 99968 : index
    %get3A_1 = vector.load %arg1[%get3A, %get3A_0] : memref<8x100000xf32, #tpu.memory_space<vmem>>, vector<8x32xf32>
    %swap3A = arith.constant 0 : index
    %swap3A_2 = arith.constant 0 : index
    %swap3A_3 = vector.load %arg3[%swap3A, %swap3A_2] : memref<8x128xf32, #tpu.memory_space<vmem>>, vector<8x32xf32>
    tpu.vector_store %arg3[%swap3A, %swap3A_2], %get3A_1 {strides = array<i32>} : memref<8x128xf32, #tpu.memory_space<vmem>>, vector<8x32xf32>,
    %mul3A = arith.constant 8 : i32
    %mul3A_4 = arith.muli %arg0, %mul3A : i32
    %add3A = arith.constant 0 : i32
    %add3A_5 = arith.addi %mul3A_4, %add3A : i32
    %mul3A_6 = arith.constant 100096 : i32
    %mul3A_7 = arith.muli %add3A_5, %mul3A_6 : i32
    %add3A_8 = arith.constant 99968 : i32
    %add3A_9 = arith.addi %mul3A_7, %add3A_8 : i32
    %mul3A_10 = arith.constant 8 : i32
    %mul3A_11 = arith.muli %arg0, %mul3A_10 : i32
    %add3A_12 = arith.constant 1 : i32
    %add3A_13 = arith.addi %mul3A_11, %add3A_12 : i32
    %mul3A_14 = arith.constant 100096 : i32
    %mul3A_15 = arith.muli %add3A_13, %mul3A_14 : i32
    %add3A_16 = arith.constant 99968 : i32
    %add3A_17 = arith.addi %mul3A_15, %add3A_16 : i32
    %mul3A_18 = arith.constant 8 : i32
    %mul3A_19 = arith.muli %arg0, %mul3A_18 : i32
    %add3A_20 = arith.constant 2 : i32
    %add3A_21 = arith.addi %mul3A_19, %add3A_20 : i32
    %mul3A_22 = arith.constant 100096 : i32
    %mul3A_23 = arith.muli %add3A_21, %mul3A_22 : i32
    %add3A_24 = arith.constant 99968 : i32
    %add3A_25 = arith.addi %mul3A_23, %add3A_24 : i32
    %mul3A_26 = arith.constant 8 : i32
    %mul3A_27 = arith.muli %arg0, %mul3A_26 : i32
    %add3A_28 = arith.constant 3 : i32
    %add3A_29 = arith.addi %mul3A_27, %add3A_28 : i32
    %mul3A_30 = arith.constant 100096 : i32
    %mul3A_31 = arith.muli %add3A_29, %mul3A_30 : i32
    %add3A_32 = arith.constant 99968 : i32
    %add3A_33 = arith.addi %mul3A_31, %add3A_32 : i32
    %mul3A_34 = arith.constant 8 : i32
    %mul3A_35 = arith.muli %arg0, %mul3A_34 : i32
    %add3A_36 = arith.constant 4 : i32
    %add3A_37 = arith.addi %mul3A_35, %add3A_36 : i32
    %mul3A_38 = arith.constant 100096 : i32
    %mul3A_39 = arith.muli %add3A_37, %mul3A_38 : i32
    %add3A_40 = arith.constant 99968 : i32
    %add3A_41 = arith.addi %mul3A_39, %add3A_40 : i32
    %mul3A_42 = arith.constant 8 : i32
    %mul3A_43 = arith.muli %arg0, %mul3A_42 : i32
    %add3A_44 = arith.constant 5 : i32
    %add3A_45 = arith.addi %mul3A_43, %add3A_44 : i32
    %mul3A_46 = arith.constant 100096 : i32
    %mul3A_47 = arith.muli %add3A_45, %mul3A_46 : i32
    %add3A_48 = arith.constant 99968 : i32
    %add3A_49 = arith.addi %mul3A_47, %add3A_48 : i32
    %mul3A_50 = arith.constant 8 : i32
    %mul3A_51 = arith.muli %arg0, %mul3A_50 : i32
    %add3A_52 = arith.constant 6 : i32
    %add3A_53 = arith.addi %mul3A_51, %add3A_52 : i32
    %mul3A_54 = arith.constant 100096 : i32
    %mul3A_55 = arith.muli %add3A_53, %mul3A_54 : i32
    %add3A_56 = arith.constant 99968 : i32
    %add3A_57 = arith.addi %mul3A_55, %add3A_56 : i32
    %mul3A_58 = arith.constant 8 : i32
    %mul3A_59 = arith.muli %arg0, %mul3A_58 : i32
    %add3A_60 = arith.constant 7 : i32
    %add3A_61 = arith.addi %mul3A_59, %add3A_60 : i32
    %mul3A_62 = arith.constant 100096 : i32
    %mul3A_63 = arith.muli %add3A_61, %mul3A_62 : i32
    %add3A_64 = arith.constant 99968 : i32
    %add3A_65 = arith.addi %mul3A_63, %add3A_64 : i32
    %dma_start3A = arith.constant 0 : i32
    %dma_start3A_66 = tpu.memref_slice %arg2[%mul3A_7] : memref<3203072xf32, #tpu.memory_space<any>> -> memref<99968xf32, #tpu.memory_space<any>>
    %dma_start3A_67 = arith.constant 0 : i32
    %dma_start3A_68 = tpu.memref_slice %arg1[%dma_start3A, %dma_start3A_67] : memref<8x100000xf32, #tpu.memory_space<vmem>> -> memref<1x99968xf32, #tpu.memory_space<vmem>>
    %dma_start3A_69 = tpu.memref_squeeze %dma_start3A_68 : memref<1x99968xf32, #tpu.memory_space<vmem>> -> memref<99968xf32, #tpu.memory_space<vmem>>
    tpu.enqueue_dma source(%dma_start3A_69 : memref<99968xf32, #tpu.memory_space<vmem>>) target(%dma_start3A_66 : memref<99968xf32, #tpu.memory_space<any>>) target_semaphore(%arg4 : memref<!tpu.dma_semaphore, #tpu.memory_space<semaphore_mem>>)
    %dma_start3A_70 = arith.constant 0 : i32
    %dma_start3A_71 = tpu.memref_slice %arg2[%add3A_9] : memref<3203072xf32, #tpu.memory_space<any>> -> memref<128xf32, #tpu.memory_space<any>>
    %dma_start3A_72 = arith.constant 0 : i32
    %dma_start3A_73 = tpu.memref_slice %arg3[%dma_start3A_70, %dma_start3A_72] : memref<8x128xf32, #tpu.memory_space<vmem>> -> memref<1x128xf32, #tpu.memory_space<vmem>>
    %dma_start3A_74 = tpu.memref_squeeze %dma_start3A_73 : memref<1x128xf32, #tpu.memory_space<vmem>> -> memref<128xf32, #tpu.memory_space<vmem>>
    tpu.enqueue_dma source(%dma_start3A_74 : memref<128xf32, #tpu.memory_space<vmem>>) target(%dma_start3A_71 : memref<128xf32, #tpu.memory_space<any>>) target_semaphore(%arg4 : memref<!tpu.dma_semaphore, #tpu.memory_space<semaphore_mem>>)
    %dma_start3A_75 = arith.constant 1 : i32
    %dma_start3A_76 = tpu.memref_slice %arg2[%mul3A_15] : memref<3203072xf32, #tpu.memory_space<any>> -> memref<99968xf32, #tpu.memory_space<any>>
    %dma_start3A_77 = arith.constant 0 : i32
    %dma_start3A_78 = tpu.memref_slice %arg1[%dma_start3A_75, %dma_start3A_77] : memref<8x100000xf32, #tpu.memory_space<vmem>> -> memref<1x99968xf32, #tpu.memory_space<vmem>>
    %dma_start3A_79 = tpu.memref_squeeze %dma_start3A_78 : memref<1x99968xf32, #tpu.memory_space<vmem>> -> memref<99968xf32, #tpu.memory_space<vmem>>
    tpu.enqueue_dma source(%dma_start3A_79 : memref<99968xf32, #tpu.memory_space<vmem>>) target(%dma_start3A_76 : memref<99968xf32, #tpu.memory_space<any>>) target_semaphore(%arg4 : memref<!tpu.dma_semaphore, #tpu.memory_space<semaphore_mem>>)
    %dma_start3A_80 = arith.constant 1 : i32
    %dma_start3A_81 = tpu.memref_slice %arg2[%add3A_17] : memref<3203072xf32, #tpu.memory_space<any>> -> memref<128xf32, #tpu.memory_space<any>>
    %dma_start3A_82 = arith.constant 0 : i32
    %dma_start3A_83 = tpu.memref_slice %arg3[%dma_start3A_80, %dma_start3A_82] : memref<8x128xf32, #tpu.memory_space<vmem>> -> memref<1x128xf32, #tpu.memory_space<vmem>>
    %dma_start3A_84 = tpu.memref_squeeze %dma_start3A_83 : memref<1x128xf32, #tpu.memory_space<vmem>> -> memref<128xf32, #tpu.memory_space<vmem>>
    tpu.enqueue_dma source(%dma_start3A_84 : memref<128xf32, #tpu.memory_space<vmem>>) target(%dma_start3A_81 : memref<128xf32, #tpu.memory_space<any>>) target_semaphore(%arg4 : memref<!tpu.dma_semaphore, #tpu.memory_space<semaphore_mem>>)
    %dma_start3A_85 = arith.constant 2 : i32
    %dma_start3A_86 = tpu.memref_slice %arg2[%mul3A_23] : memref<3203072xf32, #tpu.memory_space<any>> -> memref<99968xf32, #tpu.memory_space<any>>
    %dma_start3A_87 = arith.constant 0 : i32
    %dma_start3A_88 = tpu.memref_slice %arg1[%dma_start3A_85, %dma_start3A_87] : memref<8x100000xf32, #tpu.memory_space<vmem>> -> memref<1x99968xf32, #tpu.memory_space<vmem>>
    %dma_start3A_89 = tpu.memref_squeeze %dma_start3A_88 : memref<1x99968xf32, #tpu.memory_space<vmem>> -> memref<99968xf32, #tpu.memory_space<vmem>>
    tpu.enqueue_dma source(%dma_start3A_89 : memref<99968xf32, #tpu.memory_space<vmem>>) target(%dma_start3A_86 : memref<99968xf32, #tpu.memory_space<any>>) target_semaphore(%arg4 : memref<!tpu.dma_semaphore, #tpu.memory_space<semaphore_mem>>)
    %dma_start3A_90 = arith.constant 2 : i32
    %dma_start3A_91 = tpu.memref_slice %arg2[%add3A_25] : memref<3203072xf32, #tpu.memory_space<any>> -> memref<128xf32, #tpu.memory_space<any>>
    %dma_start3A_92 = arith.constant 0 : i32
    %dma_start3A_93 = tpu.memref_slice %arg3[%dma_start3A_90, %dma_start3A_92] : memref<8x128xf32, #tpu.memory_space<vmem>> -> memref<1x128xf32, #tpu.memory_space<vmem>>
    %dma_start3A_94 = tpu.memref_squeeze %dma_start3A_93 : memref<1x128xf32, #tpu.memory_space<vmem>> -> memref<128xf32, #tpu.memory_space<vmem>>
    tpu.enqueue_dma source(%dma_start3A_94 : memref<128xf32, #tpu.memory_space<vmem>>) target(%dma_start3A_91 : memref<128xf32, #tpu.memory_space<any>>) target_semaphore(%arg4 : memref<!tpu.dma_semaphore, #tpu.memory_space<semaphore_mem>>)
    %dma_start3A_95 = arith.constant 3 : i32
    %dma_start3A_96 = tpu.memref_slice %arg2[%mul3A_31] : memref<3203072xf32, #tpu.memory_space<any>> -> memref<99968xf32, #tpu.memory_space<any>>
    %dma_start3A_97 = arith.constant 0 : i32
    %dma_start3A_98 = tpu.memref_slice %arg1[%dma_start3A_95, %dma_start3A_97] : memref<8x100000xf32, #tpu.memory_space<vmem>> -> memref<1x99968xf32, #tpu.memory_space<vmem>>
    %dma_start3A_99 = tpu.memref_squeeze %dma_start3A_98 : memref<1x99968xf32, #tpu.memory_space<vmem>> -> memref<99968xf32, #tpu.memory_space<vmem>>
    tpu.enqueue_dma source(%dma_start3A_99 : memref<99968xf32, #tpu.memory_space<vmem>>) target(%dma_start3A_96 : memref<99968xf32, #tpu.memory_space<any>>) target_semaphore(%arg4 : memref<!tpu.dma_semaphore, #tpu.memory_space<semaphore_mem>>)
    %dma_start3A_100 = arith.constant 3 : i32
    %dma_start3A_101 = tpu.memref_slice %arg2[%add3A_33] : memref<3203072xf32, #tpu.memory_space<any>> -> memref<128xf32, #tpu.memory_space<any>>
    %dma_start3A_102 = arith.constant 0 : i32
    %dma_start3A_103 = tpu.memref_slice %arg3[%dma_start3A_100, %dma_start3A_102] : memref<8x128xf32, #tpu.memory_space<vmem>> -> memref<1x128xf32, #tpu.memory_space<vmem>>
    %dma_start3A_104 = tpu.memref_squeeze %dma_start3A_103 : memref<1x128xf32, #tpu.memory_space<vmem>> -> memref<128xf32, #tpu.memory_space<vmem>>
    tpu.enqueue_dma source(%dma_start3A_104 : memref<128xf32, #tpu.memory_space<vmem>>) target(%dma_start3A_101 : memref<128xf32, #tpu.memory_space<any>>) target_semaphore(%arg4 : memref<!tpu.dma_semaphore, #tpu.memory_space<semaphore_mem>>)
    %dma_start3A_105 = arith.constant 4 : i32
    %dma_start3A_106 = tpu.memref_slice %arg2[%mul3A_39] : memref<3203072xf32, #tpu.memory_space<any>> -> memref<99968xf32, #tpu.memory_space<any>>
    %dma_start3A_107 = arith.constant 0 : i32
    %dma_start3A_108 = tpu.memref_slice %arg1[%dma_start3A_105, %dma_start3A_107] : memref<8x100000xf32, #tpu.memory_space<vmem>> -> memref<1x99968xf32, #tpu.memory_space<vmem>>
    %dma_start3A_109 = tpu.memref_squeeze %dma_start3A_108 : memref<1x99968xf32, #tpu.memory_space<vmem>> -> memref<99968xf32, #tpu.memory_space<vmem>>
    tpu.enqueue_dma source(%dma_start3A_109 : memref<99968xf32, #tpu.memory_space<vmem>>) target(%dma_start3A_106 : memref<99968xf32, #tpu.memory_space<any>>) target_semaphore(%arg4 : memref<!tpu.dma_semaphore, #tpu.memory_space<semaphore_mem>>)
    %dma_start3A_110 = arith.constant 4 : i32
    %dma_start3A_111 = tpu.memref_slice %arg2[%add3A_41] : memref<3203072xf32, #tpu.memory_space<any>> -> memref<128xf32, #tpu.memory_space<any>>
    %dma_start3A_112 = arith.constant 0 : i32
    %dma_start3A_113 = tpu.memref_slice %arg3[%dma_start3A_110, %dma_start3A_112] : memref<8x128xf32, #tpu.memory_space<vmem>> -> memref<1x128xf32, #tpu.memory_space<vmem>>
    %dma_start3A_114 = tpu.memref_squeeze %dma_start3A_113 : memref<1x128xf32, #tpu.memory_space<vmem>> -> memref<128xf32, #tpu.memory_space<vmem>>
    tpu.enqueue_dma source(%dma_start3A_114 : memref<128xf32, #tpu.memory_space<vmem>>) target(%dma_start3A_111 : memref<128xf32, #tpu.memory_space<any>>) target_semaphore(%arg4 : memref<!tpu.dma_semaphore, #tpu.memory_space<semaphore_mem>>)
    %dma_start3A_115 = arith.constant 5 : i32
    %dma_start3A_116 = tpu.memref_slice %arg2[%mul3A_47] : memref<3203072xf32, #tpu.memory_space<any>> -> memref<99968xf32, #tpu.memory_space<any>>
    %dma_start3A_117 = arith.constant 0 : i32
    %dma_start3A_118 = tpu.memref_slice %arg1[%dma_start3A_115, %dma_start3A_117] : memref<8x100000xf32, #tpu.memory_space<vmem>> -> memref<1x99968xf32, #tpu.memory_space<vmem>>
    %dma_start3A_119 = tpu.memref_squeeze %dma_start3A_118 : memref<1x99968xf32, #tpu.memory_space<vmem>> -> memref<99968xf32, #tpu.memory_space<vmem>>
    tpu.enqueue_dma source(%dma_start3A_119 : memref<99968xf32, #tpu.memory_space<vmem>>) target(%dma_start3A_116 : memref<99968xf32, #tpu.memory_space<any>>) target_semaphore(%arg4 : memref<!tpu.dma_semaphore, #tpu.memory_space<semaphore_mem>>)
    %dma_start3A_120 = arith.constant 5 : i32
    %dma_start3A_121 = tpu.memref_slice %arg2[%add3A_49] : memref<3203072xf32, #tpu.memory_space<any>> -> memref<128xf32, #tpu.memory_space<any>>
    %dma_start3A_122 = arith.constant 0 : i32
    %dma_start3A_123 = tpu.memref_slice %arg3[%dma_start3A_120, %dma_start3A_122] : memref<8x128xf32, #tpu.memory_space<vmem>> -> memref<1x128xf32, #tpu.memory_space<vmem>>
    %dma_start3A_124 = tpu.memref_squeeze %dma_start3A_123 : memref<1x128xf32, #tpu.memory_space<vmem>> -> memref<128xf32, #tpu.memory_space<vmem>>
    tpu.enqueue_dma source(%dma_start3A_124 : memref<128xf32, #tpu.memory_space<vmem>>) target(%dma_start3A_121 : memref<128xf32, #tpu.memory_space<any>>) target_semaphore(%arg4 : memref<!tpu.dma_semaphore, #tpu.memory_space<semaphore_mem>>)
    %dma_start3A_125 = arith.constant 6 : i32
    %dma_start3A_126 = tpu.memref_slice %arg2[%mul3A_55] : memref<3203072xf32, #tpu.memory_space<any>> -> memref<99968xf32, #tpu.memory_space<any>>
    %dma_start3A_127 = arith.constant 0 : i32
    %dma_start3A_128 = tpu.memref_slice %arg1[%dma_start3A_125, %dma_start3A_127] : memref<8x100000xf32, #tpu.memory_space<vmem>> -> memref<1x99968xf32, #tpu.memory_space<vmem>>
    %dma_start3A_129 = tpu.memref_squeeze %dma_start3A_128 : memref<1x99968xf32, #tpu.memory_space<vmem>> -> memref<99968xf32, #tpu.memory_space<vmem>>
    tpu.enqueue_dma source(%dma_start3A_129 : memref<99968xf32, #tpu.memory_space<vmem>>) target(%dma_start3A_126 : memref<99968xf32, #tpu.memory_space<any>>) target_semaphore(%arg4 : memref<!tpu.dma_semaphore, #tpu.memory_space<semaphore_mem>>)
    %dma_start3A_130 = arith.constant 6 : i32
    %dma_start3A_131 = tpu.memref_slice %arg2[%add3A_57] : memref<3203072xf32, #tpu.memory_space<any>> -> memref<128xf32, #tpu.memory_space<any>>
    %dma_start3A_132 = arith.constant 0 : i32
    %dma_start3A_133 = tpu.memref_slice %arg3[%dma_start3A_130, %dma_start3A_132] : memref<8x128xf32, #tpu.memory_space<vmem>> -> memref<1x128xf32, #tpu.memory_space<vmem>>
    %dma_start3A_134 = tpu.memref_squeeze %dma_start3A_133 : memref<1x128xf32, #tpu.memory_space<vmem>> -> memref<128xf32, #tpu.memory_space<vmem>>
    tpu.enqueue_dma source(%dma_start3A_134 : memref<128xf32, #tpu.memory_space<vmem>>) target(%dma_start3A_131 : memref<128xf32, #tpu.memory_space<any>>) target_semaphore(%arg4 : memref<!tpu.dma_semaphore, #tpu.memory_space<semaphore_mem>>)
    %dma_start3A_135 = arith.constant 7 : i32
    %dma_start3A_136 = tpu.memref_slice %arg2[%mul3A_63] : memref<3203072xf32, #tpu.memory_space<any>> -> memref<99968xf32, #tpu.memory_space<any>>
    %dma_start3A_137 = arith.constant 0 : i32
    %dma_start3A_138 = tpu.memref_slice %arg1[%dma_start3A_135, %dma_start3A_137] : memref<8x100000xf32, #tpu.memory_space<vmem>> -> memref<1x99968xf32, #tpu.memory_space<vmem>>
    %dma_start3A_139 = tpu.memref_squeeze %dma_start3A_138 : memref<1x99968xf32, #tpu.memory_space<vmem>> -> memref<99968xf32, #tpu.memory_space<vmem>>
    tpu.enqueue_dma source(%dma_start3A_139 : memref<99968xf32, #tpu.memory_space<vmem>>) target(%dma_start3A_136 : memref<99968xf32, #tpu.memory_space<any>>) target_semaphore(%arg4 : memref<!tpu.dma_semaphore, #tpu.memory_space<semaphore_mem>>)
    %dma_start3A_140 = arith.constant 7 : i32
    %dma_start3A_141 = tpu.memref_slice %arg2[%add3A_65] : memref<3203072xf32, #tpu.memory_space<any>> -> memref<128xf32, #tpu.memory_space<any>>
    %dma_start3A_142 = arith.constant 0 : i32
    %dma_start3A_143 = tpu.memref_slice %arg3[%dma_start3A_140, %dma_start3A_142] : memref<8x128xf32, #tpu.memory_space<vmem>> -> memref<1x128xf32, #tpu.memory_space<vmem>>
    %dma_start3A_144 = tpu.memref_squeeze %dma_start3A_143 : memref<1x128xf32, #tpu.memory_space<vmem>> -> memref<128xf32, #tpu.memory_space<vmem>>
    tpu.enqueue_dma source(%dma_start3A_144 : memref<128xf32, #tpu.memory_space<vmem>>) target(%dma_start3A_141 : memref<128xf32, #tpu.memory_space<any>>) target_semaphore(%arg4 : memref<!tpu.dma_semaphore, #tpu.memory_space<semaphore_mem>>)
    %dma_wait3A = arith.constant 0 : i32
    %dma_wait3A_145 = tpu.memref_slice %arg2[%mul3A_7] : memref<3203072xf32, #tpu.memory_space<any>> -> memref<99968xf32, #tpu.memory_space<any>>
    %dma_wait3A_146 = arith.constant 0 : i32
    %dma_wait3A_147 = tpu.memref_slice %arg1[%dma_wait3A, %dma_wait3A_146] : memref<8x100000xf32, #tpu.memory_space<vmem>> -> memref<1x99968xf32, #tpu.memory_space<vmem>>
    %dma_wait3A_148 = tpu.memref_squeeze %dma_wait3A_147 : memref<1x99968xf32, #tpu.memory_space<vmem>> -> memref<99968xf32, #tpu.memory_space<vmem>>
    tpu.wait_dma2 semaphore(%arg4 : memref<!tpu.dma_semaphore, #tpu.memory_space<semaphore_mem>>) src(%dma_wait3A_148 : memref<99968xf32, #tpu.memory_space<vmem>>) dst(%dma_wait3A_145 : memref<99968xf32, #tpu.memory_space<any>>)
    %dma_wait3A_149 = arith.constant 0 : i32
    %dma_wait3A_150 = tpu.memref_slice %arg2[%add3A_9] : memref<3203072xf32, #tpu.memory_space<any>> -> memref<128xf32, #tpu.memory_space<any>>
    %dma_wait3A_151 = arith.constant 0 : i32
    %dma_wait3A_152 = tpu.memref_slice %arg3[%dma_wait3A_149, %dma_wait3A_151] : memref<8x128xf32, #tpu.memory_space<vmem>> -> memref<1x128xf32, #tpu.memory_space<vmem>>
    %dma_wait3A_153 = tpu.memref_squeeze %dma_wait3A_152 : memref<1x128xf32, #tpu.memory_space<vmem>> -> memref<128xf32, #tpu.memory_space<vmem>>
    tpu.wait_dma2 semaphore(%arg4 : memref<!tpu.dma_semaphore, #tpu.memory_space<semaphore_mem>>) src(%dma_wait3A_153 : memref<128xf32, #tpu.memory_space<vmem>>) dst(%dma_wait3A_150 : memref<128xf32, #tpu.memory_space<any>>)
    %dma_wait3A_154 = arith.constant 1 : i32
    %dma_wait3A_155 = tpu.memref_slice %arg2[%mul3A_15] : memref<3203072xf32, #tpu.memory_space<any>> -> memref<99968xf32, #tpu.memory_space<any>>
    %dma_wait3A_156 = arith.constant 0 : i32
    %dma_wait3A_157 = tpu.memref_slice %arg1[%dma_wait3A_154, %dma_wait3A_156] : memref<8x100000xf32, #tpu.memory_space<vmem>> -> memref<1x99968xf32, #tpu.memory_space<vmem>>
    %dma_wait3A_158 = tpu.memref_squeeze %dma_wait3A_157 : memref<1x99968xf32, #tpu.memory_space<vmem>> -> memref<99968xf32, #tpu.memory_space<vmem>>
    tpu.wait_dma2 semaphore(%arg4 : memref<!tpu.dma_semaphore, #tpu.memory_space<semaphore_mem>>) src(%dma_wait3A_158 : memref<99968xf32, #tpu.memory_space<vmem>>) dst(%dma_wait3A_155 : memref<99968xf32, #tpu.memory_space<any>>)
    %dma_wait3A_159 = arith.constant 1 : i32
    %dma_wait3A_160 = tpu.memref_slice %arg2[%add3A_17] : memref<3203072xf32, #tpu.memory_space<any>> -> memref<128xf32, #tpu.memory_space<any>>
    %dma_wait3A_161 = arith.constant 0 : i32
    %dma_wait3A_162 = tpu.memref_slice %arg3[%dma_wait3A_159, %dma_wait3A_161] : memref<8x128xf32, #tpu.memory_space<vmem>> -> memref<1x128xf32, #tpu.memory_space<vmem>>
    %dma_wait3A_163 = tpu.memref_squeeze %dma_wait3A_162 : memref<1x128xf32, #tpu.memory_space<vmem>> -> memref<128xf32, #tpu.memory_space<vmem>>
    tpu.wait_dma2 semaphore(%arg4 : memref<!tpu.dma_semaphore, #tpu.memory_space<semaphore_mem>>) src(%dma_wait3A_163 : memref<128xf32, #tpu.memory_space<vmem>>) dst(%dma_wait3A_160 : memref<128xf32, #tpu.memory_space<any>>)
    %dma_wait3A_164 = arith.constant 2 : i32
    %dma_wait3A_165 = tpu.memref_slice %arg2[%mul3A_23] : memref<3203072xf32, #tpu.memory_space<any>> -> memref<99968xf32, #tpu.memory_space<any>>
    %dma_wait3A_166 = arith.constant 0 : i32
    %dma_wait3A_167 = tpu.memref_slice %arg1[%dma_wait3A_164, %dma_wait3A_166] : memref<8x100000xf32, #tpu.memory_space<vmem>> -> memref<1x99968xf32, #tpu.memory_space<vmem>>
    %dma_wait3A_168 = tpu.memref_squeeze %dma_wait3A_167 : memref<1x99968xf32, #tpu.memory_space<vmem>> -> memref<99968xf32, #tpu.memory_space<vmem>>
    tpu.wait_dma2 semaphore(%arg4 : memref<!tpu.dma_semaphore, #tpu.memory_space<semaphore_mem>>) src(%dma_wait3A_168 : memref<99968xf32, #tpu.memory_space<vmem>>) dst(%dma_wait3A_165 : memref<99968xf32, #tpu.memory_space<any>>)
    %dma_wait3A_169 = arith.constant 2 : i32
    %dma_wait3A_170 = tpu.memref_slice %arg2[%add3A_25] : memref<3203072xf32, #tpu.memory_space<any>> -> memref<128xf32, #tpu.memory_space<any>>
    %dma_wait3A_171 = arith.constant 0 : i32
    %dma_wait3A_172 = tpu.memref_slice %arg3[%dma_wait3A_169, %dma_wait3A_171] : memref<8x128xf32, #tpu.memory_space<vmem>> -> memref<1x128xf32, #tpu.memory_space<vmem>>
    %dma_wait3A_173 = tpu.memref_squeeze %dma_wait3A_172 : memref<1x128xf32, #tpu.memory_space<vmem>> -> memref<128xf32, #tpu.memory_space<vmem>>
    tpu.wait_dma2 semaphore(%arg4 : memref<!tpu.dma_semaphore, #tpu.memory_space<semaphore_mem>>) src(%dma_wait3A_173 : memref<128xf32, #tpu.memory_space<vmem>>) dst(%dma_wait3A_170 : memref<128xf32, #tpu.memory_space<any>>)
    %dma_wait3A_174 = arith.constant 3 : i32
    %dma_wait3A_175 = tpu.memref_slice %arg2[%mul3A_31] : memref<3203072xf32, #tpu.memory_space<any>> -> memref<99968xf32, #tpu.memory_space<any>>
    %dma_wait3A_176 = arith.constant 0 : i32
    %dma_wait3A_177 = tpu.memref_slice %arg1[%dma_wait3A_174, %dma_wait3A_176] : memref<8x100000xf32, #tpu.memory_space<vmem>> -> memref<1x99968xf32, #tpu.memory_space<vmem>>
    %dma_wait3A_178 = tpu.memref_squeeze %dma_wait3A_177 : memref<1x99968xf32, #tpu.memory_space<vmem>> -> memref<99968xf32, #tpu.memory_space<vmem>>
    tpu.wait_dma2 semaphore(%arg4 : memref<!tpu.dma_semaphore, #tpu.memory_space<semaphore_mem>>) src(%dma_wait3A_178 : memref<99968xf32, #tpu.memory_space<vmem>>) dst(%dma_wait3A_175 : memref<99968xf32, #tpu.memory_space<any>>)
    %dma_wait3A_179 = arith.constant 3 : i32
    %dma_wait3A_180 = tpu.memref_slice %arg2[%add3A_33] : memref<3203072xf32, #tpu.memory_space<any>> -> memref<128xf32, #tpu.memory_space<any>>
    %dma_wait3A_181 = arith.constant 0 : i32
    %dma_wait3A_182 = tpu.memref_slice %arg3[%dma_wait3A_179, %dma_wait3A_181] : memref<8x128xf32, #tpu.memory_space<vmem>> -> memref<1x128xf32, #tpu.memory_space<vmem>>
    %dma_wait3A_183 = tpu.memref_squeeze %dma_wait3A_182 : memref<1x128xf32, #tpu.memory_space<vmem>> -> memref<128xf32, #tpu.memory_space<vmem>>
    tpu.wait_dma2 semaphore(%arg4 : memref<!tpu.dma_semaphore, #tpu.memory_space<semaphore_mem>>) src(%dma_wait3A_183 : memref<128xf32, #tpu.memory_space<vmem>>) dst(%dma_wait3A_180 : memref<128xf32, #tpu.memory_space<any>>)
    %dma_wait3A_184 = arith.constant 4 : i32
    %dma_wait3A_185 = tpu.memref_slice %arg2[%mul3A_39] : memref<3203072xf32, #tpu.memory_space<any>> -> memref<99968xf32, #tpu.memory_space<any>>
    %dma_wait3A_186 = arith.constant 0 : i32
    %dma_wait3A_187 = tpu.memref_slice %arg1[%dma_wait3A_184, %dma_wait3A_186] : memref<8x100000xf32, #tpu.memory_space<vmem>> -> memref<1x99968xf32, #tpu.memory_space<vmem>>
    %dma_wait3A_188 = tpu.memref_squeeze %dma_wait3A_187 : memref<1x99968xf32, #tpu.memory_space<vmem>> -> memref<99968xf32, #tpu.memory_space<vmem>>
    tpu.wait_dma2 semaphore(%arg4 : memref<!tpu.dma_semaphore, #tpu.memory_space<semaphore_mem>>) src(%dma_wait3A_188 : memref<99968xf32, #tpu.memory_space<vmem>>) dst(%dma_wait3A_185 : memref<99968xf32, #tpu.memory_space<any>>)
    %dma_wait3A_189 = arith.constant 4 : i32
    %dma_wait3A_190 = tpu.memref_slice %arg2[%add3A_41] : memref<3203072xf32, #tpu.memory_space<any>> -> memref<128xf32, #tpu.memory_space<any>>
    %dma_wait3A_191 = arith.constant 0 : i32
    %dma_wait3A_192 = tpu.memref_slice %arg3[%dma_wait3A_189, %dma_wait3A_191] : memref<8x128xf32, #tpu.memory_space<vmem>> -> memref<1x128xf32, #tpu.memory_space<vmem>>
    %dma_wait3A_193 = tpu.memref_squeeze %dma_wait3A_192 : memref<1x128xf32, #tpu.memory_space<vmem>> -> memref<128xf32, #tpu.memory_space<vmem>>
    tpu.wait_dma2 semaphore(%arg4 : memref<!tpu.dma_semaphore, #tpu.memory_space<semaphore_mem>>) src(%dma_wait3A_193 : memref<128xf32, #tpu.memory_space<vmem>>) dst(%dma_wait3A_190 : memref<128xf32, #tpu.memory_space<any>>)
    %dma_wait3A_194 = arith.constant 5 : i32
    %dma_wait3A_195 = tpu.memref_slice %arg2[%mul3A_47] : memref<3203072xf32, #tpu.memory_space<any>> -> memref<99968xf32, #tpu.memory_space<any>>
    %dma_wait3A_196 = arith.constant 0 : i32
    %dma_wait3A_197 = tpu.memref_slice %arg1[%dma_wait3A_194, %dma_wait3A_196] : memref<8x100000xf32, #tpu.memory_space<vmem>> -> memref<1x99968xf32, #tpu.memory_space<vmem>>
    %dma_wait3A_198 = tpu.memref_squeeze %dma_wait3A_197 : memref<1x99968xf32, #tpu.memory_space<vmem>> -> memref<99968xf32, #tpu.memory_space<vmem>>
    tpu.wait_dma2 semaphore(%arg4 : memref<!tpu.dma_semaphore, #tpu.memory_space<semaphore_mem>>) src(%dma_wait3A_198 : memref<99968xf32, #tpu.memory_space<vmem>>) dst(%dma_wait3A_195 : memref<99968xf32, #tpu.memory_space<any>>)
    %dma_wait3A_199 = arith.constant 5 : i32
    %dma_wait3A_200 = tpu.memref_slice %arg2[%add3A_49] : memref<3203072xf32, #tpu.memory_space<any>> -> memref<128xf32, #tpu.memory_space<any>>
    %dma_wait3A_201 = arith.constant 0 : i32
    %dma_wait3A_202 = tpu.memref_slice %arg3[%dma_wait3A_199, %dma_wait3A_201] : memref<8x128xf32, #tpu.memory_space<vmem>> -> memref<1x128xf32, #tpu.memory_space<vmem>>
    %dma_wait3A_203 = tpu.memref_squeeze %dma_wait3A_202 : memref<1x128xf32, #tpu.memory_space<vmem>> -> memref<128xf32, #tpu.memory_space<vmem>>
    tpu.wait_dma2 semaphore(%arg4 : memref<!tpu.dma_semaphore, #tpu.memory_space<semaphore_mem>>) src(%dma_wait3A_203 : memref<128xf32, #tpu.memory_space<vmem>>) dst(%dma_wait3A_200 : memref<128xf32, #tpu.memory_space<any>>)
    %dma_wait3A_204 = arith.constant 6 : i32
    %dma_wait3A_205 = tpu.memref_slice %arg2[%mul3A_55] : memref<3203072xf32, #tpu.memory_space<any>> -> memref<99968xf32, #tpu.memory_space<any>>
    %dma_wait3A_206 = arith.constant 0 : i32
    %dma_wait3A_207 = tpu.memref_slice %arg1[%dma_wait3A_204, %dma_wait3A_206] : memref<8x100000xf32, #tpu.memory_space<vmem>> -> memref<1x99968xf32, #tpu.memory_space<vmem>>
    %dma_wait3A_208 = tpu.memref_squeeze %dma_wait3A_207 : memref<1x99968xf32, #tpu.memory_space<vmem>> -> memref<99968xf32, #tpu.memory_space<vmem>>
    tpu.wait_dma2 semaphore(%arg4 : memref<!tpu.dma_semaphore, #tpu.memory_space<semaphore_mem>>) src(%dma_wait3A_208 : memref<99968xf32, #tpu.memory_space<vmem>>) dst(%dma_wait3A_205 : memref<99968xf32, #tpu.memory_space<any>>)
    %dma_wait3A_209 = arith.constant 6 : i32
    %dma_wait3A_210 = tpu.memref_slice %arg2[%add3A_57] : memref<3203072xf32, #tpu.memory_space<any>> -> memref<128xf32, #tpu.memory_space<any>>
    %dma_wait3A_211 = arith.constant 0 : i32
    %dma_wait3A_212 = tpu.memref_slice %arg3[%dma_wait3A_209, %dma_wait3A_211] : memref<8x128xf32, #tpu.memory_space<vmem>> -> memref<1x128xf32, #tpu.memory_space<vmem>>
    %dma_wait3A_213 = tpu.memref_squeeze %dma_wait3A_212 : memref<1x128xf32, #tpu.memory_space<vmem>> -> memref<128xf32, #tpu.memory_space<vmem>>
    tpu.wait_dma2 semaphore(%arg4 : memref<!tpu.dma_semaphore, #tpu.memory_space<semaphore_mem>>) src(%dma_wait3A_213 : memref<128xf32, #tpu.memory_space<vmem>>) dst(%dma_wait3A_210 : memref<128xf32, #tpu.memory_space<any>>)
    %dma_wait3A_214 = arith.constant 7 : i32
    %dma_wait3A_215 = tpu.memref_slice %arg2[%mul3A_63] : memref<3203072xf32, #tpu.memory_space<any>> -> memref<99968xf32, #tpu.memory_space<any>>
    %dma_wait3A_216 = arith.constant 0 : i32
    %dma_wait3A_217 = tpu.memref_slice %arg1[%dma_wait3A_214, %dma_wait3A_216] : memref<8x100000xf32, #tpu.memory_space<vmem>> -> memref<1x99968xf32, #tpu.memory_space<vmem>>
    %dma_wait3A_218 = tpu.memref_squeeze %dma_wait3A_217 : memref<1x99968xf32, #tpu.memory_space<vmem>> -> memref<99968xf32, #tpu.memory_space<vmem>>
    tpu.wait_dma2 semaphore(%arg4 : memref<!tpu.dma_semaphore, #tpu.memory_space<semaphore_mem>>) src(%dma_wait3A_218 : memref<99968xf32, #tpu.memory_space<vmem>>) dst(%dma_wait3A_215 : memref<99968xf32, #tpu.memory_space<any>>)
    %dma_wait3A_219 = arith.constant 7 : i32
    %dma_wait3A_220 = tpu.memref_slice %arg2[%add3A_65] : memref<3203072xf32, #tpu.memory_space<any>> -> memref<128xf32, #tpu.memory_space<any>>
    %dma_wait3A_221 = arith.constant 0 : i32
    %dma_wait3A_222 = tpu.memref_slice %arg3[%dma_wait3A_219, %dma_wait3A_221] : memref<8x128xf32, #tpu.memory_space<vmem>> -> memref<1x128xf32, #tpu.memory_space<vmem>>
    %dma_wait3A_223 = tpu.memref_squeeze %dma_wait3A_222 : memref<1x128xf32, #tpu.memory_space<vmem>> -> memref<128xf32, #tpu.memory_space<vmem>>
    tpu.wait_dma2 semaphore(%arg4 : memref<!tpu.dma_semaphore, #tpu.memory_space<semaphore_mem>>) src(%dma_wait3A_223 : memref<128xf32, #tpu.memory_space<vmem>>) dst(%dma_wait3A_220 : memref<128xf32, #tpu.memory_space<any>>)
    return
  }
  func.func @transform_0(%arg0: i32) -> (i32, i32) {
    %c0_i32 = arith.constant 0 : i32
    %c0_i32_0 = arith.constant 0 : i32
    return %arg0, %c0_i32 : i32, i32
  }
}

</mosaic_0001>

<sc_bundles>
// kernel: kernel.37.cloned.1.call-start
scs
__scs_entry_jumppad:
0x0: {  	(pc) =	sbr.rel $0x88, $3  }
0x1: {  	(tag) =	ssettag $0x0;
	lr =	simm.s32 $0x1  }
0x2: {  	[smem:$0x3F6B] =	sst lr;
	_ =	strace $0xD0000000  }
0x3: {  	_ = 	snop  }
0x4: {  	_ = 	snop  }
0x5: {  	_ = 	snop  }
0x6: {  	_ = 	snop  }
0x7: {  	_ = 	snop  }
__scs_overlays_trampoline_lowered:
0x8: {  	[smem:$0x3F7A] =	sst s0  }
0x9: {  	[smem:$0x3F7B] =	sst s1  }
0xa: {  	[smem:$0x3F7C] =	sst s2  }
0xb: {  	[smem:$0x3F7D] =	sst s3  }
0xc: {  	[smem:$0x3F7E] =	sst s4  }
0xd: {  	[smem:$0x3F7F] =	sst s5  }
0xe: {  	[smem:$0x3F80] =	sst s6  }
0xf: {  	[smem:$0x3F81] =	sst s7  }
0x10: {  	[smem:$0x3F82] =	sst s8  }
0x11: {  	[smem:$0x3F83] =	sst s9;
	s0 =	simm.s32 @!p0 $0x0  }
0x12: {  	s1 =	sld [smem:$0x3F69];
	s0 =	simm.s32 @p0 $0x1  }
0x13: {  	[smem:$0x3F84] =	sst s0;
	s0 =	simm.s32 @!p1 $0x0  }
0x14: {  	s2 =	sld [smem:$0x3F68];
	s0 =	simm.s32 @p1 $0x1  }
0x15: {  	[smem:$0x3F85] =	sst s0;
	s0 =	simm.s32 @!p2 $0x0  }
0x16: {  	s3 =	sld [smem:$0x3FDB];
	s0 =	simm.s32 @p2 $0x1  }
0x17: {  	s4 =	simm.s32 $0x1BF5;
	[smem:$0x3F87] =	sst s0  }
0x18: {  	s0 =	sld [smem:$0x3F6A];
	_ =	swait.ge [sflag:s4], $0x0  }
0x19: {  	s7 =	sld [smem:$0x3F6B]  }
0x1a: {  	s8 =	sadd.s32 $0xFFFFE003, lr  }
0x1b: {  	s9 =	sadd.s32 $0xFFFFFEF7, lr;
	s5 =	simm.s32 $0xFFFFFFFF;
	p2 =	slt.u32 s8, $0xFFFFF086  }
0x1c: {  	p1 =	slt.u32 s9, $0xF7A;
	s5 =	simm.s32 @!p2 $0x0  }
0x1d: {  	s5 =	simm.s32 @p1 $0x1;
	p0 =	seq.s32 s7, s2  }
0x1e: {  	s7 =	smul.u32 @!p0 $0xF7A, s2;
	p2 =	seq.s32 @!p0 s5, $0x0  }
0x1f: {  	s9 =	smul.u32 $0xF7A, s1;
	s8 =	simm.s32 @!p0 $0x1BF5;
	p2 =	por !p2, p0  }
0x20: {  	[sflag:s8] =	ssyncset.s32 @!p0 $0xFFFFF086;
	s6 =	sadd.s32 @!p0 s3, s7;
	s7 =	simm.s32 @!p0 $0x108  }
0x21: {  	s3 =	sadd.s32 s3, s9;
	s6 =	sadd.s32 @!p0 $0x88, s6;
	s7 =	simm.s32 @p2 $0x1082  }
0x22: {  	[simem:s7], [sflag:s8] =	dma.local @!p0 [hbm:s6], $0xF7A  }
0x23: {  	s9 =	sor.u32 $0xD0000000, s2;
	s6 =	simm.s32 $0x108;
	_ =	swait.ge @!p0 [sflag:s8], $0x0  }
0x24: {  	s3 =	sadd.s32 $0x88, s3;
	s6 =	simm.s32 @!p1 $0x1082;
	[sflag:s4] =	ssyncset.s32 $0xFFFFF086  }
0x25: {  	[simem:s6], [sflag:s4] =	dma.local [hbm:s3], $0xF7A  }
0x26: {  	[smem:$0x3F6B] =	sst s1;
	(tag) =	ssettag s2;
	_ =	strace s9  }
0x27: {  	s1 =	sld [smem:$0x3F7B]  }
0x28: {  	s2 =	sld [smem:$0x3F7C]  }
0x29: {  	s4 =	sld [smem:$0x3F7E]  }
0x2a: {  	p0 =	seq.s32 s5, $0x0;
	s5 =	sld [smem:$0x3F7F]  }
0x2b: {  	s6 =	sld [smem:$0x3F80]  }
0x2c: {  	s7 =	sld [smem:$0x3F81]  }
0x2d: {  	s3 =	simm.s32 $0x108;
	s8 =	sld [smem:$0x3F82]  }
0x2e: {  	s3 =	simm.s32 @!p0 $0x1082;
	s9 =	sld [smem:$0x3F83]  }
0x2f: {  	lr =	sadd.s32 s0, s3;
	s0 =	sld [smem:$0x3F7A]  }
0x30: {  	s3 =	sld [smem:$0x3F7D]  }
0x31: {  	[smem:$0x3F86] =	sst s10  }
0x32: {  	s10 =	sld [smem:$0x3F84];
	_ =	sdelay $0x3  }
0x33: {  	p0 =	seq.s32 s10, $0x1;
	s10 =	sld [smem:$0x3F86];
	_ =	sdelay $0x3  }
0x34: {  	[smem:$0x3F86] =	sst s10  }
0x35: {  	s10 =	sld [smem:$0x3F85];
	_ =	sdelay $0x3  }
0x36: {  	p1 =	seq.s32 s10, $0x1;
	s10 =	sld [smem:$0x3F86];
	_ =	sdelay $0x3  }
0x37: {  	[smem:$0x3F86] =	sst s10  }
0x38: {  	s10 =	sld [smem:$0x3F87]  }
0x39: {  	_ = 	snop;
	(pc) =	sbr.ind lr, $3  }
0x3a: {  	_ = 	snop  }
0x3b: {  	_ = 	snop  }
0x3c: {  	p2 =	seq.s32 s10, $0x1;
	s10 =	sld [smem:$0x3F86]  }
0x3d: {  	_ =	shalt  }
0x3e: {  	_ =	shalt  }
0x3f: {  	_ =	shalt  }
0x40: {  	_ =	shalt  }
0x41: {  	_ =	shalt  }
0x42: {  	_ =	shalt  }
0x43: {  	_ =	shalt  }
0x44: {  	_ =	shalt  }
0x45: {  	_ =	shalt  }
0x46: {  	_ =	shalt  }
0x47: {  	_ =	shalt  }
0x48: {  	_ =	shalt  }
0x49: {  	_ =	shalt  }
0x4a: {  	_ =	shalt  }
0x4b: {  	_ =	shalt  }
0x4c: {  	_ =	shalt  }
0x4d: {  	_ =	shalt  }
0x4e: {  	_ =	shalt  }
0x4f: {  	_ =	shalt  }
0x50: {  	_ =	shalt  }
0x51: {  	_ =	shalt  }
0x52: {  	_ =	shalt  }
0x53: {  	_ =	shalt  }
0x54: {  	_ =	shalt  }
0x55: {  	_ =	shalt  }
0x56: {  	_ =	shalt  }
0x57: {  	_ =	shalt  }
0x58: {  	_ =	shalt  }
0x59: {  	_ =	shalt  }
0x5a: {  	_ =	shalt  }
0x5b: {  	_ =	shalt  }
0x5c: {  	_ =	shalt  }
0x5d: {  	_ =	shalt  }
0x5e: {  	_ =	shalt  }
0x5f: {  	_ =	shalt  }
0x60: {  	_ =	shalt  }
0x61: {  	_ =	shalt  }
0x62: {  	_ =	shalt  }
0x63: {  	_ =	shalt  }
0x64: {  	_ =	shalt  }
0x65: {  	_ =	shalt  }
0x66: {  	_ =	shalt  }
0x67: {  	_ =	shalt  }
0x68: {  	_ =	shalt  }
0x69: {  	_ =	shalt  }
0x6a: {  	_ =	shalt  }
0x6b: {  	_ =	shalt  }
0x6c: {  	_ =	shalt  }
0x6d: {  	_ =	shalt  }
0x6e: {  	_ =	shalt  }
0x6f: {  	_ =	shalt  }
0x70: {  	_ =	shalt  }
0x71: {  	_ =	shalt  }
0x72: {  	_ =	shalt  }
0x73: {  	_ =	shalt  }
0x74: {  	_ =	shalt  }
0x75: {  	_ =	shalt  }
0x76: {  	_ =	shalt  }
0x77: {  	_ =	shalt  }
0x78: {  	_ =	shalt  }
0x79: {  	_ =	shalt  }
0x7a: {  	_ =	shalt  }
0x7b: {  	_ =	shalt  }
0x7c: {  	_ =	shalt  }
0x7d: {  	_ =	shalt  }
0x7e: {  	_ =	shalt  }
0x7f: {  	_ =	shalt  }
0x80: {  	_ =	shalt  }
0x81: {  	_ =	shalt  }
0x82: {  	_ =	shalt  }
0x83: {  	_ =	shalt  }
0x84: {  	_ =	shalt  }
0x85: {  	_ =	shalt  }
0x86: {  	_ =	shalt  }
0x87: {  	_ =	shalt  }
.Lfunc_end0:
.L_simem_size_0:
called_computation_lowered:
.L_overlay_start_0:
0x88: {  	s2 =	sld [smem:$0x3FD9]  }
0x89: {  	s3 =	sld [smem:$0x3FFE];
	_ =	sdelay $0x1  }
0x8a: {  	s1 =	srdreg.scid  }
0x8b: {  	s0 =	sand.u32 $0x1, s1  }
0x8c: {  	s16 =	sshll.u32 s0, $0xA;
	s2 =	sadd.s32 s3, s2  }
0x8d: {  	s2 =	sadd.s32 s2, s16  }
0x8e: {  	[smem:$0x3F92] =	sst s2  }
0x8f: {  	_ = 	snop  }
0x90: {  	(tm) =	ssettm $0x1  }
0x91: {  	s17 =	sld [smem:$0x3FFB];
	_ =	sdelay $0x3  }
0x92: {  	_ =	strace s17  }
0x93: {  	s2 =	sld [smem:$0x3FFC];
	_ =	sdelay $0x3  }
0x94: {  	_ =	strace s2  }
0x95: {  	s2 =	sld [smem:$0x3FFD];
	_ =	sdelay $0x3  }
0x96: {  	_ =	strace s2  }
0x97: {  	_ =	strace $0x8FFFFFFF  }
0x98: {  	s18 =	sld [smem:$0x3FDB];
	_ =	sdelay $0x1  }
0x99: {  	s19 =	simm.s32 $_scs_section_size  }
0x9a: {  	s4 =	simm.s32 $_size__tile_overlayer_lowered;
	s5 =	simm.s32 $_tile_overlayer_lowered  }
0x9b: {  	s22 =	simm.s32 $0x1BFF;
	s21 =	sshll.u32 s5, $0x1;
	s2 =	sadd.s32 s19, s18  }
0x9c: {  	s6 =	simm.s32 $0x0;
	s20 =	sshll.u32 s4, $0x1;
	s4 =	sadd.s32 s21, s2  }
0x9d: {  	[timem:s6], [sflag:s22] =	dma.local [hbm:s4], s20  }
0x9e: {  	_ =	swait.ge [sflag:s22], s20  }
0x9f: {  	s3 =	ssub.s32 $0x0, s20;
	[sflag:s22] =	ssyncset.done $0x0  }
0xa0: {  	[sflag:s22] =	ssyncadd.s32 s3;
	_ =	sdelay $0x1  }
0xa1: {  	s23 =	simm.s32 $0x1B8B  }
0xa2: {  	_ =	swait.ge [sflag:s23], $0x1  }
0xa3: {  	[sflag:s23] =	ssyncset.done $0x0  }
0xa4: {  	s25 =	simm.s32 $0x1B8E;
	s24 =	sld [smem:$0x3FFE];
	[sflag:s23] =	ssyncadd.s32 $0xFFFFFFFF  }
0xa5: {  	s26 =	simm.s32 $execute0_lowered;
	[smem:$0x3FD2] =	sst s25  }
0xa6: {  	s4 =	sshll.u32 s26, $0x1;
	_ =	strace $0x80000046;
	[dreg:$0x1] =	wrdreg $0xFFFFFFFF  }
0xa7: {  	s28 =	simm.s32 $_size_execute0_lowered;
	s2 =	sadd.s32 s2, s4;
	[dreg:$0x0] =	wrdreg $0x0  }
0xa8: {  	s4 =	sshll.u32 s28, $0x1;
	[dreg:$0x2] =	wrdreg s2  }
0xa9: {  	[dreg:$0x3] =	wrdreg s4  }
0xaa: {  	[dreg:$0x4] =	wrdreg $0xC0  }
0xab: {  	_ =	task [dreg:s6], $0x5FFFF  }
0xac: {  	[dreg:$0x1] =	wrdreg $0xFFFFFFFF  }
0xad: {  	[dreg:$0x0] =	wrdreg $0x60  }
0xae: {  	[dreg:$0x2] =	wrdreg s24  }
0xaf: {  	[dreg:$0x3] =	wrdreg $0x9  }
0xb0: {  	_ =	task.clear_ibuf [dreg:s6], $0x4FFFF;
	_ =	strace $0x90000046  }
0xb1: {  	s29 =	simm.s32 $0x9;
	_ =	strace $0x80000048  }
0xb2: {  	_ =	swait.ge [sflag:s29], $0x1  }
0xb3: {  	[sflag:s29] =	ssyncadd.s32 $0xFFFFFFFF  }
0xb4: {  	_ =	strace $0x90000048  }
0xb5: {  	_ =	sfence  }
0xb6: {  	s30 =	sld [smem:$0x0];
	_ =	sdelay $0x2  }
0xb7: {  	s31 =	sshll.u32 s1, $0xD;
	s1 =	sshrl.u32 s1, $0x2  }
0xb8: {  	s3 =	sand.u32 $0x4000, s31;
	s1 =	sadd.s32 s1, s30  }
0xb9: {  	s0 =	sor.u32 s3, s0;
	s1 =	sshll.u32 s1, $0x11  }
0xba: {  	s0 =	sor.u32 s1, s0  }
0xbb: {  	s0 =	sadd.s32 $0x8F2B, s0  }
0xbc: {  	[sflag:s0] =	ssyncadd.remote.s32 $0x1  }
0xbd: {  	_ =	sfence.sel $0xFFFF  }
0xbe: {  	[dreg:$0x0] =	wrdreg $0xFFFFFFFF;
	(pc) =	sbr.abs _section_cstart, $3  }
0xbf: {  	[dreg:$0x1] =	wrdreg $0xFFFFFFFF  }
0xc0: {  	_ =	task.clear_ibuf [dreg:s6], $0x2FFFF;
	_ =	strace $0x9FFFFFFF  }
0xc1: {  	(tm) =	ssettm $0x7FFFFFFF  }
tec
execute0_lowered:
.L_overlay_start_1:
0x0: {  	(tag) =	ssettag $0x1  }
0x1: {  	s4 =	rddreg [dreg:$0x0]  }
0x2: {  	s0 =	rddreg [dreg:$0x1];
	s2 =	simm.s32 $0x0;
	s3 =	srdreg.scid  }
0x3: {  	s1 =	stileid.u32;
	s8 =	simm.s32 $0x1000;
	s9 =	simm.s32 $0x2  }
0x4: {  	s10 =	simm.s32 $0x1;
	s11 =	simm.s32 $0x1900;
	s12 =	simm.s32 $0x0  }
0x5: {  	[smem:$0x7FF] =	sst s2;
	s3 =	sand.u32 $0x1, s3;
	s5 =	sshll.u32 s1, $0x5  }
0x6: {  	s6 =	sshll.u32 s3, $0x4;
	s7 =	ssub.s32 $0x2, s3;
	_ =	strace $0x80000047  }
0x7: {  	s3 =	sadd.s32 $0xF000, s4;
	s5 =	sor.u32 s6, s5;
	s31 =	sshrl.u32 s7, $0x1  }
0x8: {  	s5 =	sadd.s32 s5, s4;
	s6 =	ssub.s32 s7, s31;
	s7 =	simm.s32 $0x80  }
0x9: {  	s4 =	sadd.s32 $0x8C00, s5;
	s5 =	sadd.s32 $0x12200, s5;
	s6 =	smax.u32 s6, $0x1  }
.LBB2_1:
0xa: {  	[tilespmem:s2], [sflag:$0x2] =	stream.strided.gather [hbm4b:s4+s7], $0x1900, s8, s7, $0x38;
	[tilespmem:$0x3200] =	vst v63  }
0xb: {  	_ =	swait.ge [sflag:s9], $0x1900  }
0xc: {  	s13 =	simm.s32 $0x200;
	[sflag:s9] =	ssyncset.done $0x0  }
0xd: {  	s14 =	simm.s32 $0x0;
	s15 =	simm.s32 $0x1900;
	[sflag:s9] =	ssyncadd.s32 $0xFFFFE700  }
.LBB2_2:
0xe: {  	[tilespmem:s15], [sflag:$0x1] =	stream.indirect.gather [hbm4b:s3+s7], $0x1, s14, s7, $0xb8;
	[tilespmem:$0x3200] =	vst v63  }
0xf: {  	s14 =	smov.u32 s13;
	p0 =	sne.s32 s13, $0x6200  }
.Ltmp0:
0x10: {  	s13 =	sadd.s32 $0x200, s13;
	(pc) =	sbr.rel @p0 .LBB2_2-.Ltmp0, $3  }
0x11: {  	_ =	sdelay $0x1  }
0x12: {  	s14 =	sshra.s32 s14, $0x2  }
0x13: {  	s15 =	sadd.s32 $0x1900, s14  }
0x14: {  	[tilespmem:s15], [sflag:$0x1] =	stream.indirect.gather [hbm4b:s3+s7], $0x1, s14, s7, $0xb8;
	[tilespmem:$0x3200] =	vst v63  }
0x15: {  	s12 =	sadd.s32 $0x1, s12;
	_ =	swait.ge [sflag:s10], $0x1900  }
0x16: {  	p0 =	sne.s32 s12, s6;
	[sflag:s10] =	ssyncset.done $0x0  }
.Ltmp1:
0x17: {  	[sflag:s10] =	ssyncadd.s32 $0xFFFFE700;
	(pc) =	sbr.rel @p0 .LBB2_1-.Ltmp1, $4  }
0x18: {  	[hbm4b:s5+s7] =	stream.strided.scatter [tilespmem:s11], [sflag:$0x2], $0x1900, s8, s7, $0x38;
	[tilespmem:$0x3200] =	vst v63  }
0x19: {  	_ =	swait.ge [sflag:s9], $0x1900  }
0x1a: {  	[sflag:s9] =	ssyncset.done $0x0  }
0x1b: {  	[sflag:s9] =	ssyncadd.s32 $0xFFFFE700  }
0x1c: {  	_ =	sfence.sel $0x180000  }
0x1d: {  	[bflag:$0x0] =	sbarrier.arrive $0xFFFF  }
0x1e: {  	p0 =	sne.s32 s1, $0x0;
	_ =	strace $0x90000047  }
0x1f: {  	s0 =	sadd.s32 @!p0 $0x100000, s0;
	[bflag:$0x2] =	sbarrier.arrive $0xFFFF  }
0x20: {  	[sflag:s0] =	ssyncadd.tile.s32 @!p0 $0x1;
	_ =	shalt  }
.Lfunc_end2:
_tile_overlayer_lowered:
.L_overlay_start_2:
0x21: {  	(tag) =	ssettag $0x2  }
0x22: {  	s0 =	rddreg [dreg:$0x0];
	s2 =	stileid.u32  }
0x23: {  	s1 =	rddreg [dreg:$0x1];
	p0 =	sne.s32 s2, $0x0  }
0x24: {  	s3 =	rddreg [dreg:$0x2];
	[bflag:$0x3] =	sbarrier.arrive $0xFFFF;
	s2 =	simm.s32 @!p0 $0x1C02  }
0x25: {  	[timem:s3], [sflag:s2] =	dma.local @!p0 [hbm:s0], s1  }
0x26: {  	s0 =	simm.s32 @!p0 $0x2  }
0x27: {  	_ =	swait.ge @!p0 [sflag:s0], s1  }
0x28: {  	s1 =	ssub.s32 @!p0 $0x0, s1;
	[sflag:s0] =	ssyncset.done @!p0 $0x0  }
0x29: {  	[sflag:s0] =	ssyncadd.s32 @!p0 s1  }
0x2a: {  	[bflag:$0x3] =	sbarrier.arrive $0xFFFF  }
0x2b: {  	_ =	shalt  }

// kernel: kernel.40.cloned.1.call-start
scs
__scs_entry_jumppad:
0x0: {  	(pc) =	sbr.rel $0x88, $3  }
0x1: {  	(tag) =	ssettag $0x0;
	lr =	simm.s32 $0x1  }
0x2: {  	[smem:$0x3F6B] =	sst lr;
	_ =	strace $0xD0000000  }
0x3: {  	_ = 	snop  }
0x4: {  	_ = 	snop  }
0x5: {  	_ = 	snop  }
0x6: {  	_ = 	snop  }
0x7: {  	_ = 	snop  }
__scs_overlays_trampoline_lowered:
0x8: {  	[smem:$0x3F7A] =	sst s0  }
0x9: {  	[smem:$0x3F7B] =	sst s1  }
0xa: {  	[smem:$0x3F7C] =	sst s2  }
0xb: {  	[smem:$0x3F7D] =	sst s3  }
0xc: {  	[smem:$0x3F7E] =	sst s4  }
0xd: {  	[smem:$0x3F7F] =	sst s5  }
0xe: {  	[smem:$0x3F80] =	sst s6  }
0xf: {  	[smem:$0x3F81] =	sst s7  }
0x10: {  	[smem:$0x3F82] =	sst s8  }
0x11: {  	[smem:$0x3F83] =	sst s9;
	s0 =	simm.s32 @!p0 $0x0  }
0x12: {  	s1 =	sld [smem:$0x3F69];
	s0 =	simm.s32 @p0 $0x1  }
0x13: {  	[smem:$0x3F84] =	sst s0;
	s0 =	simm.s32 @!p1 $0x0  }
0x14: {  	s2 =	sld [smem:$0x3F68];
	s0 =	simm.s32 @p1 $0x1  }
0x15: {  	[smem:$0x3F85] =	sst s0;
	s0 =	simm.s32 @!p2 $0x0  }
0x16: {  	s3 =	sld [smem:$0x3FDB];
	s0 =	simm.s32 @p2 $0x1  }
0x17: {  	s4 =	simm.s32 $0x1BF5;
	[smem:$0x3F87] =	sst s0  }
0x18: {  	s0 =	sld [smem:$0x3F6A];
	_ =	swait.ge [sflag:s4], $0x0  }
0x19: {  	s7 =	sld [smem:$0x3F6B]  }
0x1a: {  	s8 =	sadd.s32 $0xFFFFE003, lr  }
0x1b: {  	s9 =	sadd.s32 $0xFFFFFEF7, lr;
	s5 =	simm.s32 $0xFFFFFFFF;
	p2 =	slt.u32 s8, $0xFFFFF086  }
0x1c: {  	p1 =	slt.u32 s9, $0xF7A;
	s5 =	simm.s32 @!p2 $0x0  }
0x1d: {  	s5 =	simm.s32 @p1 $0x1;
	p0 =	seq.s32 s7, s2  }
0x1e: {  	s7 =	smul.u32 @!p0 $0xF7A, s2;
	p2 =	seq.s32 @!p0 s5, $0x0  }
0x1f: {  	s9 =	smul.u32 $0xF7A, s1;
	s8 =	simm.s32 @!p0 $0x1BF5;
	p2 =	por !p2, p0  }
0x20: {  	[sflag:s8] =	ssyncset.s32 @!p0 $0xFFFFF086;
	s6 =	sadd.s32 @!p0 s3, s7;
	s7 =	simm.s32 @!p0 $0x108  }
0x21: {  	s3 =	sadd.s32 s3, s9;
	s6 =	sadd.s32 @!p0 $0x88, s6;
	s7 =	simm.s32 @p2 $0x1082  }
0x22: {  	[simem:s7], [sflag:s8] =	dma.local @!p0 [hbm:s6], $0xF7A  }
0x23: {  	s9 =	sor.u32 $0xD0000000, s2;
	s6 =	simm.s32 $0x108;
	_ =	swait.ge @!p0 [sflag:s8], $0x0  }
0x24: {  	s3 =	sadd.s32 $0x88, s3;
	s6 =	simm.s32 @!p1 $0x1082;
	[sflag:s4] =	ssyncset.s32 $0xFFFFF086  }
0x25: {  	[simem:s6], [sflag:s4] =	dma.local [hbm:s3], $0xF7A  }
0x26: {  	[smem:$0x3F6B] =	sst s1;
	(tag) =	ssettag s2;
	_ =	strace s9  }
0x27: {  	s1 =	sld [smem:$0x3F7B]  }
0x28: {  	s2 =	sld [smem:$0x3F7C]  }
0x29: {  	s4 =	sld [smem:$0x3F7E]  }
0x2a: {  	p0 =	seq.s32 s5, $0x0;
	s5 =	sld [smem:$0x3F7F]  }
0x2b: {  	s6 =	sld [smem:$0x3F80]  }
0x2c: {  	s7 =	sld [smem:$0x3F81]  }
0x2d: {  	s3 =	simm.s32 $0x108;
	s8 =	sld [smem:$0x3F82]  }
0x2e: {  	s3 =	simm.s32 @!p0 $0x1082;
	s9 =	sld [smem:$0x3F83]  }
0x2f: {  	lr =	sadd.s32 s0, s3;
	s0 =	sld [smem:$0x3F7A]  }
0x30: {  	s3 =	sld [smem:$0x3F7D]  }
0x31: {  	[smem:$0x3F86] =	sst s10  }
0x32: {  	s10 =	sld [smem:$0x3F84];
	_ =	sdelay $0x3  }
0x33: {  	p0 =	seq.s32 s10, $0x1;
	s10 =	sld [smem:$0x3F86];
	_ =	sdelay $0x3  }
0x34: {  	[smem:$0x3F86] =	sst s10  }
0x35: {  	s10 =	sld [smem:$0x3F85];
	_ =	sdelay $0x3  }
0x36: {  	p1 =	seq.s32 s10, $0x1;
	s10 =	sld [smem:$0x3F86];
	_ =	sdelay $0x3  }
0x37: {  	[smem:$0x3F86] =	sst s10  }
0x38: {  	s10 =	sld [smem:$0x3F87]  }
0x39: {  	_ = 	snop;
	(pc) =	sbr.ind lr, $3  }
0x3a: {  	_ = 	snop  }
0x3b: {  	_ = 	snop  }
0x3c: {  	p2 =	seq.s32 s10, $0x1;
	s10 =	sld [smem:$0x3F86]  }
0x3d: {  	_ =	shalt  }
0x3e: {  	_ =	shalt  }
0x3f: {  	_ =	shalt  }
0x40: {  	_ =	shalt  }
0x41: {  	_ =	shalt  }
0x42: {  	_ =	shalt  }
0x43: {  	_ =	shalt  }
0x44: {  	_ =	shalt  }
0x45: {  	_ =	shalt  }
0x46: {  	_ =	shalt  }
0x47: {  	_ =	shalt  }
0x48: {  	_ =	shalt  }
0x49: {  	_ =	shalt  }
0x4a: {  	_ =	shalt  }
0x4b: {  	_ =	shalt  }
0x4c: {  	_ =	shalt  }
0x4d: {  	_ =	shalt  }
0x4e: {  	_ =	shalt  }
0x4f: {  	_ =	shalt  }
0x50: {  	_ =	shalt  }
0x51: {  	_ =	shalt  }
0x52: {  	_ =	shalt  }
0x53: {  	_ =	shalt  }
0x54: {  	_ =	shalt  }
0x55: {  	_ =	shalt  }
0x56: {  	_ =	shalt  }
0x57: {  	_ =	shalt  }
0x58: {  	_ =	shalt  }
0x59: {  	_ =	shalt  }
0x5a: {  	_ =	shalt  }
0x5b: {  	_ =	shalt  }
0x5c: {  	_ =	shalt  }
0x5d: {  	_ =	shalt  }
0x5e: {  	_ =	shalt  }
0x5f: {  	_ =	shalt  }
0x60: {  	_ =	shalt  }
0x61: {  	_ =	shalt  }
0x62: {  	_ =	shalt  }
0x63: {  	_ =	shalt  }
0x64: {  	_ =	shalt  }
0x65: {  	_ =	shalt  }
0x66: {  	_ =	shalt  }
0x67: {  	_ =	shalt  }
0x68: {  	_ =	shalt  }
0x69: {  	_ =	shalt  }
0x6a: {  	_ =	shalt  }
0x6b: {  	_ =	shalt  }
0x6c: {  	_ =	shalt  }
0x6d: {  	_ =	shalt  }
0x6e: {  	_ =	shalt  }
0x6f: {  	_ =	shalt  }
0x70: {  	_ =	shalt  }
0x71: {  	_ =	shalt  }
0x72: {  	_ =	shalt  }
0x73: {  	_ =	shalt  }
0x74: {  	_ =	shalt  }
0x75: {  	_ =	shalt  }
0x76: {  	_ =	shalt  }
0x77: {  	_ =	shalt  }
0x78: {  	_ =	shalt  }
0x79: {  	_ =	shalt  }
0x7a: {  	_ =	shalt  }
0x7b: {  	_ =	shalt  }
0x7c: {  	_ =	shalt  }
0x7d: {  	_ =	shalt  }
0x7e: {  	_ =	shalt  }
0x7f: {  	_ =	shalt  }
0x80: {  	_ =	shalt  }
0x81: {  	_ =	shalt  }
0x82: {  	_ =	shalt  }
0x83: {  	_ =	shalt  }
0x84: {  	_ =	shalt  }
0x85: {  	_ =	shalt  }
0x86: {  	_ =	shalt  }
0x87: {  	_ =	shalt  }
.Lfunc_end0:
.L_simem_size_0:
called_computation.1_lowered:
.L_overlay_start_0:
0x88: {  	s2 =	sld [smem:$0x3FD9]  }
0x89: {  	s3 =	sld [smem:$0x3FFE];
	_ =	sdelay $0x1  }
0x8a: {  	s1 =	srdreg.scid  }
0x8b: {  	s0 =	sand.u32 $0x1, s1  }
0x8c: {  	s17 =	sshll.u32 s0, $0xA;
	s2 =	sadd.s32 s3, s2  }
0x8d: {  	s2 =	sadd.s32 s2, s17  }
0x8e: {  	[smem:$0x3F92] =	sst s2  }
0x8f: {  	_ = 	snop  }
0x90: {  	s18 =	sld [smem:$0x3FD0];
	(tm) =	ssettm $0x1  }
0x91: {  	s19 =	sld [smem:$0x3FFB];
	_ =	sdelay $0x3  }
0x92: {  	_ =	strace s19  }
0x93: {  	s2 =	sld [smem:$0x3FFC];
	_ =	sdelay $0x3  }
0x94: {  	_ =	strace s2  }
0x95: {  	s2 =	sld [smem:$0x3FFD];
	_ =	sdelay $0x3  }
0x96: {  	_ =	strace s2  }
0x97: {  	_ =	strace $0x8FFFFFFF  }
0x98: {  	s20 =	sld [smem:$0x3FDB];
	_ =	sdelay $0x1  }
0x99: {  	s4 =	simm.s32 $_scs_section_size  }
0x9a: {  	s5 =	simm.s32 $_size__tile_overlayer_lowered;
	s6 =	simm.s32 $_tile_overlayer_lowered  }
0x9b: {  	s7 =	simm.s32 $0x1BFF;
	s21 =	sshll.u32 s6, $0x1;
	s4 =	sadd.s32 s4, s20  }
0x9c: {  	s22 =	simm.s32 $0x0;
	s5 =	sshll.u32 s5, $0x1;
	s6 =	sadd.s32 s21, s4  }
0x9d: {  	[timem:s22], [sflag:s7] =	dma.local [hbm:s6], s5  }
0x9e: {  	_ =	swait.ge [sflag:s7], s5  }
0x9f: {  	s5 =	ssub.s32 $0x0, s5;
	[sflag:s7] =	ssyncset.done $0x0  }
0xa0: {  	[sflag:s7] =	ssyncadd.s32 s5;
	_ =	sdelay $0x1  }
0xa1: {  	s23 =	simm.s32 $0x1B8B  }
0xa2: {  	_ =	swait.ge [sflag:s23], $0x1  }
0xa3: {  	[sflag:s23] =	ssyncset.done $0x0  }
0xa4: {  	[sflag:s23] =	ssyncadd.s32 $0xFFFFFFFF  }
0xa5: {  	s5 =	sld [smem:$0x0]  }
0xa6: {  	s6 =	sand.u32 $0xFFFFFFFE, s1  }
0xa7: {  	p0 =	sne.s32 s1, s6  }
0xa8: {  	s6 =	sshll.u32 @p0 s6, $0xE  }
0xa9: {  	s6 =	sadd.s32 @p0 $0x11B8D, s6;
	s7 =	sshll.u32 @p0 s5, $0x11  }
0xaa: {  	s6 =	sor.u32 @p0 s7, s6  }
0xab: {  	[sflag:s6] =	ssyncadd.remote.s32 @p0 $0x1;
	_ =	sdelay $0x1  }
0xac: {  	s6 =	simm.s32 @p0 $0x1B8D  }
0xad: {  	_ =	swait.eq @p0 [sflag:s6], $0x1  }
0xae: {  	[sflag:s6] =	ssyncadd.s32 @p0 $0xFFFFFFFF  }
0xaf: {  	s7 =	sshll.u32 @!p0 s1, $0xE  }
0xb0: {  	s7 =	sor.u32 @!p0 $0x4000, s7;
	s6 =	simm.s32 @!p0 $0x1B8D  }
0xb1: {  	s5 =	sshll.u32 @!p0 s5, $0x11;
	s7 =	sadd.s32 @!p0 $0x11B8D, s7;
	_ =	swait.eq @!p0 [sflag:s6], $0x1  }
0xb2: {  	s5 =	sor.u32 @!p0 s5, s7;
	[sflag:s6] =	ssyncadd.s32 @!p0 $0xFFFFFFFF  }
0xb3: {  	s25 =	simm.s32 $0x1B8E;
	s24 =	sld [smem:$0x3FFE];
	[sflag:s5] =	ssyncadd.remote.s32 @!p0 $0x1  }
0xb4: {  	s26 =	simm.s32 $execute0_lowered;
	[smem:$0x3FD2] =	sst s25  }
0xb5: {  	s6 =	sshll.u32 s26, $0x1;
	_ =	strace $0x80000049;
	[dreg:$0x1] =	wrdreg $0xFFFFFFFF  }
0xb6: {  	s28 =	simm.s32 $_size_execute0_lowered;
	s4 =	sadd.s32 s4, s6;
	[dreg:$0x0] =	wrdreg $0x0  }
0xb7: {  	s6 =	sshll.u32 s28, $0x1;
	[dreg:$0x2] =	wrdreg s4  }
0xb8: {  	[dreg:$0x3] =	wrdreg s6  }
0xb9: {  	[dreg:$0x4] =	wrdreg $0xC0  }
0xba: {  	_ =	task [dreg:s22], $0x5FFFF  }
0xbb: {  	[dreg:$0x1] =	wrdreg $0xFFFFFFFF  }
0xbc: {  	[dreg:$0x0] =	wrdreg $0x60  }
0xbd: {  	[dreg:$0x2] =	wrdreg s18  }
0xbe: {  	[dreg:$0x3] =	wrdreg s24  }
0xbf: {  	[dreg:$0x4] =	wrdreg $0xA  }
0xc0: {  	_ =	task.clear_ibuf [dreg:s22], $0x5FFFF;
	_ =	strace $0x90000049  }
0xc1: {  	s29 =	simm.s32 $0xA;
	_ =	strace $0x8000004B  }
0xc2: {  	_ =	swait.ge [sflag:s29], $0x1  }
0xc3: {  	[sflag:s29] =	ssyncadd.s32 $0xFFFFFFFF  }
0xc4: {  	_ =	strace $0x9000004B  }
0xc5: {  	_ =	sfence  }
0xc6: {  	s30 =	sld [smem:$0x0];
	_ =	sdelay $0x2  }
0xc7: {  	s31 =	sshll.u32 s1, $0xD;
	s1 =	sshrl.u32 s1, $0x2  }
0xc8: {  	s4 =	sand.u32 $0x4000, s31;
	s1 =	sadd.s32 s1, s30  }
0xc9: {  	s0 =	sor.u32 s4, s0;
	s1 =	sshll.u32 s1, $0x11  }
0xca: {  	s0 =	sor.u32 s1, s0  }
0xcb: {  	s0 =	sadd.s32 $0x8F2B, s0  }
0xcc: {  	[sflag:s0] =	ssyncadd.remote.s32 $0x1  }
0xcd: {  	_ =	sfence.sel $0xFFFF  }
0xce: {  	[dreg:$0x0] =	wrdreg $0xFFFFFFFF;
	(pc) =	sbr.abs _section_cstart, $3  }
0xcf: {  	[dreg:$0x1] =	wrdreg $0xFFFFFFFF  }
0xd0: {  	_ =	task.clear_ibuf [dreg:s22], $0x2FFFF;
	_ =	strace $0x9FFFFFFF  }
0xd1: {  	(tm) =	ssettm $0x7FFFFFFF  }
tec
execute0_lowered:
.L_overlay_start_1:
0x0: {  	(tag) =	ssettag $0x1  }
0x1: {  	s1 =	rddreg [dreg:$0x0]  }
0x2: {  	s5 =	rddreg [dreg:$0x1]  }
0x3: {  	s0 =	rddreg [dreg:$0x2];
	s4 =	srdreg.scid  }
0x4: {  	s3 =	simm.s32 $0x0;
	s2 =	stileid.u32;
	s10 =	simm.s32 $0x4  }
0x5: {  	s11 =	simm.s32 $0x80;
	s12 =	simm.s32 $0x1;
	s13 =	simm.s32 $0x1000  }
0x6: {  	s14 =	simm.s32 $0x100;
	s15 =	simm.s32 $0x2;
	s16 =	simm.s32 $0x1100  }
0x7: {  	s17 =	simm.s32 $0x3;
	s18 =	simm.s32 $0x0;
	s4 =	sand.u32 $0x1, s4  }
0x8: {  	[smem:$0x7FF] =	sst s3;
	s6 =	sshll.u32 s2, $0x5;
	s7 =	sshll.u32 s4, $0x4  }
0x9: {  	_ =	strace $0x8000004A;
	s30 =	ssub.s32 $0x2, s4;
	s6 =	sor.u32 s7, s6  }
0xa: {  	s4 =	sadd.s32 $0x18600, s5;
	s31 =	sshrl.u32 s30, $0x1;
	s8 =	sadd.s32 s6, s5  }
0xb: {  	s9 =	ssub.s32 s30, s31;
	s5 =	sadd.s32 $0x7A200, s8;
	s6 =	sadd.s32 $0x7A400, s8  }
0xc: {  	s7 =	sadd.s32 $0x7A600, s8;
	s8 =	sadd.s32 $0x7E600, s8;
	s9 =	smax.u32 s9, $0x1  }
.LBB2_1:
0xd: {  	[tilespmem:s3], [sflag:$0x4] =	stream.linear.gather [hbm4b:s5+s3], $0x80, $0x38;
	[tilespmem:$0x2100] =	vst v63  }
0xe: {  	_ =	swait.ge [sflag:s10], $0x80  }
0xf: {  	[sflag:s10] =	ssyncset.done $0x0  }
0x10: {  	s19 =	simm.s32 $0x100;
	[sflag:s10] =	ssyncadd.s32 $0xFFFFFF80  }
0x11: {  	[tilespmem:s19], [sflag:$0x1] =	stream.indirect.gather [hbm4b:s1+s11], $0x1, s3, s11, $0xb8;
	[tilespmem:$0x2100] =	vst v63  }
0x12: {  	s20 =	smov.u32 s1;
	s19 =	simm.s32 $0x200  }
.LBB2_2:
0x13: {  	p0 =	sne.s32 s19, $0x3E00  }
.Ltmp0:
0x14: {  	_ = 	snop;
	(pc) =	sbr.rel @p0 .LBB2_2-.Ltmp0, $4  }
0x15: {  	_ = 	snop  }
0x16: {  	s21 =	sshra.s32 s19, $0x2;
	s19 =	sadd.s32 $0x200, s19  }
0x17: {  	s20 =	sadd.s32 $0x30E0, s20;
	s21 =	sadd.s32 $0x100, s21  }
0x18: {  	[tilespmem:s21], [sflag:$0x1] =	stream.indirect.gather [hbm4b:s20+s11], $0x1, s3, s11, $0xb8;
	[tilespmem:$0x2100] =	vst v63  }
0x19: {  	s19 =	simm.s32 $0x0  }
0x1a: {  	[tilespmem:s11], [sflag:$0x4] =	stream.linear.gather [hbm4b:s6+s19], $0x80, $0x38;
	[tilespmem:$0x2100] =	vst v63  }
0x1b: {  	_ =	swait.ge [sflag:s10], $0x80  }
0x1c: {  	s31 =	simm.s32 $0x1100;
	[sflag:s10] =	ssyncset.done $0x0  }
0x1d: {  	s20 =	smov.u32 s4;
	s19 =	simm.s32 $0x200;
	[sflag:s10] =	ssyncadd.s32 $0xFFFFFF80  }
0x1e: {  	[tilespmem:s31], [sflag:$0x2] =	stream.indirect.gather [hbm4b:s4+s11], $0x1, s11, s11, $0xb8;
	[tilespmem:$0x2100] =	vst v63  }
.LBB2_4:
0x1f: {  	p0 =	sne.s32 s19, $0x3E00  }
.Ltmp1:
0x20: {  	_ = 	snop;
	(pc) =	sbr.rel @p0 .LBB2_4-.Ltmp1, $4  }
0x21: {  	_ = 	snop  }
0x22: {  	s21 =	sshra.s32 s19, $0x2;
	s19 =	sadd.s32 $0x200, s19  }
0x23: {  	s20 =	sadd.s32 $0x30E0, s20;
	s21 =	sadd.s32 $0x1100, s21  }
0x24: {  	[tilespmem:s21], [sflag:$0x2] =	stream.indirect.gather [hbm4b:s20+s11], $0x1, s11, s11, $0xb8;
	[tilespmem:$0x2100] =	vst v63  }
0x25: {  	_ =	swait.ge [sflag:s12], $0x1000  }
0x26: {  	[sflag:s12] =	ssyncset.done $0x0  }
0x27: {  	[sflag:s12] =	ssyncadd.s32 $0xFFFFF000  }
0x28: {  	[hbm4b:s7+s11] =	stream.strided.scatter [tilespmem:s14], [sflag:$0x3], $0x1000, s13, s11, $0x38;
	[tilespmem:$0x2100] =	vst v63  }
0x29: {  	_ =	swait.ge [sflag:s15], $0x1000  }
0x2a: {  	[sflag:s15] =	ssyncset.done $0x0  }
0x2b: {  	s18 =	sadd.s32 $0x1, s18;
	[sflag:s15] =	ssyncadd.s32 $0xFFFFF000  }
0x2c: {  	[hbm4b:s8+s11] =	stream.strided.scatter [tilespmem:s16], [sflag:$0x3], $0x1000, s13, s11, $0x38;
	[tilespmem:$0x2100] =	vst v63  }
0x2d: {  	p0 =	sne.s32 s18, s9;
	_ =	swait.ge [sflag:s17], $0x1000  }
.Ltmp2:
0x2e: {  	[sflag:s17] =	ssyncset.done $0x0;
	(pc) =	sbr.rel @p0 .LBB2_1-.Ltmp2, $4  }
0x2f: {  	[sflag:s17] =	ssyncadd.s32 $0xFFFFF000  }
0x30: {  	_ =	swait.ge [sflag:s17], $0x1000  }
0x31: {  	[sflag:s17] =	ssyncset.done $0x0  }
0x32: {  	[sflag:s17] =	ssyncadd.s32 $0xFFFFF000  }
0x33: {  	_ =	sfence.sel $0x180000  }
0x34: {  	[bflag:$0x0] =	sbarrier.arrive $0xFFFF  }
0x35: {  	p0 =	sne.s32 s2, $0x0;
	_ =	strace $0x9000004A  }
0x36: {  	s0 =	sadd.s32 @!p0 $0x100000, s0;
	[bflag:$0x2] =	sbarrier.arrive $0xFFFF  }
0x37: {  	[sflag:s0] =	ssyncadd.tile.s32 @!p0 $0x1;
	_ =	shalt  }
.Lfunc_end2:
_tile_overlayer_lowered:
.L_overlay_start_2:
0x38: {  	(tag) =	ssettag $0x2  }
0x39: {  	s0 =	rddreg [dreg:$0x0];
	s2 =	stileid.u32  }
0x3a: {  	s1 =	rddreg [dreg:$0x1];
	p0 =	sne.s32 s2, $0x0  }
0x3b: {  	s3 =	rddreg [dreg:$0x2];
	[bflag:$0x3] =	sbarrier.arrive $0xFFFF;
	s2 =	simm.s32 @!p0 $0x1C04  }
0x3c: {  	[timem:s3], [sflag:s2] =	dma.local @!p0 [hbm:s0], s1  }
0x3d: {  	s0 =	simm.s32 @!p0 $0x4  }
0x3e: {  	_ =	swait.ge @!p0 [sflag:s0], s1  }
0x3f: {  	s1 =	ssub.s32 @!p0 $0x0, s1;
	[sflag:s0] =	ssyncset.done @!p0 $0x0  }
0x40: {  	[sflag:s0] =	ssyncadd.s32 @!p0 s1  }
0x41: {  	[bflag:$0x3] =	sbarrier.arrive $0xFFFF  }
0x42: {  	_ =	shalt  }

// kernel: kernel.43.cloned.1.call-start
scs
__scs_entry_jumppad:
0x0: {  	(pc) =	sbr.rel $0x88, $3  }
0x1: {  	(tag) =	ssettag $0x0;
	lr =	simm.s32 $0x1  }
0x2: {  	[smem:$0x3F6B] =	sst lr;
	_ =	strace $0xD0000000  }
0x3: {  	_ = 	snop  }
0x4: {  	_ = 	snop  }
0x5: {  	_ = 	snop  }
0x6: {  	_ = 	snop  }
0x7: {  	_ = 	snop  }
__scs_overlays_trampoline_lowered:
0x8: {  	[smem:$0x3F7A] =	sst s0  }
0x9: {  	[smem:$0x3F7B] =	sst s1  }
0xa: {  	[smem:$0x3F7C] =	sst s2  }
0xb: {  	[smem:$0x3F7D] =	sst s3  }
0xc: {  	[smem:$0x3F7E] =	sst s4  }
0xd: {  	[smem:$0x3F7F] =	sst s5  }
0xe: {  	[smem:$0x3F80] =	sst s6  }
0xf: {  	[smem:$0x3F81] =	sst s7  }
0x10: {  	[smem:$0x3F82] =	sst s8  }
0x11: {  	[smem:$0x3F83] =	sst s9;
	s0 =	simm.s32 @!p0 $0x0  }
0x12: {  	s1 =	sld [smem:$0x3F69];
	s0 =	simm.s32 @p0 $0x1  }
0x13: {  	[smem:$0x3F84] =	sst s0;
	s0 =	simm.s32 @!p1 $0x0  }
0x14: {  	s2 =	sld [smem:$0x3F68];
	s0 =	simm.s32 @p1 $0x1  }
0x15: {  	[smem:$0x3F85] =	sst s0;
	s0 =	simm.s32 @!p2 $0x0  }
0x16: {  	s3 =	sld [smem:$0x3FDB];
	s0 =	simm.s32 @p2 $0x1  }
0x17: {  	s4 =	simm.s32 $0x1BF5;
	[smem:$0x3F87] =	sst s0  }
0x18: {  	s0 =	sld [smem:$0x3F6A];
	_ =	swait.ge [sflag:s4], $0x0  }
0x19: {  	s7 =	sld [smem:$0x3F6B]  }
0x1a: {  	s8 =	sadd.s32 $0xFFFFE003, lr  }
0x1b: {  	s9 =	sadd.s32 $0xFFFFFEF7, lr;
	s5 =	simm.s32 $0xFFFFFFFF;
	p2 =	slt.u32 s8, $0xFFFFF086  }
0x1c: {  	p1 =	slt.u32 s9, $0xF7A;
	s5 =	simm.s32 @!p2 $0x0  }
0x1d: {  	s5 =	simm.s32 @p1 $0x1;
	p0 =	seq.s32 s7, s2  }
0x1e: {  	s7 =	smul.u32 @!p0 $0xF7A, s2;
	p2 =	seq.s32 @!p0 s5, $0x0  }
0x1f: {  	s9 =	smul.u32 $0xF7A, s1;
	s8 =	simm.s32 @!p0 $0x1BF5;
	p2 =	por !p2, p0  }
0x20: {  	[sflag:s8] =	ssyncset.s32 @!p0 $0xFFFFF086;
	s6 =	sadd.s32 @!p0 s3, s7;
	s7 =	simm.s32 @!p0 $0x108  }
0x21: {  	s3 =	sadd.s32 s3, s9;
	s6 =	sadd.s32 @!p0 $0x88, s6;
	s7 =	simm.s32 @p2 $0x1082  }
0x22: {  	[simem:s7], [sflag:s8] =	dma.local @!p0 [hbm:s6], $0xF7A  }
0x23: {  	s9 =	sor.u32 $0xD0000000, s2;
	s6 =	simm.s32 $0x108;
	_ =	swait.ge @!p0 [sflag:s8], $0x0  }
0x24: {  	s3 =	sadd.s32 $0x88, s3;
	s6 =	simm.s32 @!p1 $0x1082;
	[sflag:s4] =	ssyncset.s32 $0xFFFFF086  }
0x25: {  	[simem:s6], [sflag:s4] =	dma.local [hbm:s3], $0xF7A  }
0x26: {  	[smem:$0x3F6B] =	sst s1;
	(tag) =	ssettag s2;
	_ =	strace s9  }
0x27: {  	s1 =	sld [smem:$0x3F7B]  }
0x28: {  	s2 =	sld [smem:$0x3F7C]  }
0x29: {  	s4 =	sld [smem:$0x3F7E]  }
0x2a: {  	p0 =	seq.s32 s5, $0x0;
	s5 =	sld [smem:$0x3F7F]  }
0x2b: {  	s6 =	sld [smem:$0x3F80]  }
0x2c: {  	s7 =	sld [smem:$0x3F81]  }
0x2d: {  	s3 =	simm.s32 $0x108;
	s8 =	sld [smem:$0x3F82]  }
0x2e: {  	s3 =	simm.s32 @!p0 $0x1082;
	s9 =	sld [smem:$0x3F83]  }
0x2f: {  	lr =	sadd.s32 s0, s3;
	s0 =	sld [smem:$0x3F7A]  }
0x30: {  	s3 =	sld [smem:$0x3F7D]  }
0x31: {  	[smem:$0x3F86] =	sst s10  }
0x32: {  	s10 =	sld [smem:$0x3F84];
	_ =	sdelay $0x3  }
0x33: {  	p0 =	seq.s32 s10, $0x1;
	s10 =	sld [smem:$0x3F86];
	_ =	sdelay $0x3  }
0x34: {  	[smem:$0x3F86] =	sst s10  }
0x35: {  	s10 =	sld [smem:$0x3F85];
	_ =	sdelay $0x3  }
0x36: {  	p1 =	seq.s32 s10, $0x1;
	s10 =	sld [smem:$0x3F86];
	_ =	sdelay $0x3  }
0x37: {  	[smem:$0x3F86] =	sst s10  }
0x38: {  	s10 =	sld [smem:$0x3F87]  }
0x39: {  	_ = 	snop;
	(pc) =	sbr.ind lr, $3  }
0x3a: {  	_ = 	snop  }
0x3b: {  	_ = 	snop  }
0x3c: {  	p2 =	seq.s32 s10, $0x1;
	s10 =	sld [smem:$0x3F86]  }
0x3d: {  	_ =	shalt  }
0x3e: {  	_ =	shalt  }
0x3f: {  	_ =	shalt  }
0x40: {  	_ =	shalt  }
0x41: {  	_ =	shalt  }
0x42: {  	_ =	shalt  }
0x43: {  	_ =	shalt  }
0x44: {  	_ =	shalt  }
0x45: {  	_ =	shalt  }
0x46: {  	_ =	shalt  }
0x47: {  	_ =	shalt  }
0x48: {  	_ =	shalt  }
0x49: {  	_ =	shalt  }
0x4a: {  	_ =	shalt  }
0x4b: {  	_ =	shalt  }
0x4c: {  	_ =	shalt  }
0x4d: {  	_ =	shalt  }
0x4e: {  	_ =	shalt  }
0x4f: {  	_ =	shalt  }
0x50: {  	_ =	shalt  }
0x51: {  	_ =	shalt  }
0x52: {  	_ =	shalt  }
0x53: {  	_ =	shalt  }
0x54: {  	_ =	shalt  }
0x55: {  	_ =	shalt  }
0x56: {  	_ =	shalt  }
0x57: {  	_ =	shalt  }
0x58: {  	_ =	shalt  }
0x59: {  	_ =	shalt  }
0x5a: {  	_ =	shalt  }
0x5b: {  	_ =	shalt  }
0x5c: {  	_ =	shalt  }
0x5d: {  	_ =	shalt  }
0x5e: {  	_ =	shalt  }
0x5f: {  	_ =	shalt  }
0x60: {  	_ =	shalt  }
0x61: {  	_ =	shalt  }
0x62: {  	_ =	shalt  }
0x63: {  	_ =	shalt  }
0x64: {  	_ =	shalt  }
0x65: {  	_ =	shalt  }
0x66: {  	_ =	shalt  }
0x67: {  	_ =	shalt  }
0x68: {  	_ =	shalt  }
0x69: {  	_ =	shalt  }
0x6a: {  	_ =	shalt  }
0x6b: {  	_ =	shalt  }
0x6c: {  	_ =	shalt  }
0x6d: {  	_ =	shalt  }
0x6e: {  	_ =	shalt  }
0x6f: {  	_ =	shalt  }
0x70: {  	_ =	shalt  }
0x71: {  	_ =	shalt  }
0x72: {  	_ =	shalt  }
0x73: {  	_ =	shalt  }
0x74: {  	_ =	shalt  }
0x75: {  	_ =	shalt  }
0x76: {  	_ =	shalt  }
0x77: {  	_ =	shalt  }
0x78: {  	_ =	shalt  }
0x79: {  	_ =	shalt  }
0x7a: {  	_ =	shalt  }
0x7b: {  	_ =	shalt  }
0x7c: {  	_ =	shalt  }
0x7d: {  	_ =	shalt  }
0x7e: {  	_ =	shalt  }
0x7f: {  	_ =	shalt  }
0x80: {  	_ =	shalt  }
0x81: {  	_ =	shalt  }
0x82: {  	_ =	shalt  }
0x83: {  	_ =	shalt  }
0x84: {  	_ =	shalt  }
0x85: {  	_ =	shalt  }
0x86: {  	_ =	shalt  }
0x87: {  	_ =	shalt  }
.Lfunc_end0:
.L_simem_size_0:
called_computation.2_lowered:
.L_overlay_start_0:
0x88: {  	s2 =	sld [smem:$0x3FD9]  }
0x89: {  	s3 =	sld [smem:$0x3FFE];
	_ =	sdelay $0x1  }
0x8a: {  	s1 =	srdreg.scid  }
0x8b: {  	s0 =	sand.u32 $0x1, s1  }
0x8c: {  	s17 =	sshll.u32 s0, $0xA;
	s2 =	sadd.s32 s3, s2  }
0x8d: {  	s2 =	sadd.s32 s2, s17  }
0x8e: {  	[smem:$0x3F92] =	sst s2  }
0x8f: {  	_ = 	snop  }
0x90: {  	(tm) =	ssettm $0x1  }
0x91: {  	s18 =	sld [smem:$0x3FFB];
	_ =	sdelay $0x3  }
0x92: {  	_ =	strace s18  }
0x93: {  	s2 =	sld [smem:$0x3FFC];
	_ =	sdelay $0x3  }
0x94: {  	_ =	strace s2  }
0x95: {  	s2 =	sld [smem:$0x3FFD];
	_ =	sdelay $0x3  }
0x96: {  	_ =	strace s2  }
0x97: {  	_ =	strace $0x8FFFFFFF  }
0x98: {  	s19 =	sld [smem:$0x3FDB];
	_ =	sdelay $0x1  }
0x99: {  	s20 =	simm.s32 $_scs_section_size  }
0x9a: {  	s4 =	simm.s32 $_size__tile_overlayer_lowered;
	s5 =	simm.s32 $_tile_overlayer_lowered  }
0x9b: {  	s6 =	simm.s32 $0x1BFF;
	s21 =	sshll.u32 s5, $0x1;
	s3 =	sadd.s32 s20, s19  }
0x9c: {  	s22 =	simm.s32 $0x0;
	s4 =	sshll.u32 s4, $0x1;
	s5 =	sadd.s32 s21, s3  }
0x9d: {  	[timem:s22], [sflag:s6] =	dma.local [hbm:s5], s4  }
0x9e: {  	_ =	swait.ge [sflag:s6], s4  }
0x9f: {  	s4 =	ssub.s32 $0x0, s4;
	[sflag:s6] =	ssyncset.done $0x0  }
0xa0: {  	[sflag:s6] =	ssyncadd.s32 s4;
	_ =	sdelay $0x1  }
0xa1: {  	s23 =	simm.s32 $0x1B8B  }
0xa2: {  	_ =	swait.ge [sflag:s23], $0x1  }
0xa3: {  	[sflag:s23] =	ssyncset.done $0x0  }
0xa4: {  	[sflag:s23] =	ssyncadd.s32 $0xFFFFFFFF  }
0xa5: {  	s4 =	sld [smem:$0x0]  }
0xa6: {  	s5 =	sand.u32 $0xFFFFFFFE, s1  }
0xa7: {  	p0 =	sne.s32 s1, s5  }
0xa8: {  	s5 =	sshll.u32 @p0 s5, $0xE  }
0xa9: {  	s5 =	sadd.s32 @p0 $0x11B8D, s5;
	s6 =	sshll.u32 @p0 s4, $0x11  }
0xaa: {  	s5 =	sor.u32 @p0 s6, s5  }
0xab: {  	[sflag:s5] =	ssyncadd.remote.s32 @p0 $0x1;
	_ =	sdelay $0x1  }
0xac: {  	s5 =	simm.s32 @p0 $0x1B8D  }
0xad: {  	_ =	swait.eq @p0 [sflag:s5], $0x1  }
0xae: {  	[sflag:s5] =	ssyncadd.s32 @p0 $0xFFFFFFFF  }
0xaf: {  	s6 =	sshll.u32 @!p0 s1, $0xE  }
0xb0: {  	s6 =	sor.u32 @!p0 $0x4000, s6;
	s5 =	simm.s32 @!p0 $0x1B8D  }
0xb1: {  	s4 =	sshll.u32 @!p0 s4, $0x11;
	s6 =	sadd.s32 @!p0 $0x11B8D, s6;
	_ =	swait.eq @!p0 [sflag:s5], $0x1  }
0xb2: {  	s4 =	sor.u32 @!p0 s4, s6;
	[sflag:s5] =	ssyncadd.s32 @!p0 $0xFFFFFFFF  }
0xb3: {  	s25 =	simm.s32 $0x1B8E;
	s24 =	sld [smem:$0x3FFE];
	[sflag:s4] =	ssyncadd.remote.s32 @!p0 $0x1  }
0xb4: {  	s26 =	simm.s32 $execute0_lowered;
	[smem:$0x3FD2] =	sst s25  }
0xb5: {  	s5 =	sshll.u32 s26, $0x1;
	_ =	strace $0x8000004C;
	[dreg:$0x1] =	wrdreg $0xFFFFFFFF  }
0xb6: {  	s28 =	simm.s32 $_size_execute0_lowered;
	s3 =	sadd.s32 s3, s5;
	[dreg:$0x0] =	wrdreg $0x0  }
0xb7: {  	s5 =	sshll.u32 s28, $0x1;
	[dreg:$0x2] =	wrdreg s3  }
0xb8: {  	[dreg:$0x3] =	wrdreg s5  }
0xb9: {  	[dreg:$0x4] =	wrdreg $0xC0  }
0xba: {  	_ =	task [dreg:s22], $0x5FFFF  }
0xbb: {  	[dreg:$0x1] =	wrdreg $0xFFFFFFFF  }
0xbc: {  	[dreg:$0x0] =	wrdreg $0x60  }
0xbd: {  	[dreg:$0x2] =	wrdreg s24  }
0xbe: {  	[dreg:$0x3] =	wrdreg $0xB  }
0xbf: {  	_ =	task.clear_ibuf [dreg:s22], $0x4FFFF;
	_ =	strace $0x9000004C  }
0xc0: {  	s29 =	simm.s32 $0xB;
	_ =	strace $0x8000004E  }
0xc1: {  	_ =	swait.ge [sflag:s29], $0x1  }
0xc2: {  	[sflag:s29] =	ssyncadd.s32 $0xFFFFFFFF  }
0xc3: {  	_ =	strace $0x9000004E  }
0xc4: {  	_ =	sfence  }
0xc5: {  	s30 =	sld [smem:$0x0];
	_ =	sdelay $0x2  }
0xc6: {  	s31 =	sshll.u32 s1, $0xD;
	s1 =	sshrl.u32 s1, $0x2  }
0xc7: {  	s4 =	sand.u32 $0x4000, s31;
	s1 =	sadd.s32 s1, s30  }
0xc8: {  	s0 =	sor.u32 s4, s0;
	s1 =	sshll.u32 s1, $0x11  }
0xc9: {  	s0 =	sor.u32 s1, s0  }
0xca: {  	s0 =	sadd.s32 $0x8F2B, s0  }
0xcb: {  	[sflag:s0] =	ssyncadd.remote.s32 $0x1  }
0xcc: {  	_ =	sfence.sel $0xFFFF  }
0xcd: {  	[dreg:$0x0] =	wrdreg $0xFFFFFFFF;
	(pc) =	sbr.abs _section_cstart, $3  }
0xce: {  	[dreg:$0x1] =	wrdreg $0xFFFFFFFF  }
0xcf: {  	_ =	task.clear_ibuf [dreg:s22], $0x2FFFF;
	_ =	strace $0x9FFFFFFF  }
0xd0: {  	(tm) =	ssettm $0x7FFFFFFF  }
0xd1: {  	_ =	shalt  }
tec
execute0_lowered:
.L_overlay_start_1:
0x0: {  	(tag) =	ssettag $0x1  }
0x1: {  	s6 =	rddreg [dreg:$0x0]  }
0x2: {  	s0 =	rddreg [dreg:$0x1];
	s2 =	simm.s32 $0x0;
	s3 =	srdreg.scid  }
0x3: {  	s1 =	stileid.u32;
	s13 =	simm.s32 $0x4;
	s14 =	simm.s32 $0x80  }
0x4: {  	s15 =	simm.s32 $0x1;
	s16 =	simm.s32 $0x1000;
	s17 =	simm.s32 $0x100  }
0x5: {  	s18 =	simm.s32 $0x3;
	s19 =	simm.s32 $0x2;
	s20 =	simm.s32 $0x1100  }
0x6: {  	s21 =	simm.s32 $0x0;
	[smem:$0x7FF] =	sst s2;
	s7 =	sand.u32 $0x1, s3  }
0x7: {  	s5 =	sshll.u32 s1, $0x5;
	s3 =	sadd.s32 $0x82600, s6;
	s8 =	sshll.u32 s7, $0x4  }
0x8: {  	s4 =	sadd.s32 $0xE4200, s6;
	_ =	strace $0x8000004D;
	s8 =	sor.u32 s8, s5  }
0x9: {  	s31 =	ssub.s32 $0x2, s7;
	s5 =	sadd.s32 $0x145E00, s6;
	s11 =	sadd.s32 s8, s6  }
0xa: {  	s9 =	sshrl.u32 s31, $0x1;
	s6 =	sadd.s32 $0x1A7A00, s11;
	s7 =	sadd.s32 $0x1A7C00, s11  }
0xb: {  	s12 =	ssub.s32 s31, s9;
	s8 =	sadd.s32 $0x1A8000, s11;
	s9 =	sadd.s32 $0x1A7E00, s11  }
0xc: {  	s10 =	sadd.s32 $0x1AC000, s11;
	s11 =	sadd.s32 $0x1B0000, s11;
	s12 =	smax.u32 s12, $0x1  }
.LBB2_1:
0xd: {  	[tilespmem:s2], [sflag:$0x4] =	stream.linear.gather [hbm4b:s6+s2], $0x80, $0x38;
	[tilespmem:$0x2100] =	vst v63  }
0xe: {  	_ =	swait.ge [sflag:s13], $0x80  }
0xf: {  	[sflag:s13] =	ssyncset.done $0x0  }
0x10: {  	s22 =	simm.s32 $0x100;
	[sflag:s13] =	ssyncadd.s32 $0xFFFFFF80  }
0x11: {  	[tilespmem:s22], [sflag:$0x1] =	stream.indirect.gather [hbm4b:s3+s14], $0x1, s2, s14, $0xb8;
	[tilespmem:$0x2100] =	vst v63  }
0x12: {  	s23 =	smov.u32 s3;
	s22 =	simm.s32 $0x200  }
.LBB2_2:
0x13: {  	p0 =	sne.s32 s22, $0x3E00  }
.Ltmp0:
0x14: {  	_ = 	snop;
	(pc) =	sbr.rel @p0 .LBB2_2-.Ltmp0, $4  }
0x15: {  	_ = 	snop  }
0x16: {  	s24 =	sshra.s32 s22, $0x2;
	s22 =	sadd.s32 $0x200, s22  }
0x17: {  	s23 =	sadd.s32 $0x30E0, s23;
	s24 =	sadd.s32 $0x100, s24  }
0x18: {  	[tilespmem:s24], [sflag:$0x1] =	stream.indirect.gather [hbm4b:s23+s14], $0x1, s2, s14, $0xb8;
	[tilespmem:$0x2100] =	vst v63  }
0x19: {  	s22 =	simm.s32 $0x0  }
0x1a: {  	[tilespmem:s14], [sflag:$0x4] =	stream.linear.gather [hbm4b:s7+s22], $0x80, $0x38;
	[tilespmem:$0x2100] =	vst v63  }
0x1b: {  	_ =	swait.ge [sflag:s13], $0x80  }
0x1c: {  	s31 =	simm.s32 $0x1100;
	[sflag:s13] =	ssyncset.done $0x0  }
0x1d: {  	s23 =	smov.u32 s4;
	s22 =	simm.s32 $0x200;
	[sflag:s13] =	ssyncadd.s32 $0xFFFFFF80  }
0x1e: {  	[tilespmem:s31], [sflag:$0x2] =	stream.indirect.gather [hbm4b:s4+s14], $0x1, s14, s14, $0xb8;
	[tilespmem:$0x2100] =	vst v63  }
.LBB2_4:
0x1f: {  	p0 =	sne.s32 s22, $0x3E00  }
.Ltmp1:
0x20: {  	_ = 	snop;
	(pc) =	sbr.rel @p0 .LBB2_4-.Ltmp1, $4  }
0x21: {  	_ = 	snop  }
0x22: {  	s24 =	sshra.s32 s22, $0x2;
	s22 =	sadd.s32 $0x200, s22  }
0x23: {  	s23 =	sadd.s32 $0x30E0, s23;
	s24 =	sadd.s32 $0x1100, s24  }
0x24: {  	[tilespmem:s24], [sflag:$0x2] =	stream.indirect.gather [hbm4b:s23+s14], $0x1, s14, s14, $0xb8;
	[tilespmem:$0x2100] =	vst v63  }
0x25: {  	_ =	swait.ge [sflag:s15], $0x1000  }
0x26: {  	[sflag:s15] =	ssyncset.done $0x0  }
0x27: {  	[sflag:s15] =	ssyncadd.s32 $0xFFFFF000  }
0x28: {  	[hbm4b:s8+s14] =	stream.strided.scatter [tilespmem:s17], [sflag:$0x3], $0x1000, s16, s14, $0x38;
	[tilespmem:$0x2100] =	vst v63  }
0x29: {  	s22 =	simm.s32 $0x0  }
0x2a: {  	[tilespmem:s22], [sflag:$0x4] =	stream.linear.gather [hbm4b:s9+s22], $0x80, $0x38;
	[tilespmem:$0x2100] =	vst v63  }
0x2b: {  	_ =	swait.ge [sflag:s13], $0x80  }
0x2c: {  	[sflag:s13] =	ssyncset.done $0x0  }
0x2d: {  	[sflag:s13] =	ssyncadd.s32 $0xFFFFFF80  }
0x2e: {  	_ =	swait.ge [sflag:s18], $0x1000  }
0x2f: {  	s31 =	simm.s32 $0x100;
	[sflag:s18] =	ssyncset.done $0x0  }
0x30: {  	s23 =	smov.u32 s5;
	s22 =	simm.s32 $0x200;
	[sflag:s18] =	ssyncadd.s32 $0xFFFFF000  }
0x31: {  	[tilespmem:s31], [sflag:$0x1] =	stream.indirect.gather [hbm4b:s5+s14], $0x1, s2, s14, $0xb8;
	[tilespmem:$0x2100] =	vst v63  }
.LBB2_6:
0x32: {  	p0 =	sne.s32 s22, $0x3E00  }
.Ltmp2:
0x33: {  	_ = 	snop;
	(pc) =	sbr.rel @p0 .LBB2_6-.Ltmp2, $4  }
0x34: {  	_ = 	snop  }
0x35: {  	s24 =	sshra.s32 s22, $0x2;
	s22 =	sadd.s32 $0x200, s22  }
0x36: {  	s23 =	sadd.s32 $0x30E0, s23;
	s24 =	sadd.s32 $0x100, s24  }
0x37: {  	[tilespmem:s24], [sflag:$0x1] =	stream.indirect.gather [hbm4b:s23+s14], $0x1, s2, s14, $0xb8;
	[tilespmem:$0x2100] =	vst v63  }
0x38: {  	_ =	swait.ge [sflag:s19], $0x1000  }
0x39: {  	[sflag:s19] =	ssyncset.done $0x0  }
0x3a: {  	[sflag:s19] =	ssyncadd.s32 $0xFFFFF000  }
0x3b: {  	[hbm4b:s10+s14] =	stream.strided.scatter [tilespmem:s20], [sflag:$0x3], $0x1000, s16, s14, $0x38;
	[tilespmem:$0x2100] =	vst v63  }
0x3c: {  	_ =	swait.ge [sflag:s15], $0x1000  }
0x3d: {  	[sflag:s15] =	ssyncset.done $0x0  }
0x3e: {  	s21 =	sadd.s32 $0x1, s21;
	[sflag:s15] =	ssyncadd.s32 $0xFFFFF000  }
0x3f: {  	[hbm4b:s11+s14] =	stream.strided.scatter [tilespmem:s17], [sflag:$0x3], $0x1000, s16, s14, $0x38;
	[tilespmem:$0x2100] =	vst v63  }
0x40: {  	p0 =	sne.s32 s21, s12;
	_ =	swait.ge [sflag:s18], $0x1000  }
.Ltmp3:
0x41: {  	[sflag:s18] =	ssyncset.done $0x0;
	(pc) =	sbr.rel @p0 .LBB2_1-.Ltmp3, $4  }
0x42: {  	[sflag:s18] =	ssyncadd.s32 $0xFFFFF000  }
0x43: {  	_ =	swait.ge [sflag:s18], $0x1000  }
0x44: {  	[sflag:s18] =	ssyncset.done $0x0  }
0x45: {  	[sflag:s18] =	ssyncadd.s32 $0xFFFFF000  }
0x46: {  	_ =	sfence.sel $0x180000  }
0x47: {  	[bflag:$0x0] =	sbarrier.arrive $0xFFFF  }
0x48: {  	p0 =	sne.s32 s1, $0x0;
	_ =	strace $0x9000004D  }
0x49: {  	s0 =	sadd.s32 @!p0 $0x100000, s0;
	[bflag:$0x2] =	sbarrier.arrive $0xFFFF  }
0x4a: {  	[sflag:s0] =	ssyncadd.tile.s32 @!p0 $0x1;
	_ =	shalt  }
.Lfunc_end2:
_tile_overlayer_lowered:
.L_overlay_start_2:
0x4b: {  	(tag) =	ssettag $0x2  }
0x4c: {  	s0 =	rddreg [dreg:$0x0];
	s2 =	stileid.u32  }
0x4d: {  	s1 =	rddreg [dreg:$0x1];
	p0 =	sne.s32 s2, $0x0  }
0x4e: {  	s3 =	rddreg [dreg:$0x2];
	[bflag:$0x3] =	sbarrier.arrive $0xFFFF;
	s2 =	simm.s32 @!p0 $0x1C04  }
0x4f: {  	[timem:s3], [sflag:s2] =	dma.local @!p0 [hbm:s0], s1  }
0x50: {  	s0 =	simm.s32 @!p0 $0x4  }
0x51: {  	_ =	swait.ge @!p0 [sflag:s0], s1  }
0x52: {  	s1 =	ssub.s32 @!p0 $0x0, s1;
	[sflag:s0] =	ssyncset.done @!p0 $0x0  }
0x53: {  	[sflag:s0] =	ssyncadd.s32 @!p0 s1  }
0x54: {  	[bflag:$0x3] =	sbarrier.arrive $0xFFFF  }
0x55: {  	_ =	shalt  }

// kernel: kernel.46.cloned.1.call-start
scs
__scs_entry_jumppad:
0x0: {  	(pc) =	sbr.rel $0x88, $3  }
0x1: {  	(tag) =	ssettag $0x0;
	lr =	simm.s32 $0x1  }
0x2: {  	[smem:$0x3F6B] =	sst lr;
	_ =	strace $0xD0000000  }
0x3: {  	_ = 	snop  }
0x4: {  	_ = 	snop  }
0x5: {  	_ = 	snop  }
0x6: {  	_ = 	snop  }
0x7: {  	_ = 	snop  }
__scs_overlays_trampoline_lowered:
0x8: {  	[smem:$0x3F7A] =	sst s0  }
0x9: {  	[smem:$0x3F7B] =	sst s1  }
0xa: {  	[smem:$0x3F7C] =	sst s2  }
0xb: {  	[smem:$0x3F7D] =	sst s3  }
0xc: {  	[smem:$0x3F7E] =	sst s4  }
0xd: {  	[smem:$0x3F7F] =	sst s5  }
0xe: {  	[smem:$0x3F80] =	sst s6  }
0xf: {  	[smem:$0x3F81] =	sst s7  }
0x10: {  	[smem:$0x3F82] =	sst s8  }
0x11: {  	[smem:$0x3F83] =	sst s9;
	s0 =	simm.s32 @!p0 $0x0  }
0x12: {  	s1 =	sld [smem:$0x3F69];
	s0 =	simm.s32 @p0 $0x1  }
0x13: {  	[smem:$0x3F84] =	sst s0;
	s0 =	simm.s32 @!p1 $0x0  }
0x14: {  	s2 =	sld [smem:$0x3F68];
	s0 =	simm.s32 @p1 $0x1  }
0x15: {  	[smem:$0x3F85] =	sst s0;
	s0 =	simm.s32 @!p2 $0x0  }
0x16: {  	s3 =	sld [smem:$0x3FDB];
	s0 =	simm.s32 @p2 $0x1  }
0x17: {  	s4 =	simm.s32 $0x1BF5;
	[smem:$0x3F87] =	sst s0  }
0x18: {  	s0 =	sld [smem:$0x3F6A];
	_ =	swait.ge [sflag:s4], $0x0  }
0x19: {  	s7 =	sld [smem:$0x3F6B]  }
0x1a: {  	s8 =	sadd.s32 $0xFFFFE003, lr  }
0x1b: {  	s9 =	sadd.s32 $0xFFFFFEF7, lr;
	s5 =	simm.s32 $0xFFFFFFFF;
	p2 =	slt.u32 s8, $0xFFFFF086  }
0x1c: {  	p1 =	slt.u32 s9, $0xF7A;
	s5 =	simm.s32 @!p2 $0x0  }
0x1d: {  	s5 =	simm.s32 @p1 $0x1;
	p0 =	seq.s32 s7, s2  }
0x1e: {  	s7 =	smul.u32 @!p0 $0xF7A, s2;
	p2 =	seq.s32 @!p0 s5, $0x0  }
0x1f: {  	s9 =	smul.u32 $0xF7A, s1;
	s8 =	simm.s32 @!p0 $0x1BF5;
	p2 =	por !p2, p0  }
0x20: {  	[sflag:s8] =	ssyncset.s32 @!p0 $0xFFFFF086;
	s6 =	sadd.s32 @!p0 s3, s7;
	s7 =	simm.s32 @!p0 $0x108  }
0x21: {  	s3 =	sadd.s32 s3, s9;
	s6 =	sadd.s32 @!p0 $0x88, s6;
	s7 =	simm.s32 @p2 $0x1082  }
0x22: {  	[simem:s7], [sflag:s8] =	dma.local @!p0 [hbm:s6], $0xF7A  }
0x23: {  	s9 =	sor.u32 $0xD0000000, s2;
	s6 =	simm.s32 $0x108;
	_ =	swait.ge @!p0 [sflag:s8], $0x0  }
0x24: {  	s3 =	sadd.s32 $0x88, s3;
	s6 =	simm.s32 @!p1 $0x1082;
	[sflag:s4] =	ssyncset.s32 $0xFFFFF086  }
0x25: {  	[simem:s6], [sflag:s4] =	dma.local [hbm:s3], $0xF7A  }
0x26: {  	[smem:$0x3F6B] =	sst s1;
	(tag) =	ssettag s2;
	_ =	strace s9  }
0x27: {  	s1 =	sld [smem:$0x3F7B]  }
0x28: {  	s2 =	sld [smem:$0x3F7C]  }
0x29: {  	s4 =	sld [smem:$0x3F7E]  }
0x2a: {  	p0 =	seq.s32 s5, $0x0;
	s5 =	sld [smem:$0x3F7F]  }
0x2b: {  	s6 =	sld [smem:$0x3F80]  }
0x2c: {  	s7 =	sld [smem:$0x3F81]  }
0x2d: {  	s3 =	simm.s32 $0x108;
	s8 =	sld [smem:$0x3F82]  }
0x2e: {  	s3 =	simm.s32 @!p0 $0x1082;
	s9 =	sld [smem:$0x3F83]  }
0x2f: {  	lr =	sadd.s32 s0, s3;
	s0 =	sld [smem:$0x3F7A]  }
0x30: {  	s3 =	sld [smem:$0x3F7D]  }
0x31: {  	[smem:$0x3F86] =	sst s10  }
0x32: {  	s10 =	sld [smem:$0x3F84];
	_ =	sdelay $0x3  }
0x33: {  	p0 =	seq.s32 s10, $0x1;
	s10 =	sld [smem:$0x3F86];
	_ =	sdelay $0x3  }
0x34: {  	[smem:$0x3F86] =	sst s10  }
0x35: {  	s10 =	sld [smem:$0x3F85];
	_ =	sdelay $0x3  }
0x36: {  	p1 =	seq.s32 s10, $0x1;
	s10 =	sld [smem:$0x3F86];
	_ =	sdelay $0x3  }
0x37: {  	[smem:$0x3F86] =	sst s10  }
0x38: {  	s10 =	sld [smem:$0x3F87]  }
0x39: {  	_ = 	snop;
	(pc) =	sbr.ind lr, $3  }
0x3a: {  	_ = 	snop  }
0x3b: {  	_ = 	snop  }
0x3c: {  	p2 =	seq.s32 s10, $0x1;
	s10 =	sld [smem:$0x3F86]  }
0x3d: {  	_ =	shalt  }
0x3e: {  	_ =	shalt  }
0x3f: {  	_ =	shalt  }
0x40: {  	_ =	shalt  }
0x41: {  	_ =	shalt  }
0x42: {  	_ =	shalt  }
0x43: {  	_ =	shalt  }
0x44: {  	_ =	shalt  }
0x45: {  	_ =	shalt  }
0x46: {  	_ =	shalt  }
0x47: {  	_ =	shalt  }
0x48: {  	_ =	shalt  }
0x49: {  	_ =	shalt  }
0x4a: {  	_ =	shalt  }
0x4b: {  	_ =	shalt  }
0x4c: {  	_ =	shalt  }
0x4d: {  	_ =	shalt  }
0x4e: {  	_ =	shalt  }
0x4f: {  	_ =	shalt  }
0x50: {  	_ =	shalt  }
0x51: {  	_ =	shalt  }
0x52: {  	_ =	shalt  }
0x53: {  	_ =	shalt  }
0x54: {  	_ =	shalt  }
0x55: {  	_ =	shalt  }
0x56: {  	_ =	shalt  }
0x57: {  	_ =	shalt  }
0x58: {  	_ =	shalt  }
0x59: {  	_ =	shalt  }
0x5a: {  	_ =	shalt  }
0x5b: {  	_ =	shalt  }
0x5c: {  	_ =	shalt  }
0x5d: {  	_ =	shalt  }
0x5e: {  	_ =	shalt  }
0x5f: {  	_ =	shalt  }
0x60: {  	_ =	shalt  }
0x61: {  	_ =	shalt  }
0x62: {  	_ =	shalt  }
0x63: {  	_ =	shalt  }
0x64: {  	_ =	shalt  }
0x65: {  	_ =	shalt  }
0x66: {  	_ =	shalt  }
0x67: {  	_ =	shalt  }
0x68: {  	_ =	shalt  }
0x69: {  	_ =	shalt  }
0x6a: {  	_ =	shalt  }
0x6b: {  	_ =	shalt  }
0x6c: {  	_ =	shalt  }
0x6d: {  	_ =	shalt  }
0x6e: {  	_ =	shalt  }
0x6f: {  	_ =	shalt  }
0x70: {  	_ =	shalt  }
0x71: {  	_ =	shalt  }
0x72: {  	_ =	shalt  }
0x73: {  	_ =	shalt  }
0x74: {  	_ =	shalt  }
0x75: {  	_ =	shalt  }
0x76: {  	_ =	shalt  }
0x77: {  	_ =	shalt  }
0x78: {  	_ =	shalt  }
0x79: {  	_ =	shalt  }
0x7a: {  	_ =	shalt  }
0x7b: {  	_ =	shalt  }
0x7c: {  	_ =	shalt  }
0x7d: {  	_ =	shalt  }
0x7e: {  	_ =	shalt  }
0x7f: {  	_ =	shalt  }
0x80: {  	_ =	shalt  }
0x81: {  	_ =	shalt  }
0x82: {  	_ =	shalt  }
0x83: {  	_ =	shalt  }
0x84: {  	_ =	shalt  }
0x85: {  	_ =	shalt  }
0x86: {  	_ =	shalt  }
0x87: {  	_ =	shalt  }
.Lfunc_end0:
.L_simem_size_0:
called_computation.3_lowered:
.L_overlay_start_0:
0x88: {  	s2 =	sld [smem:$0x3FD9]  }
0x89: {  	s3 =	sld [smem:$0x3FFE];
	_ =	sdelay $0x1  }
0x8a: {  	s1 =	srdreg.scid  }
0x8b: {  	s0 =	sand.u32 $0x1, s1  }
0x8c: {  	s17 =	sshll.u32 s0, $0xA;
	s2 =	sadd.s32 s3, s2  }
0x8d: {  	s2 =	sadd.s32 s2, s17  }
0x8e: {  	[smem:$0x3F92] =	sst s2  }
0x8f: {  	_ = 	snop  }
0x90: {  	(tm) =	ssettm $0x1  }
0x91: {  	s18 =	sld [smem:$0x3FFB];
	_ =	sdelay $0x3  }
0x92: {  	_ =	strace s18  }
0x93: {  	s2 =	sld [smem:$0x3FFC];
	_ =	sdelay $0x3  }
0x94: {  	_ =	strace s2  }
0x95: {  	s2 =	sld [smem:$0x3FFD];
	_ =	sdelay $0x3  }
0x96: {  	_ =	strace s2  }
0x97: {  	_ =	strace $0x8FFFFFFF  }
0x98: {  	s19 =	sld [smem:$0x3FDB];
	_ =	sdelay $0x1  }
0x99: {  	s20 =	simm.s32 $_scs_section_size  }
0x9a: {  	s4 =	simm.s32 $_size__tile_overlayer_lowered;
	s5 =	simm.s32 $_tile_overlayer_lowered  }
0x9b: {  	s6 =	simm.s32 $0x1BFF;
	s21 =	sshll.u32 s5, $0x1;
	s3 =	sadd.s32 s20, s19  }
0x9c: {  	s22 =	simm.s32 $0x0;
	s4 =	sshll.u32 s4, $0x1;
	s5 =	sadd.s32 s21, s3  }
0x9d: {  	[timem:s22], [sflag:s6] =	dma.local [hbm:s5], s4  }
0x9e: {  	_ =	swait.ge [sflag:s6], s4  }
0x9f: {  	s4 =	ssub.s32 $0x0, s4;
	[sflag:s6] =	ssyncset.done $0x0  }
0xa0: {  	[sflag:s6] =	ssyncadd.s32 s4;
	_ =	sdelay $0x1  }
0xa1: {  	s23 =	simm.s32 $0x1B8B  }
0xa2: {  	_ =	swait.ge [sflag:s23], $0x1  }
0xa3: {  	[sflag:s23] =	ssyncset.done $0x0  }
0xa4: {  	[sflag:s23] =	ssyncadd.s32 $0xFFFFFFFF  }
0xa5: {  	s4 =	sld [smem:$0x0]  }
0xa6: {  	s5 =	sand.u32 $0xFFFFFFFE, s1  }
0xa7: {  	p0 =	sne.s32 s1, s5  }
0xa8: {  	s5 =	sshll.u32 @p0 s5, $0xE  }
0xa9: {  	s5 =	sadd.s32 @p0 $0x11B8D, s5;
	s6 =	sshll.u32 @p0 s4, $0x11  }
0xaa: {  	s5 =	sor.u32 @p0 s6, s5  }
0xab: {  	[sflag:s5] =	ssyncadd.remote.s32 @p0 $0x1;
	_ =	sdelay $0x1  }
0xac: {  	s5 =	simm.s32 @p0 $0x1B8D  }
0xad: {  	_ =	swait.eq @p0 [sflag:s5], $0x1  }
0xae: {  	[sflag:s5] =	ssyncadd.s32 @p0 $0xFFFFFFFF  }
0xaf: {  	s6 =	sshll.u32 @!p0 s1, $0xE  }
0xb0: {  	s6 =	sor.u32 @!p0 $0x4000, s6;
	s5 =	simm.s32 @!p0 $0x1B8D  }
0xb1: {  	s4 =	sshll.u32 @!p0 s4, $0x11;
	s6 =	sadd.s32 @!p0 $0x11B8D, s6;
	_ =	swait.eq @!p0 [sflag:s5], $0x1  }
0xb2: {  	s4 =	sor.u32 @!p0 s4, s6;
	[sflag:s5] =	ssyncadd.s32 @!p0 $0xFFFFFFFF  }
0xb3: {  	s25 =	simm.s32 $0x1B8E;
	s24 =	sld [smem:$0x3FFE];
	[sflag:s4] =	ssyncadd.remote.s32 @!p0 $0x1  }
0xb4: {  	s26 =	simm.s32 $execute0_lowered;
	[smem:$0x3FD2] =	sst s25  }
0xb5: {  	s5 =	sshll.u32 s26, $0x1;
	_ =	strace $0x8000004F;
	[dreg:$0x1] =	wrdreg $0xFFFFFFFF  }
0xb6: {  	s28 =	simm.s32 $_size_execute0_lowered;
	s3 =	sadd.s32 s3, s5;
	[dreg:$0x0] =	wrdreg $0x0  }
0xb7: {  	s5 =	sshll.u32 s28, $0x1;
	[dreg:$0x2] =	wrdreg s3  }
0xb8: {  	[dreg:$0x3] =	wrdreg s5  }
0xb9: {  	[dreg:$0x4] =	wrdreg $0xC0  }
0xba: {  	_ =	task [dreg:s22], $0x5FFFF  }
0xbb: {  	[dreg:$0x1] =	wrdreg $0xFFFFFFFF  }
0xbc: {  	[dreg:$0x0] =	wrdreg $0x60  }
0xbd: {  	[dreg:$0x2] =	wrdreg s24  }
0xbe: {  	[dreg:$0x3] =	wrdreg $0xC  }
0xbf: {  	_ =	task.clear_ibuf [dreg:s22], $0x4FFFF;
	_ =	strace $0x9000004F  }
0xc0: {  	s29 =	simm.s32 $0xC;
	_ =	strace $0x80000051  }
0xc1: {  	_ =	swait.ge [sflag:s29], $0x1  }
0xc2: {  	[sflag:s29] =	ssyncadd.s32 $0xFFFFFFFF  }
0xc3: {  	_ =	strace $0x90000051  }
0xc4: {  	_ =	sfence  }
0xc5: {  	s30 =	sld [smem:$0x0];
	_ =	sdelay $0x2  }
0xc6: {  	s31 =	sshll.u32 s1, $0xD;
	s1 =	sshrl.u32 s1, $0x2  }
0xc7: {  	s4 =	sand.u32 $0x4000, s31;
	s1 =	sadd.s32 s1, s30  }
0xc8: {  	s0 =	sor.u32 s4, s0;
	s1 =	sshll.u32 s1, $0x11  }
0xc9: {  	s0 =	sor.u32 s1, s0  }
0xca: {  	s0 =	sadd.s32 $0x8F2B, s0  }
0xcb: {  	[sflag:s0] =	ssyncadd.remote.s32 $0x1  }
0xcc: {  	_ =	sfence.sel $0xFFFF  }
0xcd: {  	[dreg:$0x0] =	wrdreg $0xFFFFFFFF;
	(pc) =	sbr.abs _section_cstart, $3  }
0xce: {  	[dreg:$0x1] =	wrdreg $0xFFFFFFFF  }
0xcf: {  	_ =	task.clear_ibuf [dreg:s22], $0x2FFFF;
	_ =	strace $0x9FFFFFFF  }
0xd0: {  	(tm) =	ssettm $0x7FFFFFFF  }
0xd1: {  	_ =	shalt  }
tec
execute0_lowered:
.L_overlay_start_1:
0x0: {  	(tag) =	ssettag $0x1  }
0x1: {  	s7 =	rddreg [dreg:$0x0]  }
0x2: {  	s0 =	rddreg [dreg:$0x1];
	s2 =	simm.s32 $0x0;
	s3 =	srdreg.scid  }
0x3: {  	s1 =	stileid.u32;
	s16 =	simm.s32 $0x4;
	s17 =	simm.s32 $0x80  }
0x4: {  	s18 =	simm.s32 $0x1;
	s19 =	simm.s32 $0x1000;
	s20 =	simm.s32 $0x100  }
0x5: {  	s21 =	simm.s32 $0x3;
	s22 =	simm.s32 $0x2;
	s23 =	simm.s32 $0x1100  }
0x6: {  	s24 =	simm.s32 $0x0;
	[smem:$0x7FF] =	sst s2;
	s8 =	sand.u32 $0x1, s3  }
0x7: {  	s5 =	sshll.u32 s1, $0x5;
	s3 =	sadd.s32 $0x1B4000, s7;
	s6 =	sshll.u32 s8, $0x4  }
0x8: {  	s4 =	sadd.s32 $0x215C00, s7;
	_ =	strace $0x80000050;
	s9 =	sor.u32 s6, s5  }
0x9: {  	s5 =	sadd.s32 $0x277800, s7;
	s6 =	sadd.s32 $0x2D9400, s7;
	s14 =	sadd.s32 s9, s7  }
0xa: {  	s11 =	ssub.s32 $0x2, s8;
	s7 =	sadd.s32 $0x33B000, s14;
	s8 =	sadd.s32 $0x33B200, s14  }
0xb: {  	s12 =	sshrl.u32 s11, $0x1;
	s9 =	sadd.s32 $0x33B800, s14;
	s10 =	sadd.s32 $0x33B400, s14  }
0xc: {  	s15 =	ssub.s32 s11, s12;
	s11 =	sadd.s32 $0x33F800, s14;
	s12 =	sadd.s32 $0x33B600, s14  }
0xd: {  	s13 =	sadd.s32 $0x343800, s14;
	s14 =	sadd.s32 $0x347800, s14;
	s15 =	smax.u32 s15, $0x1  }
.LBB2_1:
0xe: {  	[tilespmem:s2], [sflag:$0x4] =	stream.linear.gather [hbm4b:s7+s2], $0x80, $0x38;
	[tilespmem:$0x2100] =	vst v63  }
0xf: {  	_ =	swait.ge [sflag:s16], $0x80  }
0x10: {  	[sflag:s16] =	ssyncset.done $0x0  }
0x11: {  	s25 =	simm.s32 $0x100;
	[sflag:s16] =	ssyncadd.s32 $0xFFFFFF80  }
0x12: {  	[tilespmem:s25], [sflag:$0x1] =	stream.indirect.gather [hbm4b:s3+s17], $0x1, s2, s17, $0xb8;
	[tilespmem:$0x2100] =	vst v63  }
0x13: {  	s26 =	smov.u32 s3;
	s25 =	simm.s32 $0x200  }
.LBB2_2:
0x14: {  	p0 =	sne.s32 s25, $0x3E00  }
.Ltmp0:
0x15: {  	_ = 	snop;
	(pc) =	sbr.rel @p0 .LBB2_2-.Ltmp0, $4  }
0x16: {  	_ = 	snop  }
0x17: {  	s28 =	sshra.s32 s25, $0x2;
	s25 =	sadd.s32 $0x200, s25  }
0x18: {  	s26 =	sadd.s32 $0x30E0, s26;
	s28 =	sadd.s32 $0x100, s28  }
0x19: {  	[tilespmem:s28], [sflag:$0x1] =	stream.indirect.gather [hbm4b:s26+s17], $0x1, s2, s17, $0xb8;
	[tilespmem:$0x2100] =	vst v63  }
0x1a: {  	s25 =	simm.s32 $0x0  }
0x1b: {  	[tilespmem:s17], [sflag:$0x4] =	stream.linear.gather [hbm4b:s8+s25], $0x80, $0x38;
	[tilespmem:$0x2100] =	vst v63  }
0x1c: {  	_ =	swait.ge [sflag:s16], $0x80  }
0x1d: {  	s31 =	simm.s32 $0x1100;
	[sflag:s16] =	ssyncset.done $0x0  }
0x1e: {  	s26 =	smov.u32 s4;
	s25 =	simm.s32 $0x200;
	[sflag:s16] =	ssyncadd.s32 $0xFFFFFF80  }
0x1f: {  	[tilespmem:s31], [sflag:$0x2] =	stream.indirect.gather [hbm4b:s4+s17], $0x1, s17, s17, $0xb8;
	[tilespmem:$0x2100] =	vst v63  }
.LBB2_4:
0x20: {  	p0 =	sne.s32 s25, $0x3E00  }
.Ltmp1:
0x21: {  	_ = 	snop;
	(pc) =	sbr.rel @p0 .LBB2_4-.Ltmp1, $4  }
0x22: {  	_ = 	snop  }
0x23: {  	s28 =	sshra.s32 s25, $0x2;
	s25 =	sadd.s32 $0x200, s25  }
0x24: {  	s26 =	sadd.s32 $0x30E0, s26;
	s28 =	sadd.s32 $0x1100, s28  }
0x25: {  	[tilespmem:s28], [sflag:$0x2] =	stream.indirect.gather [hbm4b:s26+s17], $0x1, s17, s17, $0xb8;
	[tilespmem:$0x2100] =	vst v63  }
0x26: {  	_ =	swait.ge [sflag:s18], $0x1000  }
0x27: {  	[sflag:s18] =	ssyncset.done $0x0  }
0x28: {  	[sflag:s18] =	ssyncadd.s32 $0xFFFFF000  }
0x29: {  	[hbm4b:s9+s17] =	stream.strided.scatter [tilespmem:s20], [sflag:$0x3], $0x1000, s19, s17, $0x38;
	[tilespmem:$0x2100] =	vst v63  }
0x2a: {  	s25 =	simm.s32 $0x0  }
0x2b: {  	[tilespmem:s25], [sflag:$0x4] =	stream.linear.gather [hbm4b:s10+s25], $0x80, $0x38;
	[tilespmem:$0x2100] =	vst v63  }
0x2c: {  	_ =	swait.ge [sflag:s16], $0x80  }
0x2d: {  	[sflag:s16] =	ssyncset.done $0x0  }
0x2e: {  	[sflag:s16] =	ssyncadd.s32 $0xFFFFFF80  }
0x2f: {  	_ =	swait.ge [sflag:s21], $0x1000  }
0x30: {  	s31 =	simm.s32 $0x100;
	[sflag:s21] =	ssyncset.done $0x0  }
0x31: {  	s26 =	smov.u32 s5;
	s25 =	simm.s32 $0x200;
	[sflag:s21] =	ssyncadd.s32 $0xFFFFF000  }
0x32: {  	[tilespmem:s31], [sflag:$0x1] =	stream.indirect.gather [hbm4b:s5+s17], $0x1, s2, s17, $0xb8;
	[tilespmem:$0x2100] =	vst v63  }
.LBB2_6:
0x33: {  	p0 =	sne.s32 s25, $0x3E00  }
.Ltmp2:
0x34: {  	_ = 	snop;
	(pc) =	sbr.rel @p0 .LBB2_6-.Ltmp2, $4  }
0x35: {  	_ = 	snop  }
0x36: {  	s28 =	sshra.s32 s25, $0x2;
	s25 =	sadd.s32 $0x200, s25  }
0x37: {  	s26 =	sadd.s32 $0x30E0, s26;
	s28 =	sadd.s32 $0x100, s28  }
0x38: {  	[tilespmem:s28], [sflag:$0x1] =	stream.indirect.gather [hbm4b:s26+s17], $0x1, s2, s17, $0xb8;
	[tilespmem:$0x2100] =	vst v63  }
0x39: {  	_ =	swait.ge [sflag:s22], $0x1000  }
0x3a: {  	[sflag:s22] =	ssyncset.done $0x0  }
0x3b: {  	[sflag:s22] =	ssyncadd.s32 $0xFFFFF000  }
0x3c: {  	[hbm4b:s11+s17] =	stream.strided.scatter [tilespmem:s23], [sflag:$0x3], $0x1000, s19, s17, $0x38;
	[tilespmem:$0x2100] =	vst v63  }
0x3d: {  	s25 =	simm.s32 $0x0  }
0x3e: {  	[tilespmem:s17], [sflag:$0x4] =	stream.linear.gather [hbm4b:s12+s25], $0x80, $0x38;
	[tilespmem:$0x2100] =	vst v63  }
0x3f: {  	_ =	swait.ge [sflag:s16], $0x80  }
0x40: {  	[sflag:s16] =	ssyncset.done $0x0  }
0x41: {  	[sflag:s16] =	ssyncadd.s32 $0xFFFFFF80  }
0x42: {  	_ =	swait.ge [sflag:s21], $0x1000  }
0x43: {  	s31 =	simm.s32 $0x1100;
	[sflag:s21] =	ssyncset.done $0x0  }
0x44: {  	s26 =	smov.u32 s6;
	s25 =	simm.s32 $0x200;
	[sflag:s21] =	ssyncadd.s32 $0xFFFFF000  }
0x45: {  	[tilespmem:s31], [sflag:$0x2] =	stream.indirect.gather [hbm4b:s6+s17], $0x1, s17, s17, $0xb8;
	[tilespmem:$0x2100] =	vst v63  }
.LBB2_8:
0x46: {  	p0 =	sne.s32 s25, $0x3E00  }
.Ltmp3:
0x47: {  	_ = 	snop;
	(pc) =	sbr.rel @p0 .LBB2_8-.Ltmp3, $4  }
0x48: {  	_ = 	snop  }
0x49: {  	s28 =	sshra.s32 s25, $0x2;
	s25 =	sadd.s32 $0x200, s25  }
0x4a: {  	s26 =	sadd.s32 $0x30E0, s26;
	s28 =	sadd.s32 $0x1100, s28  }
0x4b: {  	[tilespmem:s28], [sflag:$0x2] =	stream.indirect.gather [hbm4b:s26+s17], $0x1, s17, s17, $0xb8;
	[tilespmem:$0x2100] =	vst v63  }
0x4c: {  	_ =	swait.ge [sflag:s18], $0x1000  }
0x4d: {  	[sflag:s18] =	ssyncset.done $0x0  }
0x4e: {  	[sflag:s18] =	ssyncadd.s32 $0xFFFFF000  }
0x4f: {  	[hbm4b:s13+s17] =	stream.strided.scatter [tilespmem:s20], [sflag:$0x3], $0x1000, s19, s17, $0x38;
	[tilespmem:$0x2100] =	vst v63  }
0x50: {  	_ =	swait.ge [sflag:s22], $0x1000  }
0x51: {  	[sflag:s22] =	ssyncset.done $0x0  }
0x52: {  	s24 =	sadd.s32 $0x1, s24;
	[sflag:s22] =	ssyncadd.s32 $0xFFFFF000  }
0x53: {  	[hbm4b:s14+s17] =	stream.strided.scatter [tilespmem:s23], [sflag:$0x3], $0x1000, s19, s17, $0x38;
	[tilespmem:$0x2100] =	vst v63  }
0x54: {  	p0 =	sne.s32 s24, s15;
	_ =	swait.ge [sflag:s21], $0x1000  }
.Ltmp4:
0x55: {  	[sflag:s21] =	ssyncset.done $0x0;
	(pc) =	sbr.rel @p0 .LBB2_1-.Ltmp4, $4  }
0x56: {  	[sflag:s21] =	ssyncadd.s32 $0xFFFFF000  }
0x57: {  	_ =	swait.ge [sflag:s21], $0x1000  }
0x58: {  	[sflag:s21] =	ssyncset.done $0x0  }
0x59: {  	[sflag:s21] =	ssyncadd.s32 $0xFFFFF000  }
0x5a: {  	_ =	sfence.sel $0x180000  }
0x5b: {  	[bflag:$0x0] =	sbarrier.arrive $0xFFFF  }
0x5c: {  	p0 =	sne.s32 s1, $0x0;
	_ =	strace $0x90000050  }
0x5d: {  	s0 =	sadd.s32 @!p0 $0x100000, s0;
	[bflag:$0x2] =	sbarrier.arrive $0xFFFF  }
0x5e: {  	[sflag:s0] =	ssyncadd.tile.s32 @!p0 $0x1;
	_ =	shalt  }
.Lfunc_end2:
_tile_overlayer_lowered:
.L_overlay_start_2:
0x5f: {  	(tag) =	ssettag $0x2  }
0x60: {  	s0 =	rddreg [dreg:$0x0];
	s2 =	stileid.u32  }
0x61: {  	s1 =	rddreg [dreg:$0x1];
	p0 =	sne.s32 s2, $0x0  }
0x62: {  	s3 =	rddreg [dreg:$0x2];
	[bflag:$0x3] =	sbarrier.arrive $0xFFFF;
	s2 =	simm.s32 @!p0 $0x1C04  }
0x63: {  	[timem:s3], [sflag:s2] =	dma.local @!p0 [hbm:s0], s1  }
0x64: {  	s0 =	simm.s32 @!p0 $0x4  }
0x65: {  	_ =	swait.ge @!p0 [sflag:s0], s1  }
0x66: {  	s1 =	ssub.s32 @!p0 $0x0, s1;
	[sflag:s0] =	ssyncset.done @!p0 $0x0  }
0x67: {  	[sflag:s0] =	ssyncadd.s32 @!p0 s1  }
0x68: {  	[bflag:$0x3] =	sbarrier.arrive $0xFFFF  }
0x69: {  	_ =	shalt  }

// kernel: kernel.49.cloned.1.call-start
scs
__scs_entry_jumppad:
0x0: {  	(pc) =	sbr.rel $0x88, $3  }
0x1: {  	(tag) =	ssettag $0x0;
	lr =	simm.s32 $0x1  }
0x2: {  	[smem:$0x3F6B] =	sst lr;
	_ =	strace $0xD0000000  }
0x3: {  	_ = 	snop  }
0x4: {  	_ = 	snop  }
0x5: {  	_ = 	snop  }
0x6: {  	_ = 	snop  }
0x7: {  	_ = 	snop  }
__scs_overlays_trampoline_lowered:
0x8: {  	[smem:$0x3F7A] =	sst s0  }
0x9: {  	[smem:$0x3F7B] =	sst s1  }
0xa: {  	[smem:$0x3F7C] =	sst s2  }
0xb: {  	[smem:$0x3F7D] =	sst s3  }
0xc: {  	[smem:$0x3F7E] =	sst s4  }
0xd: {  	[smem:$0x3F7F] =	sst s5  }
0xe: {  	[smem:$0x3F80] =	sst s6  }
0xf: {  	[smem:$0x3F81] =	sst s7  }
0x10: {  	[smem:$0x3F82] =	sst s8  }
0x11: {  	[smem:$0x3F83] =	sst s9;
	s0 =	simm.s32 @!p0 $0x0  }
0x12: {  	s1 =	sld [smem:$0x3F69];
	s0 =	simm.s32 @p0 $0x1  }
0x13: {  	[smem:$0x3F84] =	sst s0;
	s0 =	simm.s32 @!p1 $0x0  }
0x14: {  	s2 =	sld [smem:$0x3F68];
	s0 =	simm.s32 @p1 $0x1  }
0x15: {  	[smem:$0x3F85] =	sst s0;
	s0 =	simm.s32 @!p2 $0x0  }
0x16: {  	s3 =	sld [smem:$0x3FDB];
	s0 =	simm.s32 @p2 $0x1  }
0x17: {  	s4 =	simm.s32 $0x1BF5;
	[smem:$0x3F87] =	sst s0  }
0x18: {  	s0 =	sld [smem:$0x3F6A];
	_ =	swait.ge [sflag:s4], $0x0  }
0x19: {  	s7 =	sld [smem:$0x3F6B]  }
0x1a: {  	s8 =	sadd.s32 $0xFFFFE003, lr  }
0x1b: {  	s9 =	sadd.s32 $0xFFFFFEF7, lr;
	s5 =	simm.s32 $0xFFFFFFFF;
	p2 =	slt.u32 s8, $0xFFFFF086  }
0x1c: {  	p1 =	slt.u32 s9, $0xF7A;
	s5 =	simm.s32 @!p2 $0x0  }
0x1d: {  	s5 =	simm.s32 @p1 $0x1;
	p0 =	seq.s32 s7, s2  }
0x1e: {  	s7 =	smul.u32 @!p0 $0xF7A, s2;
	p2 =	seq.s32 @!p0 s5, $0x0  }
0x1f: {  	s9 =	smul.u32 $0xF7A, s1;
	s8 =	simm.s32 @!p0 $0x1BF5;
	p2 =	por !p2, p0  }
0x20: {  	[sflag:s8] =	ssyncset.s32 @!p0 $0xFFFFF086;
	s6 =	sadd.s32 @!p0 s3, s7;
	s7 =	simm.s32 @!p0 $0x108  }
0x21: {  	s3 =	sadd.s32 s3, s9;
	s6 =	sadd.s32 @!p0 $0x88, s6;
	s7 =	simm.s32 @p2 $0x1082  }
0x22: {  	[simem:s7], [sflag:s8] =	dma.local @!p0 [hbm:s6], $0xF7A  }
0x23: {  	s9 =	sor.u32 $0xD0000000, s2;
	s6 =	simm.s32 $0x108;
	_ =	swait.ge @!p0 [sflag:s8], $0x0  }
0x24: {  	s3 =	sadd.s32 $0x88, s3;
	s6 =	simm.s32 @!p1 $0x1082;
	[sflag:s4] =	ssyncset.s32 $0xFFFFF086  }
0x25: {  	[simem:s6], [sflag:s4] =	dma.local [hbm:s3], $0xF7A  }
0x26: {  	[smem:$0x3F6B] =	sst s1;
	(tag) =	ssettag s2;
	_ =	strace s9  }
0x27: {  	s1 =	sld [smem:$0x3F7B]  }
0x28: {  	s2 =	sld [smem:$0x3F7C]  }
0x29: {  	s4 =	sld [smem:$0x3F7E]  }
0x2a: {  	p0 =	seq.s32 s5, $0x0;
	s5 =	sld [smem:$0x3F7F]  }
0x2b: {  	s6 =	sld [smem:$0x3F80]  }
0x2c: {  	s7 =	sld [smem:$0x3F81]  }
0x2d: {  	s3 =	simm.s32 $0x108;
	s8 =	sld [smem:$0x3F82]  }
0x2e: {  	s3 =	simm.s32 @!p0 $0x1082;
	s9 =	sld [smem:$0x3F83]  }
0x2f: {  	lr =	sadd.s32 s0, s3;
	s0 =	sld [smem:$0x3F7A]  }
0x30: {  	s3 =	sld [smem:$0x3F7D]  }
0x31: {  	[smem:$0x3F86] =	sst s10  }
0x32: {  	s10 =	sld [smem:$0x3F84];
	_ =	sdelay $0x3  }
0x33: {  	p0 =	seq.s32 s10, $0x1;
	s10 =	sld [smem:$0x3F86];
	_ =	sdelay $0x3  }
0x34: {  	[smem:$0x3F86] =	sst s10  }
0x35: {  	s10 =	sld [smem:$0x3F85];
	_ =	sdelay $0x3  }
0x36: {  	p1 =	seq.s32 s10, $0x1;
	s10 =	sld [smem:$0x3F86];
	_ =	sdelay $0x3  }
0x37: {  	[smem:$0x3F86] =	sst s10  }
0x38: {  	s10 =	sld [smem:$0x3F87]  }
0x39: {  	_ = 	snop;
	(pc) =	sbr.ind lr, $3  }
0x3a: {  	_ = 	snop  }
0x3b: {  	_ = 	snop  }
0x3c: {  	p2 =	seq.s32 s10, $0x1;
	s10 =	sld [smem:$0x3F86]  }
0x3d: {  	_ =	shalt  }
0x3e: {  	_ =	shalt  }
0x3f: {  	_ =	shalt  }
0x40: {  	_ =	shalt  }
0x41: {  	_ =	shalt  }
0x42: {  	_ =	shalt  }
0x43: {  	_ =	shalt  }
0x44: {  	_ =	shalt  }
0x45: {  	_ =	shalt  }
0x46: {  	_ =	shalt  }
0x47: {  	_ =	shalt  }
0x48: {  	_ =	shalt  }
0x49: {  	_ =	shalt  }
0x4a: {  	_ =	shalt  }
0x4b: {  	_ =	shalt  }
0x4c: {  	_ =	shalt  }
0x4d: {  	_ =	shalt  }
0x4e: {  	_ =	shalt  }
0x4f: {  	_ =	shalt  }
0x50: {  	_ =	shalt  }
0x51: {  	_ =	shalt  }
0x52: {  	_ =	shalt  }
0x53: {  	_ =	shalt  }
0x54: {  	_ =	shalt  }
0x55: {  	_ =	shalt  }
0x56: {  	_ =	shalt  }
0x57: {  	_ =	shalt  }
0x58: {  	_ =	shalt  }
0x59: {  	_ =	shalt  }
0x5a: {  	_ =	shalt  }
0x5b: {  	_ =	shalt  }
0x5c: {  	_ =	shalt  }
0x5d: {  	_ =	shalt  }
0x5e: {  	_ =	shalt  }
0x5f: {  	_ =	shalt  }
0x60: {  	_ =	shalt  }
0x61: {  	_ =	shalt  }
0x62: {  	_ =	shalt  }
0x63: {  	_ =	shalt  }
0x64: {  	_ =	shalt  }
0x65: {  	_ =	shalt  }
0x66: {  	_ =	shalt  }
0x67: {  	_ =	shalt  }
0x68: {  	_ =	shalt  }
0x69: {  	_ =	shalt  }
0x6a: {  	_ =	shalt  }
0x6b: {  	_ =	shalt  }
0x6c: {  	_ =	shalt  }
0x6d: {  	_ =	shalt  }
0x6e: {  	_ =	shalt  }
0x6f: {  	_ =	shalt  }
0x70: {  	_ =	shalt  }
0x71: {  	_ =	shalt  }
0x72: {  	_ =	shalt  }
0x73: {  	_ =	shalt  }
0x74: {  	_ =	shalt  }
0x75: {  	_ =	shalt  }
0x76: {  	_ =	shalt  }
0x77: {  	_ =	shalt  }
0x78: {  	_ =	shalt  }
0x79: {  	_ =	shalt  }
0x7a: {  	_ =	shalt  }
0x7b: {  	_ =	shalt  }
0x7c: {  	_ =	shalt  }
0x7d: {  	_ =	shalt  }
0x7e: {  	_ =	shalt  }
0x7f: {  	_ =	shalt  }
0x80: {  	_ =	shalt  }
0x81: {  	_ =	shalt  }
0x82: {  	_ =	shalt  }
0x83: {  	_ =	shalt  }
0x84: {  	_ =	shalt  }
0x85: {  	_ =	shalt  }
0x86: {  	_ =	shalt  }
0x87: {  	_ =	shalt  }
.Lfunc_end0:
.L_simem_size_0:
called_computation.4_lowered:
.L_overlay_start_0:
0x88: {  	s2 =	sld [smem:$0x3FD9]  }
0x89: {  	s3 =	sld [smem:$0x3FFE];
	_ =	sdelay $0x1  }
0x8a: {  	s1 =	srdreg.scid  }
0x8b: {  	s0 =	sand.u32 $0x1, s1  }
0x8c: {  	s17 =	sshll.u32 s0, $0xA;
	s2 =	sadd.s32 s3, s2  }
0x8d: {  	s2 =	sadd.s32 s2, s17  }
0x8e: {  	[smem:$0x3F92] =	sst s2  }
0x8f: {  	_ = 	snop  }
0x90: {  	(tm) =	ssettm $0x1  }
0x91: {  	s18 =	sld [smem:$0x3FFB];
	_ =	sdelay $0x3  }
0x92: {  	_ =	strace s18  }
0x93: {  	s2 =	sld [smem:$0x3FFC];
	_ =	sdelay $0x3  }
0x94: {  	_ =	strace s2  }
0x95: {  	s2 =	sld [smem:$0x3FFD];
	_ =	sdelay $0x3  }
0x96: {  	_ =	strace s2  }
0x97: {  	_ =	strace $0x8FFFFFFF  }
0x98: {  	s19 =	sld [smem:$0x3FDB];
	_ =	sdelay $0x1  }
0x99: {  	s20 =	simm.s32 $_scs_section_size  }
0x9a: {  	s4 =	simm.s32 $_size__tile_overlayer_lowered;
	s5 =	simm.s32 $_tile_overlayer_lowered  }
0x9b: {  	s6 =	simm.s32 $0x1BFF;
	s21 =	sshll.u32 s5, $0x1;
	s3 =	sadd.s32 s20, s19  }
0x9c: {  	s22 =	simm.s32 $0x0;
	s4 =	sshll.u32 s4, $0x1;
	s5 =	sadd.s32 s21, s3  }
0x9d: {  	[timem:s22], [sflag:s6] =	dma.local [hbm:s5], s4  }
0x9e: {  	_ =	swait.ge [sflag:s6], s4  }
0x9f: {  	s4 =	ssub.s32 $0x0, s4;
	[sflag:s6] =	ssyncset.done $0x0  }
0xa0: {  	[sflag:s6] =	ssyncadd.s32 s4;
	_ =	sdelay $0x1  }
0xa1: {  	s23 =	simm.s32 $0x1B8B  }
0xa2: {  	_ =	swait.ge [sflag:s23], $0x1  }
0xa3: {  	[sflag:s23] =	ssyncset.done $0x0  }
0xa4: {  	[sflag:s23] =	ssyncadd.s32 $0xFFFFFFFF  }
0xa5: {  	s4 =	sld [smem:$0x0]  }
0xa6: {  	s5 =	sand.u32 $0xFFFFFFFE, s1  }
0xa7: {  	p0 =	sne.s32 s1, s5  }
0xa8: {  	s5 =	sshll.u32 @p0 s5, $0xE  }
0xa9: {  	s5 =	sadd.s32 @p0 $0x11B8D, s5;
	s6 =	sshll.u32 @p0 s4, $0x11  }
0xaa: {  	s5 =	sor.u32 @p0 s6, s5  }
0xab: {  	[sflag:s5] =	ssyncadd.remote.s32 @p0 $0x1;
	_ =	sdelay $0x1  }
0xac: {  	s5 =	simm.s32 @p0 $0x1B8D  }
0xad: {  	_ =	swait.eq @p0 [sflag:s5], $0x1  }
0xae: {  	[sflag:s5] =	ssyncadd.s32 @p0 $0xFFFFFFFF  }
0xaf: {  	s6 =	sshll.u32 @!p0 s1, $0xE  }
0xb0: {  	s6 =	sor.u32 @!p0 $0x4000, s6;
	s5 =	simm.s32 @!p0 $0x1B8D  }
0xb1: {  	s4 =	sshll.u32 @!p0 s4, $0x11;
	s6 =	sadd.s32 @!p0 $0x11B8D, s6;
	_ =	swait.eq @!p0 [sflag:s5], $0x1  }
0xb2: {  	s4 =	sor.u32 @!p0 s4, s6;
	[sflag:s5] =	ssyncadd.s32 @!p0 $0xFFFFFFFF  }
0xb3: {  	s25 =	simm.s32 $0x1B8E;
	s24 =	sld [smem:$0x3FFE];
	[sflag:s4] =	ssyncadd.remote.s32 @!p0 $0x1  }
0xb4: {  	s26 =	simm.s32 $execute0_lowered;
	[smem:$0x3FD2] =	sst s25  }
0xb5: {  	s5 =	sshll.u32 s26, $0x1;
	_ =	strace $0x80000052;
	[dreg:$0x1] =	wrdreg $0xFFFFFFFF  }
0xb6: {  	s28 =	simm.s32 $_size_execute0_lowered;
	s3 =	sadd.s32 s3, s5;
	[dreg:$0x0] =	wrdreg $0x0  }
0xb7: {  	s5 =	sshll.u32 s28, $0x1;
	[dreg:$0x2] =	wrdreg s3  }
0xb8: {  	[dreg:$0x3] =	wrdreg s5  }
0xb9: {  	[dreg:$0x4] =	wrdreg $0xC0  }
0xba: {  	_ =	task [dreg:s22], $0x5FFFF  }
0xbb: {  	[dreg:$0x1] =	wrdreg $0xFFFFFFFF  }
0xbc: {  	[dreg:$0x0] =	wrdreg $0x60  }
0xbd: {  	[dreg:$0x2] =	wrdreg s24  }
0xbe: {  	[dreg:$0x3] =	wrdreg $0xD  }
0xbf: {  	_ =	task.clear_ibuf [dreg:s22], $0x4FFFF;
	_ =	strace $0x90000052  }
0xc0: {  	s29 =	simm.s32 $0xD;
	_ =	strace $0x80000054  }
0xc1: {  	_ =	swait.ge [sflag:s29], $0x1  }
0xc2: {  	[sflag:s29] =	ssyncadd.s32 $0xFFFFFFFF  }
0xc3: {  	_ =	strace $0x90000054  }
0xc4: {  	_ =	sfence  }
0xc5: {  	s30 =	sld [smem:$0x0];
	_ =	sdelay $0x2  }
0xc6: {  	s31 =	sshll.u32 s1, $0xD;
	s1 =	sshrl.u32 s1, $0x2  }
0xc7: {  	s4 =	sand.u32 $0x4000, s31;
	s1 =	sadd.s32 s1, s30  }
0xc8: {  	s0 =	sor.u32 s4, s0;
	s1 =	sshll.u32 s1, $0x11  }
0xc9: {  	s0 =	sor.u32 s1, s0  }
0xca: {  	s0 =	sadd.s32 $0x8F2B, s0  }
0xcb: {  	[sflag:s0] =	ssyncadd.remote.s32 $0x1  }
0xcc: {  	_ =	sfence.sel $0xFFFF  }
0xcd: {  	[dreg:$0x0] =	wrdreg $0xFFFFFFFF;
	(pc) =	sbr.abs _section_cstart, $3  }
0xce: {  	[dreg:$0x1] =	wrdreg $0xFFFFFFFF  }
0xcf: {  	_ =	task.clear_ibuf [dreg:s22], $0x2FFFF;
	_ =	strace $0x9FFFFFFF  }
0xd0: {  	(tm) =	ssettm $0x7FFFFFFF  }
0xd1: {  	_ =	shalt  }
tec
execute0_lowered:
.L_overlay_start_1:
0x0: {  	(tag) =	ssettag $0x1  }
0x1: {  	s6 =	rddreg [dreg:$0x0]  }
0x2: {  	s0 =	rddreg [dreg:$0x1];
	s2 =	simm.s32 $0x0;
	s3 =	srdreg.scid  }
0x3: {  	s1 =	stileid.u32;
	s16 =	simm.s32 $0x4;
	s17 =	simm.s32 $0x80  }
0x4: {  	s18 =	simm.s32 $0x1;
	s19 =	simm.s32 $0x1000;
	s20 =	simm.s32 $0x100  }
0x5: {  	s21 =	simm.s32 $0x3;
	s22 =	simm.s32 $0x2;
	s23 =	simm.s32 $0x1100  }
0x6: {  	s24 =	simm.s32 $0x0;
	[smem:$0x7FF] =	sst s2;
	s7 =	sand.u32 $0x1, s3  }
0x7: {  	s5 =	sshll.u32 s1, $0x5;
	s3 =	sadd.s32 $0x34B800, s6;
	s8 =	sshll.u32 s7, $0x4  }
0x8: {  	s4 =	sadd.s32 $0x3AD400, s6;
	_ =	strace $0x80000053;
	s8 =	sor.u32 s8, s5  }
0x9: {  	s31 =	ssub.s32 $0x2, s7;
	s5 =	sadd.s32 $0x40F000, s6;
	s14 =	sadd.s32 s8, s6  }
0xa: {  	s9 =	sshrl.u32 s31, $0x1;
	s6 =	sadd.s32 $0x470C00, s6;
	s7 =	sadd.s32 $0x4D2800, s14  }
0xb: {  	s15 =	ssub.s32 s31, s9;
	s8 =	sadd.s32 $0x4D2A00, s14;
	s9 =	sadd.s32 $0x4D2C00, s14  }
0xc: {  	s10 =	sadd.s32 $0x4D3000, s14;
	s11 =	sadd.s32 $0x4D7000, s14;
	s12 =	sadd.s32 $0x4D2E00, s14  }
0xd: {  	s13 =	sadd.s32 $0x4DB000, s14;
	s14 =	sadd.s32 $0x4DF000, s14;
	s15 =	smax.u32 s15, $0x1  }
.LBB2_1:
0xe: {  	[tilespmem:s2], [sflag:$0x4] =	stream.linear.gather [hbm4b:s7+s2], $0x80, $0x38;
	[tilespmem:$0x2100] =	vst v63  }
0xf: {  	_ =	swait.ge [sflag:s16], $0x80  }
0x10: {  	[sflag:s16] =	ssyncset.done $0x0  }
0x11: {  	s25 =	simm.s32 $0x100;
	[sflag:s16] =	ssyncadd.s32 $0xFFFFFF80  }
0x12: {  	[tilespmem:s25], [sflag:$0x1] =	stream.indirect.gather [hbm4b:s3+s17], $0x1, s2, s17, $0xb8;
	[tilespmem:$0x2100] =	vst v63  }
0x13: {  	s26 =	smov.u32 s3;
	s25 =	simm.s32 $0x200  }
.LBB2_2:
0x14: {  	p0 =	sne.s32 s25, $0x3E00  }
.Ltmp0:
0x15: {  	_ = 	snop;
	(pc) =	sbr.rel @p0 .LBB2_2-.Ltmp0, $4  }
0x16: {  	_ = 	snop  }
0x17: {  	s28 =	sshra.s32 s25, $0x2;
	s25 =	sadd.s32 $0x200, s25  }
0x18: {  	s26 =	sadd.s32 $0x30E0, s26;
	s28 =	sadd.s32 $0x100, s28  }
0x19: {  	[tilespmem:s28], [sflag:$0x1] =	stream.indirect.gather [hbm4b:s26+s17], $0x1, s2, s17, $0xb8;
	[tilespmem:$0x2100] =	vst v63  }
0x1a: {  	s25 =	simm.s32 $0x0  }
0x1b: {  	[tilespmem:s17], [sflag:$0x4] =	stream.linear.gather [hbm4b:s8+s25], $0x80, $0x38;
	[tilespmem:$0x2100] =	vst v63  }
0x1c: {  	_ =	swait.ge [sflag:s16], $0x80  }
0x1d: {  	s31 =	simm.s32 $0x1100;
	[sflag:s16] =	ssyncset.done $0x0  }
0x1e: {  	s26 =	smov.u32 s4;
	s25 =	simm.s32 $0x200;
	[sflag:s16] =	ssyncadd.s32 $0xFFFFFF80  }
0x1f: {  	[tilespmem:s31], [sflag:$0x2] =	stream.indirect.gather [hbm4b:s4+s17], $0x1, s17, s17, $0xb8;
	[tilespmem:$0x2100] =	vst v63  }
.LBB2_4:
0x20: {  	p0 =	sne.s32 s25, $0x3E00  }
.Ltmp1:
0x21: {  	_ = 	snop;
	(pc) =	sbr.rel @p0 .LBB2_4-.Ltmp1, $4  }
0x22: {  	_ = 	snop  }
0x23: {  	s28 =	sshra.s32 s25, $0x2;
	s25 =	sadd.s32 $0x200, s25  }
0x24: {  	s26 =	sadd.s32 $0x30E0, s26;
	s28 =	sadd.s32 $0x1100, s28  }
0x25: {  	[tilespmem:s28], [sflag:$0x2] =	stream.indirect.gather [hbm4b:s26+s17], $0x1, s17, s17, $0xb8;
	[tilespmem:$0x2100] =	vst v63  }
0x26: {  	_ =	swait.ge [sflag:s18], $0x1000  }
0x27: {  	[sflag:s18] =	ssyncset.done $0x0  }
0x28: {  	[sflag:s18] =	ssyncadd.s32 $0xFFFFF000  }
0x29: {  	[hbm4b:s10+s17] =	stream.strided.scatter [tilespmem:s20], [sflag:$0x3], $0x1000, s19, s17, $0x38;
	[tilespmem:$0x2100] =	vst v63  }
0x2a: {  	s25 =	simm.s32 $0x0  }
0x2b: {  	[tilespmem:s25], [sflag:$0x4] =	stream.linear.gather [hbm4b:s9+s25], $0x80, $0x38;
	[tilespmem:$0x2100] =	vst v63  }
0x2c: {  	_ =	swait.ge [sflag:s16], $0x80  }
0x2d: {  	[sflag:s16] =	ssyncset.done $0x0  }
0x2e: {  	[sflag:s16] =	ssyncadd.s32 $0xFFFFFF80  }
0x2f: {  	_ =	swait.ge [sflag:s21], $0x1000  }
0x30: {  	s31 =	simm.s32 $0x100;
	[sflag:s21] =	ssyncset.done $0x0  }
0x31: {  	s26 =	smov.u32 s5;
	s25 =	simm.s32 $0x200;
	[sflag:s21] =	ssyncadd.s32 $0xFFFFF000  }
0x32: {  	[tilespmem:s31], [sflag:$0x1] =	stream.indirect.gather [hbm4b:s5+s17], $0x1, s2, s17, $0xb8;
	[tilespmem:$0x2100] =	vst v63  }
.LBB2_6:
0x33: {  	p0 =	sne.s32 s25, $0x3E00  }
.Ltmp2:
0x34: {  	_ = 	snop;
	(pc) =	sbr.rel @p0 .LBB2_6-.Ltmp2, $4  }
0x35: {  	_ = 	snop  }
0x36: {  	s28 =	sshra.s32 s25, $0x2;
	s25 =	sadd.s32 $0x200, s25  }
0x37: {  	s26 =	sadd.s32 $0x30E0, s26;
	s28 =	sadd.s32 $0x100, s28  }
0x38: {  	[tilespmem:s28], [sflag:$0x1] =	stream.indirect.gather [hbm4b:s26+s17], $0x1, s2, s17, $0xb8;
	[tilespmem:$0x2100] =	vst v63  }
0x39: {  	_ =	swait.ge [sflag:s22], $0x1000  }
0x3a: {  	[sflag:s22] =	ssyncset.done $0x0  }
0x3b: {  	[sflag:s22] =	ssyncadd.s32 $0xFFFFF000  }
0x3c: {  	[hbm4b:s11+s17] =	stream.strided.scatter [tilespmem:s23], [sflag:$0x3], $0x1000, s19, s17, $0x38;
	[tilespmem:$0x2100] =	vst v63  }
0x3d: {  	s25 =	simm.s32 $0x0  }
0x3e: {  	[tilespmem:s17], [sflag:$0x4] =	stream.linear.gather [hbm4b:s12+s25], $0x80, $0x38;
	[tilespmem:$0x2100] =	vst v63  }
0x3f: {  	_ =	swait.ge [sflag:s16], $0x80  }
0x40: {  	[sflag:s16] =	ssyncset.done $0x0  }
0x41: {  	[sflag:s16] =	ssyncadd.s32 $0xFFFFFF80  }
0x42: {  	_ =	swait.ge [sflag:s21], $0x1000  }
0x43: {  	s31 =	simm.s32 $0x1100;
	[sflag:s21] =	ssyncset.done $0x0  }
0x44: {  	s26 =	smov.u32 s6;
	s25 =	simm.s32 $0x200;
	[sflag:s21] =	ssyncadd.s32 $0xFFFFF000  }
0x45: {  	[tilespmem:s31], [sflag:$0x2] =	stream.indirect.gather [hbm4b:s6+s17], $0x1, s17, s17, $0xb8;
	[tilespmem:$0x2100] =	vst v63  }
.LBB2_8:
0x46: {  	p0 =	sne.s32 s25, $0x3E00  }
.Ltmp3:
0x47: {  	_ = 	snop;
	(pc) =	sbr.rel @p0 .LBB2_8-.Ltmp3, $4  }
0x48: {  	_ = 	snop  }
0x49: {  	s28 =	sshra.s32 s25, $0x2;
	s25 =	sadd.s32 $0x200, s25  }
0x4a: {  	s26 =	sadd.s32 $0x30E0, s26;
	s28 =	sadd.s32 $0x1100, s28  }
0x4b: {  	[tilespmem:s28], [sflag:$0x2] =	stream.indirect.gather [hbm4b:s26+s17], $0x1, s17, s17, $0xb8;
	[tilespmem:$0x2100] =	vst v63  }
0x4c: {  	_ =	swait.ge [sflag:s18], $0x1000  }
0x4d: {  	[sflag:s18] =	ssyncset.done $0x0  }
0x4e: {  	[sflag:s18] =	ssyncadd.s32 $0xFFFFF000  }
0x4f: {  	[hbm4b:s13+s17] =	stream.strided.scatter [tilespmem:s20], [sflag:$0x3], $0x1000, s19, s17, $0x38;
	[tilespmem:$0x2100] =	vst v63  }
0x50: {  	_ =	swait.ge [sflag:s22], $0x1000  }
0x51: {  	[sflag:s22] =	ssyncset.done $0x0  }
0x52: {  	s24 =	sadd.s32 $0x1, s24;
	[sflag:s22] =	ssyncadd.s32 $0xFFFFF000  }
0x53: {  	[hbm4b:s14+s17] =	stream.strided.scatter [tilespmem:s23], [sflag:$0x3], $0x1000, s19, s17, $0x38;
	[tilespmem:$0x2100] =	vst v63  }
0x54: {  	p0 =	sne.s32 s24, s15;
	_ =	swait.ge [sflag:s21], $0x1000  }
.Ltmp4:
0x55: {  	[sflag:s21] =	ssyncset.done $0x0;
	(pc) =	sbr.rel @p0 .LBB2_1-.Ltmp4, $4  }
0x56: {  	[sflag:s21] =	ssyncadd.s32 $0xFFFFF000  }
0x57: {  	_ =	swait.ge [sflag:s21], $0x1000  }
0x58: {  	[sflag:s21] =	ssyncset.done $0x0  }
0x59: {  	[sflag:s21] =	ssyncadd.s32 $0xFFFFF000  }
0x5a: {  	_ =	sfence.sel $0x180000  }
0x5b: {  	[bflag:$0x0] =	sbarrier.arrive $0xFFFF  }
0x5c: {  	p0 =	sne.s32 s1, $0x0;
	_ =	strace $0x90000053  }
0x5d: {  	s0 =	sadd.s32 @!p0 $0x100000, s0;
	[bflag:$0x2] =	sbarrier.arrive $0xFFFF  }
0x5e: {  	[sflag:s0] =	ssyncadd.tile.s32 @!p0 $0x1;
	_ =	shalt  }
.Lfunc_end2:
_tile_overlayer_lowered:
.L_overlay_start_2:
0x5f: {  	(tag) =	ssettag $0x2  }
0x60: {  	s0 =	rddreg [dreg:$0x0];
	s2 =	stileid.u32  }
0x61: {  	s1 =	rddreg [dreg:$0x1];
	p0 =	sne.s32 s2, $0x0  }
0x62: {  	s3 =	rddreg [dreg:$0x2];
	[bflag:$0x3] =	sbarrier.arrive $0xFFFF;
	s2 =	simm.s32 @!p0 $0x1C04  }
0x63: {  	[timem:s3], [sflag:s2] =	dma.local @!p0 [hbm:s0], s1  }
0x64: {  	s0 =	simm.s32 @!p0 $0x4  }
0x65: {  	_ =	swait.ge @!p0 [sflag:s0], s1  }
0x66: {  	s1 =	ssub.s32 @!p0 $0x0, s1;
	[sflag:s0] =	ssyncset.done @!p0 $0x0  }
0x67: {  	[sflag:s0] =	ssyncadd.s32 @!p0 s1  }
0x68: {  	[bflag:$0x3] =	sbarrier.arrive $0xFFFF  }
0x69: {  	_ =	shalt  }

// kernel: kernel.52.cloned.1.call-start
scs
__scs_entry_jumppad:
0x0: {  	(pc) =	sbr.rel $0x88, $3  }
0x1: {  	(tag) =	ssettag $0x0;
	lr =	simm.s32 $0x1  }
0x2: {  	[smem:$0x3F6B] =	sst lr;
	_ =	strace $0xD0000000  }
0x3: {  	_ = 	snop  }
0x4: {  	_ = 	snop  }
0x5: {  	_ = 	snop  }
0x6: {  	_ = 	snop  }
0x7: {  	_ = 	snop  }
__scs_overlays_trampoline_lowered:
0x8: {  	[smem:$0x3F7A] =	sst s0  }
0x9: {  	[smem:$0x3F7B] =	sst s1  }
0xa: {  	[smem:$0x3F7C] =	sst s2  }
0xb: {  	[smem:$0x3F7D] =	sst s3  }
0xc: {  	[smem:$0x3F7E] =	sst s4  }
0xd: {  	[smem:$0x3F7F] =	sst s5  }
0xe: {  	[smem:$0x3F80] =	sst s6  }
0xf: {  	[smem:$0x3F81] =	sst s7  }
0x10: {  	[smem:$0x3F82] =	sst s8  }
0x11: {  	[smem:$0x3F83] =	sst s9;
	s0 =	simm.s32 @!p0 $0x0  }
0x12: {  	s1 =	sld [smem:$0x3F69];
	s0 =	simm.s32 @p0 $0x1  }
0x13: {  	[smem:$0x3F84] =	sst s0;
	s0 =	simm.s32 @!p1 $0x0  }
0x14: {  	s2 =	sld [smem:$0x3F68];
	s0 =	simm.s32 @p1 $0x1  }
0x15: {  	[smem:$0x3F85] =	sst s0;
	s0 =	simm.s32 @!p2 $0x0  }
0x16: {  	s3 =	sld [smem:$0x3FDB];
	s0 =	simm.s32 @p2 $0x1  }
0x17: {  	s4 =	simm.s32 $0x1BF5;
	[smem:$0x3F87] =	sst s0  }
0x18: {  	s0 =	sld [smem:$0x3F6A];
	_ =	swait.ge [sflag:s4], $0x0  }
0x19: {  	s7 =	sld [smem:$0x3F6B]  }
0x1a: {  	s8 =	sadd.s32 $0xFFFFE003, lr  }
0x1b: {  	s9 =	sadd.s32 $0xFFFFFEF7, lr;
	s5 =	simm.s32 $0xFFFFFFFF;
	p2 =	slt.u32 s8, $0xFFFFF086  }
0x1c: {  	p1 =	slt.u32 s9, $0xF7A;
	s5 =	simm.s32 @!p2 $0x0  }
0x1d: {  	s5 =	simm.s32 @p1 $0x1;
	p0 =	seq.s32 s7, s2  }
0x1e: {  	s7 =	smul.u32 @!p0 $0xF7A, s2;
	p2 =	seq.s32 @!p0 s5, $0x0  }
0x1f: {  	s9 =	smul.u32 $0xF7A, s1;
	s8 =	simm.s32 @!p0 $0x1BF5;
	p2 =	por !p2, p0  }
0x20: {  	[sflag:s8] =	ssyncset.s32 @!p0 $0xFFFFF086;
	s6 =	sadd.s32 @!p0 s3, s7;
	s7 =	simm.s32 @!p0 $0x108  }
0x21: {  	s3 =	sadd.s32 s3, s9;
	s6 =	sadd.s32 @!p0 $0x88, s6;
	s7 =	simm.s32 @p2 $0x1082  }
0x22: {  	[simem:s7], [sflag:s8] =	dma.local @!p0 [hbm:s6], $0xF7A  }
0x23: {  	s9 =	sor.u32 $0xD0000000, s2;
	s6 =	simm.s32 $0x108;
	_ =	swait.ge @!p0 [sflag:s8], $0x0  }
0x24: {  	s3 =	sadd.s32 $0x88, s3;
	s6 =	simm.s32 @!p1 $0x1082;
	[sflag:s4] =	ssyncset.s32 $0xFFFFF086  }
0x25: {  	[simem:s6], [sflag:s4] =	dma.local [hbm:s3], $0xF7A  }
0x26: {  	[smem:$0x3F6B] =	sst s1;
	(tag) =	ssettag s2;
	_ =	strace s9  }
0x27: {  	s1 =	sld [smem:$0x3F7B]  }
0x28: {  	s2 =	sld [smem:$0x3F7C]  }
0x29: {  	s4 =	sld [smem:$0x3F7E]  }
0x2a: {  	p0 =	seq.s32 s5, $0x0;
	s5 =	sld [smem:$0x3F7F]  }
0x2b: {  	s6 =	sld [smem:$0x3F80]  }
0x2c: {  	s7 =	sld [smem:$0x3F81]  }
0x2d: {  	s3 =	simm.s32 $0x108;
	s8 =	sld [smem:$0x3F82]  }
0x2e: {  	s3 =	simm.s32 @!p0 $0x1082;
	s9 =	sld [smem:$0x3F83]  }
0x2f: {  	lr =	sadd.s32 s0, s3;
	s0 =	sld [smem:$0x3F7A]  }
0x30: {  	s3 =	sld [smem:$0x3F7D]  }
0x31: {  	[smem:$0x3F86] =	sst s10  }
0x32: {  	s10 =	sld [smem:$0x3F84];
	_ =	sdelay $0x3  }
0x33: {  	p0 =	seq.s32 s10, $0x1;
	s10 =	sld [smem:$0x3F86];
	_ =	sdelay $0x3  }
0x34: {  	[smem:$0x3F86] =	sst s10  }
0x35: {  	s10 =	sld [smem:$0x3F85];
	_ =	sdelay $0x3  }
0x36: {  	p1 =	seq.s32 s10, $0x1;
	s10 =	sld [smem:$0x3F86];
	_ =	sdelay $0x3  }
0x37: {  	[smem:$0x3F86] =	sst s10  }
0x38: {  	s10 =	sld [smem:$0x3F87]  }
0x39: {  	_ = 	snop;
	(pc) =	sbr.ind lr, $3  }
0x3a: {  	_ = 	snop  }
0x3b: {  	_ = 	snop  }
0x3c: {  	p2 =	seq.s32 s10, $0x1;
	s10 =	sld [smem:$0x3F86]  }
0x3d: {  	_ =	shalt  }
0x3e: {  	_ =	shalt  }
0x3f: {  	_ =	shalt  }
0x40: {  	_ =	shalt  }
0x41: {  	_ =	shalt  }
0x42: {  	_ =	shalt  }
0x43: {  	_ =	shalt  }
0x44: {  	_ =	shalt  }
0x45: {  	_ =	shalt  }
0x46: {  	_ =	shalt  }
0x47: {  	_ =	shalt  }
0x48: {  	_ =	shalt  }
0x49: {  	_ =	shalt  }
0x4a: {  	_ =	shalt  }
0x4b: {  	_ =	shalt  }
0x4c: {  	_ =	shalt  }
0x4d: {  	_ =	shalt  }
0x4e: {  	_ =	shalt  }
0x4f: {  	_ =	shalt  }
0x50: {  	_ =	shalt  }
0x51: {  	_ =	shalt  }
0x52: {  	_ =	shalt  }
0x53: {  	_ =	shalt  }
0x54: {  	_ =	shalt  }
0x55: {  	_ =	shalt  }
0x56: {  	_ =	shalt  }
0x57: {  	_ =	shalt  }
0x58: {  	_ =	shalt  }
0x59: {  	_ =	shalt  }
0x5a: {  	_ =	shalt  }
0x5b: {  	_ =	shalt  }
0x5c: {  	_ =	shalt  }
0x5d: {  	_ =	shalt  }
0x5e: {  	_ =	shalt  }
0x5f: {  	_ =	shalt  }
0x60: {  	_ =	shalt  }
0x61: {  	_ =	shalt  }
0x62: {  	_ =	shalt  }
0x63: {  	_ =	shalt  }
0x64: {  	_ =	shalt  }
0x65: {  	_ =	shalt  }
0x66: {  	_ =	shalt  }
0x67: {  	_ =	shalt  }
0x68: {  	_ =	shalt  }
0x69: {  	_ =	shalt  }
0x6a: {  	_ =	shalt  }
0x6b: {  	_ =	shalt  }
0x6c: {  	_ =	shalt  }
0x6d: {  	_ =	shalt  }
0x6e: {  	_ =	shalt  }
0x6f: {  	_ =	shalt  }
0x70: {  	_ =	shalt  }
0x71: {  	_ =	shalt  }
0x72: {  	_ =	shalt  }
0x73: {  	_ =	shalt  }
0x74: {  	_ =	shalt  }
0x75: {  	_ =	shalt  }
0x76: {  	_ =	shalt  }
0x77: {  	_ =	shalt  }
0x78: {  	_ =	shalt  }
0x79: {  	_ =	shalt  }
0x7a: {  	_ =	shalt  }
0x7b: {  	_ =	shalt  }
0x7c: {  	_ =	shalt  }
0x7d: {  	_ =	shalt  }
0x7e: {  	_ =	shalt  }
0x7f: {  	_ =	shalt  }
0x80: {  	_ =	shalt  }
0x81: {  	_ =	shalt  }
0x82: {  	_ =	shalt  }
0x83: {  	_ =	shalt  }
0x84: {  	_ =	shalt  }
0x85: {  	_ =	shalt  }
0x86: {  	_ =	shalt  }
0x87: {  	_ =	shalt  }
.Lfunc_end0:
.L_simem_size_0:
called_computation.5_lowered:
.L_overlay_start_0:
0x88: {  	s2 =	sld [smem:$0x3FD9]  }
0x89: {  	s3 =	sld [smem:$0x3FFE];
	_ =	sdelay $0x1  }
0x8a: {  	s1 =	srdreg.scid  }
0x8b: {  	s0 =	sand.u32 $0x1, s1  }
0x8c: {  	s17 =	sshll.u32 s0, $0xA;
	s2 =	sadd.s32 s3, s2  }
0x8d: {  	s2 =	sadd.s32 s2, s17  }
0x8e: {  	[smem:$0x3F92] =	sst s2  }
0x8f: {  	_ = 	snop  }
0x90: {  	(tm) =	ssettm $0x1  }
0x91: {  	s18 =	sld [smem:$0x3FFB];
	_ =	sdelay $0x3  }
0x92: {  	_ =	strace s18  }
0x93: {  	s2 =	sld [smem:$0x3FFC];
	_ =	sdelay $0x3  }
0x94: {  	_ =	strace s2  }
0x95: {  	s2 =	sld [smem:$0x3FFD];
	_ =	sdelay $0x3  }
0x96: {  	_ =	strace s2  }
0x97: {  	_ =	strace $0x8FFFFFFF  }
0x98: {  	s19 =	sld [smem:$0x3FDB];
	_ =	sdelay $0x1  }
0x99: {  	s20 =	simm.s32 $_scs_section_size  }
0x9a: {  	s4 =	simm.s32 $_size__tile_overlayer_lowered;
	s5 =	simm.s32 $_tile_overlayer_lowered  }
0x9b: {  	s6 =	simm.s32 $0x1BFF;
	s21 =	sshll.u32 s5, $0x1;
	s3 =	sadd.s32 s20, s19  }
0x9c: {  	s22 =	simm.s32 $0x0;
	s4 =	sshll.u32 s4, $0x1;
	s5 =	sadd.s32 s21, s3  }
0x9d: {  	[timem:s22], [sflag:s6] =	dma.local [hbm:s5], s4  }
0x9e: {  	_ =	swait.ge [sflag:s6], s4  }
0x9f: {  	s4 =	ssub.s32 $0x0, s4;
	[sflag:s6] =	ssyncset.done $0x0  }
0xa0: {  	[sflag:s6] =	ssyncadd.s32 s4;
	_ =	sdelay $0x1  }
0xa1: {  	s23 =	simm.s32 $0x1B8B  }
0xa2: {  	_ =	swait.ge [sflag:s23], $0x1  }
0xa3: {  	[sflag:s23] =	ssyncset.done $0x0  }
0xa4: {  	[sflag:s23] =	ssyncadd.s32 $0xFFFFFFFF  }
0xa5: {  	s4 =	sld [smem:$0x0]  }
0xa6: {  	s5 =	sand.u32 $0xFFFFFFFE, s1  }
0xa7: {  	p0 =	sne.s32 s1, s5  }
0xa8: {  	s5 =	sshll.u32 @p0 s5, $0xE  }
0xa9: {  	s5 =	sadd.s32 @p0 $0x11B8D, s5;
	s6 =	sshll.u32 @p0 s4, $0x11  }
0xaa: {  	s5 =	sor.u32 @p0 s6, s5  }
0xab: {  	[sflag:s5] =	ssyncadd.remote.s32 @p0 $0x1;
	_ =	sdelay $0x1  }
0xac: {  	s5 =	simm.s32 @p0 $0x1B8D  }
0xad: {  	_ =	swait.eq @p0 [sflag:s5], $0x1  }
0xae: {  	[sflag:s5] =	ssyncadd.s32 @p0 $0xFFFFFFFF  }
0xaf: {  	s6 =	sshll.u32 @!p0 s1, $0xE  }
0xb0: {  	s6 =	sor.u32 @!p0 $0x4000, s6;
	s5 =	simm.s32 @!p0 $0x1B8D  }
0xb1: {  	s4 =	sshll.u32 @!p0 s4, $0x11;
	s6 =	sadd.s32 @!p0 $0x11B8D, s6;
	_ =	swait.eq @!p0 [sflag:s5], $0x1  }
0xb2: {  	s4 =	sor.u32 @!p0 s4, s6;
	[sflag:s5] =	ssyncadd.s32 @!p0 $0xFFFFFFFF  }
0xb3: {  	s25 =	simm.s32 $0x1B8E;
	s24 =	sld [smem:$0x3FFE];
	[sflag:s4] =	ssyncadd.remote.s32 @!p0 $0x1  }
0xb4: {  	s26 =	simm.s32 $execute0_lowered;
	[smem:$0x3FD2] =	sst s25  }
0xb5: {  	s5 =	sshll.u32 s26, $0x1;
	_ =	strace $0x80000055;
	[dreg:$0x1] =	wrdreg $0xFFFFFFFF  }
0xb6: {  	s28 =	simm.s32 $_size_execute0_lowered;
	s3 =	sadd.s32 s3, s5;
	[dreg:$0x0] =	wrdreg $0x0  }
0xb7: {  	s5 =	sshll.u32 s28, $0x1;
	[dreg:$0x2] =	wrdreg s3  }
0xb8: {  	[dreg:$0x3] =	wrdreg s5  }
0xb9: {  	[dreg:$0x4] =	wrdreg $0xC0  }
0xba: {  	_ =	task [dreg:s22], $0x5FFFF  }
0xbb: {  	[dreg:$0x1] =	wrdreg $0xFFFFFFFF  }
0xbc: {  	[dreg:$0x0] =	wrdreg $0x60  }
0xbd: {  	[dreg:$0x2] =	wrdreg s24  }
0xbe: {  	[dreg:$0x3] =	wrdreg $0xE  }
0xbf: {  	_ =	task.clear_ibuf [dreg:s22], $0x4FFFF;
	_ =	strace $0x90000055  }
0xc0: {  	s29 =	simm.s32 $0xE;
	_ =	strace $0x80000057  }
0xc1: {  	_ =	swait.ge [sflag:s29], $0x1  }
0xc2: {  	[sflag:s29] =	ssyncadd.s32 $0xFFFFFFFF  }
0xc3: {  	_ =	strace $0x90000057  }
0xc4: {  	_ =	sfence  }
0xc5: {  	s30 =	sld [smem:$0x0];
	_ =	sdelay $0x2  }
0xc6: {  	s31 =	sshll.u32 s1, $0xD;
	s1 =	sshrl.u32 s1, $0x2  }
0xc7: {  	s4 =	sand.u32 $0x4000, s31;
	s1 =	sadd.s32 s1, s30  }
0xc8: {  	s0 =	sor.u32 s4, s0;
	s1 =	sshll.u32 s1, $0x11  }
0xc9: {  	s0 =	sor.u32 s1, s0  }
0xca: {  	s0 =	sadd.s32 $0x8F2B, s0  }
0xcb: {  	[sflag:s0] =	ssyncadd.remote.s32 $0x1  }
0xcc: {  	_ =	sfence.sel $0xFFFF  }
0xcd: {  	[dreg:$0x0] =	wrdreg $0xFFFFFFFF;
	(pc) =	sbr.abs _section_cstart, $3  }
0xce: {  	[dreg:$0x1] =	wrdreg $0xFFFFFFFF  }
0xcf: {  	_ =	task.clear_ibuf [dreg:s22], $0x2FFFF;
	_ =	strace $0x9FFFFFFF  }
0xd0: {  	(tm) =	ssettm $0x7FFFFFFF  }
0xd1: {  	_ =	shalt  }
tec
execute0_lowered:
.L_overlay_start_1:
0x0: {  	(tag) =	ssettag $0x1  }
0x1: {  	s7 =	rddreg [dreg:$0x0]  }
0x2: {  	s0 =	rddreg [dreg:$0x1];
	s2 =	simm.s32 $0x0;
	s3 =	srdreg.scid  }
0x3: {  	s1 =	stileid.u32;
	s16 =	simm.s32 $0x4;
	s17 =	simm.s32 $0x80  }
0x4: {  	s18 =	simm.s32 $0x1;
	s19 =	simm.s32 $0x1000;
	s20 =	simm.s32 $0x100  }
0x5: {  	s21 =	simm.s32 $0x3;
	s22 =	simm.s32 $0x2;
	s23 =	simm.s32 $0x1100  }
0x6: {  	s24 =	simm.s32 $0x0;
	[smem:$0x7FF] =	sst s2;
	s8 =	sand.u32 $0x1, s3  }
0x7: {  	s5 =	sshll.u32 s1, $0x5;
	s3 =	sadd.s32 $0x4E3000, s7;
	s6 =	sshll.u32 s8, $0x4  }
0x8: {  	s4 =	sadd.s32 $0x544C00, s7;
	_ =	strace $0x80000056;
	s9 =	sor.u32 s6, s5  }
0x9: {  	s5 =	sadd.s32 $0x5A6800, s7;
	s6 =	sadd.s32 $0x608400, s7;
	s14 =	sadd.s32 s9, s7  }
0xa: {  	s11 =	ssub.s32 $0x2, s8;
	s7 =	sadd.s32 $0x66A000, s14;
	s8 =	sadd.s32 $0x66A200, s14  }
0xb: {  	s12 =	sshrl.u32 s11, $0x1;
	s9 =	sadd.s32 $0x66A800, s14;
	s10 =	sadd.s32 $0x66A400, s14  }
0xc: {  	s15 =	ssub.s32 s11, s12;
	s11 =	sadd.s32 $0x66E800, s14;
	s12 =	sadd.s32 $0x66A600, s14  }
0xd: {  	s13 =	sadd.s32 $0x672800, s14;
	s14 =	sadd.s32 $0x676800, s14;
	s15 =	smax.u32 s15, $0x1  }
.LBB2_1:
0xe: {  	[tilespmem:s2], [sflag:$0x4] =	stream.linear.gather [hbm4b:s7+s2], $0x80, $0x38;
	[tilespmem:$0x2100] =	vst v63  }
0xf: {  	_ =	swait.ge [sflag:s16], $0x80  }
0x10: {  	[sflag:s16] =	ssyncset.done $0x0  }
0x11: {  	s25 =	simm.s32 $0x100;
	[sflag:s16] =	ssyncadd.s32 $0xFFFFFF80  }
0x12: {  	[tilespmem:s25], [sflag:$0x1] =	stream.indirect.gather [hbm4b:s3+s17], $0x1, s2, s17, $0xb8;
	[tilespmem:$0x2100] =	vst v63  }
0x13: {  	s26 =	smov.u32 s3;
	s25 =	simm.s32 $0x200  }
.LBB2_2:
0x14: {  	p0 =	sne.s32 s25, $0x3E00  }
.Ltmp0:
0x15: {  	_ = 	snop;
	(pc) =	sbr.rel @p0 .LBB2_2-.Ltmp0, $4  }
0x16: {  	_ = 	snop  }
0x17: {  	s28 =	sshra.s32 s25, $0x2;
	s25 =	sadd.s32 $0x200, s25  }
0x18: {  	s26 =	sadd.s32 $0x30E0, s26;
	s28 =	sadd.s32 $0x100, s28  }
0x19: {  	[tilespmem:s28], [sflag:$0x1] =	stream.indirect.gather [hbm4b:s26+s17], $0x1, s2, s17, $0xb8;
	[tilespmem:$0x2100] =	vst v63  }
0x1a: {  	s25 =	simm.s32 $0x0  }
0x1b: {  	[tilespmem:s17], [sflag:$0x4] =	stream.linear.gather [hbm4b:s8+s25], $0x80, $0x38;
	[tilespmem:$0x2100] =	vst v63  }
0x1c: {  	_ =	swait.ge [sflag:s16], $0x80  }
0x1d: {  	s31 =	simm.s32 $0x1100;
	[sflag:s16] =	ssyncset.done $0x0  }
0x1e: {  	s26 =	smov.u32 s4;
	s25 =	simm.s32 $0x200;
	[sflag:s16] =	ssyncadd.s32 $0xFFFFFF80  }
0x1f: {  	[tilespmem:s31], [sflag:$0x2] =	stream.indirect.gather [hbm4b:s4+s17], $0x1, s17, s17, $0xb8;
	[tilespmem:$0x2100] =	vst v63  }
.LBB2_4:
0x20: {  	p0 =	sne.s32 s25, $0x3E00  }
.Ltmp1:
0x21: {  	_ = 	snop;
	(pc) =	sbr.rel @p0 .LBB2_4-.Ltmp1, $4  }
0x22: {  	_ = 	snop  }
0x23: {  	s28 =	sshra.s32 s25, $0x2;
	s25 =	sadd.s32 $0x200, s25  }
0x24: {  	s26 =	sadd.s32 $0x30E0, s26;
	s28 =	sadd.s32 $0x1100, s28  }
0x25: {  	[tilespmem:s28], [sflag:$0x2] =	stream.indirect.gather [hbm4b:s26+s17], $0x1, s17, s17, $0xb8;
	[tilespmem:$0x2100] =	vst v63  }
0x26: {  	_ =	swait.ge [sflag:s18], $0x1000  }
0x27: {  	[sflag:s18] =	ssyncset.done $0x0  }
0x28: {  	[sflag:s18] =	ssyncadd.s32 $0xFFFFF000  }
0x29: {  	[hbm4b:s9+s17] =	stream.strided.scatter [tilespmem:s20], [sflag:$0x3], $0x1000, s19, s17, $0x38;
	[tilespmem:$0x2100] =	vst v63  }
0x2a: {  	s25 =	simm.s32 $0x0  }
0x2b: {  	[tilespmem:s25], [sflag:$0x4] =	stream.linear.gather [hbm4b:s10+s25], $0x80, $0x38;
	[tilespmem:$0x2100] =	vst v63  }
0x2c: {  	_ =	swait.ge [sflag:s16], $0x80  }
0x2d: {  	[sflag:s16] =	ssyncset.done $0x0  }
0x2e: {  	[sflag:s16] =	ssyncadd.s32 $0xFFFFFF80  }
0x2f: {  	_ =	swait.ge [sflag:s21], $0x1000  }
0x30: {  	s31 =	simm.s32 $0x100;
	[sflag:s21] =	ssyncset.done $0x0  }
0x31: {  	s26 =	smov.u32 s5;
	s25 =	simm.s32 $0x200;
	[sflag:s21] =	ssyncadd.s32 $0xFFFFF000  }
0x32: {  	[tilespmem:s31], [sflag:$0x1] =	stream.indirect.gather [hbm4b:s5+s17], $0x1, s2, s17, $0xb8;
	[tilespmem:$0x2100] =	vst v63  }
.LBB2_6:
0x33: {  	p0 =	sne.s32 s25, $0x3E00  }
.Ltmp2:
0x34: {  	_ = 	snop;
	(pc) =	sbr.rel @p0 .LBB2_6-.Ltmp2, $4  }
0x35: {  	_ = 	snop  }
0x36: {  	s28 =	sshra.s32 s25, $0x2;
	s25 =	sadd.s32 $0x200, s25  }
0x37: {  	s26 =	sadd.s32 $0x30E0, s26;
	s28 =	sadd.s32 $0x100, s28  }
0x38: {  	[tilespmem:s28], [sflag:$0x1] =	stream.indirect.gather [hbm4b:s26+s17], $0x1, s2, s17, $0xb8;
	[tilespmem:$0x2100] =	vst v63  }
0x39: {  	_ =	swait.ge [sflag:s22], $0x1000  }
0x3a: {  	[sflag:s22] =	ssyncset.done $0x0  }
0x3b: {  	[sflag:s22] =	ssyncadd.s32 $0xFFFFF000  }
0x3c: {  	[hbm4b:s11+s17] =	stream.strided.scatter [tilespmem:s23], [sflag:$0x3], $0x1000, s19, s17, $0x38;
	[tilespmem:$0x2100] =	vst v63  }
0x3d: {  	s25 =	simm.s32 $0x0  }
0x3e: {  	[tilespmem:s17], [sflag:$0x4] =	stream.linear.gather [hbm4b:s12+s25], $0x80, $0x38;
	[tilespmem:$0x2100] =	vst v63  }
0x3f: {  	_ =	swait.ge [sflag:s16], $0x80  }
0x40: {  	[sflag:s16] =	ssyncset.done $0x0  }
0x41: {  	[sflag:s16] =	ssyncadd.s32 $0xFFFFFF80  }
0x42: {  	_ =	swait.ge [sflag:s21], $0x1000  }
0x43: {  	s31 =	simm.s32 $0x1100;
	[sflag:s21] =	ssyncset.done $0x0  }
0x44: {  	s26 =	smov.u32 s6;
	s25 =	simm.s32 $0x200;
	[sflag:s21] =	ssyncadd.s32 $0xFFFFF000  }
0x45: {  	[tilespmem:s31], [sflag:$0x2] =	stream.indirect.gather [hbm4b:s6+s17], $0x1, s17, s17, $0xb8;
	[tilespmem:$0x2100] =	vst v63  }
.LBB2_8:
0x46: {  	p0 =	sne.s32 s25, $0x3E00  }
.Ltmp3:
0x47: {  	_ = 	snop;
	(pc) =	sbr.rel @p0 .LBB2_8-.Ltmp3, $4  }
0x48: {  	_ = 	snop  }
0x49: {  	s28 =	sshra.s32 s25, $0x2;
	s25 =	sadd.s32 $0x200, s25  }
0x4a: {  	s26 =	sadd.s32 $0x30E0, s26;
	s28 =	sadd.s32 $0x1100, s28  }
0x4b: {  	[tilespmem:s28], [sflag:$0x2] =	stream.indirect.gather [hbm4b:s26+s17], $0x1, s17, s17, $0xb8;
	[tilespmem:$0x2100] =	vst v63  }
0x4c: {  	_ =	swait.ge [sflag:s18], $0x1000  }
0x4d: {  	[sflag:s18] =	ssyncset.done $0x0  }
0x4e: {  	[sflag:s18] =	ssyncadd.s32 $0xFFFFF000  }
0x4f: {  	[hbm4b:s13+s17] =	stream.strided.scatter [tilespmem:s20], [sflag:$0x3], $0x1000, s19, s17, $0x38;
	[tilespmem:$0x2100] =	vst v63  }
0x50: {  	_ =	swait.ge [sflag:s22], $0x1000  }
0x51: {  	[sflag:s22] =	ssyncset.done $0x0  }
0x52: {  	s24 =	sadd.s32 $0x1, s24;
	[sflag:s22] =	ssyncadd.s32 $0xFFFFF000  }
0x53: {  	[hbm4b:s14+s17] =	stream.strided.scatter [tilespmem:s23], [sflag:$0x3], $0x1000, s19, s17, $0x38;
	[tilespmem:$0x2100] =	vst v63  }
0x54: {  	p0 =	sne.s32 s24, s15;
	_ =	swait.ge [sflag:s21], $0x1000  }
.Ltmp4:
0x55: {  	[sflag:s21] =	ssyncset.done $0x0;
	(pc) =	sbr.rel @p0 .LBB2_1-.Ltmp4, $4  }
0x56: {  	[sflag:s21] =	ssyncadd.s32 $0xFFFFF000  }
0x57: {  	_ =	swait.ge [sflag:s21], $0x1000  }
0x58: {  	[sflag:s21] =	ssyncset.done $0x0  }
0x59: {  	[sflag:s21] =	ssyncadd.s32 $0xFFFFF000  }
0x5a: {  	_ =	sfence.sel $0x180000  }
0x5b: {  	[bflag:$0x0] =	sbarrier.arrive $0xFFFF  }
0x5c: {  	p0 =	sne.s32 s1, $0x0;
	_ =	strace $0x90000056  }
0x5d: {  	s0 =	sadd.s32 @!p0 $0x100000, s0;
	[bflag:$0x2] =	sbarrier.arrive $0xFFFF  }
0x5e: {  	[sflag:s0] =	ssyncadd.tile.s32 @!p0 $0x1;
	_ =	shalt  }
.Lfunc_end2:
_tile_overlayer_lowered:
.L_overlay_start_2:
0x5f: {  	(tag) =	ssettag $0x2  }
0x60: {  	s0 =	rddreg [dreg:$0x0];
	s2 =	stileid.u32  }
0x61: {  	s1 =	rddreg [dreg:$0x1];
	p0 =	sne.s32 s2, $0x0  }
0x62: {  	s3 =	rddreg [dreg:$0x2];
	[bflag:$0x3] =	sbarrier.arrive $0xFFFF;
	s2 =	simm.s32 @!p0 $0x1C04  }
0x63: {  	[timem:s3], [sflag:s2] =	dma.local @!p0 [hbm:s0], s1  }
0x64: {  	s0 =	simm.s32 @!p0 $0x4  }
0x65: {  	_ =	swait.ge @!p0 [sflag:s0], s1  }
0x66: {  	s1 =	ssub.s32 @!p0 $0x0, s1;
	[sflag:s0] =	ssyncset.done @!p0 $0x0  }
0x67: {  	[sflag:s0] =	ssyncadd.s32 @!p0 s1  }
0x68: {  	[bflag:$0x3] =	sbarrier.arrive $0xFFFF  }
0x69: {  	_ =	shalt  }

// kernel: kernel.55.cloned.1.call-start
scs
__scs_entry_jumppad:
0x0: {  	(pc) =	sbr.rel $0x88, $3  }
0x1: {  	(tag) =	ssettag $0x0;
	lr =	simm.s32 $0x1  }
0x2: {  	[smem:$0x3F6B] =	sst lr;
	_ =	strace $0xD0000000  }
0x3: {  	_ = 	snop  }
0x4: {  	_ = 	snop  }
0x5: {  	_ = 	snop  }
0x6: {  	_ = 	snop  }
0x7: {  	_ = 	snop  }
__scs_overlays_trampoline_lowered:
0x8: {  	[smem:$0x3F7A] =	sst s0  }
0x9: {  	[smem:$0x3F7B] =	sst s1  }
0xa: {  	[smem:$0x3F7C] =	sst s2  }
0xb: {  	[smem:$0x3F7D] =	sst s3  }
0xc: {  	[smem:$0x3F7E] =	sst s4  }
0xd: {  	[smem:$0x3F7F] =	sst s5  }
0xe: {  	[smem:$0x3F80] =	sst s6  }
0xf: {  	[smem:$0x3F81] =	sst s7  }
0x10: {  	[smem:$0x3F82] =	sst s8  }
0x11: {  	[smem:$0x3F83] =	sst s9;
	s0 =	simm.s32 @!p0 $0x0  }
0x12: {  	s1 =	sld [smem:$0x3F69];
	s0 =	simm.s32 @p0 $0x1  }
0x13: {  	[smem:$0x3F84] =	sst s0;
	s0 =	simm.s32 @!p1 $0x0  }
0x14: {  	s2 =	sld [smem:$0x3F68];
	s0 =	simm.s32 @p1 $0x1  }
0x15: {  	[smem:$0x3F85] =	sst s0;
	s0 =	simm.s32 @!p2 $0x0  }
0x16: {  	s3 =	sld [smem:$0x3FDB];
	s0 =	simm.s32 @p2 $0x1  }
0x17: {  	s4 =	simm.s32 $0x1BF5;
	[smem:$0x3F87] =	sst s0  }
0x18: {  	s0 =	sld [smem:$0x3F6A];
	_ =	swait.ge [sflag:s4], $0x0  }
0x19: {  	s7 =	sld [smem:$0x3F6B]  }
0x1a: {  	s8 =	sadd.s32 $0xFFFFE003, lr  }
0x1b: {  	s9 =	sadd.s32 $0xFFFFFEF7, lr;
	s5 =	simm.s32 $0xFFFFFFFF;
	p2 =	slt.u32 s8, $0xFFFFF086  }
0x1c: {  	p1 =	slt.u32 s9, $0xF7A;
	s5 =	simm.s32 @!p2 $0x0  }
0x1d: {  	s5 =	simm.s32 @p1 $0x1;
	p0 =	seq.s32 s7, s2  }
0x1e: {  	s7 =	smul.u32 @!p0 $0xF7A, s2;
	p2 =	seq.s32 @!p0 s5, $0x0  }
0x1f: {  	s9 =	smul.u32 $0xF7A, s1;
	s8 =	simm.s32 @!p0 $0x1BF5;
	p2 =	por !p2, p0  }
0x20: {  	[sflag:s8] =	ssyncset.s32 @!p0 $0xFFFFF086;
	s6 =	sadd.s32 @!p0 s3, s7;
	s7 =	simm.s32 @!p0 $0x108  }
0x21: {  	s3 =	sadd.s32 s3, s9;
	s6 =	sadd.s32 @!p0 $0x88, s6;
	s7 =	simm.s32 @p2 $0x1082  }
0x22: {  	[simem:s7], [sflag:s8] =	dma.local @!p0 [hbm:s6], $0xF7A  }
0x23: {  	s9 =	sor.u32 $0xD0000000, s2;
	s6 =	simm.s32 $0x108;
	_ =	swait.ge @!p0 [sflag:s8], $0x0  }
0x24: {  	s3 =	sadd.s32 $0x88, s3;
	s6 =	simm.s32 @!p1 $0x1082;
	[sflag:s4] =	ssyncset.s32 $0xFFFFF086  }
0x25: {  	[simem:s6], [sflag:s4] =	dma.local [hbm:s3], $0xF7A  }
0x26: {  	[smem:$0x3F6B] =	sst s1;
	(tag) =	ssettag s2;
	_ =	strace s9  }
0x27: {  	s1 =	sld [smem:$0x3F7B]  }
0x28: {  	s2 =	sld [smem:$0x3F7C]  }
0x29: {  	s4 =	sld [smem:$0x3F7E]  }
0x2a: {  	p0 =	seq.s32 s5, $0x0;
	s5 =	sld [smem:$0x3F7F]  }
0x2b: {  	s6 =	sld [smem:$0x3F80]  }
0x2c: {  	s7 =	sld [smem:$0x3F81]  }
0x2d: {  	s3 =	simm.s32 $0x108;
	s8 =	sld [smem:$0x3F82]  }
0x2e: {  	s3 =	simm.s32 @!p0 $0x1082;
	s9 =	sld [smem:$0x3F83]  }
0x2f: {  	lr =	sadd.s32 s0, s3;
	s0 =	sld [smem:$0x3F7A]  }
0x30: {  	s3 =	sld [smem:$0x3F7D]  }
0x31: {  	[smem:$0x3F86] =	sst s10  }
0x32: {  	s10 =	sld [smem:$0x3F84];
	_ =	sdelay $0x3  }
0x33: {  	p0 =	seq.s32 s10, $0x1;
	s10 =	sld [smem:$0x3F86];
	_ =	sdelay $0x3  }
0x34: {  	[smem:$0x3F86] =	sst s10  }
0x35: {  	s10 =	sld [smem:$0x3F85];
	_ =	sdelay $0x3  }
0x36: {  	p1 =	seq.s32 s10, $0x1;
	s10 =	sld [smem:$0x3F86];
	_ =	sdelay $0x3  }
0x37: {  	[smem:$0x3F86] =	sst s10  }
0x38: {  	s10 =	sld [smem:$0x3F87]  }
0x39: {  	_ = 	snop;
	(pc) =	sbr.ind lr, $3  }
0x3a: {  	_ = 	snop  }
0x3b: {  	_ = 	snop  }
0x3c: {  	p2 =	seq.s32 s10, $0x1;
	s10 =	sld [smem:$0x3F86]  }
0x3d: {  	_ =	shalt  }
0x3e: {  	_ =	shalt  }
0x3f: {  	_ =	shalt  }
0x40: {  	_ =	shalt  }
0x41: {  	_ =	shalt  }
0x42: {  	_ =	shalt  }
0x43: {  	_ =	shalt  }
0x44: {  	_ =	shalt  }
0x45: {  	_ =	shalt  }
0x46: {  	_ =	shalt  }
0x47: {  	_ =	shalt  }
0x48: {  	_ =	shalt  }
0x49: {  	_ =	shalt  }
0x4a: {  	_ =	shalt  }
0x4b: {  	_ =	shalt  }
0x4c: {  	_ =	shalt  }
0x4d: {  	_ =	shalt  }
0x4e: {  	_ =	shalt  }
0x4f: {  	_ =	shalt  }
0x50: {  	_ =	shalt  }
0x51: {  	_ =	shalt  }
0x52: {  	_ =	shalt  }
0x53: {  	_ =	shalt  }
0x54: {  	_ =	shalt  }
0x55: {  	_ =	shalt  }
0x56: {  	_ =	shalt  }
0x57: {  	_ =	shalt  }
0x58: {  	_ =	shalt  }
0x59: {  	_ =	shalt  }
0x5a: {  	_ =	shalt  }
0x5b: {  	_ =	shalt  }
0x5c: {  	_ =	shalt  }
0x5d: {  	_ =	shalt  }
0x5e: {  	_ =	shalt  }
0x5f: {  	_ =	shalt  }
0x60: {  	_ =	shalt  }
0x61: {  	_ =	shalt  }
0x62: {  	_ =	shalt  }
0x63: {  	_ =	shalt  }
0x64: {  	_ =	shalt  }
0x65: {  	_ =	shalt  }
0x66: {  	_ =	shalt  }
0x67: {  	_ =	shalt  }
0x68: {  	_ =	shalt  }
0x69: {  	_ =	shalt  }
0x6a: {  	_ =	shalt  }
0x6b: {  	_ =	shalt  }
0x6c: {  	_ =	shalt  }
0x6d: {  	_ =	shalt  }
0x6e: {  	_ =	shalt  }
0x6f: {  	_ =	shalt  }
0x70: {  	_ =	shalt  }
0x71: {  	_ =	shalt  }
0x72: {  	_ =	shalt  }
0x73: {  	_ =	shalt  }
0x74: {  	_ =	shalt  }
0x75: {  	_ =	shalt  }
0x76: {  	_ =	shalt  }
0x77: {  	_ =	shalt  }
0x78: {  	_ =	shalt  }
0x79: {  	_ =	shalt  }
0x7a: {  	_ =	shalt  }
0x7b: {  	_ =	shalt  }
0x7c: {  	_ =	shalt  }
0x7d: {  	_ =	shalt  }
0x7e: {  	_ =	shalt  }
0x7f: {  	_ =	shalt  }
0x80: {  	_ =	shalt  }
0x81: {  	_ =	shalt  }
0x82: {  	_ =	shalt  }
0x83: {  	_ =	shalt  }
0x84: {  	_ =	shalt  }
0x85: {  	_ =	shalt  }
0x86: {  	_ =	shalt  }
0x87: {  	_ =	shalt  }
.Lfunc_end0:
.L_simem_size_0:
called_computation.6_lowered:
.L_overlay_start_0:
0x88: {  	s2 =	sld [smem:$0x3FD9]  }
0x89: {  	s3 =	sld [smem:$0x3FFE];
	_ =	sdelay $0x1  }
0x8a: {  	s1 =	srdreg.scid  }
0x8b: {  	s0 =	sand.u32 $0x1, s1  }
0x8c: {  	s17 =	sshll.u32 s0, $0xA;
	s2 =	sadd.s32 s3, s2  }
0x8d: {  	s2 =	sadd.s32 s2, s17  }
0x8e: {  	[smem:$0x3F92] =	sst s2  }
0x8f: {  	_ = 	snop  }
0x90: {  	(tm) =	ssettm $0x1  }
0x91: {  	s18 =	sld [smem:$0x3FFB];
	_ =	sdelay $0x3  }
0x92: {  	_ =	strace s18  }
0x93: {  	s2 =	sld [smem:$0x3FFC];
	_ =	sdelay $0x3  }
0x94: {  	_ =	strace s2  }
0x95: {  	s2 =	sld [smem:$0x3FFD];
	_ =	sdelay $0x3  }
0x96: {  	_ =	strace s2  }
0x97: {  	_ =	strace $0x8FFFFFFF  }
0x98: {  	s19 =	sld [smem:$0x3FDB];
	_ =	sdelay $0x1  }
0x99: {  	s20 =	simm.s32 $_scs_section_size  }
0x9a: {  	s4 =	simm.s32 $_size__tile_overlayer_lowered;
	s5 =	simm.s32 $_tile_overlayer_lowered  }
0x9b: {  	s6 =	simm.s32 $0x1BFF;
	s21 =	sshll.u32 s5, $0x1;
	s3 =	sadd.s32 s20, s19  }
0x9c: {  	s22 =	simm.s32 $0x0;
	s4 =	sshll.u32 s4, $0x1;
	s5 =	sadd.s32 s21, s3  }
0x9d: {  	[timem:s22], [sflag:s6] =	dma.local [hbm:s5], s4  }
0x9e: {  	_ =	swait.ge [sflag:s6], s4  }
0x9f: {  	s4 =	ssub.s32 $0x0, s4;
	[sflag:s6] =	ssyncset.done $0x0  }
0xa0: {  	[sflag:s6] =	ssyncadd.s32 s4;
	_ =	sdelay $0x1  }
0xa1: {  	s23 =	simm.s32 $0x1B8B  }
0xa2: {  	_ =	swait.ge [sflag:s23], $0x1  }
0xa3: {  	[sflag:s23] =	ssyncset.done $0x0  }
0xa4: {  	[sflag:s23] =	ssyncadd.s32 $0xFFFFFFFF  }
0xa5: {  	s4 =	sld [smem:$0x0]  }
0xa6: {  	s5 =	sand.u32 $0xFFFFFFFE, s1  }
0xa7: {  	p0 =	sne.s32 s1, s5  }
0xa8: {  	s5 =	sshll.u32 @p0 s5, $0xE  }
0xa9: {  	s5 =	sadd.s32 @p0 $0x11B8D, s5;
	s6 =	sshll.u32 @p0 s4, $0x11  }
0xaa: {  	s5 =	sor.u32 @p0 s6, s5  }
0xab: {  	[sflag:s5] =	ssyncadd.remote.s32 @p0 $0x1;
	_ =	sdelay $0x1  }
0xac: {  	s5 =	simm.s32 @p0 $0x1B8D  }
0xad: {  	_ =	swait.eq @p0 [sflag:s5], $0x1  }
0xae: {  	[sflag:s5] =	ssyncadd.s32 @p0 $0xFFFFFFFF  }
0xaf: {  	s6 =	sshll.u32 @!p0 s1, $0xE  }
0xb0: {  	s6 =	sor.u32 @!p0 $0x4000, s6;
	s5 =	simm.s32 @!p0 $0x1B8D  }
0xb1: {  	s4 =	sshll.u32 @!p0 s4, $0x11;
	s6 =	sadd.s32 @!p0 $0x11B8D, s6;
	_ =	swait.eq @!p0 [sflag:s5], $0x1  }
0xb2: {  	s4 =	sor.u32 @!p0 s4, s6;
	[sflag:s5] =	ssyncadd.s32 @!p0 $0xFFFFFFFF  }
0xb3: {  	s25 =	simm.s32 $0x1B8E;
	s24 =	sld [smem:$0x3FFE];
	[sflag:s4] =	ssyncadd.remote.s32 @!p0 $0x1  }
0xb4: {  	s26 =	simm.s32 $execute0_lowered;
	[smem:$0x3FD2] =	sst s25  }
0xb5: {  	s5 =	sshll.u32 s26, $0x1;
	_ =	strace $0x80000058;
	[dreg:$0x1] =	wrdreg $0xFFFFFFFF  }
0xb6: {  	s28 =	simm.s32 $_size_execute0_lowered;
	s3 =	sadd.s32 s3, s5;
	[dreg:$0x0] =	wrdreg $0x0  }
0xb7: {  	s5 =	sshll.u32 s28, $0x1;
	[dreg:$0x2] =	wrdreg s3  }
0xb8: {  	[dreg:$0x3] =	wrdreg s5  }
0xb9: {  	[dreg:$0x4] =	wrdreg $0xC0  }
0xba: {  	_ =	task [dreg:s22], $0x5FFFF  }
0xbb: {  	[dreg:$0x1] =	wrdreg $0xFFFFFFFF  }
0xbc: {  	[dreg:$0x0] =	wrdreg $0x60  }
0xbd: {  	[dreg:$0x2] =	wrdreg s24  }
0xbe: {  	[dreg:$0x3] =	wrdreg $0xF  }
0xbf: {  	_ =	task.clear_ibuf [dreg:s22], $0x4FFFF;
	_ =	strace $0x90000058  }
0xc0: {  	s29 =	simm.s32 $0xF;
	_ =	strace $0x8000005A  }
0xc1: {  	_ =	swait.ge [sflag:s29], $0x1  }
0xc2: {  	[sflag:s29] =	ssyncadd.s32 $0xFFFFFFFF  }
0xc3: {  	_ =	strace $0x9000005A  }
0xc4: {  	_ =	sfence  }
0xc5: {  	s30 =	sld [smem:$0x0];
	_ =	sdelay $0x2  }
0xc6: {  	s31 =	sshll.u32 s1, $0xD;
	s1 =	sshrl.u32 s1, $0x2  }
0xc7: {  	s4 =	sand.u32 $0x4000, s31;
	s1 =	sadd.s32 s1, s30  }
0xc8: {  	s0 =	sor.u32 s4, s0;
	s1 =	sshll.u32 s1, $0x11  }
0xc9: {  	s0 =	sor.u32 s1, s0  }
0xca: {  	s0 =	sadd.s32 $0x8F2B, s0  }
0xcb: {  	[sflag:s0] =	ssyncadd.remote.s32 $0x1  }
0xcc: {  	_ =	sfence.sel $0xFFFF  }
0xcd: {  	[dreg:$0x0] =	wrdreg $0xFFFFFFFF;
	(pc) =	sbr.abs _section_cstart, $3  }
0xce: {  	[dreg:$0x1] =	wrdreg $0xFFFFFFFF  }
0xcf: {  	_ =	task.clear_ibuf [dreg:s22], $0x2FFFF;
	_ =	strace $0x9FFFFFFF  }
0xd0: {  	(tm) =	ssettm $0x7FFFFFFF  }
0xd1: {  	_ =	shalt  }
tec
execute0_lowered:
.L_overlay_start_1:
0x0: {  	(tag) =	ssettag $0x1  }
0x1: {  	s6 =	rddreg [dreg:$0x0]  }
0x2: {  	s0 =	rddreg [dreg:$0x1];
	s2 =	simm.s32 $0x0;
	s3 =	srdreg.scid  }
0x3: {  	s1 =	stileid.u32;
	s16 =	simm.s32 $0x4;
	s17 =	simm.s32 $0x80  }
0x4: {  	s18 =	simm.s32 $0x1;
	s19 =	simm.s32 $0x1000;
	s20 =	simm.s32 $0x100  }
0x5: {  	s21 =	simm.s32 $0x3;
	s22 =	simm.s32 $0x2;
	s23 =	simm.s32 $0x1100  }
0x6: {  	s24 =	simm.s32 $0x0;
	[smem:$0x7FF] =	sst s2;
	s7 =	sand.u32 $0x1, s3  }
0x7: {  	s5 =	sshll.u32 s1, $0x5;
	s3 =	sadd.s32 $0x67A800, s6;
	s8 =	sshll.u32 s7, $0x4  }
0x8: {  	s4 =	sadd.s32 $0x6DC400, s6;
	_ =	strace $0x80000059;
	s8 =	sor.u32 s8, s5  }
0x9: {  	s31 =	ssub.s32 $0x2, s7;
	s5 =	sadd.s32 $0x73E000, s6;
	s14 =	sadd.s32 s8, s6  }
0xa: {  	s9 =	sshrl.u32 s31, $0x1;
	s6 =	sadd.s32 $0x79FC00, s6;
	s7 =	sadd.s32 $0x801800, s14  }
0xb: {  	s15 =	ssub.s32 s31, s9;
	s8 =	sadd.s32 $0x801A00, s14;
	s9 =	sadd.s32 $0x801C00, s14  }
0xc: {  	s10 =	sadd.s32 $0x802000, s14;
	s11 =	sadd.s32 $0x806000, s14;
	s12 =	sadd.s32 $0x801E00, s14  }
0xd: {  	s13 =	sadd.s32 $0x80A000, s14;
	s14 =	sadd.s32 $0x80E000, s14;
	s15 =	smax.u32 s15, $0x1  }
.LBB2_1:
0xe: {  	[tilespmem:s2], [sflag:$0x4] =	stream.linear.gather [hbm4b:s7+s2], $0x80, $0x38;
	[tilespmem:$0x2100] =	vst v63  }
0xf: {  	_ =	swait.ge [sflag:s16], $0x80  }
0x10: {  	[sflag:s16] =	ssyncset.done $0x0  }
0x11: {  	s25 =	simm.s32 $0x100;
	[sflag:s16] =	ssyncadd.s32 $0xFFFFFF80  }
0x12: {  	[tilespmem:s25], [sflag:$0x1] =	stream.indirect.gather [hbm4b:s3+s17], $0x1, s2, s17, $0xb8;
	[tilespmem:$0x2100] =	vst v63  }
0x13: {  	s26 =	smov.u32 s3;
	s25 =	simm.s32 $0x200  }
.LBB2_2:
0x14: {  	p0 =	sne.s32 s25, $0x3E00  }
.Ltmp0:
0x15: {  	_ = 	snop;
	(pc) =	sbr.rel @p0 .LBB2_2-.Ltmp0, $4  }
0x16: {  	_ = 	snop  }
0x17: {  	s28 =	sshra.s32 s25, $0x2;
	s25 =	sadd.s32 $0x200, s25  }
0x18: {  	s26 =	sadd.s32 $0x30E0, s26;
	s28 =	sadd.s32 $0x100, s28  }
0x19: {  	[tilespmem:s28], [sflag:$0x1] =	stream.indirect.gather [hbm4b:s26+s17], $0x1, s2, s17, $0xb8;
	[tilespmem:$0x2100] =	vst v63  }
0x1a: {  	s25 =	simm.s32 $0x0  }
0x1b: {  	[tilespmem:s17], [sflag:$0x4] =	stream.linear.gather [hbm4b:s8+s25], $0x80, $0x38;
	[tilespmem:$0x2100] =	vst v63  }
0x1c: {  	_ =	swait.ge [sflag:s16], $0x80  }
0x1d: {  	s31 =	simm.s32 $0x1100;
	[sflag:s16] =	ssyncset.done $0x0  }
0x1e: {  	s26 =	smov.u32 s4;
	s25 =	simm.s32 $0x200;
	[sflag:s16] =	ssyncadd.s32 $0xFFFFFF80  }
0x1f: {  	[tilespmem:s31], [sflag:$0x2] =	stream.indirect.gather [hbm4b:s4+s17], $0x1, s17, s17, $0xb8;
	[tilespmem:$0x2100] =	vst v63  }
.LBB2_4:
0x20: {  	p0 =	sne.s32 s25, $0x3E00  }
.Ltmp1:
0x21: {  	_ = 	snop;
	(pc) =	sbr.rel @p0 .LBB2_4-.Ltmp1, $4  }
0x22: {  	_ = 	snop  }
0x23: {  	s28 =	sshra.s32 s25, $0x2;
	s25 =	sadd.s32 $0x200, s25  }
0x24: {  	s26 =	sadd.s32 $0x30E0, s26;
	s28 =	sadd.s32 $0x1100, s28  }
0x25: {  	[tilespmem:s28], [sflag:$0x2] =	stream.indirect.gather [hbm4b:s26+s17], $0x1, s17, s17, $0xb8;
	[tilespmem:$0x2100] =	vst v63  }
0x26: {  	_ =	swait.ge [sflag:s18], $0x1000  }
0x27: {  	[sflag:s18] =	ssyncset.done $0x0  }
0x28: {  	[sflag:s18] =	ssyncadd.s32 $0xFFFFF000  }
0x29: {  	[hbm4b:s10+s17] =	stream.strided.scatter [tilespmem:s20], [sflag:$0x3], $0x1000, s19, s17, $0x38;
	[tilespmem:$0x2100] =	vst v63  }
0x2a: {  	s25 =	simm.s32 $0x0  }
0x2b: {  	[tilespmem:s25], [sflag:$0x4] =	stream.linear.gather [hbm4b:s9+s25], $0x80, $0x38;
	[tilespmem:$0x2100] =	vst v63  }
0x2c: {  	_ =	swait.ge [sflag:s16], $0x80  }
0x2d: {  	[sflag:s16] =	ssyncset.done $0x0  }
0x2e: {  	[sflag:s16] =	ssyncadd.s32 $0xFFFFFF80  }
0x2f: {  	_ =	swait.ge [sflag:s21], $0x1000  }
0x30: {  	s31 =	simm.s32 $0x100;
	[sflag:s21] =	ssyncset.done $0x0  }
0x31: {  	s26 =	smov.u32 s5;
	s25 =	simm.s32 $0x200;
	[sflag:s21] =	ssyncadd.s32 $0xFFFFF000  }
0x32: {  	[tilespmem:s31], [sflag:$0x1] =	stream.indirect.gather [hbm4b:s5+s17], $0x1, s2, s17, $0xb8;
	[tilespmem:$0x2100] =	vst v63  }
.LBB2_6:
0x33: {  	p0 =	sne.s32 s25, $0x3E00  }
.Ltmp2:
0x34: {  	_ = 	snop;
	(pc) =	sbr.rel @p0 .LBB2_6-.Ltmp2, $4  }
0x35: {  	_ = 	snop  }
0x36: {  	s28 =	sshra.s32 s25, $0x2;
	s25 =	sadd.s32 $0x200, s25  }
0x37: {  	s26 =	sadd.s32 $0x30E0, s26;
	s28 =	sadd.s32 $0x100, s28  }
0x38: {  	[tilespmem:s28], [sflag:$0x1] =	stream.indirect.gather [hbm4b:s26+s17], $0x1, s2, s17, $0xb8;
	[tilespmem:$0x2100] =	vst v63  }
0x39: {  	_ =	swait.ge [sflag:s22], $0x1000  }
0x3a: {  	[sflag:s22] =	ssyncset.done $0x0  }
0x3b: {  	[sflag:s22] =	ssyncadd.s32 $0xFFFFF000  }
0x3c: {  	[hbm4b:s11+s17] =	stream.strided.scatter [tilespmem:s23], [sflag:$0x3], $0x1000, s19, s17, $0x38;
	[tilespmem:$0x2100] =	vst v63  }
0x3d: {  	s25 =	simm.s32 $0x0  }
0x3e: {  	[tilespmem:s17], [sflag:$0x4] =	stream.linear.gather [hbm4b:s12+s25], $0x80, $0x38;
	[tilespmem:$0x2100] =	vst v63  }
0x3f: {  	_ =	swait.ge [sflag:s16], $0x80  }
0x40: {  	[sflag:s16] =	ssyncset.done $0x0  }
0x41: {  	[sflag:s16] =	ssyncadd.s32 $0xFFFFFF80  }
0x42: {  	_ =	swait.ge [sflag:s21], $0x1000  }
0x43: {  	s31 =	simm.s32 $0x1100;
	[sflag:s21] =	ssyncset.done $0x0  }
0x44: {  	s26 =	smov.u32 s6;
	s25 =	simm.s32 $0x200;
	[sflag:s21] =	ssyncadd.s32 $0xFFFFF000  }
0x45: {  	[tilespmem:s31], [sflag:$0x2] =	stream.indirect.gather [hbm4b:s6+s17], $0x1, s17, s17, $0xb8;
	[tilespmem:$0x2100] =	vst v63  }
.LBB2_8:
0x46: {  	p0 =	sne.s32 s25, $0x3E00  }
.Ltmp3:
0x47: {  	_ = 	snop;
	(pc) =	sbr.rel @p0 .LBB2_8-.Ltmp3, $4  }
0x48: {  	_ = 	snop  }
0x49: {  	s28 =	sshra.s32 s25, $0x2;
	s25 =	sadd.s32 $0x200, s25  }
0x4a: {  	s26 =	sadd.s32 $0x30E0, s26;
	s28 =	sadd.s32 $0x1100, s28  }
0x4b: {  	[tilespmem:s28], [sflag:$0x2] =	stream.indirect.gather [hbm4b:s26+s17], $0x1, s17, s17, $0xb8;
	[tilespmem:$0x2100] =	vst v63  }
0x4c: {  	_ =	swait.ge [sflag:s18], $0x1000  }
0x4d: {  	[sflag:s18] =	ssyncset.done $0x0  }
0x4e: {  	[sflag:s18] =	ssyncadd.s32 $0xFFFFF000  }
0x4f: {  	[hbm4b:s13+s17] =	stream.strided.scatter [tilespmem:s20], [sflag:$0x3], $0x1000, s19, s17, $0x38;
	[tilespmem:$0x2100] =	vst v63  }
0x50: {  	_ =	swait.ge [sflag:s22], $0x1000  }
0x51: {  	[sflag:s22] =	ssyncset.done $0x0  }
0x52: {  	s24 =	sadd.s32 $0x1, s24;
	[sflag:s22] =	ssyncadd.s32 $0xFFFFF000  }
0x53: {  	[hbm4b:s14+s17] =	stream.strided.scatter [tilespmem:s23], [sflag:$0x3], $0x1000, s19, s17, $0x38;
	[tilespmem:$0x2100] =	vst v63  }
0x54: {  	p0 =	sne.s32 s24, s15;
	_ =	swait.ge [sflag:s21], $0x1000  }
.Ltmp4:
0x55: {  	[sflag:s21] =	ssyncset.done $0x0;
	(pc) =	sbr.rel @p0 .LBB2_1-.Ltmp4, $4  }
0x56: {  	[sflag:s21] =	ssyncadd.s32 $0xFFFFF000  }
0x57: {  	_ =	swait.ge [sflag:s21], $0x1000  }
0x58: {  	[sflag:s21] =	ssyncset.done $0x0  }
0x59: {  	[sflag:s21] =	ssyncadd.s32 $0xFFFFF000  }
0x5a: {  	_ =	sfence.sel $0x180000  }
0x5b: {  	[bflag:$0x0] =	sbarrier.arrive $0xFFFF  }
0x5c: {  	p0 =	sne.s32 s1, $0x0;
	_ =	strace $0x90000059  }
0x5d: {  	s0 =	sadd.s32 @!p0 $0x100000, s0;
	[bflag:$0x2] =	sbarrier.arrive $0xFFFF  }
0x5e: {  	[sflag:s0] =	ssyncadd.tile.s32 @!p0 $0x1;
	_ =	shalt  }
.Lfunc_end2:
_tile_overlayer_lowered:
.L_overlay_start_2:
0x5f: {  	(tag) =	ssettag $0x2  }
0x60: {  	s0 =	rddreg [dreg:$0x0];
	s2 =	stileid.u32  }
0x61: {  	s1 =	rddreg [dreg:$0x1];
	p0 =	sne.s32 s2, $0x0  }
0x62: {  	s3 =	rddreg [dreg:$0x2];
	[bflag:$0x3] =	sbarrier.arrive $0xFFFF;
	s2 =	simm.s32 @!p0 $0x1C04  }
0x63: {  	[timem:s3], [sflag:s2] =	dma.local @!p0 [hbm:s0], s1  }
0x64: {  	s0 =	simm.s32 @!p0 $0x4  }
0x65: {  	_ =	swait.ge @!p0 [sflag:s0], s1  }
0x66: {  	s1 =	ssub.s32 @!p0 $0x0, s1;
	[sflag:s0] =	ssyncset.done @!p0 $0x0  }
0x67: {  	[sflag:s0] =	ssyncadd.s32 @!p0 s1  }
0x68: {  	[bflag:$0x3] =	sbarrier.arrive $0xFFFF  }
0x69: {  	_ =	shalt  }

// kernel: kernel.58.cloned.1.call-start
scs
__scs_entry_jumppad:
0x0: {  	(pc) =	sbr.rel $0x88, $3  }
0x1: {  	(tag) =	ssettag $0x0;
	lr =	simm.s32 $0x1  }
0x2: {  	[smem:$0x3F6B] =	sst lr;
	_ =	strace $0xD0000000  }
0x3: {  	_ = 	snop  }
0x4: {  	_ = 	snop  }
0x5: {  	_ = 	snop  }
0x6: {  	_ = 	snop  }
0x7: {  	_ = 	snop  }
__scs_overlays_trampoline_lowered:
0x8: {  	[smem:$0x3F7A] =	sst s0  }
0x9: {  	[smem:$0x3F7B] =	sst s1  }
0xa: {  	[smem:$0x3F7C] =	sst s2  }
0xb: {  	[smem:$0x3F7D] =	sst s3  }
0xc: {  	[smem:$0x3F7E] =	sst s4  }
0xd: {  	[smem:$0x3F7F] =	sst s5  }
0xe: {  	[smem:$0x3F80] =	sst s6  }
0xf: {  	[smem:$0x3F81] =	sst s7  }
0x10: {  	[smem:$0x3F82] =	sst s8  }
0x11: {  	[smem:$0x3F83] =	sst s9;
	s0 =	simm.s32 @!p0 $0x0  }
0x12: {  	s1 =	sld [smem:$0x3F69];
	s0 =	simm.s32 @p0 $0x1  }
0x13: {  	[smem:$0x3F84] =	sst s0;
	s0 =	simm.s32 @!p1 $0x0  }
0x14: {  	s2 =	sld [smem:$0x3F68];
	s0 =	simm.s32 @p1 $0x1  }
0x15: {  	[smem:$0x3F85] =	sst s0;
	s0 =	simm.s32 @!p2 $0x0  }
0x16: {  	s3 =	sld [smem:$0x3FDB];
	s0 =	simm.s32 @p2 $0x1  }
0x17: {  	s4 =	simm.s32 $0x1BF5;
	[smem:$0x3F87] =	sst s0  }
0x18: {  	s0 =	sld [smem:$0x3F6A];
	_ =	swait.ge [sflag:s4], $0x0  }
0x19: {  	s7 =	sld [smem:$0x3F6B]  }
0x1a: {  	s8 =	sadd.s32 $0xFFFFE003, lr  }
0x1b: {  	s9 =	sadd.s32 $0xFFFFFEF7, lr;
	s5 =	simm.s32 $0xFFFFFFFF;
	p2 =	slt.u32 s8, $0xFFFFF086  }
0x1c: {  	p1 =	slt.u32 s9, $0xF7A;
	s5 =	simm.s32 @!p2 $0x0  }
0x1d: {  	s5 =	simm.s32 @p1 $0x1;
	p0 =	seq.s32 s7, s2  }
0x1e: {  	s7 =	smul.u32 @!p0 $0xF7A, s2;
	p2 =	seq.s32 @!p0 s5, $0x0  }
0x1f: {  	s9 =	smul.u32 $0xF7A, s1;
	s8 =	simm.s32 @!p0 $0x1BF5;
	p2 =	por !p2, p0  }
0x20: {  	[sflag:s8] =	ssyncset.s32 @!p0 $0xFFFFF086;
	s6 =	sadd.s32 @!p0 s3, s7;
	s7 =	simm.s32 @!p0 $0x108  }
0x21: {  	s3 =	sadd.s32 s3, s9;
	s6 =	sadd.s32 @!p0 $0x88, s6;
	s7 =	simm.s32 @p2 $0x1082  }
0x22: {  	[simem:s7], [sflag:s8] =	dma.local @!p0 [hbm:s6], $0xF7A  }
0x23: {  	s9 =	sor.u32 $0xD0000000, s2;
	s6 =	simm.s32 $0x108;
	_ =	swait.ge @!p0 [sflag:s8], $0x0  }
0x24: {  	s3 =	sadd.s32 $0x88, s3;
	s6 =	simm.s32 @!p1 $0x1082;
	[sflag:s4] =	ssyncset.s32 $0xFFFFF086  }
0x25: {  	[simem:s6], [sflag:s4] =	dma.local [hbm:s3], $0xF7A  }
0x26: {  	[smem:$0x3F6B] =	sst s1;
	(tag) =	ssettag s2;
	_ =	strace s9  }
0x27: {  	s1 =	sld [smem:$0x3F7B]  }
0x28: {  	s2 =	sld [smem:$0x3F7C]  }
0x29: {  	s4 =	sld [smem:$0x3F7E]  }
0x2a: {  	p0 =	seq.s32 s5, $0x0;
	s5 =	sld [smem:$0x3F7F]  }
0x2b: {  	s6 =	sld [smem:$0x3F80]  }
0x2c: {  	s7 =	sld [smem:$0x3F81]  }
0x2d: {  	s3 =	simm.s32 $0x108;
	s8 =	sld [smem:$0x3F82]  }
0x2e: {  	s3 =	simm.s32 @!p0 $0x1082;
	s9 =	sld [smem:$0x3F83]  }
0x2f: {  	lr =	sadd.s32 s0, s3;
	s0 =	sld [smem:$0x3F7A]  }
0x30: {  	s3 =	sld [smem:$0x3F7D]  }
0x31: {  	[smem:$0x3F86] =	sst s10  }
0x32: {  	s10 =	sld [smem:$0x3F84];
	_ =	sdelay $0x3  }
0x33: {  	p0 =	seq.s32 s10, $0x1;
	s10 =	sld [smem:$0x3F86];
	_ =	sdelay $0x3  }
0x34: {  	[smem:$0x3F86] =	sst s10  }
0x35: {  	s10 =	sld [smem:$0x3F85];
	_ =	sdelay $0x3  }
0x36: {  	p1 =	seq.s32 s10, $0x1;
	s10 =	sld [smem:$0x3F86];
	_ =	sdelay $0x3  }
0x37: {  	[smem:$0x3F86] =	sst s10  }
0x38: {  	s10 =	sld [smem:$0x3F87]  }
0x39: {  	_ = 	snop;
	(pc) =	sbr.ind lr, $3  }
0x3a: {  	_ = 	snop  }
0x3b: {  	_ = 	snop  }
0x3c: {  	p2 =	seq.s32 s10, $0x1;
	s10 =	sld [smem:$0x3F86]  }
0x3d: {  	_ =	shalt  }
0x3e: {  	_ =	shalt  }
0x3f: {  	_ =	shalt  }
0x40: {  	_ =	shalt  }
0x41: {  	_ =	shalt  }
0x42: {  	_ =	shalt  }
0x43: {  	_ =	shalt  }
0x44: {  	_ =	shalt  }
0x45: {  	_ =	shalt  }
0x46: {  	_ =	shalt  }
0x47: {  	_ =	shalt  }
0x48: {  	_ =	shalt  }
0x49: {  	_ =	shalt  }
0x4a: {  	_ =	shalt  }
0x4b: {  	_ =	shalt  }
0x4c: {  	_ =	shalt  }
0x4d: {  	_ =	shalt  }
0x4e: {  	_ =	shalt  }
0x4f: {  	_ =	shalt  }
0x50: {  	_ =	shalt  }
0x51: {  	_ =	shalt  }
0x52: {  	_ =	shalt  }
0x53: {  	_ =	shalt  }
0x54: {  	_ =	shalt  }
0x55: {  	_ =	shalt  }
0x56: {  	_ =	shalt  }
0x57: {  	_ =	shalt  }
0x58: {  	_ =	shalt  }
0x59: {  	_ =	shalt  }
0x5a: {  	_ =	shalt  }
0x5b: {  	_ =	shalt  }
0x5c: {  	_ =	shalt  }
0x5d: {  	_ =	shalt  }
0x5e: {  	_ =	shalt  }
0x5f: {  	_ =	shalt  }
0x60: {  	_ =	shalt  }
0x61: {  	_ =	shalt  }
0x62: {  	_ =	shalt  }
0x63: {  	_ =	shalt  }
0x64: {  	_ =	shalt  }
0x65: {  	_ =	shalt  }
0x66: {  	_ =	shalt  }
0x67: {  	_ =	shalt  }
0x68: {  	_ =	shalt  }
0x69: {  	_ =	shalt  }
0x6a: {  	_ =	shalt  }
0x6b: {  	_ =	shalt  }
0x6c: {  	_ =	shalt  }
0x6d: {  	_ =	shalt  }
0x6e: {  	_ =	shalt  }
0x6f: {  	_ =	shalt  }
0x70: {  	_ =	shalt  }
0x71: {  	_ =	shalt  }
0x72: {  	_ =	shalt  }
0x73: {  	_ =	shalt  }
0x74: {  	_ =	shalt  }
0x75: {  	_ =	shalt  }
0x76: {  	_ =	shalt  }
0x77: {  	_ =	shalt  }
0x78: {  	_ =	shalt  }
0x79: {  	_ =	shalt  }
0x7a: {  	_ =	shalt  }
0x7b: {  	_ =	shalt  }
0x7c: {  	_ =	shalt  }
0x7d: {  	_ =	shalt  }
0x7e: {  	_ =	shalt  }
0x7f: {  	_ =	shalt  }
0x80: {  	_ =	shalt  }
0x81: {  	_ =	shalt  }
0x82: {  	_ =	shalt  }
0x83: {  	_ =	shalt  }
0x84: {  	_ =	shalt  }
0x85: {  	_ =	shalt  }
0x86: {  	_ =	shalt  }
0x87: {  	_ =	shalt  }
.Lfunc_end0:
.L_simem_size_0:
called_computation.7_lowered:
.L_overlay_start_0:
0x88: {  	s2 =	sld [smem:$0x3FD9]  }
0x89: {  	s3 =	sld [smem:$0x3FFE];
	_ =	sdelay $0x1  }
0x8a: {  	s1 =	srdreg.scid  }
0x8b: {  	s0 =	sand.u32 $0x1, s1  }
0x8c: {  	s17 =	sshll.u32 s0, $0xA;
	s2 =	sadd.s32 s3, s2  }
0x8d: {  	s2 =	sadd.s32 s2, s17  }
0x8e: {  	[smem:$0x3F92] =	sst s2  }
0x8f: {  	_ = 	snop  }
0x90: {  	(tm) =	ssettm $0x1  }
0x91: {  	s18 =	sld [smem:$0x3FFB];
	_ =	sdelay $0x3  }
0x92: {  	_ =	strace s18  }
0x93: {  	s2 =	sld [smem:$0x3FFC];
	_ =	sdelay $0x3  }
0x94: {  	_ =	strace s2  }
0x95: {  	s2 =	sld [smem:$0x3FFD];
	_ =	sdelay $0x3  }
0x96: {  	_ =	strace s2  }
0x97: {  	_ =	strace $0x8FFFFFFF  }
0x98: {  	s19 =	sld [smem:$0x3FDB];
	_ =	sdelay $0x1  }
0x99: {  	s20 =	simm.s32 $_scs_section_size  }
0x9a: {  	s4 =	simm.s32 $_size__tile_overlayer_lowered;
	s5 =	simm.s32 $_tile_overlayer_lowered  }
0x9b: {  	s6 =	simm.s32 $0x1BFF;
	s21 =	sshll.u32 s5, $0x1;
	s3 =	sadd.s32 s20, s19  }
0x9c: {  	s22 =	simm.s32 $0x0;
	s4 =	sshll.u32 s4, $0x1;
	s5 =	sadd.s32 s21, s3  }
0x9d: {  	[timem:s22], [sflag:s6] =	dma.local [hbm:s5], s4  }
0x9e: {  	_ =	swait.ge [sflag:s6], s4  }
0x9f: {  	s4 =	ssub.s32 $0x0, s4;
	[sflag:s6] =	ssyncset.done $0x0  }
0xa0: {  	[sflag:s6] =	ssyncadd.s32 s4;
	_ =	sdelay $0x1  }
0xa1: {  	s23 =	simm.s32 $0x1B8B  }
0xa2: {  	_ =	swait.ge [sflag:s23], $0x1  }
0xa3: {  	[sflag:s23] =	ssyncset.done $0x0  }
0xa4: {  	[sflag:s23] =	ssyncadd.s32 $0xFFFFFFFF  }
0xa5: {  	s4 =	sld [smem:$0x0]  }
0xa6: {  	s5 =	sand.u32 $0xFFFFFFFE, s1  }
0xa7: {  	p0 =	sne.s32 s1, s5  }
0xa8: {  	s5 =	sshll.u32 @p0 s5, $0xE  }
0xa9: {  	s5 =	sadd.s32 @p0 $0x11B8D, s5;
	s6 =	sshll.u32 @p0 s4, $0x11  }
0xaa: {  	s5 =	sor.u32 @p0 s6, s5  }
0xab: {  	[sflag:s5] =	ssyncadd.remote.s32 @p0 $0x1;
	_ =	sdelay $0x1  }
0xac: {  	s5 =	simm.s32 @p0 $0x1B8D  }
0xad: {  	_ =	swait.eq @p0 [sflag:s5], $0x1  }
0xae: {  	[sflag:s5] =	ssyncadd.s32 @p0 $0xFFFFFFFF  }
0xaf: {  	s6 =	sshll.u32 @!p0 s1, $0xE  }
0xb0: {  	s6 =	sor.u32 @!p0 $0x4000, s6;
	s5 =	simm.s32 @!p0 $0x1B8D  }
0xb1: {  	s4 =	sshll.u32 @!p0 s4, $0x11;
	s6 =	sadd.s32 @!p0 $0x11B8D, s6;
	_ =	swait.eq @!p0 [sflag:s5], $0x1  }
0xb2: {  	s4 =	sor.u32 @!p0 s4, s6;
	[sflag:s5] =	ssyncadd.s32 @!p0 $0xFFFFFFFF  }
0xb3: {  	s25 =	simm.s32 $0x1B8E;
	s24 =	sld [smem:$0x3FFE];
	[sflag:s4] =	ssyncadd.remote.s32 @!p0 $0x1  }
0xb4: {  	s26 =	simm.s32 $execute0_lowered;
	[smem:$0x3FD2] =	sst s25  }
0xb5: {  	s5 =	sshll.u32 s26, $0x1;
	_ =	strace $0x8000005B;
	[dreg:$0x1] =	wrdreg $0xFFFFFFFF  }
0xb6: {  	s28 =	simm.s32 $_size_execute0_lowered;
	s3 =	sadd.s32 s3, s5;
	[dreg:$0x0] =	wrdreg $0x0  }
0xb7: {  	s5 =	sshll.u32 s28, $0x1;
	[dreg:$0x2] =	wrdreg s3  }
0xb8: {  	[dreg:$0x3] =	wrdreg s5  }
0xb9: {  	[dreg:$0x4] =	wrdreg $0xC0  }
0xba: {  	_ =	task [dreg:s22], $0x5FFFF  }
0xbb: {  	[dreg:$0x1] =	wrdreg $0xFFFFFFFF  }
0xbc: {  	[dreg:$0x0] =	wrdreg $0x60  }
0xbd: {  	[dreg:$0x2] =	wrdreg s24  }
0xbe: {  	[dreg:$0x3] =	wrdreg $0x10  }
0xbf: {  	_ =	task.clear_ibuf [dreg:s22], $0x4FFFF;
	_ =	strace $0x9000005B  }
0xc0: {  	s29 =	simm.s32 $0x10;
	_ =	strace $0x8000005D  }
0xc1: {  	_ =	swait.ge [sflag:s29], $0x1  }
0xc2: {  	[sflag:s29] =	ssyncadd.s32 $0xFFFFFFFF  }
0xc3: {  	_ =	strace $0x9000005D  }
0xc4: {  	_ =	sfence  }
0xc5: {  	s30 =	sld [smem:$0x0];
	_ =	sdelay $0x2  }
0xc6: {  	s31 =	sshll.u32 s1, $0xD;
	s1 =	sshrl.u32 s1, $0x2  }
0xc7: {  	s4 =	sand.u32 $0x4000, s31;
	s1 =	sadd.s32 s1, s30  }
0xc8: {  	s0 =	sor.u32 s4, s0;
	s1 =	sshll.u32 s1, $0x11  }
0xc9: {  	s0 =	sor.u32 s1, s0  }
0xca: {  	s0 =	sadd.s32 $0x8F2B, s0  }
0xcb: {  	[sflag:s0] =	ssyncadd.remote.s32 $0x1  }
0xcc: {  	_ =	sfence.sel $0xFFFF  }
0xcd: {  	[dreg:$0x0] =	wrdreg $0xFFFFFFFF;
	(pc) =	sbr.abs _section_cstart, $3  }
0xce: {  	[dreg:$0x1] =	wrdreg $0xFFFFFFFF  }
0xcf: {  	_ =	task.clear_ibuf [dreg:s22], $0x2FFFF;
	_ =	strace $0x9FFFFFFF  }
0xd0: {  	(tm) =	ssettm $0x7FFFFFFF  }
0xd1: {  	_ =	shalt  }
tec
execute0_lowered:
.L_overlay_start_1:
0x0: {  	(tag) =	ssettag $0x1  }
0x1: {  	s8 =	rddreg [dreg:$0x0]  }
0x2: {  	s0 =	rddreg [dreg:$0x1];
	s2 =	simm.s32 $0x0;
	s3 =	srdreg.scid  }
0x3: {  	s1 =	stileid.u32;
	s19 =	simm.s32 $0x4;
	s20 =	simm.s32 $0x80  }
0x4: {  	s21 =	simm.s32 $0x1;
	s22 =	simm.s32 $0x1000;
	s23 =	simm.s32 $0x100  }
0x5: {  	s24 =	simm.s32 $0x3;
	s25 =	simm.s32 $0x2;
	s26 =	simm.s32 $0x1100  }
0x6: {  	[smem:$0x7FF] =	sst s2;
	s10 =	sand.u32 $0x1, s3;
	s3 =	sadd.s32 $0x812000, s8  }
0x7: {  	s6 =	sshll.u32 s1, $0x5;
	s4 =	sadd.s32 $0x873C00, s8;
	s7 =	sshll.u32 s10, $0x4  }
0x8: {  	s5 =	sadd.s32 $0x8D5800, s8;
	_ =	strace $0x8000005C;
	s9 =	sor.u32 s7, s6  }
0x9: {  	s6 =	sadd.s32 $0x937400, s8;
	s7 =	sadd.s32 $0x999000, s8;
	s17 =	sadd.s32 s9, s8  }
0xa: {  	s28 =	simm.s32 $0x0;
	s8 =	sadd.s32 $0x9FAC00, s17;
	s9 =	sadd.s32 $0x9FAE00, s17  }
0xb: {  	s14 =	ssub.s32 $0x2, s10;
	s10 =	sadd.s32 $0x9FB600, s17;
	s11 =	sadd.s32 $0x9FB000, s17  }
0xc: {  	s15 =	sshrl.u32 s14, $0x1;
	s12 =	sadd.s32 $0x9FF600, s17;
	s13 =	sadd.s32 $0x9FB200, s17  }
0xd: {  	s18 =	ssub.s32 s14, s15;
	s14 =	sadd.s32 $0xA03600, s17;
	s15 =	sadd.s32 $0x9FB400, s17  }
0xe: {  	s16 =	sadd.s32 $0xA07600, s17;
	s17 =	sadd.s32 $0xA0B600, s17;
	s18 =	smax.u32 s18, $0x1  }
.LBB2_1:
0xf: {  	[tilespmem:s2], [sflag:$0x4] =	stream.linear.gather [hbm4b:s8+s2], $0x80, $0x38;
	[tilespmem:$0x2100] =	vst v63  }
0x10: {  	_ =	swait.ge [sflag:s19], $0x80  }
0x11: {  	[sflag:s19] =	ssyncset.done $0x0  }
0x12: {  	s29 =	simm.s32 $0x100;
	[sflag:s19] =	ssyncadd.s32 $0xFFFFFF80  }
0x13: {  	[tilespmem:s29], [sflag:$0x1] =	stream.indirect.gather [hbm4b:s3+s20], $0x1, s2, s20, $0xb8;
	[tilespmem:$0x2100] =	vst v63  }
0x14: {  	s30 =	smov.u32 s3;
	s29 =	simm.s32 $0x200  }
.LBB2_2:
0x15: {  	p0 =	sne.s32 s29, $0x3E00  }
.Ltmp0:
0x16: {  	_ = 	snop;
	(pc) =	sbr.rel @p0 .LBB2_2-.Ltmp0, $4  }
0x17: {  	_ = 	snop  }
0x18: {  	s31 =	sshra.s32 s29, $0x2;
	s29 =	sadd.s32 $0x200, s29  }
0x19: {  	s30 =	sadd.s32 $0x30E0, s30;
	s31 =	sadd.s32 $0x100, s31  }
0x1a: {  	[tilespmem:s31], [sflag:$0x1] =	stream.indirect.gather [hbm4b:s30+s20], $0x1, s2, s20, $0xb8;
	[tilespmem:$0x2100] =	vst v63  }
0x1b: {  	s29 =	simm.s32 $0x0  }
0x1c: {  	[tilespmem:s20], [sflag:$0x4] =	stream.linear.gather [hbm4b:s9+s29], $0x80, $0x38;
	[tilespmem:$0x2100] =	vst v63  }
0x1d: {  	_ =	swait.ge [sflag:s19], $0x80  }
0x1e: {  	[sflag:s19] =	ssyncset.done $0x0  }
0x1f: {  	s29 =	simm.s32 $0x1100;
	[sflag:s19] =	ssyncadd.s32 $0xFFFFFF80  }
0x20: {  	[tilespmem:s29], [sflag:$0x2] =	stream.indirect.gather [hbm4b:s4+s20], $0x1, s20, s20, $0xb8;
	[tilespmem:$0x2100] =	vst v63  }
0x21: {  	s30 =	smov.u32 s4;
	s29 =	simm.s32 $0x200  }
.LBB2_4:
0x22: {  	p0 =	sne.s32 s29, $0x3E00  }
.Ltmp1:
0x23: {  	_ = 	snop;
	(pc) =	sbr.rel @p0 .LBB2_4-.Ltmp1, $4  }
0x24: {  	_ = 	snop  }
0x25: {  	s31 =	sshra.s32 s29, $0x2;
	s29 =	sadd.s32 $0x200, s29  }
0x26: {  	s30 =	sadd.s32 $0x30E0, s30;
	s31 =	sadd.s32 $0x1100, s31  }
0x27: {  	[tilespmem:s31], [sflag:$0x2] =	stream.indirect.gather [hbm4b:s30+s20], $0x1, s20, s20, $0xb8;
	[tilespmem:$0x2100] =	vst v63  }
0x28: {  	_ =	swait.ge [sflag:s21], $0x1000  }
0x29: {  	[sflag:s21] =	ssyncset.done $0x0  }
0x2a: {  	[sflag:s21] =	ssyncadd.s32 $0xFFFFF000  }
0x2b: {  	[hbm4b:s10+s20] =	stream.strided.scatter [tilespmem:s23], [sflag:$0x3], $0x1000, s22, s20, $0x38;
	[tilespmem:$0x2100] =	vst v63  }
0x2c: {  	s29 =	simm.s32 $0x0  }
0x2d: {  	[tilespmem:s29], [sflag:$0x4] =	stream.linear.gather [hbm4b:s11+s29], $0x80, $0x38;
	[tilespmem:$0x2100] =	vst v63  }
0x2e: {  	_ =	swait.ge [sflag:s19], $0x80  }
0x2f: {  	[sflag:s19] =	ssyncset.done $0x0  }
0x30: {  	[sflag:s19] =	ssyncadd.s32 $0xFFFFFF80  }
0x31: {  	_ =	swait.ge [sflag:s24], $0x1000  }
0x32: {  	[sflag:s24] =	ssyncset.done $0x0  }
0x33: {  	s29 =	simm.s32 $0x100;
	[sflag:s24] =	ssyncadd.s32 $0xFFFFF000  }
0x34: {  	[tilespmem:s29], [sflag:$0x1] =	stream.indirect.gather [hbm4b:s5+s20], $0x1, s2, s20, $0xb8;
	[tilespmem:$0x2100] =	vst v63  }
0x35: {  	s30 =	smov.u32 s5;
	s29 =	simm.s32 $0x200  }
.LBB2_6:
0x36: {  	p0 =	sne.s32 s29, $0x3E00  }
.Ltmp2:
0x37: {  	_ = 	snop;
	(pc) =	sbr.rel @p0 .LBB2_6-.Ltmp2, $4  }
0x38: {  	_ = 	snop  }
0x39: {  	s31 =	sshra.s32 s29, $0x2;
	s29 =	sadd.s32 $0x200, s29  }
0x3a: {  	s30 =	sadd.s32 $0x30E0, s30;
	s31 =	sadd.s32 $0x100, s31  }
0x3b: {  	[tilespmem:s31], [sflag:$0x1] =	stream.indirect.gather [hbm4b:s30+s20], $0x1, s2, s20, $0xb8;
	[tilespmem:$0x2100] =	vst v63  }
0x3c: {  	_ =	swait.ge [sflag:s25], $0x1000  }
0x3d: {  	[sflag:s25] =	ssyncset.done $0x0  }
0x3e: {  	[sflag:s25] =	ssyncadd.s32 $0xFFFFF000  }
0x3f: {  	[hbm4b:s12+s20] =	stream.strided.scatter [tilespmem:s26], [sflag:$0x3], $0x1000, s22, s20, $0x38;
	[tilespmem:$0x2100] =	vst v63  }
0x40: {  	s29 =	simm.s32 $0x0  }
0x41: {  	[tilespmem:s20], [sflag:$0x4] =	stream.linear.gather [hbm4b:s13+s29], $0x80, $0x38;
	[tilespmem:$0x2100] =	vst v63  }
0x42: {  	_ =	swait.ge [sflag:s19], $0x80  }
0x43: {  	[sflag:s19] =	ssyncset.done $0x0  }
0x44: {  	[sflag:s19] =	ssyncadd.s32 $0xFFFFFF80  }
0x45: {  	_ =	swait.ge [sflag:s24], $0x1000  }
0x46: {  	[sflag:s24] =	ssyncset.done $0x0  }
0x47: {  	s29 =	simm.s32 $0x1100;
	[sflag:s24] =	ssyncadd.s32 $0xFFFFF000  }
0x48: {  	[tilespmem:s29], [sflag:$0x2] =	stream.indirect.gather [hbm4b:s6+s20], $0x1, s20, s20, $0xb8;
	[tilespmem:$0x2100] =	vst v63  }
0x49: {  	s30 =	smov.u32 s6;
	s29 =	simm.s32 $0x200  }
.LBB2_8:
0x4a: {  	p0 =	sne.s32 s29, $0x3E00  }
.Ltmp3:
0x4b: {  	_ = 	snop;
	(pc) =	sbr.rel @p0 .LBB2_8-.Ltmp3, $4  }
0x4c: {  	_ = 	snop  }
0x4d: {  	s31 =	sshra.s32 s29, $0x2;
	s29 =	sadd.s32 $0x200, s29  }
0x4e: {  	s30 =	sadd.s32 $0x30E0, s30;
	s31 =	sadd.s32 $0x1100, s31  }
0x4f: {  	[tilespmem:s31], [sflag:$0x2] =	stream.indirect.gather [hbm4b:s30+s20], $0x1, s20, s20, $0xb8;
	[tilespmem:$0x2100] =	vst v63  }
0x50: {  	_ =	swait.ge [sflag:s21], $0x1000  }
0x51: {  	[sflag:s21] =	ssyncset.done $0x0  }
0x52: {  	[sflag:s21] =	ssyncadd.s32 $0xFFFFF000  }
0x53: {  	[hbm4b:s14+s20] =	stream.strided.scatter [tilespmem:s23], [sflag:$0x3], $0x1000, s22, s20, $0x38;
	[tilespmem:$0x2100] =	vst v63  }
0x54: {  	s29 =	simm.s32 $0x0  }
0x55: {  	[tilespmem:s29], [sflag:$0x4] =	stream.linear.gather [hbm4b:s15+s29], $0x80, $0x38;
	[tilespmem:$0x2100] =	vst v63  }
0x56: {  	_ =	swait.ge [sflag:s19], $0x80  }
0x57: {  	[sflag:s19] =	ssyncset.done $0x0  }
0x58: {  	[sflag:s19] =	ssyncadd.s32 $0xFFFFFF80  }
0x59: {  	_ =	swait.ge [sflag:s24], $0x1000  }
0x5a: {  	[sflag:s24] =	ssyncset.done $0x0  }
0x5b: {  	s29 =	simm.s32 $0x100;
	[sflag:s24] =	ssyncadd.s32 $0xFFFFF000  }
0x5c: {  	[tilespmem:s29], [sflag:$0x1] =	stream.indirect.gather [hbm4b:s7+s20], $0x1, s2, s20, $0xb8;
	[tilespmem:$0x2100] =	vst v63  }
0x5d: {  	s30 =	smov.u32 s7;
	s29 =	simm.s32 $0x200  }
.LBB2_10:
0x5e: {  	p0 =	sne.s32 s29, $0x3E00  }
.Ltmp4:
0x5f: {  	_ = 	snop;
	(pc) =	sbr.rel @p0 .LBB2_10-.Ltmp4, $4  }
0x60: {  	_ = 	snop  }
0x61: {  	s31 =	sshra.s32 s29, $0x2;
	s29 =	sadd.s32 $0x200, s29  }
0x62: {  	s30 =	sadd.s32 $0x30E0, s30;
	s31 =	sadd.s32 $0x100, s31  }
0x63: {  	[tilespmem:s31], [sflag:$0x1] =	stream.indirect.gather [hbm4b:s30+s20], $0x1, s2, s20, $0xb8;
	[tilespmem:$0x2100] =	vst v63  }
0x64: {  	_ =	swait.ge [sflag:s25], $0x1000  }
0x65: {  	[sflag:s25] =	ssyncset.done $0x0  }
0x66: {  	[sflag:s25] =	ssyncadd.s32 $0xFFFFF000  }
0x67: {  	[hbm4b:s16+s20] =	stream.strided.scatter [tilespmem:s26], [sflag:$0x3], $0x1000, s22, s20, $0x38;
	[tilespmem:$0x2100] =	vst v63  }
0x68: {  	_ =	swait.ge [sflag:s21], $0x1000  }
0x69: {  	[sflag:s21] =	ssyncset.done $0x0  }
0x6a: {  	s28 =	sadd.s32 $0x1, s28;
	[sflag:s21] =	ssyncadd.s32 $0xFFFFF000  }
0x6b: {  	[hbm4b:s17+s20] =	stream.strided.scatter [tilespmem:s23], [sflag:$0x3], $0x1000, s22, s20, $0x38;
	[tilespmem:$0x2100] =	vst v63  }
0x6c: {  	p0 =	sne.s32 s28, s18;
	_ =	swait.ge [sflag:s24], $0x1000  }
.Ltmp5:
0x6d: {  	[sflag:s24] =	ssyncset.done $0x0;
	(pc) =	sbr.rel @p0 .LBB2_1-.Ltmp5, $4  }
0x6e: {  	[sflag:s24] =	ssyncadd.s32 $0xFFFFF000  }
0x6f: {  	_ =	swait.ge [sflag:s24], $0x1000  }
0x70: {  	[sflag:s24] =	ssyncset.done $0x0  }
0x71: {  	[sflag:s24] =	ssyncadd.s32 $0xFFFFF000  }
0x72: {  	_ =	sfence.sel $0x180000  }
0x73: {  	[bflag:$0x0] =	sbarrier.arrive $0xFFFF  }
0x74: {  	p0 =	sne.s32 s1, $0x0;
	_ =	strace $0x9000005C  }
0x75: {  	s0 =	sadd.s32 @!p0 $0x100000, s0;
	[bflag:$0x2] =	sbarrier.arrive $0xFFFF  }
0x76: {  	[sflag:s0] =	ssyncadd.tile.s32 @!p0 $0x1;
	_ =	shalt  }
.Lfunc_end2:
_tile_overlayer_lowered:
.L_overlay_start_2:
0x77: {  	(tag) =	ssettag $0x2  }
0x78: {  	s0 =	rddreg [dreg:$0x0];
	s2 =	stileid.u32  }
0x79: {  	s1 =	rddreg [dreg:$0x1];
	p0 =	sne.s32 s2, $0x0  }
0x7a: {  	s3 =	rddreg [dreg:$0x2];
	[bflag:$0x3] =	sbarrier.arrive $0xFFFF;
	s2 =	simm.s32 @!p0 $0x1C04  }
0x7b: {  	[timem:s3], [sflag:s2] =	dma.local @!p0 [hbm:s0], s1  }
0x7c: {  	s0 =	simm.s32 @!p0 $0x4  }
0x7d: {  	_ =	swait.ge @!p0 [sflag:s0], s1  }
0x7e: {  	s1 =	ssub.s32 @!p0 $0x0, s1;
	[sflag:s0] =	ssyncset.done @!p0 $0x0  }
0x7f: {  	[sflag:s0] =	ssyncadd.s32 @!p0 s1  }
0x80: {  	[bflag:$0x3] =	sbarrier.arrive $0xFFFF  }
0x81: {  	_ =	shalt  }

</sc_bundles>
